<compile_context>
chip_gen: v7x
topology: tpu7x:2x2x1
jax: 0.10.2.dev20260603
libtpu: 0.0.44.dev20260713+nightly
codegen_flags: <defaults>
</compile_context>

<pallas_src>
import jax
import jax.numpy as jnp
from jax import lax
from jax.experimental import pallas as pl
from jax.experimental.pallas import tpu as pltpu
from jax.experimental.pallas import tpu_sc as plsc

D = 64
L_SEQ = 200
N_CORES = 2
N_SUBCORES = 16
N_WORKERS = N_CORES * N_SUBCORES
CHUNK = 512
SUB = 128
LANES = 16
NBUF = 2


def _sc_call(n_rows):
    rows_per_w = n_rows // N_WORKERS
    n_chunks = rows_per_w // CHUNK
    assert rows_per_w * N_WORKERS == n_rows
    assert n_chunks * CHUNK == rows_per_w
    assert n_chunks % NBUF == 0

    def body(idx_hbm, e_hbm, table_hbm, pos_hbm, w_hbm, out_hbm,
             idx_v, e_v, rows_v, pos2_v, w_v, sem_g0, sem_g1, sem_w):
        wid = lax.axis_index("s") * N_CORES + lax.axis_index("c")
        pltpu.sync_copy(pos_hbm, pos2_v.at[pl.ds(0, L_SEQ)])
        pltpu.sync_copy(pos_hbm, pos2_v.at[pl.ds(L_SEQ, L_SEQ)])
        pltpu.sync_copy(w_hbm, w_v)
        w_vecs = [w_v[pl.ds(LANES * j, LANES)] for j in range(D // LANES)]
        sems = (sem_g0, sem_g1)
        base_w = wid * rows_per_w

        def fire(c, b):
            base = base_w + c * CHUNK
            pltpu.sync_copy(idx_hbm.at[pl.ds(base, CHUNK)], idx_v.at[b])
            pltpu.sync_copy(e_hbm.at[pl.ds(base, CHUNK)], e_v.at[b])
            for s in range(CHUNK // SUB):
                pltpu.async_copy(
                    table_hbm.at[idx_v.at[b, pl.ds(s * SUB, SUB)]],
                    rows_v.at[b, pl.ds(s * SUB, SUB)],
                    sems[b],
                )

        fire(0, 0)

        def outer(c2, ph0):
            for b in range(NBUF):
                c = c2 * NBUF + b
                nb = 1 - b

                @pl.when(c >= 1)
                def _():
                    pltpu.make_async_copy(
                        rows_v.at[nb], out_hbm.at[pl.ds(0, CHUNK)], sem_w
                    ).wait()

                @pl.when(c + 1 < n_chunks)
                def _():
                    fire(c + 1, nb)

                pltpu.make_async_copy(
                    out_hbm.at[pl.ds(0, CHUNK)], rows_v.at[b], sems[b]
                ).wait()

                def group(g, ph):
                    e16 = e_v[b, pl.ds(g * LANES, LANES)]
                    for i in range(LANES):
                        r = g * LANES + i
                        ev = jnp.full((LANES,), e16[i], jnp.float32)
                        for j in range(D // LANES):
                            sl = pl.ds(LANES * j, LANES)
                            t = pos2_v[ph + i, sl] + ev * w_vecs[j]
                            plsc.addupdate(rows_v.at[b, r, sl], t)
                    phn = ph + LANES
                    return jnp.where(phn >= L_SEQ, phn - L_SEQ, phn)

                lax.fori_loop(0, CHUNK // LANES, group, ph0)

                base = base_w + c * CHUNK
                pltpu.async_copy(
                    rows_v.at[b], out_hbm.at[pl.ds(base, CHUNK)], sem_w
                )
                ph0 = ph0 + (CHUNK % L_SEQ)
                ph0 = jnp.where(ph0 >= L_SEQ, ph0 - L_SEQ, ph0)
            return ph0

        lax.fori_loop(0, n_chunks // NBUF, outer, jnp.int32(0))
        pltpu.make_async_copy(
            rows_v.at[(n_chunks - 1) % NBUF], out_hbm.at[pl.ds(0, CHUNK)], sem_w
        ).wait()

    return pl.kernel(
        body,
        out_type=jax.ShapeDtypeStruct((n_rows, D), jnp.float32),
        mesh=plsc.VectorSubcoreMesh(core_axis_name="c", subcore_axis_name="s"),
        compiler_params=pltpu.CompilerParams(use_tc_tiling_on_sc=False),
        scratch_types=[
            pltpu.VMEM((NBUF, CHUNK), jnp.int32),
            pltpu.VMEM((NBUF, CHUNK), jnp.float32),
            pltpu.VMEM((NBUF, CHUNK, D), jnp.float32),
            pltpu.VMEM((2 * L_SEQ, D), jnp.float32),
            pltpu.VMEM((D,), jnp.float32),
            pltpu.SemaphoreType.DMA,
            pltpu.SemaphoreType.DMA,
            pltpu.SemaphoreType.DMA,
        ],
    )


def kernel(response, elapsed_time, response_table, pos_table, elapsed_W):
    batch, seq_len = response.shape
    n_rows = batch * seq_len
    idx = response.reshape(n_rows)
    e_flat = elapsed_time.reshape(n_rows)
    w_flat = elapsed_W.reshape(D)
    out = _sc_call(n_rows)(idx, e_flat, response_table, pos_table, w_flat)
    return out.reshape(batch, seq_len, D)

# --- scband reference (transcript-rebuilt; emitter-appended) ---
"""Pipeline reference for scband-decoder-input-60078002536638 (READ-ONLY COPY).

The authoritative reference and input builder live on the scoring server;
editing this copy changes nothing except your own understanding.
"""

import jax, jax.numpy as jnp
import numpy as np

TOTAL_RESPONSE = 100000
EMB_DIM = 64
SEQ_LEN = 200
BATCH = 4096


def setup_inputs(seed: int = 0) -> dict:
    key = jax.random.key(seed)
    k1, k2, k3, k4, k5 = jax.random.split(key, 5)
    response = jax.random.randint(k1, (BATCH, SEQ_LEN), 0, TOTAL_RESPONSE, dtype=jnp.int64 if jax.config.read('jax_enable_x64') else jnp.int32).astype(jnp.int32)
    elapsed_time = jax.random.uniform(k2, (BATCH, SEQ_LEN, 1), dtype=jnp.float32)
    # learned parameters
    response_table = jax.random.normal(k3, (TOTAL_RESPONSE, EMB_DIM), dtype=jnp.float32) * 0.02
    pos_table = jax.random.normal(k4, (SEQ_LEN, EMB_DIM), dtype=jnp.float32) * 0.02
    # nn.Linear(1, emb_dim, bias=False) -> weight shape [emb_dim, 1]
    elapsed_W = jax.random.normal(k5, (EMB_DIM, 1), dtype=jnp.float32) * 0.02
    return {
        'response': response,
        'elapsed_time': elapsed_time,
        'response_table': response_table,
        'pos_table': pos_table,
        'elapsed_W': elapsed_W,
    }


def reference(response, elapsed_time, response_table, pos_table, elapsed_W):
    # out = self.response_emb(response)
    out = jnp.take(response_table, response, axis=0)  # [B, L, D]
    # seq = torch.arange(seq_len).unsqueeze(0); pos = positional_encoding(seq)
    seq = jnp.arange(SEQ_LEN)[None, :]  # [1, L]
    pos = jnp.take(pos_table, seq, axis=0)  # [1, L, D]
    # elapsed_time = self.elapsed_time_embedding(elapsed_time)  (Linear, no bias)
    elapsed = elapsed_time @ elapsed_W.T  # [B, L, 1] @ [1, D] -> [B, L, D]
    res_emb = out + pos + elapsed
    return res_emb

if __name__ == "__main__":
    import jax
    _d = setup_inputs()
    print(jax.jit(kernel)(*tuple(_d.values())))

</pallas_src>

<mosaic_0001>
#map = affine_map<(d0, d1) -> (0)>
#map1 = affine_map<(d0, d1) -> (0, 0)>
module attributes {stable_mosaic.version = 14 : i64} {
  func.func @body(%arg0: i32, %arg1: i32, %arg2: memref<819200xi32, #tpu.memory_space<hbm>>, %arg3: memref<819200xf32, #tpu.memory_space<hbm>>, %arg4: memref<100000x64xf32, #tpu.memory_space<hbm>>, %arg5: memref<200x64xf32, #tpu.memory_space<hbm>>, %arg6: memref<64xf32, #tpu.memory_space<hbm>>, %arg7: memref<819200x64xf32, #tpu.memory_space<hbm>>, %arg8: memref<2x512xi32, #tpu.memory_space<vmem>>, %arg9: memref<2x512xf32, #tpu.memory_space<vmem>>, %arg10: memref<2x512x64xf32, #tpu.memory_space<vmem>>, %arg11: memref<400x64xf32, #tpu.memory_space<vmem>>, %arg12: memref<64xf32, #tpu.memory_space<vmem>>, %arg13: memref<!tpu.dma_semaphore, #tpu.memory_space<semaphore_mem>>, %arg14: memref<!tpu.dma_semaphore, #tpu.memory_space<semaphore_mem>>, %arg15: memref<!tpu.dma_semaphore, #tpu.memory_space<semaphore_mem>>) attributes {dimension_semantics = [#tpu.dimension_semantics<core_parallel>, #tpu.dimension_semantics<subcore_parallel>], iteration_bounds = array<i64: 2, 16>, scalar_prefetch = 0 : i64, scratch_operands = 8 : i64, tpu.core_type = #tpu.core_type<sc_vector_subcore>, window_params = [{transform_indices = #map}, {transform_indices = #map}, {transform_indices = #map1}, {transform_indices = #map1}, {transform_indices = #map}, {transform_indices = #map1}]} {
    %mul3A = arith.constant 2 : i32
    %mul3A_0 = arith.muli %arg1, %mul3A : i32
    %add3A = arith.addi %mul3A_0, %arg0 : i32
    "tpu.region"() ({
      %run_scoped3A_84 = tpu.sem_alloc : memref<!tpu.dma_semaphore, #tpu.memory_space<semaphore_mem>>
      %dma_start3A_85 = arith.constant 0 : i32
      %dma_start3A_86 = arith.constant 0 : i32
      %dma_start3A_87 = tpu.memref_slice %arg11[%dma_start3A_85, %dma_start3A_86] : memref<400x64xf32, #tpu.memory_space<vmem>> -> memref<200x64xf32, #tpu.memory_space<vmem>>
      %dma_start3A_88 = arith.constant 0 : i32
      %dma_start3A_89 = arith.constant 0 : i32
      %dma_start3A_90 = tpu.memref_slice %arg11[%dma_start3A_88, %dma_start3A_89] : memref<400x64xf32, #tpu.memory_space<vmem>> -> memref<200x64xf32, #tpu.memory_space<vmem>>
      tpu.enqueue_dma source(%arg5 : memref<200x64xf32, #tpu.memory_space<hbm>>) target(%dma_start3A_90 : memref<200x64xf32, #tpu.memory_space<vmem>>) target_semaphore(%run_scoped3A_84 : memref<!tpu.dma_semaphore, #tpu.memory_space<semaphore_mem>>)
      %dma_wait3A_91 = arith.constant 0 : i32
      %dma_wait3A_92 = arith.constant 0 : i32
      %dma_wait3A_93 = tpu.memref_slice %arg11[%dma_wait3A_91, %dma_wait3A_92] : memref<400x64xf32, #tpu.memory_space<vmem>> -> memref<200x64xf32, #tpu.memory_space<vmem>>
      %dma_wait3A_94 = arith.constant 0 : i32
      %dma_wait3A_95 = arith.constant 0 : i32
      %dma_wait3A_96 = tpu.memref_slice %arg11[%dma_wait3A_94, %dma_wait3A_95] : memref<400x64xf32, #tpu.memory_space<vmem>> -> memref<200x64xf32, #tpu.memory_space<vmem>>
      tpu.wait_dma2 semaphore(%run_scoped3A_84 : memref<!tpu.dma_semaphore, #tpu.memory_space<semaphore_mem>>) src(%arg5 : memref<200x64xf32, #tpu.memory_space<hbm>>) dst(%dma_wait3A_96 : memref<200x64xf32, #tpu.memory_space<vmem>>)
      tpu.yield
    }) : () -> ()
    "tpu.region"() ({
      %run_scoped3A_84 = tpu.sem_alloc : memref<!tpu.dma_semaphore, #tpu.memory_space<semaphore_mem>>
      %dma_start3A_85 = arith.constant 200 : i32
      %dma_start3A_86 = arith.constant 0 : i32
      %dma_start3A_87 = tpu.memref_slice %arg11[%dma_start3A_85, %dma_start3A_86] : memref<400x64xf32, #tpu.memory_space<vmem>> -> memref<200x64xf32, #tpu.memory_space<vmem>>
      %dma_start3A_88 = arith.constant 200 : i32
      %dma_start3A_89 = arith.constant 0 : i32
      %dma_start3A_90 = tpu.memref_slice %arg11[%dma_start3A_88, %dma_start3A_89] : memref<400x64xf32, #tpu.memory_space<vmem>> -> memref<200x64xf32, #tpu.memory_space<vmem>>
      tpu.enqueue_dma source(%arg5 : memref<200x64xf32, #tpu.memory_space<hbm>>) target(%dma_start3A_90 : memref<200x64xf32, #tpu.memory_space<vmem>>) target_semaphore(%run_scoped3A_84 : memref<!tpu.dma_semaphore, #tpu.memory_space<semaphore_mem>>)
      %dma_wait3A_91 = arith.constant 200 : i32
      %dma_wait3A_92 = arith.constant 0 : i32
      %dma_wait3A_93 = tpu.memref_slice %arg11[%dma_wait3A_91, %dma_wait3A_92] : memref<400x64xf32, #tpu.memory_space<vmem>> -> memref<200x64xf32, #tpu.memory_space<vmem>>
      %dma_wait3A_94 = arith.constant 200 : i32
      %dma_wait3A_95 = arith.constant 0 : i32
      %dma_wait3A_96 = tpu.memref_slice %arg11[%dma_wait3A_94, %dma_wait3A_95] : memref<400x64xf32, #tpu.memory_space<vmem>> -> memref<200x64xf32, #tpu.memory_space<vmem>>
      tpu.wait_dma2 semaphore(%run_scoped3A_84 : memref<!tpu.dma_semaphore, #tpu.memory_space<semaphore_mem>>) src(%arg5 : memref<200x64xf32, #tpu.memory_space<hbm>>) dst(%dma_wait3A_96 : memref<200x64xf32, #tpu.memory_space<vmem>>)
      tpu.yield
    }) : () -> ()
    "tpu.region"() ({
      %run_scoped3A_84 = tpu.sem_alloc : memref<!tpu.dma_semaphore, #tpu.memory_space<semaphore_mem>>
      tpu.enqueue_dma source(%arg6 : memref<64xf32, #tpu.memory_space<hbm>>) target(%arg12 : memref<64xf32, #tpu.memory_space<vmem>>) target_semaphore(%run_scoped3A_84 : memref<!tpu.dma_semaphore, #tpu.memory_space<semaphore_mem>>)
      tpu.wait_dma2 semaphore(%run_scoped3A_84 : memref<!tpu.dma_semaphore, #tpu.memory_space<semaphore_mem>>) src(%arg6 : memref<64xf32, #tpu.memory_space<hbm>>) dst(%arg12 : memref<64xf32, #tpu.memory_space<vmem>>)
      tpu.yield
    }) : () -> ()
    %get3A = arith.constant 0 : index
    %get3A_1 = tpu.vector_load %arg12[%get3A] {strides = array<i32>} : memref<64xf32, #tpu.memory_space<vmem>>, vector<16xf32>,
    %get3A_2 = vector.shape_cast %get3A_1 : vector<16xf32> to vector<16xf32>
    %get3A_3 = arith.constant 16 : index
    %get3A_4 = tpu.vector_load %arg12[%get3A_3] {strides = array<i32>} : memref<64xf32, #tpu.memory_space<vmem>>, vector<16xf32>,
    %get3A_5 = vector.shape_cast %get3A_4 : vector<16xf32> to vector<16xf32>
    %get3A_6 = arith.constant 32 : index
    %get3A_7 = tpu.vector_load %arg12[%get3A_6] {strides = array<i32>} : memref<64xf32, #tpu.memory_space<vmem>>, vector<16xf32>,
    %get3A_8 = vector.shape_cast %get3A_7 : vector<16xf32> to vector<16xf32>
    %get3A_9 = arith.constant 48 : index
    %get3A_10 = tpu.vector_load %arg12[%get3A_9] {strides = array<i32>} : memref<64xf32, #tpu.memory_space<vmem>>, vector<16xf32>,
    %get3A_11 = vector.shape_cast %get3A_10 : vector<16xf32> to vector<16xf32>
    %mul3A_12 = arith.constant 25600 : i32
    %mul3A_13 = arith.muli %add3A, %mul3A_12 : i32
    %add3A_14 = arith.constant 0 : i32
    %add3A_15 = arith.addi %mul3A_13, %add3A_14 : i32
    %run_scoped3A = arith.constant 0 : i32
    "tpu.region"() ({
      %run_scoped3A_84 = tpu.sem_alloc : memref<!tpu.dma_semaphore, #tpu.memory_space<semaphore_mem>>
      %dma_start3A_85 = arith.constant 0 : i32
      %dma_start3A_86 = tpu.memref_slice %arg8[%run_scoped3A, %dma_start3A_85] : memref<2x512xi32, #tpu.memory_space<vmem>> -> memref<1x512xi32, #tpu.memory_space<vmem>>
      %dma_start3A_87 = tpu.memref_squeeze %dma_start3A_86 : memref<1x512xi32, #tpu.memory_space<vmem>> -> memref<512xi32, #tpu.memory_space<vmem>>
      %dma_start3A_88 = tpu.memref_slice %arg2[%add3A_15] : memref<819200xi32, #tpu.memory_space<hbm>> -> memref<512xi32, #tpu.memory_space<hbm>>
      %dma_start3A_89 = arith.constant 0 : i32
      %dma_start3A_90 = tpu.memref_slice %arg8[%run_scoped3A, %dma_start3A_89] : memref<2x512xi32, #tpu.memory_space<vmem>> -> memref<1x512xi32, #tpu.memory_space<vmem>>
      %dma_start3A_91 = tpu.memref_squeeze %dma_start3A_90 : memref<1x512xi32, #tpu.memory_space<vmem>> -> memref<512xi32, #tpu.memory_space<vmem>>
      %dma_start3A_92 = tpu.memref_slice %arg2[%add3A_15] : memref<819200xi32, #tpu.memory_space<hbm>> -> memref<512xi32, #tpu.memory_space<hbm>>
      tpu.enqueue_dma source(%dma_start3A_92 : memref<512xi32, #tpu.memory_space<hbm>>) target(%dma_start3A_91 : memref<512xi32, #tpu.memory_space<vmem>>) target_semaphore(%run_scoped3A_84 : memref<!tpu.dma_semaphore, #tpu.memory_space<semaphore_mem>>)
      %dma_wait3A_93 = arith.constant 0 : i32
      %dma_wait3A_94 = tpu.memref_slice %arg8[%run_scoped3A, %dma_wait3A_93] : memref<2x512xi32, #tpu.memory_space<vmem>> -> memref<1x512xi32, #tpu.memory_space<vmem>>
      %dma_wait3A_95 = tpu.memref_squeeze %dma_wait3A_94 : memref<1x512xi32, #tpu.memory_space<vmem>> -> memref<512xi32, #tpu.memory_space<vmem>>
      %dma_wait3A_96 = tpu.memref_slice %arg2[%add3A_15] : memref<819200xi32, #tpu.memory_space<hbm>> -> memref<512xi32, #tpu.memory_space<hbm>>
      %dma_wait3A_97 = arith.constant 0 : i32
      %dma_wait3A_98 = tpu.memref_slice %arg8[%run_scoped3A, %dma_wait3A_97] : memref<2x512xi32, #tpu.memory_space<vmem>> -> memref<1x512xi32, #tpu.memory_space<vmem>>
      %dma_wait3A_99 = tpu.memref_squeeze %dma_wait3A_98 : memref<1x512xi32, #tpu.memory_space<vmem>> -> memref<512xi32, #tpu.memory_space<vmem>>
      %dma_wait3A_100 = tpu.memref_slice %arg2[%add3A_15] : memref<819200xi32, #tpu.memory_space<hbm>> -> memref<512xi32, #tpu.memory_space<hbm>>
      tpu.wait_dma2 semaphore(%run_scoped3A_84 : memref<!tpu.dma_semaphore, #tpu.memory_space<semaphore_mem>>) src(%dma_wait3A_100 : memref<512xi32, #tpu.memory_space<hbm>>) dst(%dma_wait3A_99 : memref<512xi32, #tpu.memory_space<vmem>>)
      tpu.yield
    }) : () -> ()
    %run_scoped3A_16 = arith.constant 0 : i32
    "tpu.region"() ({
      %run_scoped3A_84 = tpu.sem_alloc : memref<!tpu.dma_semaphore, #tpu.memory_space<semaphore_mem>>
      %dma_start3A_85 = arith.constant 0 : i32
      %dma_start3A_86 = tpu.memref_slice %arg9[%run_scoped3A_16, %dma_start3A_85] : memref<2x512xf32, #tpu.memory_space<vmem>> -> memref<1x512xf32, #tpu.memory_space<vmem>>
      %dma_start3A_87 = tpu.memref_squeeze %dma_start3A_86 : memref<1x512xf32, #tpu.memory_space<vmem>> -> memref<512xf32, #tpu.memory_space<vmem>>
      %dma_start3A_88 = tpu.memref_slice %arg3[%add3A_15] : memref<819200xf32, #tpu.memory_space<hbm>> -> memref<512xf32, #tpu.memory_space<hbm>>
      %dma_start3A_89 = arith.constant 0 : i32
      %dma_start3A_90 = tpu.memref_slice %arg9[%run_scoped3A_16, %dma_start3A_89] : memref<2x512xf32, #tpu.memory_space<vmem>> -> memref<1x512xf32, #tpu.memory_space<vmem>>
      %dma_start3A_91 = tpu.memref_squeeze %dma_start3A_90 : memref<1x512xf32, #tpu.memory_space<vmem>> -> memref<512xf32, #tpu.memory_space<vmem>>
      %dma_start3A_92 = tpu.memref_slice %arg3[%add3A_15] : memref<819200xf32, #tpu.memory_space<hbm>> -> memref<512xf32, #tpu.memory_space<hbm>>
      tpu.enqueue_dma source(%dma_start3A_92 : memref<512xf32, #tpu.memory_space<hbm>>) target(%dma_start3A_91 : memref<512xf32, #tpu.memory_space<vmem>>) target_semaphore(%run_scoped3A_84 : memref<!tpu.dma_semaphore, #tpu.memory_space<semaphore_mem>>)
      %dma_wait3A_93 = arith.constant 0 : i32
      %dma_wait3A_94 = tpu.memref_slice %arg9[%run_scoped3A_16, %dma_wait3A_93] : memref<2x512xf32, #tpu.memory_space<vmem>> -> memref<1x512xf32, #tpu.memory_space<vmem>>
      %dma_wait3A_95 = tpu.memref_squeeze %dma_wait3A_94 : memref<1x512xf32, #tpu.memory_space<vmem>> -> memref<512xf32, #tpu.memory_space<vmem>>
      %dma_wait3A_96 = tpu.memref_slice %arg3[%add3A_15] : memref<819200xf32, #tpu.memory_space<hbm>> -> memref<512xf32, #tpu.memory_space<hbm>>
      %dma_wait3A_97 = arith.constant 0 : i32
      %dma_wait3A_98 = tpu.memref_slice %arg9[%run_scoped3A_16, %dma_wait3A_97] : memref<2x512xf32, #tpu.memory_space<vmem>> -> memref<1x512xf32, #tpu.memory_space<vmem>>
      %dma_wait3A_99 = tpu.memref_squeeze %dma_wait3A_98 : memref<1x512xf32, #tpu.memory_space<vmem>> -> memref<512xf32, #tpu.memory_space<vmem>>
      %dma_wait3A_100 = tpu.memref_slice %arg3[%add3A_15] : memref<819200xf32, #tpu.memory_space<hbm>> -> memref<512xf32, #tpu.memory_space<hbm>>
      tpu.wait_dma2 semaphore(%run_scoped3A_84 : memref<!tpu.dma_semaphore, #tpu.memory_space<semaphore_mem>>) src(%dma_wait3A_100 : memref<512xf32, #tpu.memory_space<hbm>>) dst(%dma_wait3A_99 : memref<512xf32, #tpu.memory_space<vmem>>)
      tpu.yield
    }) : () -> ()
    %dma_start3A = arith.constant 0 : i32
    %dma_start3A_17 = arith.constant 0 : i32
    %dma_start3A_18 = arith.constant 0 : i32
    %dma_start3A_19 = arith.constant 0 : i32
    %dma_start3A_20 = tpu.memref_slice %arg10[%dma_start3A_17, %dma_start3A_18, %dma_start3A_19] : memref<2x512x64xf32, #tpu.memory_space<vmem>> -> memref<1x128x64xf32, #tpu.memory_space<vmem>>
    %dma_start3A_21 = tpu.memref_squeeze %dma_start3A_20 : memref<1x128x64xf32, #tpu.memory_space<vmem>> -> memref<128x64xf32, #tpu.memory_space<vmem>>
    %dma_start3A_22 = arith.constant 0 : i32
    %dma_start3A_23 = tpu.memref_slice %arg8[%dma_start3A, %dma_start3A_22] : memref<2x512xi32, #tpu.memory_space<vmem>> -> memref<1x128xi32, #tpu.memory_space<vmem>>
    %dma_start3A_24 = tpu.memref_squeeze %dma_start3A_23 : memref<1x128xi32, #tpu.memory_space<vmem>> -> memref<128xi32, #tpu.memory_space<vmem>>
    %dma_start3A_25 = arith.constant 0 : i32
    %dma_start3A_26 = arith.constant 0 : i32
    %dma_start3A_27 = tpu.memref_slice %arg4[%dma_start3A_25, %dma_start3A_26] : memref<100000x64xf32, #tpu.memory_space<hbm>> -> memref<100000x64xf32, #tpu.memory_space<hbm>>
    tpu.enqueue_indirect_dma source(%dma_start3A_27 : memref<100000x64xf32, #tpu.memory_space<hbm>>) target(%dma_start3A_21 : memref<128x64xf32, #tpu.memory_space<vmem>>) offsets(%dma_start3A_24 : memref<128xi32, #tpu.memory_space<vmem>>) semaphore(%arg13 : memref<!tpu.dma_semaphore, #tpu.memory_space<semaphore_mem>>)
    %dma_start3A_28 = arith.constant 0 : i32
    %dma_start3A_29 = arith.constant 0 : i32
    %dma_start3A_30 = arith.constant 128 : i32
    %dma_start3A_31 = arith.constant 0 : i32
    %dma_start3A_32 = tpu.memref_slice %arg10[%dma_start3A_29, %dma_start3A_30, %dma_start3A_31] : memref<2x512x64xf32, #tpu.memory_space<vmem>> -> memref<1x128x64xf32, #tpu.memory_space<vmem>>
    %dma_start3A_33 = tpu.memref_squeeze %dma_start3A_32 : memref<1x128x64xf32, #tpu.memory_space<vmem>> -> memref<128x64xf32, #tpu.memory_space<vmem>>
    %dma_start3A_34 = arith.constant 128 : i32
    %dma_start3A_35 = tpu.memref_slice %arg8[%dma_start3A_28, %dma_start3A_34] : memref<2x512xi32, #tpu.memory_space<vmem>> -> memref<1x128xi32, #tpu.memory_space<vmem>>
    %dma_start3A_36 = tpu.memref_squeeze %dma_start3A_35 : memref<1x128xi32, #tpu.memory_space<vmem>> -> memref<128xi32, #tpu.memory_space<vmem>>
    %dma_start3A_37 = arith.constant 0 : i32
    %dma_start3A_38 = arith.constant 0 : i32
    %dma_start3A_39 = tpu.memref_slice %arg4[%dma_start3A_37, %dma_start3A_38] : memref<100000x64xf32, #tpu.memory_space<hbm>> -> memref<100000x64xf32, #tpu.memory_space<hbm>>
    tpu.enqueue_indirect_dma source(%dma_start3A_39 : memref<100000x64xf32, #tpu.memory_space<hbm>>) target(%dma_start3A_33 : memref<128x64xf32, #tpu.memory_space<vmem>>) offsets(%dma_start3A_36 : memref<128xi32, #tpu.memory_space<vmem>>) semaphore(%arg13 : memref<!tpu.dma_semaphore, #tpu.memory_space<semaphore_mem>>)
    %dma_start3A_40 = arith.constant 0 : i32
    %dma_start3A_41 = arith.constant 0 : i32
    %dma_start3A_42 = arith.constant 256 : i32
    %dma_start3A_43 = arith.constant 0 : i32
    %dma_start3A_44 = tpu.memref_slice %arg10[%dma_start3A_41, %dma_start3A_42, %dma_start3A_43] : memref<2x512x64xf32, #tpu.memory_space<vmem>> -> memref<1x128x64xf32, #tpu.memory_space<vmem>>
    %dma_start3A_45 = tpu.memref_squeeze %dma_start3A_44 : memref<1x128x64xf32, #tpu.memory_space<vmem>> -> memref<128x64xf32, #tpu.memory_space<vmem>>
    %dma_start3A_46 = arith.constant 256 : i32
    %dma_start3A_47 = tpu.memref_slice %arg8[%dma_start3A_40, %dma_start3A_46] : memref<2x512xi32, #tpu.memory_space<vmem>> -> memref<1x128xi32, #tpu.memory_space<vmem>>
    %dma_start3A_48 = tpu.memref_squeeze %dma_start3A_47 : memref<1x128xi32, #tpu.memory_space<vmem>> -> memref<128xi32, #tpu.memory_space<vmem>>
    %dma_start3A_49 = arith.constant 0 : i32
    %dma_start3A_50 = arith.constant 0 : i32
    %dma_start3A_51 = tpu.memref_slice %arg4[%dma_start3A_49, %dma_start3A_50] : memref<100000x64xf32, #tpu.memory_space<hbm>> -> memref<100000x64xf32, #tpu.memory_space<hbm>>
    tpu.enqueue_indirect_dma source(%dma_start3A_51 : memref<100000x64xf32, #tpu.memory_space<hbm>>) target(%dma_start3A_45 : memref<128x64xf32, #tpu.memory_space<vmem>>) offsets(%dma_start3A_48 : memref<128xi32, #tpu.memory_space<vmem>>) semaphore(%arg13 : memref<!tpu.dma_semaphore, #tpu.memory_space<semaphore_mem>>)
    %dma_start3A_52 = arith.constant 0 : i32
    %dma_start3A_53 = arith.constant 0 : i32
    %dma_start3A_54 = arith.constant 384 : i32
    %dma_start3A_55 = arith.constant 0 : i32
    %dma_start3A_56 = tpu.memref_slice %arg10[%dma_start3A_53, %dma_start3A_54, %dma_start3A_55] : memref<2x512x64xf32, #tpu.memory_space<vmem>> -> memref<1x128x64xf32, #tpu.memory_space<vmem>>
    %dma_start3A_57 = tpu.memref_squeeze %dma_start3A_56 : memref<1x128x64xf32, #tpu.memory_space<vmem>> -> memref<128x64xf32, #tpu.memory_space<vmem>>
    %dma_start3A_58 = arith.constant 384 : i32
    %dma_start3A_59 = tpu.memref_slice %arg8[%dma_start3A_52, %dma_start3A_58] : memref<2x512xi32, #tpu.memory_space<vmem>> -> memref<1x128xi32, #tpu.memory_space<vmem>>
    %dma_start3A_60 = tpu.memref_squeeze %dma_start3A_59 : memref<1x128xi32, #tpu.memory_space<vmem>> -> memref<128xi32, #tpu.memory_space<vmem>>
    %dma_start3A_61 = arith.constant 0 : i32
    %dma_start3A_62 = arith.constant 0 : i32
    %dma_start3A_63 = tpu.memref_slice %arg4[%dma_start3A_61, %dma_start3A_62] : memref<100000x64xf32, #tpu.memory_space<hbm>> -> memref<100000x64xf32, #tpu.memory_space<hbm>>
    tpu.enqueue_indirect_dma source(%dma_start3A_63 : memref<100000x64xf32, #tpu.memory_space<hbm>>) target(%dma_start3A_57 : memref<128x64xf32, #tpu.memory_space<vmem>>) offsets(%dma_start3A_60 : memref<128xi32, #tpu.memory_space<vmem>>) semaphore(%arg13 : memref<!tpu.dma_semaphore, #tpu.memory_space<semaphore_mem>>)
    %scan3A = arith.constant 0 : i32
    %scan3A_64 = arith.constant 0 : i32
    %scan3A_65 = arith.constant 25 : i32
    %scan3A_66 = arith.addi %scan3A_64, %scan3A_65 : i32
    %scan3A_67 = arith.constant 1 : i32
    %scan3A_68 = scf.for %scan3A_84 = %scan3A_64 to %scan3A_66 step %scan3A_67 iter_args(%scan3A_85 = %scan3A) -> (i32)  : i32 {
      %mul3A_86 = arith.constant 2 : i32
      %mul3A_87 = arith.muli %scan3A_84, %mul3A_86 : i32
      %add3A_88 = arith.constant 0 : i32
      %add3A_89 = arith.addi %mul3A_87, %add3A_88 : i32
      %ge3A = arith.constant 1 : i32
      %ge3A_90 = arith.cmpi sge, %add3A_89, %ge3A : i32
      %convert_element_type3A = arith.extui %ge3A_90 : i1 to i32
      %cond3A = arith.constant 0 : i32
      %cond3A_91 = arith.cmpi ne, %convert_element_type3A, %cond3A : i32
      scf.if %cond3A_91 {
        %dma_wait3A_200 = arith.constant 1 : i32
        %dma_wait3A_201 = arith.constant 0 : i32
        %dma_wait3A_202 = arith.constant 0 : i32
        %dma_wait3A_203 = tpu.memref_slice %arg10[%dma_wait3A_200, %dma_wait3A_201, %dma_wait3A_202] : memref<2x512x64xf32, #tpu.memory_space<vmem>> -> memref<1x512x64xf32, #tpu.memory_space<vmem>>
        %dma_wait3A_204 = tpu.memref_squeeze %dma_wait3A_203 : memref<1x512x64xf32, #tpu.memory_space<vmem>> -> memref<512x64xf32, #tpu.memory_space<vmem>>
        %dma_wait3A_205 = arith.constant 0 : i32
        %dma_wait3A_206 = arith.constant 0 : i32
        %dma_wait3A_207 = tpu.memref_slice %arg7[%dma_wait3A_205, %dma_wait3A_206] : memref<819200x64xf32, #tpu.memory_space<hbm>> -> memref<512x64xf32, #tpu.memory_space<hbm>>
        %dma_wait3A_208 = arith.constant 0 : i32
        %dma_wait3A_209 = arith.constant 0 : i32
        %dma_wait3A_210 = tpu.memref_slice %arg7[%dma_wait3A_208, %dma_wait3A_209] : memref<819200x64xf32, #tpu.memory_space<hbm>> -> memref<512x64xf32, #tpu.memory_space<hbm>>
        %dma_wait3A_211 = arith.constant 0 : i32
        %dma_wait3A_212 = arith.constant 0 : i32
        %dma_wait3A_213 = tpu.memref_slice %arg10[%dma_wait3A_200, %dma_wait3A_211, %dma_wait3A_212] : memref<2x512x64xf32, #tpu.memory_space<vmem>> -> memref<1x512x64xf32, #tpu.memory_space<vmem>>
        %dma_wait3A_214 = tpu.memref_squeeze %dma_wait3A_213 : memref<1x512x64xf32, #tpu.memory_space<vmem>> -> memref<512x64xf32, #tpu.memory_space<vmem>>
        tpu.wait_dma2 semaphore(%arg15 : memref<!tpu.dma_semaphore, #tpu.memory_space<semaphore_mem>>) src(%dma_wait3A_214 : memref<512x64xf32, #tpu.memory_space<vmem>>) dst(%dma_wait3A_210 : memref<512x64xf32, #tpu.memory_space<hbm>>)
      } else {
      }
      %add3A_92 = arith.constant 1 : i32
      %add3A_93 = arith.addi %add3A_89, %add3A_92 : i32
      %lt3A = arith.constant 50 : i32
      %lt3A_94 = arith.cmpi slt, %add3A_93, %lt3A : i32
      %convert_element_type3A_95 = arith.extui %lt3A_94 : i1 to i32
      %cond3A_96 = arith.constant 0 : i32
      %cond3A_97 = arith.cmpi ne, %convert_element_type3A_95, %cond3A_96 : i32
      scf.if %cond3A_97 {
        %add3A_200 = arith.constant 1 : i32
        %add3A_201 = arith.addi %add3A_89, %add3A_200 : i32
        %mul3A_202 = arith.constant 512 : i32
        %mul3A_203 = arith.muli %add3A_201, %mul3A_202 : i32
        %add3A_204 = arith.addi %mul3A_13, %mul3A_203 : i32
        %run_scoped3A_205 = arith.constant 1 : i32
        "tpu.region"() ({
          %run_scoped3A_255 = tpu.sem_alloc : memref<!tpu.dma_semaphore, #tpu.memory_space<semaphore_mem>>
          %dma_start3A_256 = arith.constant 0 : i32
          %dma_start3A_257 = tpu.memref_slice %arg8[%run_scoped3A_205, %dma_start3A_256] : memref<2x512xi32, #tpu.memory_space<vmem>> -> memref<1x512xi32, #tpu.memory_space<vmem>>
          %dma_start3A_258 = tpu.memref_squeeze %dma_start3A_257 : memref<1x512xi32, #tpu.memory_space<vmem>> -> memref<512xi32, #tpu.memory_space<vmem>>
          %dma_start3A_259 = tpu.memref_slice %arg2[%add3A_204] : memref<819200xi32, #tpu.memory_space<hbm>> -> memref<512xi32, #tpu.memory_space<hbm>>
          %dma_start3A_260 = arith.constant 0 : i32
          %dma_start3A_261 = tpu.memref_slice %arg8[%run_scoped3A_205, %dma_start3A_260] : memref<2x512xi32, #tpu.memory_space<vmem>> -> memref<1x512xi32, #tpu.memory_space<vmem>>
          %dma_start3A_262 = tpu.memref_squeeze %dma_start3A_261 : memref<1x512xi32, #tpu.memory_space<vmem>> -> memref<512xi32, #tpu.memory_space<vmem>>
          %dma_start3A_263 = tpu.memref_slice %arg2[%add3A_204] : memref<819200xi32, #tpu.memory_space<hbm>> -> memref<512xi32, #tpu.memory_space<hbm>>
          tpu.enqueue_dma source(%dma_start3A_263 : memref<512xi32, #tpu.memory_space<hbm>>) target(%dma_start3A_262 : memref<512xi32, #tpu.memory_space<vmem>>) target_semaphore(%run_scoped3A_255 : memref<!tpu.dma_semaphore, #tpu.memory_space<semaphore_mem>>)
          %dma_wait3A_264 = arith.constant 0 : i32
          %dma_wait3A_265 = tpu.memref_slice %arg8[%run_scoped3A_205, %dma_wait3A_264] : memref<2x512xi32, #tpu.memory_space<vmem>> -> memref<1x512xi32, #tpu.memory_space<vmem>>
          %dma_wait3A_266 = tpu.memref_squeeze %dma_wait3A_265 : memref<1x512xi32, #tpu.memory_space<vmem>> -> memref<512xi32, #tpu.memory_space<vmem>>
          %dma_wait3A_267 = tpu.memref_slice %arg2[%add3A_204] : memref<819200xi32, #tpu.memory_space<hbm>> -> memref<512xi32, #tpu.memory_space<hbm>>
          %dma_wait3A_268 = arith.constant 0 : i32
          %dma_wait3A_269 = tpu.memref_slice %arg8[%run_scoped3A_205, %dma_wait3A_268] : memref<2x512xi32, #tpu.memory_space<vmem>> -> memref<1x512xi32, #tpu.memory_space<vmem>>
          %dma_wait3A_270 = tpu.memref_squeeze %dma_wait3A_269 : memref<1x512xi32, #tpu.memory_space<vmem>> -> memref<512xi32, #tpu.memory_space<vmem>>
          %dma_wait3A_271 = tpu.memref_slice %arg2[%add3A_204] : memref<819200xi32, #tpu.memory_space<hbm>> -> memref<512xi32, #tpu.memory_space<hbm>>
          tpu.wait_dma2 semaphore(%run_scoped3A_255 : memref<!tpu.dma_semaphore, #tpu.memory_space<semaphore_mem>>) src(%dma_wait3A_271 : memref<512xi32, #tpu.memory_space<hbm>>) dst(%dma_wait3A_270 : memref<512xi32, #tpu.memory_space<vmem>>)
          tpu.yield
        }) : () -> ()
        %run_scoped3A_206 = arith.constant 1 : i32
        "tpu.region"() ({
          %run_scoped3A_255 = tpu.sem_alloc : memref<!tpu.dma_semaphore, #tpu.memory_space<semaphore_mem>>
          %dma_start3A_256 = arith.constant 0 : i32
          %dma_start3A_257 = tpu.memref_slice %arg9[%run_scoped3A_206, %dma_start3A_256] : memref<2x512xf32, #tpu.memory_space<vmem>> -> memref<1x512xf32, #tpu.memory_space<vmem>>
          %dma_start3A_258 = tpu.memref_squeeze %dma_start3A_257 : memref<1x512xf32, #tpu.memory_space<vmem>> -> memref<512xf32, #tpu.memory_space<vmem>>
          %dma_start3A_259 = tpu.memref_slice %arg3[%add3A_204] : memref<819200xf32, #tpu.memory_space<hbm>> -> memref<512xf32, #tpu.memory_space<hbm>>
          %dma_start3A_260 = arith.constant 0 : i32
          %dma_start3A_261 = tpu.memref_slice %arg9[%run_scoped3A_206, %dma_start3A_260] : memref<2x512xf32, #tpu.memory_space<vmem>> -> memref<1x512xf32, #tpu.memory_space<vmem>>
          %dma_start3A_262 = tpu.memref_squeeze %dma_start3A_261 : memref<1x512xf32, #tpu.memory_space<vmem>> -> memref<512xf32, #tpu.memory_space<vmem>>
          %dma_start3A_263 = tpu.memref_slice %arg3[%add3A_204] : memref<819200xf32, #tpu.memory_space<hbm>> -> memref<512xf32, #tpu.memory_space<hbm>>
          tpu.enqueue_dma source(%dma_start3A_263 : memref<512xf32, #tpu.memory_space<hbm>>) target(%dma_start3A_262 : memref<512xf32, #tpu.memory_space<vmem>>) target_semaphore(%run_scoped3A_255 : memref<!tpu.dma_semaphore, #tpu.memory_space<semaphore_mem>>)
          %dma_wait3A_264 = arith.constant 0 : i32
          %dma_wait3A_265 = tpu.memref_slice %arg9[%run_scoped3A_206, %dma_wait3A_264] : memref<2x512xf32, #tpu.memory_space<vmem>> -> memref<1x512xf32, #tpu.memory_space<vmem>>
          %dma_wait3A_266 = tpu.memref_squeeze %dma_wait3A_265 : memref<1x512xf32, #tpu.memory_space<vmem>> -> memref<512xf32, #tpu.memory_space<vmem>>
          %dma_wait3A_267 = tpu.memref_slice %arg3[%add3A_204] : memref<819200xf32, #tpu.memory_space<hbm>> -> memref<512xf32, #tpu.memory_space<hbm>>
          %dma_wait3A_268 = arith.constant 0 : i32
          %dma_wait3A_269 = tpu.memref_slice %arg9[%run_scoped3A_206, %dma_wait3A_268] : memref<2x512xf32, #tpu.memory_space<vmem>> -> memref<1x512xf32, #tpu.memory_space<vmem>>
          %dma_wait3A_270 = tpu.memref_squeeze %dma_wait3A_269 : memref<1x512xf32, #tpu.memory_space<vmem>> -> memref<512xf32, #tpu.memory_space<vmem>>
          %dma_wait3A_271 = tpu.memref_slice %arg3[%add3A_204] : memref<819200xf32, #tpu.memory_space<hbm>> -> memref<512xf32, #tpu.memory_space<hbm>>
          tpu.wait_dma2 semaphore(%run_scoped3A_255 : memref<!tpu.dma_semaphore, #tpu.memory_space<semaphore_mem>>) src(%dma_wait3A_271 : memref<512xf32, #tpu.memory_space<hbm>>) dst(%dma_wait3A_270 : memref<512xf32, #tpu.memory_space<vmem>>)
          tpu.yield
        }) : () -> ()
        %dma_start3A_207 = arith.constant 1 : i32
        %dma_start3A_208 = arith.constant 1 : i32
        %dma_start3A_209 = arith.constant 0 : i32
        %dma_start3A_210 = arith.constant 0 : i32
        %dma_start3A_211 = tpu.memref_slice %arg10[%dma_start3A_208, %dma_start3A_209, %dma_start3A_210] : memref<2x512x64xf32, #tpu.memory_space<vmem>> -> memref<1x128x64xf32, #tpu.memory_space<vmem>>
        %dma_start3A_212 = tpu.memref_squeeze %dma_start3A_211 : memref<1x128x64xf32, #tpu.memory_space<vmem>> -> memref<128x64xf32, #tpu.memory_space<vmem>>
        %dma_start3A_213 = arith.constant 0 : i32
        %dma_start3A_214 = tpu.memref_slice %arg8[%dma_start3A_207, %dma_start3A_213] : memref<2x512xi32, #tpu.memory_space<vmem>> -> memref<1x128xi32, #tpu.memory_space<vmem>>
        %dma_start3A_215 = tpu.memref_squeeze %dma_start3A_214 : memref<1x128xi32, #tpu.memory_space<vmem>> -> memref<128xi32, #tpu.memory_space<vmem>>
        %dma_start3A_216 = arith.constant 0 : i32
        %dma_start3A_217 = arith.constant 0 : i32
        %dma_start3A_218 = tpu.memref_slice %arg4[%dma_start3A_216, %dma_start3A_217] : memref<100000x64xf32, #tpu.memory_space<hbm>> -> memref<100000x64xf32, #tpu.memory_space<hbm>>
        tpu.enqueue_indirect_dma source(%dma_start3A_218 : memref<100000x64xf32, #tpu.memory_space<hbm>>) target(%dma_start3A_212 : memref<128x64xf32, #tpu.memory_space<vmem>>) offsets(%dma_start3A_215 : memref<128xi32, #tpu.memory_space<vmem>>) semaphore(%arg14 : memref<!tpu.dma_semaphore, #tpu.memory_space<semaphore_mem>>)
        %dma_start3A_219 = arith.constant 1 : i32
        %dma_start3A_220 = arith.constant 1 : i32
        %dma_start3A_221 = arith.constant 128 : i32
        %dma_start3A_222 = arith.constant 0 : i32
        %dma_start3A_223 = tpu.memref_slice %arg10[%dma_start3A_220, %dma_start3A_221, %dma_start3A_222] : memref<2x512x64xf32, #tpu.memory_space<vmem>> -> memref<1x128x64xf32, #tpu.memory_space<vmem>>
        %dma_start3A_224 = tpu.memref_squeeze %dma_start3A_223 : memref<1x128x64xf32, #tpu.memory_space<vmem>> -> memref<128x64xf32, #tpu.memory_space<vmem>>
        %dma_start3A_225 = arith.constant 128 : i32
        %dma_start3A_226 = tpu.memref_slice %arg8[%dma_start3A_219, %dma_start3A_225] : memref<2x512xi32, #tpu.memory_space<vmem>> -> memref<1x128xi32, #tpu.memory_space<vmem>>
        %dma_start3A_227 = tpu.memref_squeeze %dma_start3A_226 : memref<1x128xi32, #tpu.memory_space<vmem>> -> memref<128xi32, #tpu.memory_space<vmem>>
        %dma_start3A_228 = arith.constant 0 : i32
        %dma_start3A_229 = arith.constant 0 : i32
        %dma_start3A_230 = tpu.memref_slice %arg4[%dma_start3A_228, %dma_start3A_229] : memref<100000x64xf32, #tpu.memory_space<hbm>> -> memref<100000x64xf32, #tpu.memory_space<hbm>>
        tpu.enqueue_indirect_dma source(%dma_start3A_230 : memref<100000x64xf32, #tpu.memory_space<hbm>>) target(%dma_start3A_224 : memref<128x64xf32, #tpu.memory_space<vmem>>) offsets(%dma_start3A_227 : memref<128xi32, #tpu.memory_space<vmem>>) semaphore(%arg14 : memref<!tpu.dma_semaphore, #tpu.memory_space<semaphore_mem>>)
        %dma_start3A_231 = arith.constant 1 : i32
        %dma_start3A_232 = arith.constant 1 : i32
        %dma_start3A_233 = arith.constant 256 : i32
        %dma_start3A_234 = arith.constant 0 : i32
        %dma_start3A_235 = tpu.memref_slice %arg10[%dma_start3A_232, %dma_start3A_233, %dma_start3A_234] : memref<2x512x64xf32, #tpu.memory_space<vmem>> -> memref<1x128x64xf32, #tpu.memory_space<vmem>>
        %dma_start3A_236 = tpu.memref_squeeze %dma_start3A_235 : memref<1x128x64xf32, #tpu.memory_space<vmem>> -> memref<128x64xf32, #tpu.memory_space<vmem>>
        %dma_start3A_237 = arith.constant 256 : i32
        %dma_start3A_238 = tpu.memref_slice %arg8[%dma_start3A_231, %dma_start3A_237] : memref<2x512xi32, #tpu.memory_space<vmem>> -> memref<1x128xi32, #tpu.memory_space<vmem>>
        %dma_start3A_239 = tpu.memref_squeeze %dma_start3A_238 : memref<1x128xi32, #tpu.memory_space<vmem>> -> memref<128xi32, #tpu.memory_space<vmem>>
        %dma_start3A_240 = arith.constant 0 : i32
        %dma_start3A_241 = arith.constant 0 : i32
        %dma_start3A_242 = tpu.memref_slice %arg4[%dma_start3A_240, %dma_start3A_241] : memref<100000x64xf32, #tpu.memory_space<hbm>> -> memref<100000x64xf32, #tpu.memory_space<hbm>>
        tpu.enqueue_indirect_dma source(%dma_start3A_242 : memref<100000x64xf32, #tpu.memory_space<hbm>>) target(%dma_start3A_236 : memref<128x64xf32, #tpu.memory_space<vmem>>) offsets(%dma_start3A_239 : memref<128xi32, #tpu.memory_space<vmem>>) semaphore(%arg14 : memref<!tpu.dma_semaphore, #tpu.memory_space<semaphore_mem>>)
        %dma_start3A_243 = arith.constant 1 : i32
        %dma_start3A_244 = arith.constant 1 : i32
        %dma_start3A_245 = arith.constant 384 : i32
        %dma_start3A_246 = arith.constant 0 : i32
        %dma_start3A_247 = tpu.memref_slice %arg10[%dma_start3A_244, %dma_start3A_245, %dma_start3A_246] : memref<2x512x64xf32, #tpu.memory_space<vmem>> -> memref<1x128x64xf32, #tpu.memory_space<vmem>>
        %dma_start3A_248 = tpu.memref_squeeze %dma_start3A_247 : memref<1x128x64xf32, #tpu.memory_space<vmem>> -> memref<128x64xf32, #tpu.memory_space<vmem>>
        %dma_start3A_249 = arith.constant 384 : i32
        %dma_start3A_250 = tpu.memref_slice %arg8[%dma_start3A_243, %dma_start3A_249] : memref<2x512xi32, #tpu.memory_space<vmem>> -> memref<1x128xi32, #tpu.memory_space<vmem>>
        %dma_start3A_251 = tpu.memref_squeeze %dma_start3A_250 : memref<1x128xi32, #tpu.memory_space<vmem>> -> memref<128xi32, #tpu.memory_space<vmem>>
        %dma_start3A_252 = arith.constant 0 : i32
        %dma_start3A_253 = arith.constant 0 : i32
        %dma_start3A_254 = tpu.memref_slice %arg4[%dma_start3A_252, %dma_start3A_253] : memref<100000x64xf32, #tpu.memory_space<hbm>> -> memref<100000x64xf32, #tpu.memory_space<hbm>>
        tpu.enqueue_indirect_dma source(%dma_start3A_254 : memref<100000x64xf32, #tpu.memory_space<hbm>>) target(%dma_start3A_248 : memref<128x64xf32, #tpu.memory_space<vmem>>) offsets(%dma_start3A_251 : memref<128xi32, #tpu.memory_space<vmem>>) semaphore(%arg14 : memref<!tpu.dma_semaphore, #tpu.memory_space<semaphore_mem>>)
      } else {
      }
      %dma_wait3A_98 = arith.constant 0 : i32
      %dma_wait3A_99 = arith.constant 0 : i32
      %dma_wait3A_100 = arith.constant 0 : i32
      %dma_wait3A_101 = tpu.memref_slice %arg10[%dma_wait3A_98, %dma_wait3A_99, %dma_wait3A_100] : memref<2x512x64xf32, #tpu.memory_space<vmem>> -> memref<1x512x64xf32, #tpu.memory_space<vmem>>
      %dma_wait3A_102 = tpu.memref_squeeze %dma_wait3A_101 : memref<1x512x64xf32, #tpu.memory_space<vmem>> -> memref<512x64xf32, #tpu.memory_space<vmem>>
      %dma_wait3A_103 = arith.constant 0 : i32
      %dma_wait3A_104 = arith.constant 0 : i32
      %dma_wait3A_105 = tpu.memref_slice %arg7[%dma_wait3A_103, %dma_wait3A_104] : memref<819200x64xf32, #tpu.memory_space<hbm>> -> memref<512x64xf32, #tpu.memory_space<hbm>>
      %dma_wait3A_106 = arith.constant 0 : i32
      %dma_wait3A_107 = arith.constant 0 : i32
      %dma_wait3A_108 = tpu.memref_slice %arg10[%dma_wait3A_98, %dma_wait3A_106, %dma_wait3A_107] : memref<2x512x64xf32, #tpu.memory_space<vmem>> -> memref<1x512x64xf32, #tpu.memory_space<vmem>>
      %dma_wait3A_109 = tpu.memref_squeeze %dma_wait3A_108 : memref<1x512x64xf32, #tpu.memory_space<vmem>> -> memref<512x64xf32, #tpu.memory_space<vmem>>
      %dma_wait3A_110 = arith.constant 0 : i32
      %dma_wait3A_111 = arith.constant 0 : i32
      %dma_wait3A_112 = tpu.memref_slice %arg7[%dma_wait3A_110, %dma_wait3A_111] : memref<819200x64xf32, #tpu.memory_space<hbm>> -> memref<512x64xf32, #tpu.memory_space<hbm>>
      tpu.wait_dma2 semaphore(%arg13 : memref<!tpu.dma_semaphore, #tpu.memory_space<semaphore_mem>>) src(%dma_wait3A_112 : memref<512x64xf32, #tpu.memory_space<hbm>>) dst(%dma_wait3A_109 : memref<512x64xf32, #tpu.memory_space<vmem>>)
      %scan3A_113 = arith.constant 0 : i32
      %scan3A_114 = arith.constant 32 : i32
      %scan3A_115 = arith.addi %scan3A_113, %scan3A_114 : i32
      %scan3A_116 = arith.constant 1 : i32
      %scan3A_117 = scf.for %scan3A_200 = %scan3A_113 to %scan3A_115 step %scan3A_116 iter_args(%scan3A_201 = %scan3A_85) -> (i32)  : i32 {
        %mul3A_202 = arith.constant 16 : i32
        %mul3A_203 = arith.muli %scan3A_200, %mul3A_202 : i32
        %get3A_204 = arith.constant 0 : i32
        %get3A_205 = arith.index_cast %get3A_204 : i32 to index
        %get3A_206 = arith.index_cast %mul3A_203 : i32 to index
        %get3A_207 = tpu.vector_load %arg9[%get3A_205, %get3A_206] {strides = array<i32>} : memref<2x512xf32, #tpu.memory_space<vmem>>, vector<1x16xf32>,
        %get3A_208 = vector.shape_cast %get3A_207 : vector<1x16xf32> to vector<16xf32>
        %mul3A_209 = arith.constant 16 : i32
        %mul3A_210 = arith.muli %scan3A_200, %mul3A_209 : i32
        %add3A_211 = arith.constant 0 : i32
        %add3A_212 = arith.addi %mul3A_210, %add3A_211 : i32
        %slice3A = vector.extract_strided_slice %get3A_208 {offsets = [0], sizes = [1], strides = [1]} : vector<16xf32> to vector<1xf32>
        %squeeze3A = vector.extract %slice3A[0] : f32 from vector<1xf32>
        %broadcast_in_dim3A = vector.broadcast %squeeze3A : f32 to vector<16xf32>
        %add3A_213 = arith.constant 0 : i32
        %add3A_214 = arith.addi %scan3A_201, %add3A_213 : i32
        %get3A_215 = arith.index_cast %add3A_214 : i32 to index
        %get3A_216 = arith.constant 0 : index
        %get3A_217 = tpu.vector_load %arg11[%get3A_215, %get3A_216] {strides = array<i32>} : memref<400x64xf32, #tpu.memory_space<vmem>>, vector<1x16xf32>,
        %get3A_218 = vector.shape_cast %get3A_217 : vector<1x16xf32> to vector<16xf32>
        %mul3A_219 = arith.mulf %broadcast_in_dim3A, %get3A_2 : vector<16xf32>
        %add3A_220 = arith.addf %get3A_218, %mul3A_219 : vector<16xf32>
        %swap3A = arith.constant 0 : i32
        %swap3A_221 = arith.index_cast %swap3A : i32 to index
        %swap3A_222 = arith.index_cast %add3A_212 : i32 to index
        %swap3A_223 = arith.constant 0 : index
        %swap3A_224 = tpu.vector_load %arg10[%swap3A_221, %swap3A_222, %swap3A_223] {strides = array<i32>} : memref<2x512x64xf32, #tpu.memory_space<vmem>>, vector<1x1x16xf32>,
        %swap3A_225 = vector.shape_cast %swap3A_224 : vector<1x1x16xf32> to vector<16xf32>
        %swap3A_226 = vector.shape_cast %add3A_220 : vector<16xf32> to vector<1x1x16xf32>
        tpu.vector_store %arg10[%swap3A_221, %swap3A_222, %swap3A_223], %swap3A_226 {add = true, strides = array<i32>} : memref<2x512x64xf32, #tpu.memory_space<vmem>>, vector<1x1x16xf32>,
        %add3A_227 = arith.constant 0 : i32
        %add3A_228 = arith.addi %scan3A_201, %add3A_227 : i32
        %get3A_229 = arith.index_cast %add3A_228 : i32 to index
        %get3A_230 = arith.constant 16 : index
        %get3A_231 = tpu.vector_load %arg11[%get3A_229, %get3A_230] {strides = array<i32>} : memref<400x64xf32, #tpu.memory_space<vmem>>, vector<1x16xf32>,
        %get3A_232 = vector.shape_cast %get3A_231 : vector<1x16xf32> to vector<16xf32>
        %mul3A_233 = arith.mulf %broadcast_in_dim3A, %get3A_5 : vector<16xf32>
        %add3A_234 = arith.addf %get3A_232, %mul3A_233 : vector<16xf32>
        %swap3A_235 = arith.constant 0 : i32
        %swap3A_236 = arith.index_cast %swap3A_235 : i32 to index
        %swap3A_237 = arith.index_cast %add3A_212 : i32 to index
        %swap3A_238 = arith.constant 16 : index
        %swap3A_239 = tpu.vector_load %arg10[%swap3A_236, %swap3A_237, %swap3A_238] {strides = array<i32>} : memref<2x512x64xf32, #tpu.memory_space<vmem>>, vector<1x1x16xf32>,
        %swap3A_240 = vector.shape_cast %swap3A_239 : vector<1x1x16xf32> to vector<16xf32>
        %swap3A_241 = vector.shape_cast %add3A_234 : vector<16xf32> to vector<1x1x16xf32>
        tpu.vector_store %arg10[%swap3A_236, %swap3A_237, %swap3A_238], %swap3A_241 {add = true, strides = array<i32>} : memref<2x512x64xf32, #tpu.memory_space<vmem>>, vector<1x1x16xf32>,
        %add3A_242 = arith.constant 0 : i32
        %add3A_243 = arith.addi %scan3A_201, %add3A_242 : i32
        %get3A_244 = arith.index_cast %add3A_243 : i32 to index
        %get3A_245 = arith.constant 32 : index
        %get3A_246 = tpu.vector_load %arg11[%get3A_244, %get3A_245] {strides = array<i32>} : memref<400x64xf32, #tpu.memory_space<vmem>>, vector<1x16xf32>,
        %get3A_247 = vector.shape_cast %get3A_246 : vector<1x16xf32> to vector<16xf32>
        %mul3A_248 = arith.mulf %broadcast_in_dim3A, %get3A_8 : vector<16xf32>
        %add3A_249 = arith.addf %get3A_247, %mul3A_248 : vector<16xf32>
        %swap3A_250 = arith.constant 0 : i32
        %swap3A_251 = arith.index_cast %swap3A_250 : i32 to index
        %swap3A_252 = arith.index_cast %add3A_212 : i32 to index
        %swap3A_253 = arith.constant 32 : index
        %swap3A_254 = tpu.vector_load %arg10[%swap3A_251, %swap3A_252, %swap3A_253] {strides = array<i32>} : memref<2x512x64xf32, #tpu.memory_space<vmem>>, vector<1x1x16xf32>,
        %swap3A_255 = vector.shape_cast %swap3A_254 : vector<1x1x16xf32> to vector<16xf32>
        %swap3A_256 = vector.shape_cast %add3A_249 : vector<16xf32> to vector<1x1x16xf32>
        tpu.vector_store %arg10[%swap3A_251, %swap3A_252, %swap3A_253], %swap3A_256 {add = true, strides = array<i32>} : memref<2x512x64xf32, #tpu.memory_space<vmem>>, vector<1x1x16xf32>,
        %add3A_257 = arith.constant 0 : i32
        %add3A_258 = arith.addi %scan3A_201, %add3A_257 : i32
        %get3A_259 = arith.index_cast %add3A_258 : i32 to index
        %get3A_260 = arith.constant 48 : index
        %get3A_261 = tpu.vector_load %arg11[%get3A_259, %get3A_260] {strides = array<i32>} : memref<400x64xf32, #tpu.memory_space<vmem>>, vector<1x16xf32>,
        %get3A_262 = vector.shape_cast %get3A_261 : vector<1x16xf32> to vector<16xf32>
        %mul3A_263 = arith.mulf %broadcast_in_dim3A, %get3A_11 : vector<16xf32>
        %add3A_264 = arith.addf %get3A_262, %mul3A_263 : vector<16xf32>
        %swap3A_265 = arith.constant 0 : i32
        %swap3A_266 = arith.index_cast %swap3A_265 : i32 to index
        %swap3A_267 = arith.index_cast %add3A_212 : i32 to index
        %swap3A_268 = arith.constant 48 : index
        %swap3A_269 = tpu.vector_load %arg10[%swap3A_266, %swap3A_267, %swap3A_268] {strides = array<i32>} : memref<2x512x64xf32, #tpu.memory_space<vmem>>, vector<1x1x16xf32>,
        %swap3A_270 = vector.shape_cast %swap3A_269 : vector<1x1x16xf32> to vector<16xf32>
        %swap3A_271 = vector.shape_cast %add3A_264 : vector<16xf32> to vector<1x1x16xf32>
        tpu.vector_store %arg10[%swap3A_266, %swap3A_267, %swap3A_268], %swap3A_271 {add = true, strides = array<i32>} : memref<2x512x64xf32, #tpu.memory_space<vmem>>, vector<1x1x16xf32>,
        %mul3A_272 = arith.constant 16 : i32
        %mul3A_273 = arith.muli %scan3A_200, %mul3A_272 : i32
        %add3A_274 = arith.constant 1 : i32
        %add3A_275 = arith.addi %mul3A_273, %add3A_274 : i32
        %slice3A_276 = vector.extract_strided_slice %get3A_208 {offsets = [1], sizes = [1], strides = [1]} : vector<16xf32> to vector<1xf32>
        %squeeze3A_277 = vector.extract %slice3A_276[0] : f32 from vector<1xf32>
        %broadcast_in_dim3A_278 = vector.broadcast %squeeze3A_277 : f32 to vector<16xf32>
        %add3A_279 = arith.constant 1 : i32
        %add3A_280 = arith.addi %scan3A_201, %add3A_279 : i32
        %get3A_281 = arith.index_cast %add3A_280 : i32 to index
        %get3A_282 = arith.constant 0 : index
        %get3A_283 = tpu.vector_load %arg11[%get3A_281, %get3A_282] {strides = array<i32>} : memref<400x64xf32, #tpu.memory_space<vmem>>, vector<1x16xf32>,
        %get3A_284 = vector.shape_cast %get3A_283 : vector<1x16xf32> to vector<16xf32>
        %mul3A_285 = arith.mulf %broadcast_in_dim3A_278, %get3A_2 : vector<16xf32>
        %add3A_286 = arith.addf %get3A_284, %mul3A_285 : vector<16xf32>
        %swap3A_287 = arith.constant 0 : i32
        %swap3A_288 = arith.index_cast %swap3A_287 : i32 to index
        %swap3A_289 = arith.index_cast %add3A_275 : i32 to index
        %swap3A_290 = arith.constant 0 : index
        %swap3A_291 = tpu.vector_load %arg10[%swap3A_288, %swap3A_289, %swap3A_290] {strides = array<i32>} : memref<2x512x64xf32, #tpu.memory_space<vmem>>, vector<1x1x16xf32>,
        %swap3A_292 = vector.shape_cast %swap3A_291 : vector<1x1x16xf32> to vector<16xf32>
        %swap3A_293 = vector.shape_cast %add3A_286 : vector<16xf32> to vector<1x1x16xf32>
        tpu.vector_store %arg10[%swap3A_288, %swap3A_289, %swap3A_290], %swap3A_293 {add = true, strides = array<i32>} : memref<2x512x64xf32, #tpu.memory_space<vmem>>, vector<1x1x16xf32>,
        %add3A_294 = arith.constant 1 : i32
        %add3A_295 = arith.addi %scan3A_201, %add3A_294 : i32
        %get3A_296 = arith.index_cast %add3A_295 : i32 to index
        %get3A_297 = arith.constant 16 : index
        %get3A_298 = tpu.vector_load %arg11[%get3A_296, %get3A_297] {strides = array<i32>} : memref<400x64xf32, #tpu.memory_space<vmem>>, vector<1x16xf32>,
        %get3A_299 = vector.shape_cast %get3A_298 : vector<1x16xf32> to vector<16xf32>
        %mul3A_300 = arith.mulf %broadcast_in_dim3A_278, %get3A_5 : vector<16xf32>
        %add3A_301 = arith.addf %get3A_299, %mul3A_300 : vector<16xf32>
        %swap3A_302 = arith.constant 0 : i32
        %swap3A_303 = arith.index_cast %swap3A_302 : i32 to index
        %swap3A_304 = arith.index_cast %add3A_275 : i32 to index
        %swap3A_305 = arith.constant 16 : index
        %swap3A_306 = tpu.vector_load %arg10[%swap3A_303, %swap3A_304, %swap3A_305] {strides = array<i32>} : memref<2x512x64xf32, #tpu.memory_space<vmem>>, vector<1x1x16xf32>,
        %swap3A_307 = vector.shape_cast %swap3A_306 : vector<1x1x16xf32> to vector<16xf32>
        %swap3A_308 = vector.shape_cast %add3A_301 : vector<16xf32> to vector<1x1x16xf32>
        tpu.vector_store %arg10[%swap3A_303, %swap3A_304, %swap3A_305], %swap3A_308 {add = true, strides = array<i32>} : memref<2x512x64xf32, #tpu.memory_space<vmem>>, vector<1x1x16xf32>,
        %add3A_309 = arith.constant 1 : i32
        %add3A_310 = arith.addi %scan3A_201, %add3A_309 : i32
        %get3A_311 = arith.index_cast %add3A_310 : i32 to index
        %get3A_312 = arith.constant 32 : index
        %get3A_313 = tpu.vector_load %arg11[%get3A_311, %get3A_312] {strides = array<i32>} : memref<400x64xf32, #tpu.memory_space<vmem>>, vector<1x16xf32>,
        %get3A_314 = vector.shape_cast %get3A_313 : vector<1x16xf32> to vector<16xf32>
        %mul3A_315 = arith.mulf %broadcast_in_dim3A_278, %get3A_8 : vector<16xf32>
        %add3A_316 = arith.addf %get3A_314, %mul3A_315 : vector<16xf32>
        %swap3A_317 = arith.constant 0 : i32
        %swap3A_318 = arith.index_cast %swap3A_317 : i32 to index
        %swap3A_319 = arith.index_cast %add3A_275 : i32 to index
        %swap3A_320 = arith.constant 32 : index
        %swap3A_321 = tpu.vector_load %arg10[%swap3A_318, %swap3A_319, %swap3A_320] {strides = array<i32>} : memref<2x512x64xf32, #tpu.memory_space<vmem>>, vector<1x1x16xf32>,
        %swap3A_322 = vector.shape_cast %swap3A_321 : vector<1x1x16xf32> to vector<16xf32>
        %swap3A_323 = vector.shape_cast %add3A_316 : vector<16xf32> to vector<1x1x16xf32>
        tpu.vector_store %arg10[%swap3A_318, %swap3A_319, %swap3A_320], %swap3A_323 {add = true, strides = array<i32>} : memref<2x512x64xf32, #tpu.memory_space<vmem>>, vector<1x1x16xf32>,
        %add3A_324 = arith.constant 1 : i32
        %add3A_325 = arith.addi %scan3A_201, %add3A_324 : i32
        %get3A_326 = arith.index_cast %add3A_325 : i32 to index
        %get3A_327 = arith.constant 48 : index
        %get3A_328 = tpu.vector_load %arg11[%get3A_326, %get3A_327] {strides = array<i32>} : memref<400x64xf32, #tpu.memory_space<vmem>>, vector<1x16xf32>,
        %get3A_329 = vector.shape_cast %get3A_328 : vector<1x16xf32> to vector<16xf32>
        %mul3A_330 = arith.mulf %broadcast_in_dim3A_278, %get3A_11 : vector<16xf32>
        %add3A_331 = arith.addf %get3A_329, %mul3A_330 : vector<16xf32>
        %swap3A_332 = arith.constant 0 : i32
        %swap3A_333 = arith.index_cast %swap3A_332 : i32 to index
        %swap3A_334 = arith.index_cast %add3A_275 : i32 to index
        %swap3A_335 = arith.constant 48 : index
        %swap3A_336 = tpu.vector_load %arg10[%swap3A_333, %swap3A_334, %swap3A_335] {strides = array<i32>} : memref<2x512x64xf32, #tpu.memory_space<vmem>>, vector<1x1x16xf32>,
        %swap3A_337 = vector.shape_cast %swap3A_336 : vector<1x1x16xf32> to vector<16xf32>
        %swap3A_338 = vector.shape_cast %add3A_331 : vector<16xf32> to vector<1x1x16xf32>
        tpu.vector_store %arg10[%swap3A_333, %swap3A_334, %swap3A_335], %swap3A_338 {add = true, strides = array<i32>} : memref<2x512x64xf32, #tpu.memory_space<vmem>>, vector<1x1x16xf32>,
        %mul3A_339 = arith.constant 16 : i32
        %mul3A_340 = arith.muli %scan3A_200, %mul3A_339 : i32
        %add3A_341 = arith.constant 2 : i32
        %add3A_342 = arith.addi %mul3A_340, %add3A_341 : i32
        %slice3A_343 = vector.extract_strided_slice %get3A_208 {offsets = [2], sizes = [1], strides = [1]} : vector<16xf32> to vector<1xf32>
        %squeeze3A_344 = vector.extract %slice3A_343[0] : f32 from vector<1xf32>
        %broadcast_in_dim3A_345 = vector.broadcast %squeeze3A_344 : f32 to vector<16xf32>
        %add3A_346 = arith.constant 2 : i32
        %add3A_347 = arith.addi %scan3A_201, %add3A_346 : i32
        %get3A_348 = arith.index_cast %add3A_347 : i32 to index
        %get3A_349 = arith.constant 0 : index
        %get3A_350 = tpu.vector_load %arg11[%get3A_348, %get3A_349] {strides = array<i32>} : memref<400x64xf32, #tpu.memory_space<vmem>>, vector<1x16xf32>,
        %get3A_351 = vector.shape_cast %get3A_350 : vector<1x16xf32> to vector<16xf32>
        %mul3A_352 = arith.mulf %broadcast_in_dim3A_345, %get3A_2 : vector<16xf32>
        %add3A_353 = arith.addf %get3A_351, %mul3A_352 : vector<16xf32>
        %swap3A_354 = arith.constant 0 : i32
        %swap3A_355 = arith.index_cast %swap3A_354 : i32 to index
        %swap3A_356 = arith.index_cast %add3A_342 : i32 to index
        %swap3A_357 = arith.constant 0 : index
        %swap3A_358 = tpu.vector_load %arg10[%swap3A_355, %swap3A_356, %swap3A_357] {strides = array<i32>} : memref<2x512x64xf32, #tpu.memory_space<vmem>>, vector<1x1x16xf32>,
        %swap3A_359 = vector.shape_cast %swap3A_358 : vector<1x1x16xf32> to vector<16xf32>
        %swap3A_360 = vector.shape_cast %add3A_353 : vector<16xf32> to vector<1x1x16xf32>
        tpu.vector_store %arg10[%swap3A_355, %swap3A_356, %swap3A_357], %swap3A_360 {add = true, strides = array<i32>} : memref<2x512x64xf32, #tpu.memory_space<vmem>>, vector<1x1x16xf32>,
        %add3A_361 = arith.constant 2 : i32
        %add3A_362 = arith.addi %scan3A_201, %add3A_361 : i32
        %get3A_363 = arith.index_cast %add3A_362 : i32 to index
        %get3A_364 = arith.constant 16 : index
        %get3A_365 = tpu.vector_load %arg11[%get3A_363, %get3A_364] {strides = array<i32>} : memref<400x64xf32, #tpu.memory_space<vmem>>, vector<1x16xf32>,
        %get3A_366 = vector.shape_cast %get3A_365 : vector<1x16xf32> to vector<16xf32>
        %mul3A_367 = arith.mulf %broadcast_in_dim3A_345, %get3A_5 : vector<16xf32>
        %add3A_368 = arith.addf %get3A_366, %mul3A_367 : vector<16xf32>
        %swap3A_369 = arith.constant 0 : i32
        %swap3A_370 = arith.index_cast %swap3A_369 : i32 to index
        %swap3A_371 = arith.index_cast %add3A_342 : i32 to index
        %swap3A_372 = arith.constant 16 : index
        %swap3A_373 = tpu.vector_load %arg10[%swap3A_370, %swap3A_371, %swap3A_372] {strides = array<i32>} : memref<2x512x64xf32, #tpu.memory_space<vmem>>, vector<1x1x16xf32>,
        %swap3A_374 = vector.shape_cast %swap3A_373 : vector<1x1x16xf32> to vector<16xf32>
        %swap3A_375 = vector.shape_cast %add3A_368 : vector<16xf32> to vector<1x1x16xf32>
        tpu.vector_store %arg10[%swap3A_370, %swap3A_371, %swap3A_372], %swap3A_375 {add = true, strides = array<i32>} : memref<2x512x64xf32, #tpu.memory_space<vmem>>, vector<1x1x16xf32>,
        %add3A_376 = arith.constant 2 : i32
        %add3A_377 = arith.addi %scan3A_201, %add3A_376 : i32
        %get3A_378 = arith.index_cast %add3A_377 : i32 to index
        %get3A_379 = arith.constant 32 : index
        %get3A_380 = tpu.vector_load %arg11[%get3A_378, %get3A_379] {strides = array<i32>} : memref<400x64xf32, #tpu.memory_space<vmem>>, vector<1x16xf32>,
        %get3A_381 = vector.shape_cast %get3A_380 : vector<1x16xf32> to vector<16xf32>
        %mul3A_382 = arith.mulf %broadcast_in_dim3A_345, %get3A_8 : vector<16xf32>
        %add3A_383 = arith.addf %get3A_381, %mul3A_382 : vector<16xf32>
        %swap3A_384 = arith.constant 0 : i32
        %swap3A_385 = arith.index_cast %swap3A_384 : i32 to index
        %swap3A_386 = arith.index_cast %add3A_342 : i32 to index
        %swap3A_387 = arith.constant 32 : index
        %swap3A_388 = tpu.vector_load %arg10[%swap3A_385, %swap3A_386, %swap3A_387] {strides = array<i32>} : memref<2x512x64xf32, #tpu.memory_space<vmem>>, vector<1x1x16xf32>,
        %swap3A_389 = vector.shape_cast %swap3A_388 : vector<1x1x16xf32> to vector<16xf32>
        %swap3A_390 = vector.shape_cast %add3A_383 : vector<16xf32> to vector<1x1x16xf32>
        tpu.vector_store %arg10[%swap3A_385, %swap3A_386, %swap3A_387], %swap3A_390 {add = true, strides = array<i32>} : memref<2x512x64xf32, #tpu.memory_space<vmem>>, vector<1x1x16xf32>,
        %add3A_391 = arith.constant 2 : i32
        %add3A_392 = arith.addi %scan3A_201, %add3A_391 : i32
        %get3A_393 = arith.index_cast %add3A_392 : i32 to index
        %get3A_394 = arith.constant 48 : index
        %get3A_395 = tpu.vector_load %arg11[%get3A_393, %get3A_394] {strides = array<i32>} : memref<400x64xf32, #tpu.memory_space<vmem>>, vector<1x16xf32>,
        %get3A_396 = vector.shape_cast %get3A_395 : vector<1x16xf32> to vector<16xf32>
        %mul3A_397 = arith.mulf %broadcast_in_dim3A_345, %get3A_11 : vector<16xf32>
        %add3A_398 = arith.addf %get3A_396, %mul3A_397 : vector<16xf32>
        %swap3A_399 = arith.constant 0 : i32
        %swap3A_400 = arith.index_cast %swap3A_399 : i32 to index
        %swap3A_401 = arith.index_cast %add3A_342 : i32 to index
        %swap3A_402 = arith.constant 48 : index
        %swap3A_403 = tpu.vector_load %arg10[%swap3A_400, %swap3A_401, %swap3A_402] {strides = array<i32>} : memref<2x512x64xf32, #tpu.memory_space<vmem>>, vector<1x1x16xf32>,
        %swap3A_404 = vector.shape_cast %swap3A_403 : vector<1x1x16xf32> to vector<16xf32>
        %swap3A_405 = vector.shape_cast %add3A_398 : vector<16xf32> to vector<1x1x16xf32>
        tpu.vector_store %arg10[%swap3A_400, %swap3A_401, %swap3A_402], %swap3A_405 {add = true, strides = array<i32>} : memref<2x512x64xf32, #tpu.memory_space<vmem>>, vector<1x1x16xf32>,
        %mul3A_406 = arith.constant 16 : i32
        %mul3A_407 = arith.muli %scan3A_200, %mul3A_406 : i32
        %add3A_408 = arith.constant 3 : i32
        %add3A_409 = arith.addi %mul3A_407, %add3A_408 : i32
        %slice3A_410 = vector.extract_strided_slice %get3A_208 {offsets = [3], sizes = [1], strides = [1]} : vector<16xf32> to vector<1xf32>
        %squeeze3A_411 = vector.extract %slice3A_410[0] : f32 from vector<1xf32>
        %broadcast_in_dim3A_412 = vector.broadcast %squeeze3A_411 : f32 to vector<16xf32>
        %add3A_413 = arith.constant 3 : i32
        %add3A_414 = arith.addi %scan3A_201, %add3A_413 : i32
        %get3A_415 = arith.index_cast %add3A_414 : i32 to index
        %get3A_416 = arith.constant 0 : index
        %get3A_417 = tpu.vector_load %arg11[%get3A_415, %get3A_416] {strides = array<i32>} : memref<400x64xf32, #tpu.memory_space<vmem>>, vector<1x16xf32>,
        %get3A_418 = vector.shape_cast %get3A_417 : vector<1x16xf32> to vector<16xf32>
        %mul3A_419 = arith.mulf %broadcast_in_dim3A_412, %get3A_2 : vector<16xf32>
        %add3A_420 = arith.addf %get3A_418, %mul3A_419 : vector<16xf32>
        %swap3A_421 = arith.constant 0 : i32
        %swap3A_422 = arith.index_cast %swap3A_421 : i32 to index
        %swap3A_423 = arith.index_cast %add3A_409 : i32 to index
        %swap3A_424 = arith.constant 0 : index
        %swap3A_425 = tpu.vector_load %arg10[%swap3A_422, %swap3A_423, %swap3A_424] {strides = array<i32>} : memref<2x512x64xf32, #tpu.memory_space<vmem>>, vector<1x1x16xf32>,
        %swap3A_426 = vector.shape_cast %swap3A_425 : vector<1x1x16xf32> to vector<16xf32>
        %swap3A_427 = vector.shape_cast %add3A_420 : vector<16xf32> to vector<1x1x16xf32>
        tpu.vector_store %arg10[%swap3A_422, %swap3A_423, %swap3A_424], %swap3A_427 {add = true, strides = array<i32>} : memref<2x512x64xf32, #tpu.memory_space<vmem>>, vector<1x1x16xf32>,
        %add3A_428 = arith.constant 3 : i32
        %add3A_429 = arith.addi %scan3A_201, %add3A_428 : i32
        %get3A_430 = arith.index_cast %add3A_429 : i32 to index
        %get3A_431 = arith.constant 16 : index
        %get3A_432 = tpu.vector_load %arg11[%get3A_430, %get3A_431] {strides = array<i32>} : memref<400x64xf32, #tpu.memory_space<vmem>>, vector<1x16xf32>,
        %get3A_433 = vector.shape_cast %get3A_432 : vector<1x16xf32> to vector<16xf32>
        %mul3A_434 = arith.mulf %broadcast_in_dim3A_412, %get3A_5 : vector<16xf32>
        %add3A_435 = arith.addf %get3A_433, %mul3A_434 : vector<16xf32>
        %swap3A_436 = arith.constant 0 : i32
        %swap3A_437 = arith.index_cast %swap3A_436 : i32 to index
        %swap3A_438 = arith.index_cast %add3A_409 : i32 to index
        %swap3A_439 = arith.constant 16 : index
        %swap3A_440 = tpu.vector_load %arg10[%swap3A_437, %swap3A_438, %swap3A_439] {strides = array<i32>} : memref<2x512x64xf32, #tpu.memory_space<vmem>>, vector<1x1x16xf32>,
        %swap3A_441 = vector.shape_cast %swap3A_440 : vector<1x1x16xf32> to vector<16xf32>
        %swap3A_442 = vector.shape_cast %add3A_435 : vector<16xf32> to vector<1x1x16xf32>
        tpu.vector_store %arg10[%swap3A_437, %swap3A_438, %swap3A_439], %swap3A_442 {add = true, strides = array<i32>} : memref<2x512x64xf32, #tpu.memory_space<vmem>>, vector<1x1x16xf32>,
        %add3A_443 = arith.constant 3 : i32
        %add3A_444 = arith.addi %scan3A_201, %add3A_443 : i32
        %get3A_445 = arith.index_cast %add3A_444 : i32 to index
        %get3A_446 = arith.constant 32 : index
        %get3A_447 = tpu.vector_load %arg11[%get3A_445, %get3A_446] {strides = array<i32>} : memref<400x64xf32, #tpu.memory_space<vmem>>, vector<1x16xf32>,
        %get3A_448 = vector.shape_cast %get3A_447 : vector<1x16xf32> to vector<16xf32>
        %mul3A_449 = arith.mulf %broadcast_in_dim3A_412, %get3A_8 : vector<16xf32>
        %add3A_450 = arith.addf %get3A_448, %mul3A_449 : vector<16xf32>
        %swap3A_451 = arith.constant 0 : i32
        %swap3A_452 = arith.index_cast %swap3A_451 : i32 to index
        %swap3A_453 = arith.index_cast %add3A_409 : i32 to index
        %swap3A_454 = arith.constant 32 : index
        %swap3A_455 = tpu.vector_load %arg10[%swap3A_452, %swap3A_453, %swap3A_454] {strides = array<i32>} : memref<2x512x64xf32, #tpu.memory_space<vmem>>, vector<1x1x16xf32>,
        %swap3A_456 = vector.shape_cast %swap3A_455 : vector<1x1x16xf32> to vector<16xf32>
        %swap3A_457 = vector.shape_cast %add3A_450 : vector<16xf32> to vector<1x1x16xf32>
        tpu.vector_store %arg10[%swap3A_452, %swap3A_453, %swap3A_454], %swap3A_457 {add = true, strides = array<i32>} : memref<2x512x64xf32, #tpu.memory_space<vmem>>, vector<1x1x16xf32>,
        %add3A_458 = arith.constant 3 : i32
        %add3A_459 = arith.addi %scan3A_201, %add3A_458 : i32
        %get3A_460 = arith.index_cast %add3A_459 : i32 to index
        %get3A_461 = arith.constant 48 : index
        %get3A_462 = tpu.vector_load %arg11[%get3A_460, %get3A_461] {strides = array<i32>} : memref<400x64xf32, #tpu.memory_space<vmem>>, vector<1x16xf32>,
        %get3A_463 = vector.shape_cast %get3A_462 : vector<1x16xf32> to vector<16xf32>
        %mul3A_464 = arith.mulf %broadcast_in_dim3A_412, %get3A_11 : vector<16xf32>
        %add3A_465 = arith.addf %get3A_463, %mul3A_464 : vector<16xf32>
        %swap3A_466 = arith.constant 0 : i32
        %swap3A_467 = arith.index_cast %swap3A_466 : i32 to index
        %swap3A_468 = arith.index_cast %add3A_409 : i32 to index
        %swap3A_469 = arith.constant 48 : index
        %swap3A_470 = tpu.vector_load %arg10[%swap3A_467, %swap3A_468, %swap3A_469] {strides = array<i32>} : memref<2x512x64xf32, #tpu.memory_space<vmem>>, vector<1x1x16xf32>,
        %swap3A_471 = vector.shape_cast %swap3A_470 : vector<1x1x16xf32> to vector<16xf32>
        %swap3A_472 = vector.shape_cast %add3A_465 : vector<16xf32> to vector<1x1x16xf32>
        tpu.vector_store %arg10[%swap3A_467, %swap3A_468, %swap3A_469], %swap3A_472 {add = true, strides = array<i32>} : memref<2x512x64xf32, #tpu.memory_space<vmem>>, vector<1x1x16xf32>,
        %mul3A_473 = arith.constant 16 : i32
        %mul3A_474 = arith.muli %scan3A_200, %mul3A_473 : i32
        %add3A_475 = arith.constant 4 : i32
        %add3A_476 = arith.addi %mul3A_474, %add3A_475 : i32
        %slice3A_477 = vector.extract_strided_slice %get3A_208 {offsets = [4], sizes = [1], strides = [1]} : vector<16xf32> to vector<1xf32>
        %squeeze3A_478 = vector.extract %slice3A_477[0] : f32 from vector<1xf32>
        %broadcast_in_dim3A_479 = vector.broadcast %squeeze3A_478 : f32 to vector<16xf32>
        %add3A_480 = arith.constant 4 : i32
        %add3A_481 = arith.addi %scan3A_201, %add3A_480 : i32
        %get3A_482 = arith.index_cast %add3A_481 : i32 to index
        %get3A_483 = arith.constant 0 : index
        %get3A_484 = tpu.vector_load %arg11[%get3A_482, %get3A_483] {strides = array<i32>} : memref<400x64xf32, #tpu.memory_space<vmem>>, vector<1x16xf32>,
        %get3A_485 = vector.shape_cast %get3A_484 : vector<1x16xf32> to vector<16xf32>
        %mul3A_486 = arith.mulf %broadcast_in_dim3A_479, %get3A_2 : vector<16xf32>
        %add3A_487 = arith.addf %get3A_485, %mul3A_486 : vector<16xf32>
        %swap3A_488 = arith.constant 0 : i32
        %swap3A_489 = arith.index_cast %swap3A_488 : i32 to index
        %swap3A_490 = arith.index_cast %add3A_476 : i32 to index
        %swap3A_491 = arith.constant 0 : index
        %swap3A_492 = tpu.vector_load %arg10[%swap3A_489, %swap3A_490, %swap3A_491] {strides = array<i32>} : memref<2x512x64xf32, #tpu.memory_space<vmem>>, vector<1x1x16xf32>,
        %swap3A_493 = vector.shape_cast %swap3A_492 : vector<1x1x16xf32> to vector<16xf32>
        %swap3A_494 = vector.shape_cast %add3A_487 : vector<16xf32> to vector<1x1x16xf32>
        tpu.vector_store %arg10[%swap3A_489, %swap3A_490, %swap3A_491], %swap3A_494 {add = true, strides = array<i32>} : memref<2x512x64xf32, #tpu.memory_space<vmem>>, vector<1x1x16xf32>,
        %add3A_495 = arith.constant 4 : i32
        %add3A_496 = arith.addi %scan3A_201, %add3A_495 : i32
        %get3A_497 = arith.index_cast %add3A_496 : i32 to index
        %get3A_498 = arith.constant 16 : index
        %get3A_499 = tpu.vector_load %arg11[%get3A_497, %get3A_498] {strides = array<i32>} : memref<400x64xf32, #tpu.memory_space<vmem>>, vector<1x16xf32>,
        %get3A_500 = vector.shape_cast %get3A_499 : vector<1x16xf32> to vector<16xf32>
        %mul3A_501 = arith.mulf %broadcast_in_dim3A_479, %get3A_5 : vector<16xf32>
        %add3A_502 = arith.addf %get3A_500, %mul3A_501 : vector<16xf32>
        %swap3A_503 = arith.constant 0 : i32
        %swap3A_504 = arith.index_cast %swap3A_503 : i32 to index
        %swap3A_505 = arith.index_cast %add3A_476 : i32 to index
        %swap3A_506 = arith.constant 16 : index
        %swap3A_507 = tpu.vector_load %arg10[%swap3A_504, %swap3A_505, %swap3A_506] {strides = array<i32>} : memref<2x512x64xf32, #tpu.memory_space<vmem>>, vector<1x1x16xf32>,
        %swap3A_508 = vector.shape_cast %swap3A_507 : vector<1x1x16xf32> to vector<16xf32>
        %swap3A_509 = vector.shape_cast %add3A_502 : vector<16xf32> to vector<1x1x16xf32>
        tpu.vector_store %arg10[%swap3A_504, %swap3A_505, %swap3A_506], %swap3A_509 {add = true, strides = array<i32>} : memref<2x512x64xf32, #tpu.memory_space<vmem>>, vector<1x1x16xf32>,
        %add3A_510 = arith.constant 4 : i32
        %add3A_511 = arith.addi %scan3A_201, %add3A_510 : i32
        %get3A_512 = arith.index_cast %add3A_511 : i32 to index
        %get3A_513 = arith.constant 32 : index
        %get3A_514 = tpu.vector_load %arg11[%get3A_512, %get3A_513] {strides = array<i32>} : memref<400x64xf32, #tpu.memory_space<vmem>>, vector<1x16xf32>,
        %get3A_515 = vector.shape_cast %get3A_514 : vector<1x16xf32> to vector<16xf32>
        %mul3A_516 = arith.mulf %broadcast_in_dim3A_479, %get3A_8 : vector<16xf32>
        %add3A_517 = arith.addf %get3A_515, %mul3A_516 : vector<16xf32>
        %swap3A_518 = arith.constant 0 : i32
        %swap3A_519 = arith.index_cast %swap3A_518 : i32 to index
        %swap3A_520 = arith.index_cast %add3A_476 : i32 to index
        %swap3A_521 = arith.constant 32 : index
        %swap3A_522 = tpu.vector_load %arg10[%swap3A_519, %swap3A_520, %swap3A_521] {strides = array<i32>} : memref<2x512x64xf32, #tpu.memory_space<vmem>>, vector<1x1x16xf32>,
        %swap3A_523 = vector.shape_cast %swap3A_522 : vector<1x1x16xf32> to vector<16xf32>
        %swap3A_524 = vector.shape_cast %add3A_517 : vector<16xf32> to vector<1x1x16xf32>
        tpu.vector_store %arg10[%swap3A_519, %swap3A_520, %swap3A_521], %swap3A_524 {add = true, strides = array<i32>} : memref<2x512x64xf32, #tpu.memory_space<vmem>>, vector<1x1x16xf32>,
        %add3A_525 = arith.constant 4 : i32
        %add3A_526 = arith.addi %scan3A_201, %add3A_525 : i32
        %get3A_527 = arith.index_cast %add3A_526 : i32 to index
        %get3A_528 = arith.constant 48 : index
        %get3A_529 = tpu.vector_load %arg11[%get3A_527, %get3A_528] {strides = array<i32>} : memref<400x64xf32, #tpu.memory_space<vmem>>, vector<1x16xf32>,
        %get3A_530 = vector.shape_cast %get3A_529 : vector<1x16xf32> to vector<16xf32>
        %mul3A_531 = arith.mulf %broadcast_in_dim3A_479, %get3A_11 : vector<16xf32>
        %add3A_532 = arith.addf %get3A_530, %mul3A_531 : vector<16xf32>
        %swap3A_533 = arith.constant 0 : i32
        %swap3A_534 = arith.index_cast %swap3A_533 : i32 to index
        %swap3A_535 = arith.index_cast %add3A_476 : i32 to index
        %swap3A_536 = arith.constant 48 : index
        %swap3A_537 = tpu.vector_load %arg10[%swap3A_534, %swap3A_535, %swap3A_536] {strides = array<i32>} : memref<2x512x64xf32, #tpu.memory_space<vmem>>, vector<1x1x16xf32>,
        %swap3A_538 = vector.shape_cast %swap3A_537 : vector<1x1x16xf32> to vector<16xf32>
        %swap3A_539 = vector.shape_cast %add3A_532 : vector<16xf32> to vector<1x1x16xf32>
        tpu.vector_store %arg10[%swap3A_534, %swap3A_535, %swap3A_536], %swap3A_539 {add = true, strides = array<i32>} : memref<2x512x64xf32, #tpu.memory_space<vmem>>, vector<1x1x16xf32>,
        %mul3A_540 = arith.constant 16 : i32
        %mul3A_541 = arith.muli %scan3A_200, %mul3A_540 : i32
        %add3A_542 = arith.constant 5 : i32
        %add3A_543 = arith.addi %mul3A_541, %add3A_542 : i32
        %slice3A_544 = vector.extract_strided_slice %get3A_208 {offsets = [5], sizes = [1], strides = [1]} : vector<16xf32> to vector<1xf32>
        %squeeze3A_545 = vector.extract %slice3A_544[0] : f32 from vector<1xf32>
        %broadcast_in_dim3A_546 = vector.broadcast %squeeze3A_545 : f32 to vector<16xf32>
        %add3A_547 = arith.constant 5 : i32
        %add3A_548 = arith.addi %scan3A_201, %add3A_547 : i32
        %get3A_549 = arith.index_cast %add3A_548 : i32 to index
        %get3A_550 = arith.constant 0 : index
        %get3A_551 = tpu.vector_load %arg11[%get3A_549, %get3A_550] {strides = array<i32>} : memref<400x64xf32, #tpu.memory_space<vmem>>, vector<1x16xf32>,
        %get3A_552 = vector.shape_cast %get3A_551 : vector<1x16xf32> to vector<16xf32>
        %mul3A_553 = arith.mulf %broadcast_in_dim3A_546, %get3A_2 : vector<16xf32>
        %add3A_554 = arith.addf %get3A_552, %mul3A_553 : vector<16xf32>
        %swap3A_555 = arith.constant 0 : i32
        %swap3A_556 = arith.index_cast %swap3A_555 : i32 to index
        %swap3A_557 = arith.index_cast %add3A_543 : i32 to index
        %swap3A_558 = arith.constant 0 : index
        %swap3A_559 = tpu.vector_load %arg10[%swap3A_556, %swap3A_557, %swap3A_558] {strides = array<i32>} : memref<2x512x64xf32, #tpu.memory_space<vmem>>, vector<1x1x16xf32>,
        %swap3A_560 = vector.shape_cast %swap3A_559 : vector<1x1x16xf32> to vector<16xf32>
        %swap3A_561 = vector.shape_cast %add3A_554 : vector<16xf32> to vector<1x1x16xf32>
        tpu.vector_store %arg10[%swap3A_556, %swap3A_557, %swap3A_558], %swap3A_561 {add = true, strides = array<i32>} : memref<2x512x64xf32, #tpu.memory_space<vmem>>, vector<1x1x16xf32>,
        %add3A_562 = arith.constant 5 : i32
        %add3A_563 = arith.addi %scan3A_201, %add3A_562 : i32
        %get3A_564 = arith.index_cast %add3A_563 : i32 to index
        %get3A_565 = arith.constant 16 : index
        %get3A_566 = tpu.vector_load %arg11[%get3A_564, %get3A_565] {strides = array<i32>} : memref<400x64xf32, #tpu.memory_space<vmem>>, vector<1x16xf32>,
        %get3A_567 = vector.shape_cast %get3A_566 : vector<1x16xf32> to vector<16xf32>
        %mul3A_568 = arith.mulf %broadcast_in_dim3A_546, %get3A_5 : vector<16xf32>
        %add3A_569 = arith.addf %get3A_567, %mul3A_568 : vector<16xf32>
        %swap3A_570 = arith.constant 0 : i32
        %swap3A_571 = arith.index_cast %swap3A_570 : i32 to index
        %swap3A_572 = arith.index_cast %add3A_543 : i32 to index
        %swap3A_573 = arith.constant 16 : index
        %swap3A_574 = tpu.vector_load %arg10[%swap3A_571, %swap3A_572, %swap3A_573] {strides = array<i32>} : memref<2x512x64xf32, #tpu.memory_space<vmem>>, vector<1x1x16xf32>,
        %swap3A_575 = vector.shape_cast %swap3A_574 : vector<1x1x16xf32> to vector<16xf32>
        %swap3A_576 = vector.shape_cast %add3A_569 : vector<16xf32> to vector<1x1x16xf32>
        tpu.vector_store %arg10[%swap3A_571, %swap3A_572, %swap3A_573], %swap3A_576 {add = true, strides = array<i32>} : memref<2x512x64xf32, #tpu.memory_space<vmem>>, vector<1x1x16xf32>,
        %add3A_577 = arith.constant 5 : i32
        %add3A_578 = arith.addi %scan3A_201, %add3A_577 : i32
        %get3A_579 = arith.index_cast %add3A_578 : i32 to index
        %get3A_580 = arith.constant 32 : index
        %get3A_581 = tpu.vector_load %arg11[%get3A_579, %get3A_580] {strides = array<i32>} : memref<400x64xf32, #tpu.memory_space<vmem>>, vector<1x16xf32>,
        %get3A_582 = vector.shape_cast %get3A_581 : vector<1x16xf32> to vector<16xf32>
        %mul3A_583 = arith.mulf %broadcast_in_dim3A_546, %get3A_8 : vector<16xf32>
        %add3A_584 = arith.addf %get3A_582, %mul3A_583 : vector<16xf32>
        %swap3A_585 = arith.constant 0 : i32
        %swap3A_586 = arith.index_cast %swap3A_585 : i32 to index
        %swap3A_587 = arith.index_cast %add3A_543 : i32 to index
        %swap3A_588 = arith.constant 32 : index
        %swap3A_589 = tpu.vector_load %arg10[%swap3A_586, %swap3A_587, %swap3A_588] {strides = array<i32>} : memref<2x512x64xf32, #tpu.memory_space<vmem>>, vector<1x1x16xf32>,
        %swap3A_590 = vector.shape_cast %swap3A_589 : vector<1x1x16xf32> to vector<16xf32>
        %swap3A_591 = vector.shape_cast %add3A_584 : vector<16xf32> to vector<1x1x16xf32>
        tpu.vector_store %arg10[%swap3A_586, %swap3A_587, %swap3A_588], %swap3A_591 {add = true, strides = array<i32>} : memref<2x512x64xf32, #tpu.memory_space<vmem>>, vector<1x1x16xf32>,
        %add3A_592 = arith.constant 5 : i32
        %add3A_593 = arith.addi %scan3A_201, %add3A_592 : i32
        %get3A_594 = arith.index_cast %add3A_593 : i32 to index
        %get3A_595 = arith.constant 48 : index
        %get3A_596 = tpu.vector_load %arg11[%get3A_594, %get3A_595] {strides = array<i32>} : memref<400x64xf32, #tpu.memory_space<vmem>>, vector<1x16xf32>,
        %get3A_597 = vector.shape_cast %get3A_596 : vector<1x16xf32> to vector<16xf32>
        %mul3A_598 = arith.mulf %broadcast_in_dim3A_546, %get3A_11 : vector<16xf32>
        %add3A_599 = arith.addf %get3A_597, %mul3A_598 : vector<16xf32>
        %swap3A_600 = arith.constant 0 : i32
        %swap3A_601 = arith.index_cast %swap3A_600 : i32 to index
        %swap3A_602 = arith.index_cast %add3A_543 : i32 to index
        %swap3A_603 = arith.constant 48 : index
        %swap3A_604 = tpu.vector_load %arg10[%swap3A_601, %swap3A_602, %swap3A_603] {strides = array<i32>} : memref<2x512x64xf32, #tpu.memory_space<vmem>>, vector<1x1x16xf32>,
        %swap3A_605 = vector.shape_cast %swap3A_604 : vector<1x1x16xf32> to vector<16xf32>
        %swap3A_606 = vector.shape_cast %add3A_599 : vector<16xf32> to vector<1x1x16xf32>
        tpu.vector_store %arg10[%swap3A_601, %swap3A_602, %swap3A_603], %swap3A_606 {add = true, strides = array<i32>} : memref<2x512x64xf32, #tpu.memory_space<vmem>>, vector<1x1x16xf32>,
        %mul3A_607 = arith.constant 16 : i32
        %mul3A_608 = arith.muli %scan3A_200, %mul3A_607 : i32
        %add3A_609 = arith.constant 6 : i32
        %add3A_610 = arith.addi %mul3A_608, %add3A_609 : i32
        %slice3A_611 = vector.extract_strided_slice %get3A_208 {offsets = [6], sizes = [1], strides = [1]} : vector<16xf32> to vector<1xf32>
        %squeeze3A_612 = vector.extract %slice3A_611[0] : f32 from vector<1xf32>
        %broadcast_in_dim3A_613 = vector.broadcast %squeeze3A_612 : f32 to vector<16xf32>
        %add3A_614 = arith.constant 6 : i32
        %add3A_615 = arith.addi %scan3A_201, %add3A_614 : i32
        %get3A_616 = arith.index_cast %add3A_615 : i32 to index
        %get3A_617 = arith.constant 0 : index
        %get3A_618 = tpu.vector_load %arg11[%get3A_616, %get3A_617] {strides = array<i32>} : memref<400x64xf32, #tpu.memory_space<vmem>>, vector<1x16xf32>,
        %get3A_619 = vector.shape_cast %get3A_618 : vector<1x16xf32> to vector<16xf32>
        %mul3A_620 = arith.mulf %broadcast_in_dim3A_613, %get3A_2 : vector<16xf32>
        %add3A_621 = arith.addf %get3A_619, %mul3A_620 : vector<16xf32>
        %swap3A_622 = arith.constant 0 : i32
        %swap3A_623 = arith.index_cast %swap3A_622 : i32 to index
        %swap3A_624 = arith.index_cast %add3A_610 : i32 to index
        %swap3A_625 = arith.constant 0 : index
        %swap3A_626 = tpu.vector_load %arg10[%swap3A_623, %swap3A_624, %swap3A_625] {strides = array<i32>} : memref<2x512x64xf32, #tpu.memory_space<vmem>>, vector<1x1x16xf32>,
        %swap3A_627 = vector.shape_cast %swap3A_626 : vector<1x1x16xf32> to vector<16xf32>
        %swap3A_628 = vector.shape_cast %add3A_621 : vector<16xf32> to vector<1x1x16xf32>
        tpu.vector_store %arg10[%swap3A_623, %swap3A_624, %swap3A_625], %swap3A_628 {add = true, strides = array<i32>} : memref<2x512x64xf32, #tpu.memory_space<vmem>>, vector<1x1x16xf32>,
        %add3A_629 = arith.constant 6 : i32
        %add3A_630 = arith.addi %scan3A_201, %add3A_629 : i32
        %get3A_631 = arith.index_cast %add3A_630 : i32 to index
        %get3A_632 = arith.constant 16 : index
        %get3A_633 = tpu.vector_load %arg11[%get3A_631, %get3A_632] {strides = array<i32>} : memref<400x64xf32, #tpu.memory_space<vmem>>, vector<1x16xf32>,
        %get3A_634 = vector.shape_cast %get3A_633 : vector<1x16xf32> to vector<16xf32>
        %mul3A_635 = arith.mulf %broadcast_in_dim3A_613, %get3A_5 : vector<16xf32>
        %add3A_636 = arith.addf %get3A_634, %mul3A_635 : vector<16xf32>
        %swap3A_637 = arith.constant 0 : i32
        %swap3A_638 = arith.index_cast %swap3A_637 : i32 to index
        %swap3A_639 = arith.index_cast %add3A_610 : i32 to index
        %swap3A_640 = arith.constant 16 : index
        %swap3A_641 = tpu.vector_load %arg10[%swap3A_638, %swap3A_639, %swap3A_640] {strides = array<i32>} : memref<2x512x64xf32, #tpu.memory_space<vmem>>, vector<1x1x16xf32>,
        %swap3A_642 = vector.shape_cast %swap3A_641 : vector<1x1x16xf32> to vector<16xf32>
        %swap3A_643 = vector.shape_cast %add3A_636 : vector<16xf32> to vector<1x1x16xf32>
        tpu.vector_store %arg10[%swap3A_638, %swap3A_639, %swap3A_640], %swap3A_643 {add = true, strides = array<i32>} : memref<2x512x64xf32, #tpu.memory_space<vmem>>, vector<1x1x16xf32>,
        %add3A_644 = arith.constant 6 : i32
        %add3A_645 = arith.addi %scan3A_201, %add3A_644 : i32
        %get3A_646 = arith.index_cast %add3A_645 : i32 to index
        %get3A_647 = arith.constant 32 : index
        %get3A_648 = tpu.vector_load %arg11[%get3A_646, %get3A_647] {strides = array<i32>} : memref<400x64xf32, #tpu.memory_space<vmem>>, vector<1x16xf32>,
        %get3A_649 = vector.shape_cast %get3A_648 : vector<1x16xf32> to vector<16xf32>
        %mul3A_650 = arith.mulf %broadcast_in_dim3A_613, %get3A_8 : vector<16xf32>
        %add3A_651 = arith.addf %get3A_649, %mul3A_650 : vector<16xf32>
        %swap3A_652 = arith.constant 0 : i32
        %swap3A_653 = arith.index_cast %swap3A_652 : i32 to index
        %swap3A_654 = arith.index_cast %add3A_610 : i32 to index
        %swap3A_655 = arith.constant 32 : index
        %swap3A_656 = tpu.vector_load %arg10[%swap3A_653, %swap3A_654, %swap3A_655] {strides = array<i32>} : memref<2x512x64xf32, #tpu.memory_space<vmem>>, vector<1x1x16xf32>,
        %swap3A_657 = vector.shape_cast %swap3A_656 : vector<1x1x16xf32> to vector<16xf32>
        %swap3A_658 = vector.shape_cast %add3A_651 : vector<16xf32> to vector<1x1x16xf32>
        tpu.vector_store %arg10[%swap3A_653, %swap3A_654, %swap3A_655], %swap3A_658 {add = true, strides = array<i32>} : memref<2x512x64xf32, #tpu.memory_space<vmem>>, vector<1x1x16xf32>,
        %add3A_659 = arith.constant 6 : i32
        %add3A_660 = arith.addi %scan3A_201, %add3A_659 : i32
        %get3A_661 = arith.index_cast %add3A_660 : i32 to index
        %get3A_662 = arith.constant 48 : index
        %get3A_663 = tpu.vector_load %arg11[%get3A_661, %get3A_662] {strides = array<i32>} : memref<400x64xf32, #tpu.memory_space<vmem>>, vector<1x16xf32>,
        %get3A_664 = vector.shape_cast %get3A_663 : vector<1x16xf32> to vector<16xf32>
        %mul3A_665 = arith.mulf %broadcast_in_dim3A_613, %get3A_11 : vector<16xf32>
        %add3A_666 = arith.addf %get3A_664, %mul3A_665 : vector<16xf32>
        %swap3A_667 = arith.constant 0 : i32
        %swap3A_668 = arith.index_cast %swap3A_667 : i32 to index
        %swap3A_669 = arith.index_cast %add3A_610 : i32 to index
        %swap3A_670 = arith.constant 48 : index
        %swap3A_671 = tpu.vector_load %arg10[%swap3A_668, %swap3A_669, %swap3A_670] {strides = array<i32>} : memref<2x512x64xf32, #tpu.memory_space<vmem>>, vector<1x1x16xf32>,
        %swap3A_672 = vector.shape_cast %swap3A_671 : vector<1x1x16xf32> to vector<16xf32>
        %swap3A_673 = vector.shape_cast %add3A_666 : vector<16xf32> to vector<1x1x16xf32>
        tpu.vector_store %arg10[%swap3A_668, %swap3A_669, %swap3A_670], %swap3A_673 {add = true, strides = array<i32>} : memref<2x512x64xf32, #tpu.memory_space<vmem>>, vector<1x1x16xf32>,
        %mul3A_674 = arith.constant 16 : i32
        %mul3A_675 = arith.muli %scan3A_200, %mul3A_674 : i32
        %add3A_676 = arith.constant 7 : i32
        %add3A_677 = arith.addi %mul3A_675, %add3A_676 : i32
        %slice3A_678 = vector.extract_strided_slice %get3A_208 {offsets = [7], sizes = [1], strides = [1]} : vector<16xf32> to vector<1xf32>
        %squeeze3A_679 = vector.extract %slice3A_678[0] : f32 from vector<1xf32>
        %broadcast_in_dim3A_680 = vector.broadcast %squeeze3A_679 : f32 to vector<16xf32>
        %add3A_681 = arith.constant 7 : i32
        %add3A_682 = arith.addi %scan3A_201, %add3A_681 : i32
        %get3A_683 = arith.index_cast %add3A_682 : i32 to index
        %get3A_684 = arith.constant 0 : index
        %get3A_685 = tpu.vector_load %arg11[%get3A_683, %get3A_684] {strides = array<i32>} : memref<400x64xf32, #tpu.memory_space<vmem>>, vector<1x16xf32>,
        %get3A_686 = vector.shape_cast %get3A_685 : vector<1x16xf32> to vector<16xf32>
        %mul3A_687 = arith.mulf %broadcast_in_dim3A_680, %get3A_2 : vector<16xf32>
        %add3A_688 = arith.addf %get3A_686, %mul3A_687 : vector<16xf32>
        %swap3A_689 = arith.constant 0 : i32
        %swap3A_690 = arith.index_cast %swap3A_689 : i32 to index
        %swap3A_691 = arith.index_cast %add3A_677 : i32 to index
        %swap3A_692 = arith.constant 0 : index
        %swap3A_693 = tpu.vector_load %arg10[%swap3A_690, %swap3A_691, %swap3A_692] {strides = array<i32>} : memref<2x512x64xf32, #tpu.memory_space<vmem>>, vector<1x1x16xf32>,
        %swap3A_694 = vector.shape_cast %swap3A_693 : vector<1x1x16xf32> to vector<16xf32>
        %swap3A_695 = vector.shape_cast %add3A_688 : vector<16xf32> to vector<1x1x16xf32>
        tpu.vector_store %arg10[%swap3A_690, %swap3A_691, %swap3A_692], %swap3A_695 {add = true, strides = array<i32>} : memref<2x512x64xf32, #tpu.memory_space<vmem>>, vector<1x1x16xf32>,
        %add3A_696 = arith.constant 7 : i32
        %add3A_697 = arith.addi %scan3A_201, %add3A_696 : i32
        %get3A_698 = arith.index_cast %add3A_697 : i32 to index
        %get3A_699 = arith.constant 16 : index
        %get3A_700 = tpu.vector_load %arg11[%get3A_698, %get3A_699] {strides = array<i32>} : memref<400x64xf32, #tpu.memory_space<vmem>>, vector<1x16xf32>,
        %get3A_701 = vector.shape_cast %get3A_700 : vector<1x16xf32> to vector<16xf32>
        %mul3A_702 = arith.mulf %broadcast_in_dim3A_680, %get3A_5 : vector<16xf32>
        %add3A_703 = arith.addf %get3A_701, %mul3A_702 : vector<16xf32>
        %swap3A_704 = arith.constant 0 : i32
        %swap3A_705 = arith.index_cast %swap3A_704 : i32 to index
        %swap3A_706 = arith.index_cast %add3A_677 : i32 to index
        %swap3A_707 = arith.constant 16 : index
        %swap3A_708 = tpu.vector_load %arg10[%swap3A_705, %swap3A_706, %swap3A_707] {strides = array<i32>} : memref<2x512x64xf32, #tpu.memory_space<vmem>>, vector<1x1x16xf32>,
        %swap3A_709 = vector.shape_cast %swap3A_708 : vector<1x1x16xf32> to vector<16xf32>
        %swap3A_710 = vector.shape_cast %add3A_703 : vector<16xf32> to vector<1x1x16xf32>
        tpu.vector_store %arg10[%swap3A_705, %swap3A_706, %swap3A_707], %swap3A_710 {add = true, strides = array<i32>} : memref<2x512x64xf32, #tpu.memory_space<vmem>>, vector<1x1x16xf32>,
        %add3A_711 = arith.constant 7 : i32
        %add3A_712 = arith.addi %scan3A_201, %add3A_711 : i32
        %get3A_713 = arith.index_cast %add3A_712 : i32 to index
        %get3A_714 = arith.constant 32 : index
        %get3A_715 = tpu.vector_load %arg11[%get3A_713, %get3A_714] {strides = array<i32>} : memref<400x64xf32, #tpu.memory_space<vmem>>, vector<1x16xf32>,
        %get3A_716 = vector.shape_cast %get3A_715 : vector<1x16xf32> to vector<16xf32>
        %mul3A_717 = arith.mulf %broadcast_in_dim3A_680, %get3A_8 : vector<16xf32>
        %add3A_718 = arith.addf %get3A_716, %mul3A_717 : vector<16xf32>
        %swap3A_719 = arith.constant 0 : i32
        %swap3A_720 = arith.index_cast %swap3A_719 : i32 to index
        %swap3A_721 = arith.index_cast %add3A_677 : i32 to index
        %swap3A_722 = arith.constant 32 : index
        %swap3A_723 = tpu.vector_load %arg10[%swap3A_720, %swap3A_721, %swap3A_722] {strides = array<i32>} : memref<2x512x64xf32, #tpu.memory_space<vmem>>, vector<1x1x16xf32>,
        %swap3A_724 = vector.shape_cast %swap3A_723 : vector<1x1x16xf32> to vector<16xf32>
        %swap3A_725 = vector.shape_cast %add3A_718 : vector<16xf32> to vector<1x1x16xf32>
        tpu.vector_store %arg10[%swap3A_720, %swap3A_721, %swap3A_722], %swap3A_725 {add = true, strides = array<i32>} : memref<2x512x64xf32, #tpu.memory_space<vmem>>, vector<1x1x16xf32>,
        %add3A_726 = arith.constant 7 : i32
        %add3A_727 = arith.addi %scan3A_201, %add3A_726 : i32
        %get3A_728 = arith.index_cast %add3A_727 : i32 to index
        %get3A_729 = arith.constant 48 : index
        %get3A_730 = tpu.vector_load %arg11[%get3A_728, %get3A_729] {strides = array<i32>} : memref<400x64xf32, #tpu.memory_space<vmem>>, vector<1x16xf32>,
        %get3A_731 = vector.shape_cast %get3A_730 : vector<1x16xf32> to vector<16xf32>
        %mul3A_732 = arith.mulf %broadcast_in_dim3A_680, %get3A_11 : vector<16xf32>
        %add3A_733 = arith.addf %get3A_731, %mul3A_732 : vector<16xf32>
        %swap3A_734 = arith.constant 0 : i32
        %swap3A_735 = arith.index_cast %swap3A_734 : i32 to index
        %swap3A_736 = arith.index_cast %add3A_677 : i32 to index
        %swap3A_737 = arith.constant 48 : index
        %swap3A_738 = tpu.vector_load %arg10[%swap3A_735, %swap3A_736, %swap3A_737] {strides = array<i32>} : memref<2x512x64xf32, #tpu.memory_space<vmem>>, vector<1x1x16xf32>,
        %swap3A_739 = vector.shape_cast %swap3A_738 : vector<1x1x16xf32> to vector<16xf32>
        %swap3A_740 = vector.shape_cast %add3A_733 : vector<16xf32> to vector<1x1x16xf32>
        tpu.vector_store %arg10[%swap3A_735, %swap3A_736, %swap3A_737], %swap3A_740 {add = true, strides = array<i32>} : memref<2x512x64xf32, #tpu.memory_space<vmem>>, vector<1x1x16xf32>,
        %mul3A_741 = arith.constant 16 : i32
        %mul3A_742 = arith.muli %scan3A_200, %mul3A_741 : i32
        %add3A_743 = arith.constant 8 : i32
        %add3A_744 = arith.addi %mul3A_742, %add3A_743 : i32
        %slice3A_745 = vector.extract_strided_slice %get3A_208 {offsets = [8], sizes = [1], strides = [1]} : vector<16xf32> to vector<1xf32>
        %squeeze3A_746 = vector.extract %slice3A_745[0] : f32 from vector<1xf32>
        %broadcast_in_dim3A_747 = vector.broadcast %squeeze3A_746 : f32 to vector<16xf32>
        %add3A_748 = arith.constant 8 : i32
        %add3A_749 = arith.addi %scan3A_201, %add3A_748 : i32
        %get3A_750 = arith.index_cast %add3A_749 : i32 to index
        %get3A_751 = arith.constant 0 : index
        %get3A_752 = tpu.vector_load %arg11[%get3A_750, %get3A_751] {strides = array<i32>} : memref<400x64xf32, #tpu.memory_space<vmem>>, vector<1x16xf32>,
        %get3A_753 = vector.shape_cast %get3A_752 : vector<1x16xf32> to vector<16xf32>
        %mul3A_754 = arith.mulf %broadcast_in_dim3A_747, %get3A_2 : vector<16xf32>
        %add3A_755 = arith.addf %get3A_753, %mul3A_754 : vector<16xf32>
        %swap3A_756 = arith.constant 0 : i32
        %swap3A_757 = arith.index_cast %swap3A_756 : i32 to index
        %swap3A_758 = arith.index_cast %add3A_744 : i32 to index
        %swap3A_759 = arith.constant 0 : index
        %swap3A_760 = tpu.vector_load %arg10[%swap3A_757, %swap3A_758, %swap3A_759] {strides = array<i32>} : memref<2x512x64xf32, #tpu.memory_space<vmem>>, vector<1x1x16xf32>,
        %swap3A_761 = vector.shape_cast %swap3A_760 : vector<1x1x16xf32> to vector<16xf32>
        %swap3A_762 = vector.shape_cast %add3A_755 : vector<16xf32> to vector<1x1x16xf32>
        tpu.vector_store %arg10[%swap3A_757, %swap3A_758, %swap3A_759], %swap3A_762 {add = true, strides = array<i32>} : memref<2x512x64xf32, #tpu.memory_space<vmem>>, vector<1x1x16xf32>,
        %add3A_763 = arith.constant 8 : i32
        %add3A_764 = arith.addi %scan3A_201, %add3A_763 : i32
        %get3A_765 = arith.index_cast %add3A_764 : i32 to index
        %get3A_766 = arith.constant 16 : index
        %get3A_767 = tpu.vector_load %arg11[%get3A_765, %get3A_766] {strides = array<i32>} : memref<400x64xf32, #tpu.memory_space<vmem>>, vector<1x16xf32>,
        %get3A_768 = vector.shape_cast %get3A_767 : vector<1x16xf32> to vector<16xf32>
        %mul3A_769 = arith.mulf %broadcast_in_dim3A_747, %get3A_5 : vector<16xf32>
        %add3A_770 = arith.addf %get3A_768, %mul3A_769 : vector<16xf32>
        %swap3A_771 = arith.constant 0 : i32
        %swap3A_772 = arith.index_cast %swap3A_771 : i32 to index
        %swap3A_773 = arith.index_cast %add3A_744 : i32 to index
        %swap3A_774 = arith.constant 16 : index
        %swap3A_775 = tpu.vector_load %arg10[%swap3A_772, %swap3A_773, %swap3A_774] {strides = array<i32>} : memref<2x512x64xf32, #tpu.memory_space<vmem>>, vector<1x1x16xf32>,
        %swap3A_776 = vector.shape_cast %swap3A_775 : vector<1x1x16xf32> to vector<16xf32>
        %swap3A_777 = vector.shape_cast %add3A_770 : vector<16xf32> to vector<1x1x16xf32>
        tpu.vector_store %arg10[%swap3A_772, %swap3A_773, %swap3A_774], %swap3A_777 {add = true, strides = array<i32>} : memref<2x512x64xf32, #tpu.memory_space<vmem>>, vector<1x1x16xf32>,
        %add3A_778 = arith.constant 8 : i32
        %add3A_779 = arith.addi %scan3A_201, %add3A_778 : i32
        %get3A_780 = arith.index_cast %add3A_779 : i32 to index
        %get3A_781 = arith.constant 32 : index
        %get3A_782 = tpu.vector_load %arg11[%get3A_780, %get3A_781] {strides = array<i32>} : memref<400x64xf32, #tpu.memory_space<vmem>>, vector<1x16xf32>,
        %get3A_783 = vector.shape_cast %get3A_782 : vector<1x16xf32> to vector<16xf32>
        %mul3A_784 = arith.mulf %broadcast_in_dim3A_747, %get3A_8 : vector<16xf32>
        %add3A_785 = arith.addf %get3A_783, %mul3A_784 : vector<16xf32>
        %swap3A_786 = arith.constant 0 : i32
        %swap3A_787 = arith.index_cast %swap3A_786 : i32 to index
        %swap3A_788 = arith.index_cast %add3A_744 : i32 to index
        %swap3A_789 = arith.constant 32 : index
        %swap3A_790 = tpu.vector_load %arg10[%swap3A_787, %swap3A_788, %swap3A_789] {strides = array<i32>} : memref<2x512x64xf32, #tpu.memory_space<vmem>>, vector<1x1x16xf32>,
        %swap3A_791 = vector.shape_cast %swap3A_790 : vector<1x1x16xf32> to vector<16xf32>
        %swap3A_792 = vector.shape_cast %add3A_785 : vector<16xf32> to vector<1x1x16xf32>
        tpu.vector_store %arg10[%swap3A_787, %swap3A_788, %swap3A_789], %swap3A_792 {add = true, strides = array<i32>} : memref<2x512x64xf32, #tpu.memory_space<vmem>>, vector<1x1x16xf32>,
        %add3A_793 = arith.constant 8 : i32
        %add3A_794 = arith.addi %scan3A_201, %add3A_793 : i32
        %get3A_795 = arith.index_cast %add3A_794 : i32 to index
        %get3A_796 = arith.constant 48 : index
        %get3A_797 = tpu.vector_load %arg11[%get3A_795, %get3A_796] {strides = array<i32>} : memref<400x64xf32, #tpu.memory_space<vmem>>, vector<1x16xf32>,
        %get3A_798 = vector.shape_cast %get3A_797 : vector<1x16xf32> to vector<16xf32>
        %mul3A_799 = arith.mulf %broadcast_in_dim3A_747, %get3A_11 : vector<16xf32>
        %add3A_800 = arith.addf %get3A_798, %mul3A_799 : vector<16xf32>
        %swap3A_801 = arith.constant 0 : i32
        %swap3A_802 = arith.index_cast %swap3A_801 : i32 to index
        %swap3A_803 = arith.index_cast %add3A_744 : i32 to index
        %swap3A_804 = arith.constant 48 : index
        %swap3A_805 = tpu.vector_load %arg10[%swap3A_802, %swap3A_803, %swap3A_804] {strides = array<i32>} : memref<2x512x64xf32, #tpu.memory_space<vmem>>, vector<1x1x16xf32>,
        %swap3A_806 = vector.shape_cast %swap3A_805 : vector<1x1x16xf32> to vector<16xf32>
        %swap3A_807 = vector.shape_cast %add3A_800 : vector<16xf32> to vector<1x1x16xf32>
        tpu.vector_store %arg10[%swap3A_802, %swap3A_803, %swap3A_804], %swap3A_807 {add = true, strides = array<i32>} : memref<2x512x64xf32, #tpu.memory_space<vmem>>, vector<1x1x16xf32>,
        %mul3A_808 = arith.constant 16 : i32
        %mul3A_809 = arith.muli %scan3A_200, %mul3A_808 : i32
        %add3A_810 = arith.constant 9 : i32
        %add3A_811 = arith.addi %mul3A_809, %add3A_810 : i32
        %slice3A_812 = vector.extract_strided_slice %get3A_208 {offsets = [9], sizes = [1], strides = [1]} : vector<16xf32> to vector<1xf32>
        %squeeze3A_813 = vector.extract %slice3A_812[0] : f32 from vector<1xf32>
        %broadcast_in_dim3A_814 = vector.broadcast %squeeze3A_813 : f32 to vector<16xf32>
        %add3A_815 = arith.constant 9 : i32
        %add3A_816 = arith.addi %scan3A_201, %add3A_815 : i32
        %get3A_817 = arith.index_cast %add3A_816 : i32 to index
        %get3A_818 = arith.constant 0 : index
        %get3A_819 = tpu.vector_load %arg11[%get3A_817, %get3A_818] {strides = array<i32>} : memref<400x64xf32, #tpu.memory_space<vmem>>, vector<1x16xf32>,
        %get3A_820 = vector.shape_cast %get3A_819 : vector<1x16xf32> to vector<16xf32>
        %mul3A_821 = arith.mulf %broadcast_in_dim3A_814, %get3A_2 : vector<16xf32>
        %add3A_822 = arith.addf %get3A_820, %mul3A_821 : vector<16xf32>
        %swap3A_823 = arith.constant 0 : i32
        %swap3A_824 = arith.index_cast %swap3A_823 : i32 to index
        %swap3A_825 = arith.index_cast %add3A_811 : i32 to index
        %swap3A_826 = arith.constant 0 : index
        %swap3A_827 = tpu.vector_load %arg10[%swap3A_824, %swap3A_825, %swap3A_826] {strides = array<i32>} : memref<2x512x64xf32, #tpu.memory_space<vmem>>, vector<1x1x16xf32>,
        %swap3A_828 = vector.shape_cast %swap3A_827 : vector<1x1x16xf32> to vector<16xf32>
        %swap3A_829 = vector.shape_cast %add3A_822 : vector<16xf32> to vector<1x1x16xf32>
        tpu.vector_store %arg10[%swap3A_824, %swap3A_825, %swap3A_826], %swap3A_829 {add = true, strides = array<i32>} : memref<2x512x64xf32, #tpu.memory_space<vmem>>, vector<1x1x16xf32>,
        %add3A_830 = arith.constant 9 : i32
        %add3A_831 = arith.addi %scan3A_201, %add3A_830 : i32
        %get3A_832 = arith.index_cast %add3A_831 : i32 to index
        %get3A_833 = arith.constant 16 : index
        %get3A_834 = tpu.vector_load %arg11[%get3A_832, %get3A_833] {strides = array<i32>} : memref<400x64xf32, #tpu.memory_space<vmem>>, vector<1x16xf32>,
        %get3A_835 = vector.shape_cast %get3A_834 : vector<1x16xf32> to vector<16xf32>
        %mul3A_836 = arith.mulf %broadcast_in_dim3A_814, %get3A_5 : vector<16xf32>
        %add3A_837 = arith.addf %get3A_835, %mul3A_836 : vector<16xf32>
        %swap3A_838 = arith.constant 0 : i32
        %swap3A_839 = arith.index_cast %swap3A_838 : i32 to index
        %swap3A_840 = arith.index_cast %add3A_811 : i32 to index
        %swap3A_841 = arith.constant 16 : index
        %swap3A_842 = tpu.vector_load %arg10[%swap3A_839, %swap3A_840, %swap3A_841] {strides = array<i32>} : memref<2x512x64xf32, #tpu.memory_space<vmem>>, vector<1x1x16xf32>,
        %swap3A_843 = vector.shape_cast %swap3A_842 : vector<1x1x16xf32> to vector<16xf32>
        %swap3A_844 = vector.shape_cast %add3A_837 : vector<16xf32> to vector<1x1x16xf32>
        tpu.vector_store %arg10[%swap3A_839, %swap3A_840, %swap3A_841], %swap3A_844 {add = true, strides = array<i32>} : memref<2x512x64xf32, #tpu.memory_space<vmem>>, vector<1x1x16xf32>,
        %add3A_845 = arith.constant 9 : i32
        %add3A_846 = arith.addi %scan3A_201, %add3A_845 : i32
        %get3A_847 = arith.index_cast %add3A_846 : i32 to index
        %get3A_848 = arith.constant 32 : index
        %get3A_849 = tpu.vector_load %arg11[%get3A_847, %get3A_848] {strides = array<i32>} : memref<400x64xf32, #tpu.memory_space<vmem>>, vector<1x16xf32>,
        %get3A_850 = vector.shape_cast %get3A_849 : vector<1x16xf32> to vector<16xf32>
        %mul3A_851 = arith.mulf %broadcast_in_dim3A_814, %get3A_8 : vector<16xf32>
        %add3A_852 = arith.addf %get3A_850, %mul3A_851 : vector<16xf32>
        %swap3A_853 = arith.constant 0 : i32
        %swap3A_854 = arith.index_cast %swap3A_853 : i32 to index
        %swap3A_855 = arith.index_cast %add3A_811 : i32 to index
        %swap3A_856 = arith.constant 32 : index
        %swap3A_857 = tpu.vector_load %arg10[%swap3A_854, %swap3A_855, %swap3A_856] {strides = array<i32>} : memref<2x512x64xf32, #tpu.memory_space<vmem>>, vector<1x1x16xf32>,
        %swap3A_858 = vector.shape_cast %swap3A_857 : vector<1x1x16xf32> to vector<16xf32>
        %swap3A_859 = vector.shape_cast %add3A_852 : vector<16xf32> to vector<1x1x16xf32>
        tpu.vector_store %arg10[%swap3A_854, %swap3A_855, %swap3A_856], %swap3A_859 {add = true, strides = array<i32>} : memref<2x512x64xf32, #tpu.memory_space<vmem>>, vector<1x1x16xf32>,
        %add3A_860 = arith.constant 9 : i32
        %add3A_861 = arith.addi %scan3A_201, %add3A_860 : i32
        %get3A_862 = arith.index_cast %add3A_861 : i32 to index
        %get3A_863 = arith.constant 48 : index
        %get3A_864 = tpu.vector_load %arg11[%get3A_862, %get3A_863] {strides = array<i32>} : memref<400x64xf32, #tpu.memory_space<vmem>>, vector<1x16xf32>,
        %get3A_865 = vector.shape_cast %get3A_864 : vector<1x16xf32> to vector<16xf32>
        %mul3A_866 = arith.mulf %broadcast_in_dim3A_814, %get3A_11 : vector<16xf32>
        %add3A_867 = arith.addf %get3A_865, %mul3A_866 : vector<16xf32>
        %swap3A_868 = arith.constant 0 : i32
        %swap3A_869 = arith.index_cast %swap3A_868 : i32 to index
        %swap3A_870 = arith.index_cast %add3A_811 : i32 to index
        %swap3A_871 = arith.constant 48 : index
        %swap3A_872 = tpu.vector_load %arg10[%swap3A_869, %swap3A_870, %swap3A_871] {strides = array<i32>} : memref<2x512x64xf32, #tpu.memory_space<vmem>>, vector<1x1x16xf32>,
        %swap3A_873 = vector.shape_cast %swap3A_872 : vector<1x1x16xf32> to vector<16xf32>
        %swap3A_874 = vector.shape_cast %add3A_867 : vector<16xf32> to vector<1x1x16xf32>
        tpu.vector_store %arg10[%swap3A_869, %swap3A_870, %swap3A_871], %swap3A_874 {add = true, strides = array<i32>} : memref<2x512x64xf32, #tpu.memory_space<vmem>>, vector<1x1x16xf32>,
        %mul3A_875 = arith.constant 16 : i32
        %mul3A_876 = arith.muli %scan3A_200, %mul3A_875 : i32
        %add3A_877 = arith.constant 10 : i32
        %add3A_878 = arith.addi %mul3A_876, %add3A_877 : i32
        %slice3A_879 = vector.extract_strided_slice %get3A_208 {offsets = [10], sizes = [1], strides = [1]} : vector<16xf32> to vector<1xf32>
        %squeeze3A_880 = vector.extract %slice3A_879[0] : f32 from vector<1xf32>
        %broadcast_in_dim3A_881 = vector.broadcast %squeeze3A_880 : f32 to vector<16xf32>
        %add3A_882 = arith.constant 10 : i32
        %add3A_883 = arith.addi %scan3A_201, %add3A_882 : i32
        %get3A_884 = arith.index_cast %add3A_883 : i32 to index
        %get3A_885 = arith.constant 0 : index
        %get3A_886 = tpu.vector_load %arg11[%get3A_884, %get3A_885] {strides = array<i32>} : memref<400x64xf32, #tpu.memory_space<vmem>>, vector<1x16xf32>,
        %get3A_887 = vector.shape_cast %get3A_886 : vector<1x16xf32> to vector<16xf32>
        %mul3A_888 = arith.mulf %broadcast_in_dim3A_881, %get3A_2 : vector<16xf32>
        %add3A_889 = arith.addf %get3A_887, %mul3A_888 : vector<16xf32>
        %swap3A_890 = arith.constant 0 : i32
        %swap3A_891 = arith.index_cast %swap3A_890 : i32 to index
        %swap3A_892 = arith.index_cast %add3A_878 : i32 to index
        %swap3A_893 = arith.constant 0 : index
        %swap3A_894 = tpu.vector_load %arg10[%swap3A_891, %swap3A_892, %swap3A_893] {strides = array<i32>} : memref<2x512x64xf32, #tpu.memory_space<vmem>>, vector<1x1x16xf32>,
        %swap3A_895 = vector.shape_cast %swap3A_894 : vector<1x1x16xf32> to vector<16xf32>
        %swap3A_896 = vector.shape_cast %add3A_889 : vector<16xf32> to vector<1x1x16xf32>
        tpu.vector_store %arg10[%swap3A_891, %swap3A_892, %swap3A_893], %swap3A_896 {add = true, strides = array<i32>} : memref<2x512x64xf32, #tpu.memory_space<vmem>>, vector<1x1x16xf32>,
        %add3A_897 = arith.constant 10 : i32
        %add3A_898 = arith.addi %scan3A_201, %add3A_897 : i32
        %get3A_899 = arith.index_cast %add3A_898 : i32 to index
        %get3A_900 = arith.constant 16 : index
        %get3A_901 = tpu.vector_load %arg11[%get3A_899, %get3A_900] {strides = array<i32>} : memref<400x64xf32, #tpu.memory_space<vmem>>, vector<1x16xf32>,
        %get3A_902 = vector.shape_cast %get3A_901 : vector<1x16xf32> to vector<16xf32>
        %mul3A_903 = arith.mulf %broadcast_in_dim3A_881, %get3A_5 : vector<16xf32>
        %add3A_904 = arith.addf %get3A_902, %mul3A_903 : vector<16xf32>
        %swap3A_905 = arith.constant 0 : i32
        %swap3A_906 = arith.index_cast %swap3A_905 : i32 to index
        %swap3A_907 = arith.index_cast %add3A_878 : i32 to index
        %swap3A_908 = arith.constant 16 : index
        %swap3A_909 = tpu.vector_load %arg10[%swap3A_906, %swap3A_907, %swap3A_908] {strides = array<i32>} : memref<2x512x64xf32, #tpu.memory_space<vmem>>, vector<1x1x16xf32>,
        %swap3A_910 = vector.shape_cast %swap3A_909 : vector<1x1x16xf32> to vector<16xf32>
        %swap3A_911 = vector.shape_cast %add3A_904 : vector<16xf32> to vector<1x1x16xf32>
        tpu.vector_store %arg10[%swap3A_906, %swap3A_907, %swap3A_908], %swap3A_911 {add = true, strides = array<i32>} : memref<2x512x64xf32, #tpu.memory_space<vmem>>, vector<1x1x16xf32>,
        %add3A_912 = arith.constant 10 : i32
        %add3A_913 = arith.addi %scan3A_201, %add3A_912 : i32
        %get3A_914 = arith.index_cast %add3A_913 : i32 to index
        %get3A_915 = arith.constant 32 : index
        %get3A_916 = tpu.vector_load %arg11[%get3A_914, %get3A_915] {strides = array<i32>} : memref<400x64xf32, #tpu.memory_space<vmem>>, vector<1x16xf32>,
        %get3A_917 = vector.shape_cast %get3A_916 : vector<1x16xf32> to vector<16xf32>
        %mul3A_918 = arith.mulf %broadcast_in_dim3A_881, %get3A_8 : vector<16xf32>
        %add3A_919 = arith.addf %get3A_917, %mul3A_918 : vector<16xf32>
        %swap3A_920 = arith.constant 0 : i32
        %swap3A_921 = arith.index_cast %swap3A_920 : i32 to index
        %swap3A_922 = arith.index_cast %add3A_878 : i32 to index
        %swap3A_923 = arith.constant 32 : index
        %swap3A_924 = tpu.vector_load %arg10[%swap3A_921, %swap3A_922, %swap3A_923] {strides = array<i32>} : memref<2x512x64xf32, #tpu.memory_space<vmem>>, vector<1x1x16xf32>,
        %swap3A_925 = vector.shape_cast %swap3A_924 : vector<1x1x16xf32> to vector<16xf32>
        %swap3A_926 = vector.shape_cast %add3A_919 : vector<16xf32> to vector<1x1x16xf32>
        tpu.vector_store %arg10[%swap3A_921, %swap3A_922, %swap3A_923], %swap3A_926 {add = true, strides = array<i32>} : memref<2x512x64xf32, #tpu.memory_space<vmem>>, vector<1x1x16xf32>,
        %add3A_927 = arith.constant 10 : i32
        %add3A_928 = arith.addi %scan3A_201, %add3A_927 : i32
        %get3A_929 = arith.index_cast %add3A_928 : i32 to index
        %get3A_930 = arith.constant 48 : index
        %get3A_931 = tpu.vector_load %arg11[%get3A_929, %get3A_930] {strides = array<i32>} : memref<400x64xf32, #tpu.memory_space<vmem>>, vector<1x16xf32>,
        %get3A_932 = vector.shape_cast %get3A_931 : vector<1x16xf32> to vector<16xf32>
        %mul3A_933 = arith.mulf %broadcast_in_dim3A_881, %get3A_11 : vector<16xf32>
        %add3A_934 = arith.addf %get3A_932, %mul3A_933 : vector<16xf32>
        %swap3A_935 = arith.constant 0 : i32
        %swap3A_936 = arith.index_cast %swap3A_935 : i32 to index
        %swap3A_937 = arith.index_cast %add3A_878 : i32 to index
        %swap3A_938 = arith.constant 48 : index
        %swap3A_939 = tpu.vector_load %arg10[%swap3A_936, %swap3A_937, %swap3A_938] {strides = array<i32>} : memref<2x512x64xf32, #tpu.memory_space<vmem>>, vector<1x1x16xf32>,
        %swap3A_940 = vector.shape_cast %swap3A_939 : vector<1x1x16xf32> to vector<16xf32>
        %swap3A_941 = vector.shape_cast %add3A_934 : vector<16xf32> to vector<1x1x16xf32>
        tpu.vector_store %arg10[%swap3A_936, %swap3A_937, %swap3A_938], %swap3A_941 {add = true, strides = array<i32>} : memref<2x512x64xf32, #tpu.memory_space<vmem>>, vector<1x1x16xf32>,
        %mul3A_942 = arith.constant 16 : i32
        %mul3A_943 = arith.muli %scan3A_200, %mul3A_942 : i32
        %add3A_944 = arith.constant 11 : i32
        %add3A_945 = arith.addi %mul3A_943, %add3A_944 : i32
        %slice3A_946 = vector.extract_strided_slice %get3A_208 {offsets = [11], sizes = [1], strides = [1]} : vector<16xf32> to vector<1xf32>
        %squeeze3A_947 = vector.extract %slice3A_946[0] : f32 from vector<1xf32>
        %broadcast_in_dim3A_948 = vector.broadcast %squeeze3A_947 : f32 to vector<16xf32>
        %add3A_949 = arith.constant 11 : i32
        %add3A_950 = arith.addi %scan3A_201, %add3A_949 : i32
        %get3A_951 = arith.index_cast %add3A_950 : i32 to index
        %get3A_952 = arith.constant 0 : index
        %get3A_953 = tpu.vector_load %arg11[%get3A_951, %get3A_952] {strides = array<i32>} : memref<400x64xf32, #tpu.memory_space<vmem>>, vector<1x16xf32>,
        %get3A_954 = vector.shape_cast %get3A_953 : vector<1x16xf32> to vector<16xf32>
        %mul3A_955 = arith.mulf %broadcast_in_dim3A_948, %get3A_2 : vector<16xf32>
        %add3A_956 = arith.addf %get3A_954, %mul3A_955 : vector<16xf32>
        %swap3A_957 = arith.constant 0 : i32
        %swap3A_958 = arith.index_cast %swap3A_957 : i32 to index
        %swap3A_959 = arith.index_cast %add3A_945 : i32 to index
        %swap3A_960 = arith.constant 0 : index
        %swap3A_961 = tpu.vector_load %arg10[%swap3A_958, %swap3A_959, %swap3A_960] {strides = array<i32>} : memref<2x512x64xf32, #tpu.memory_space<vmem>>, vector<1x1x16xf32>,
        %swap3A_962 = vector.shape_cast %swap3A_961 : vector<1x1x16xf32> to vector<16xf32>
        %swap3A_963 = vector.shape_cast %add3A_956 : vector<16xf32> to vector<1x1x16xf32>
        tpu.vector_store %arg10[%swap3A_958, %swap3A_959, %swap3A_960], %swap3A_963 {add = true, strides = array<i32>} : memref<2x512x64xf32, #tpu.memory_space<vmem>>, vector<1x1x16xf32>,
        %add3A_964 = arith.constant 11 : i32
        %add3A_965 = arith.addi %scan3A_201, %add3A_964 : i32
        %get3A_966 = arith.index_cast %add3A_965 : i32 to index
        %get3A_967 = arith.constant 16 : index
        %get3A_968 = tpu.vector_load %arg11[%get3A_966, %get3A_967] {strides = array<i32>} : memref<400x64xf32, #tpu.memory_space<vmem>>, vector<1x16xf32>,
        %get3A_969 = vector.shape_cast %get3A_968 : vector<1x16xf32> to vector<16xf32>
        %mul3A_970 = arith.mulf %broadcast_in_dim3A_948, %get3A_5 : vector<16xf32>
        %add3A_971 = arith.addf %get3A_969, %mul3A_970 : vector<16xf32>
        %swap3A_972 = arith.constant 0 : i32
        %swap3A_973 = arith.index_cast %swap3A_972 : i32 to index
        %swap3A_974 = arith.index_cast %add3A_945 : i32 to index
        %swap3A_975 = arith.constant 16 : index
        %swap3A_976 = tpu.vector_load %arg10[%swap3A_973, %swap3A_974, %swap3A_975] {strides = array<i32>} : memref<2x512x64xf32, #tpu.memory_space<vmem>>, vector<1x1x16xf32>,
        %swap3A_977 = vector.shape_cast %swap3A_976 : vector<1x1x16xf32> to vector<16xf32>
        %swap3A_978 = vector.shape_cast %add3A_971 : vector<16xf32> to vector<1x1x16xf32>
        tpu.vector_store %arg10[%swap3A_973, %swap3A_974, %swap3A_975], %swap3A_978 {add = true, strides = array<i32>} : memref<2x512x64xf32, #tpu.memory_space<vmem>>, vector<1x1x16xf32>,
        %add3A_979 = arith.constant 11 : i32
        %add3A_980 = arith.addi %scan3A_201, %add3A_979 : i32
        %get3A_981 = arith.index_cast %add3A_980 : i32 to index
        %get3A_982 = arith.constant 32 : index
        %get3A_983 = tpu.vector_load %arg11[%get3A_981, %get3A_982] {strides = array<i32>} : memref<400x64xf32, #tpu.memory_space<vmem>>, vector<1x16xf32>,
        %get3A_984 = vector.shape_cast %get3A_983 : vector<1x16xf32> to vector<16xf32>
        %mul3A_985 = arith.mulf %broadcast_in_dim3A_948, %get3A_8 : vector<16xf32>
        %add3A_986 = arith.addf %get3A_984, %mul3A_985 : vector<16xf32>
        %swap3A_987 = arith.constant 0 : i32
        %swap3A_988 = arith.index_cast %swap3A_987 : i32 to index
        %swap3A_989 = arith.index_cast %add3A_945 : i32 to index
        %swap3A_990 = arith.constant 32 : index
        %swap3A_991 = tpu.vector_load %arg10[%swap3A_988, %swap3A_989, %swap3A_990] {strides = array<i32>} : memref<2x512x64xf32, #tpu.memory_space<vmem>>, vector<1x1x16xf32>,
        %swap3A_992 = vector.shape_cast %swap3A_991 : vector<1x1x16xf32> to vector<16xf32>
        %swap3A_993 = vector.shape_cast %add3A_986 : vector<16xf32> to vector<1x1x16xf32>
        tpu.vector_store %arg10[%swap3A_988, %swap3A_989, %swap3A_990], %swap3A_993 {add = true, strides = array<i32>} : memref<2x512x64xf32, #tpu.memory_space<vmem>>, vector<1x1x16xf32>,
        %add3A_994 = arith.constant 11 : i32
        %add3A_995 = arith.addi %scan3A_201, %add3A_994 : i32
        %get3A_996 = arith.index_cast %add3A_995 : i32 to index
        %get3A_997 = arith.constant 48 : index
        %get3A_998 = tpu.vector_load %arg11[%get3A_996, %get3A_997] {strides = array<i32>} : memref<400x64xf32, #tpu.memory_space<vmem>>, vector<1x16xf32>,
        %get3A_999 = vector.shape_cast %get3A_998 : vector<1x16xf32> to vector<16xf32>
        %mul3A_1000 = arith.mulf %broadcast_in_dim3A_948, %get3A_11 : vector<16xf32>
        %add3A_1001 = arith.addf %get3A_999, %mul3A_1000 : vector<16xf32>
        %swap3A_1002 = arith.constant 0 : i32
        %swap3A_1003 = arith.index_cast %swap3A_1002 : i32 to index
        %swap3A_1004 = arith.index_cast %add3A_945 : i32 to index
        %swap3A_1005 = arith.constant 48 : index
        %swap3A_1006 = tpu.vector_load %arg10[%swap3A_1003, %swap3A_1004, %swap3A_1005] {strides = array<i32>} : memref<2x512x64xf32, #tpu.memory_space<vmem>>, vector<1x1x16xf32>,
        %swap3A_1007 = vector.shape_cast %swap3A_1006 : vector<1x1x16xf32> to vector<16xf32>
        %swap3A_1008 = vector.shape_cast %add3A_1001 : vector<16xf32> to vector<1x1x16xf32>
        tpu.vector_store %arg10[%swap3A_1003, %swap3A_1004, %swap3A_1005], %swap3A_1008 {add = true, strides = array<i32>} : memref<2x512x64xf32, #tpu.memory_space<vmem>>, vector<1x1x16xf32>,
        %mul3A_1009 = arith.constant 16 : i32
        %mul3A_1010 = arith.muli %scan3A_200, %mul3A_1009 : i32
        %add3A_1011 = arith.constant 12 : i32
        %add3A_1012 = arith.addi %mul3A_1010, %add3A_1011 : i32
        %slice3A_1013 = vector.extract_strided_slice %get3A_208 {offsets = [12], sizes = [1], strides = [1]} : vector<16xf32> to vector<1xf32>
        %squeeze3A_1014 = vector.extract %slice3A_1013[0] : f32 from vector<1xf32>
        %broadcast_in_dim3A_1015 = vector.broadcast %squeeze3A_1014 : f32 to vector<16xf32>
        %add3A_1016 = arith.constant 12 : i32
        %add3A_1017 = arith.addi %scan3A_201, %add3A_1016 : i32
        %get3A_1018 = arith.index_cast %add3A_1017 : i32 to index
        %get3A_1019 = arith.constant 0 : index
        %get3A_1020 = tpu.vector_load %arg11[%get3A_1018, %get3A_1019] {strides = array<i32>} : memref<400x64xf32, #tpu.memory_space<vmem>>, vector<1x16xf32>,
        %get3A_1021 = vector.shape_cast %get3A_1020 : vector<1x16xf32> to vector<16xf32>
        %mul3A_1022 = arith.mulf %broadcast_in_dim3A_1015, %get3A_2 : vector<16xf32>
        %add3A_1023 = arith.addf %get3A_1021, %mul3A_1022 : vector<16xf32>
        %swap3A_1024 = arith.constant 0 : i32
        %swap3A_1025 = arith.index_cast %swap3A_1024 : i32 to index
        %swap3A_1026 = arith.index_cast %add3A_1012 : i32 to index
        %swap3A_1027 = arith.constant 0 : index
        %swap3A_1028 = tpu.vector_load %arg10[%swap3A_1025, %swap3A_1026, %swap3A_1027] {strides = array<i32>} : memref<2x512x64xf32, #tpu.memory_space<vmem>>, vector<1x1x16xf32>,
        %swap3A_1029 = vector.shape_cast %swap3A_1028 : vector<1x1x16xf32> to vector<16xf32>
        %swap3A_1030 = vector.shape_cast %add3A_1023 : vector<16xf32> to vector<1x1x16xf32>
        tpu.vector_store %arg10[%swap3A_1025, %swap3A_1026, %swap3A_1027], %swap3A_1030 {add = true, strides = array<i32>} : memref<2x512x64xf32, #tpu.memory_space<vmem>>, vector<1x1x16xf32>,
        %add3A_1031 = arith.constant 12 : i32
        %add3A_1032 = arith.addi %scan3A_201, %add3A_1031 : i32
        %get3A_1033 = arith.index_cast %add3A_1032 : i32 to index
        %get3A_1034 = arith.constant 16 : index
        %get3A_1035 = tpu.vector_load %arg11[%get3A_1033, %get3A_1034] {strides = array<i32>} : memref<400x64xf32, #tpu.memory_space<vmem>>, vector<1x16xf32>,
        %get3A_1036 = vector.shape_cast %get3A_1035 : vector<1x16xf32> to vector<16xf32>
        %mul3A_1037 = arith.mulf %broadcast_in_dim3A_1015, %get3A_5 : vector<16xf32>
        %add3A_1038 = arith.addf %get3A_1036, %mul3A_1037 : vector<16xf32>
        %swap3A_1039 = arith.constant 0 : i32
        %swap3A_1040 = arith.index_cast %swap3A_1039 : i32 to index
        %swap3A_1041 = arith.index_cast %add3A_1012 : i32 to index
        %swap3A_1042 = arith.constant 16 : index
        %swap3A_1043 = tpu.vector_load %arg10[%swap3A_1040, %swap3A_1041, %swap3A_1042] {strides = array<i32>} : memref<2x512x64xf32, #tpu.memory_space<vmem>>, vector<1x1x16xf32>,
        %swap3A_1044 = vector.shape_cast %swap3A_1043 : vector<1x1x16xf32> to vector<16xf32>
        %swap3A_1045 = vector.shape_cast %add3A_1038 : vector<16xf32> to vector<1x1x16xf32>
        tpu.vector_store %arg10[%swap3A_1040, %swap3A_1041, %swap3A_1042], %swap3A_1045 {add = true, strides = array<i32>} : memref<2x512x64xf32, #tpu.memory_space<vmem>>, vector<1x1x16xf32>,
        %add3A_1046 = arith.constant 12 : i32
        %add3A_1047 = arith.addi %scan3A_201, %add3A_1046 : i32
        %get3A_1048 = arith.index_cast %add3A_1047 : i32 to index
        %get3A_1049 = arith.constant 32 : index
        %get3A_1050 = tpu.vector_load %arg11[%get3A_1048, %get3A_1049] {strides = array<i32>} : memref<400x64xf32, #tpu.memory_space<vmem>>, vector<1x16xf32>,
        %get3A_1051 = vector.shape_cast %get3A_1050 : vector<1x16xf32> to vector<16xf32>
        %mul3A_1052 = arith.mulf %broadcast_in_dim3A_1015, %get3A_8 : vector<16xf32>
        %add3A_1053 = arith.addf %get3A_1051, %mul3A_1052 : vector<16xf32>
        %swap3A_1054 = arith.constant 0 : i32
        %swap3A_1055 = arith.index_cast %swap3A_1054 : i32 to index
        %swap3A_1056 = arith.index_cast %add3A_1012 : i32 to index
        %swap3A_1057 = arith.constant 32 : index
        %swap3A_1058 = tpu.vector_load %arg10[%swap3A_1055, %swap3A_1056, %swap3A_1057] {strides = array<i32>} : memref<2x512x64xf32, #tpu.memory_space<vmem>>, vector<1x1x16xf32>,
        %swap3A_1059 = vector.shape_cast %swap3A_1058 : vector<1x1x16xf32> to vector<16xf32>
        %swap3A_1060 = vector.shape_cast %add3A_1053 : vector<16xf32> to vector<1x1x16xf32>
        tpu.vector_store %arg10[%swap3A_1055, %swap3A_1056, %swap3A_1057], %swap3A_1060 {add = true, strides = array<i32>} : memref<2x512x64xf32, #tpu.memory_space<vmem>>, vector<1x1x16xf32>,
        %add3A_1061 = arith.constant 12 : i32
        %add3A_1062 = arith.addi %scan3A_201, %add3A_1061 : i32
        %get3A_1063 = arith.index_cast %add3A_1062 : i32 to index
        %get3A_1064 = arith.constant 48 : index
        %get3A_1065 = tpu.vector_load %arg11[%get3A_1063, %get3A_1064] {strides = array<i32>} : memref<400x64xf32, #tpu.memory_space<vmem>>, vector<1x16xf32>,
        %get3A_1066 = vector.shape_cast %get3A_1065 : vector<1x16xf32> to vector<16xf32>
        %mul3A_1067 = arith.mulf %broadcast_in_dim3A_1015, %get3A_11 : vector<16xf32>
        %add3A_1068 = arith.addf %get3A_1066, %mul3A_1067 : vector<16xf32>
        %swap3A_1069 = arith.constant 0 : i32
        %swap3A_1070 = arith.index_cast %swap3A_1069 : i32 to index
        %swap3A_1071 = arith.index_cast %add3A_1012 : i32 to index
        %swap3A_1072 = arith.constant 48 : index
        %swap3A_1073 = tpu.vector_load %arg10[%swap3A_1070, %swap3A_1071, %swap3A_1072] {strides = array<i32>} : memref<2x512x64xf32, #tpu.memory_space<vmem>>, vector<1x1x16xf32>,
        %swap3A_1074 = vector.shape_cast %swap3A_1073 : vector<1x1x16xf32> to vector<16xf32>
        %swap3A_1075 = vector.shape_cast %add3A_1068 : vector<16xf32> to vector<1x1x16xf32>
        tpu.vector_store %arg10[%swap3A_1070, %swap3A_1071, %swap3A_1072], %swap3A_1075 {add = true, strides = array<i32>} : memref<2x512x64xf32, #tpu.memory_space<vmem>>, vector<1x1x16xf32>,
        %mul3A_1076 = arith.constant 16 : i32
        %mul3A_1077 = arith.muli %scan3A_200, %mul3A_1076 : i32
        %add3A_1078 = arith.constant 13 : i32
        %add3A_1079 = arith.addi %mul3A_1077, %add3A_1078 : i32
        %slice3A_1080 = vector.extract_strided_slice %get3A_208 {offsets = [13], sizes = [1], strides = [1]} : vector<16xf32> to vector<1xf32>
        %squeeze3A_1081 = vector.extract %slice3A_1080[0] : f32 from vector<1xf32>
        %broadcast_in_dim3A_1082 = vector.broadcast %squeeze3A_1081 : f32 to vector<16xf32>
        %add3A_1083 = arith.constant 13 : i32
        %add3A_1084 = arith.addi %scan3A_201, %add3A_1083 : i32
        %get3A_1085 = arith.index_cast %add3A_1084 : i32 to index
        %get3A_1086 = arith.constant 0 : index
        %get3A_1087 = tpu.vector_load %arg11[%get3A_1085, %get3A_1086] {strides = array<i32>} : memref<400x64xf32, #tpu.memory_space<vmem>>, vector<1x16xf32>,
        %get3A_1088 = vector.shape_cast %get3A_1087 : vector<1x16xf32> to vector<16xf32>
        %mul3A_1089 = arith.mulf %broadcast_in_dim3A_1082, %get3A_2 : vector<16xf32>
        %add3A_1090 = arith.addf %get3A_1088, %mul3A_1089 : vector<16xf32>
        %swap3A_1091 = arith.constant 0 : i32
        %swap3A_1092 = arith.index_cast %swap3A_1091 : i32 to index
        %swap3A_1093 = arith.index_cast %add3A_1079 : i32 to index
        %swap3A_1094 = arith.constant 0 : index
        %swap3A_1095 = tpu.vector_load %arg10[%swap3A_1092, %swap3A_1093, %swap3A_1094] {strides = array<i32>} : memref<2x512x64xf32, #tpu.memory_space<vmem>>, vector<1x1x16xf32>,
        %swap3A_1096 = vector.shape_cast %swap3A_1095 : vector<1x1x16xf32> to vector<16xf32>
        %swap3A_1097 = vector.shape_cast %add3A_1090 : vector<16xf32> to vector<1x1x16xf32>
        tpu.vector_store %arg10[%swap3A_1092, %swap3A_1093, %swap3A_1094], %swap3A_1097 {add = true, strides = array<i32>} : memref<2x512x64xf32, #tpu.memory_space<vmem>>, vector<1x1x16xf32>,
        %add3A_1098 = arith.constant 13 : i32
        %add3A_1099 = arith.addi %scan3A_201, %add3A_1098 : i32
        %get3A_1100 = arith.index_cast %add3A_1099 : i32 to index
        %get3A_1101 = arith.constant 16 : index
        %get3A_1102 = tpu.vector_load %arg11[%get3A_1100, %get3A_1101] {strides = array<i32>} : memref<400x64xf32, #tpu.memory_space<vmem>>, vector<1x16xf32>,
        %get3A_1103 = vector.shape_cast %get3A_1102 : vector<1x16xf32> to vector<16xf32>
        %mul3A_1104 = arith.mulf %broadcast_in_dim3A_1082, %get3A_5 : vector<16xf32>
        %add3A_1105 = arith.addf %get3A_1103, %mul3A_1104 : vector<16xf32>
        %swap3A_1106 = arith.constant 0 : i32
        %swap3A_1107 = arith.index_cast %swap3A_1106 : i32 to index
        %swap3A_1108 = arith.index_cast %add3A_1079 : i32 to index
        %swap3A_1109 = arith.constant 16 : index
        %swap3A_1110 = tpu.vector_load %arg10[%swap3A_1107, %swap3A_1108, %swap3A_1109] {strides = array<i32>} : memref<2x512x64xf32, #tpu.memory_space<vmem>>, vector<1x1x16xf32>,
        %swap3A_1111 = vector.shape_cast %swap3A_1110 : vector<1x1x16xf32> to vector<16xf32>
        %swap3A_1112 = vector.shape_cast %add3A_1105 : vector<16xf32> to vector<1x1x16xf32>
        tpu.vector_store %arg10[%swap3A_1107, %swap3A_1108, %swap3A_1109], %swap3A_1112 {add = true, strides = array<i32>} : memref<2x512x64xf32, #tpu.memory_space<vmem>>, vector<1x1x16xf32>,
        %add3A_1113 = arith.constant 13 : i32
        %add3A_1114 = arith.addi %scan3A_201, %add3A_1113 : i32
        %get3A_1115 = arith.index_cast %add3A_1114 : i32 to index
        %get3A_1116 = arith.constant 32 : index
        %get3A_1117 = tpu.vector_load %arg11[%get3A_1115, %get3A_1116] {strides = array<i32>} : memref<400x64xf32, #tpu.memory_space<vmem>>, vector<1x16xf32>,
        %get3A_1118 = vector.shape_cast %get3A_1117 : vector<1x16xf32> to vector<16xf32>
        %mul3A_1119 = arith.mulf %broadcast_in_dim3A_1082, %get3A_8 : vector<16xf32>
        %add3A_1120 = arith.addf %get3A_1118, %mul3A_1119 : vector<16xf32>
        %swap3A_1121 = arith.constant 0 : i32
        %swap3A_1122 = arith.index_cast %swap3A_1121 : i32 to index
        %swap3A_1123 = arith.index_cast %add3A_1079 : i32 to index
        %swap3A_1124 = arith.constant 32 : index
        %swap3A_1125 = tpu.vector_load %arg10[%swap3A_1122, %swap3A_1123, %swap3A_1124] {strides = array<i32>} : memref<2x512x64xf32, #tpu.memory_space<vmem>>, vector<1x1x16xf32>,
        %swap3A_1126 = vector.shape_cast %swap3A_1125 : vector<1x1x16xf32> to vector<16xf32>
        %swap3A_1127 = vector.shape_cast %add3A_1120 : vector<16xf32> to vector<1x1x16xf32>
        tpu.vector_store %arg10[%swap3A_1122, %swap3A_1123, %swap3A_1124], %swap3A_1127 {add = true, strides = array<i32>} : memref<2x512x64xf32, #tpu.memory_space<vmem>>, vector<1x1x16xf32>,
        %add3A_1128 = arith.constant 13 : i32
        %add3A_1129 = arith.addi %scan3A_201, %add3A_1128 : i32
        %get3A_1130 = arith.index_cast %add3A_1129 : i32 to index
        %get3A_1131 = arith.constant 48 : index
        %get3A_1132 = tpu.vector_load %arg11[%get3A_1130, %get3A_1131] {strides = array<i32>} : memref<400x64xf32, #tpu.memory_space<vmem>>, vector<1x16xf32>,
        %get3A_1133 = vector.shape_cast %get3A_1132 : vector<1x16xf32> to vector<16xf32>
        %mul3A_1134 = arith.mulf %broadcast_in_dim3A_1082, %get3A_11 : vector<16xf32>
        %add3A_1135 = arith.addf %get3A_1133, %mul3A_1134 : vector<16xf32>
        %swap3A_1136 = arith.constant 0 : i32
        %swap3A_1137 = arith.index_cast %swap3A_1136 : i32 to index
        %swap3A_1138 = arith.index_cast %add3A_1079 : i32 to index
        %swap3A_1139 = arith.constant 48 : index
        %swap3A_1140 = tpu.vector_load %arg10[%swap3A_1137, %swap3A_1138, %swap3A_1139] {strides = array<i32>} : memref<2x512x64xf32, #tpu.memory_space<vmem>>, vector<1x1x16xf32>,
        %swap3A_1141 = vector.shape_cast %swap3A_1140 : vector<1x1x16xf32> to vector<16xf32>
        %swap3A_1142 = vector.shape_cast %add3A_1135 : vector<16xf32> to vector<1x1x16xf32>
        tpu.vector_store %arg10[%swap3A_1137, %swap3A_1138, %swap3A_1139], %swap3A_1142 {add = true, strides = array<i32>} : memref<2x512x64xf32, #tpu.memory_space<vmem>>, vector<1x1x16xf32>,
        %mul3A_1143 = arith.constant 16 : i32
        %mul3A_1144 = arith.muli %scan3A_200, %mul3A_1143 : i32
        %add3A_1145 = arith.constant 14 : i32
        %add3A_1146 = arith.addi %mul3A_1144, %add3A_1145 : i32
        %slice3A_1147 = vector.extract_strided_slice %get3A_208 {offsets = [14], sizes = [1], strides = [1]} : vector<16xf32> to vector<1xf32>
        %squeeze3A_1148 = vector.extract %slice3A_1147[0] : f32 from vector<1xf32>
        %broadcast_in_dim3A_1149 = vector.broadcast %squeeze3A_1148 : f32 to vector<16xf32>
        %add3A_1150 = arith.constant 14 : i32
        %add3A_1151 = arith.addi %scan3A_201, %add3A_1150 : i32
        %get3A_1152 = arith.index_cast %add3A_1151 : i32 to index
        %get3A_1153 = arith.constant 0 : index
        %get3A_1154 = tpu.vector_load %arg11[%get3A_1152, %get3A_1153] {strides = array<i32>} : memref<400x64xf32, #tpu.memory_space<vmem>>, vector<1x16xf32>,
        %get3A_1155 = vector.shape_cast %get3A_1154 : vector<1x16xf32> to vector<16xf32>
        %mul3A_1156 = arith.mulf %broadcast_in_dim3A_1149, %get3A_2 : vector<16xf32>
        %add3A_1157 = arith.addf %get3A_1155, %mul3A_1156 : vector<16xf32>
        %swap3A_1158 = arith.constant 0 : i32
        %swap3A_1159 = arith.index_cast %swap3A_1158 : i32 to index
        %swap3A_1160 = arith.index_cast %add3A_1146 : i32 to index
        %swap3A_1161 = arith.constant 0 : index
        %swap3A_1162 = tpu.vector_load %arg10[%swap3A_1159, %swap3A_1160, %swap3A_1161] {strides = array<i32>} : memref<2x512x64xf32, #tpu.memory_space<vmem>>, vector<1x1x16xf32>,
        %swap3A_1163 = vector.shape_cast %swap3A_1162 : vector<1x1x16xf32> to vector<16xf32>
        %swap3A_1164 = vector.shape_cast %add3A_1157 : vector<16xf32> to vector<1x1x16xf32>
        tpu.vector_store %arg10[%swap3A_1159, %swap3A_1160, %swap3A_1161], %swap3A_1164 {add = true, strides = array<i32>} : memref<2x512x64xf32, #tpu.memory_space<vmem>>, vector<1x1x16xf32>,
        %add3A_1165 = arith.constant 14 : i32
        %add3A_1166 = arith.addi %scan3A_201, %add3A_1165 : i32
        %get3A_1167 = arith.index_cast %add3A_1166 : i32 to index
        %get3A_1168 = arith.constant 16 : index
        %get3A_1169 = tpu.vector_load %arg11[%get3A_1167, %get3A_1168] {strides = array<i32>} : memref<400x64xf32, #tpu.memory_space<vmem>>, vector<1x16xf32>,
        %get3A_1170 = vector.shape_cast %get3A_1169 : vector<1x16xf32> to vector<16xf32>
        %mul3A_1171 = arith.mulf %broadcast_in_dim3A_1149, %get3A_5 : vector<16xf32>
        %add3A_1172 = arith.addf %get3A_1170, %mul3A_1171 : vector<16xf32>
        %swap3A_1173 = arith.constant 0 : i32
        %swap3A_1174 = arith.index_cast %swap3A_1173 : i32 to index
        %swap3A_1175 = arith.index_cast %add3A_1146 : i32 to index
        %swap3A_1176 = arith.constant 16 : index
        %swap3A_1177 = tpu.vector_load %arg10[%swap3A_1174, %swap3A_1175, %swap3A_1176] {strides = array<i32>} : memref<2x512x64xf32, #tpu.memory_space<vmem>>, vector<1x1x16xf32>,
        %swap3A_1178 = vector.shape_cast %swap3A_1177 : vector<1x1x16xf32> to vector<16xf32>
        %swap3A_1179 = vector.shape_cast %add3A_1172 : vector<16xf32> to vector<1x1x16xf32>
        tpu.vector_store %arg10[%swap3A_1174, %swap3A_1175, %swap3A_1176], %swap3A_1179 {add = true, strides = array<i32>} : memref<2x512x64xf32, #tpu.memory_space<vmem>>, vector<1x1x16xf32>,
        %add3A_1180 = arith.constant 14 : i32
        %add3A_1181 = arith.addi %scan3A_201, %add3A_1180 : i32
        %get3A_1182 = arith.index_cast %add3A_1181 : i32 to index
        %get3A_1183 = arith.constant 32 : index
        %get3A_1184 = tpu.vector_load %arg11[%get3A_1182, %get3A_1183] {strides = array<i32>} : memref<400x64xf32, #tpu.memory_space<vmem>>, vector<1x16xf32>,
        %get3A_1185 = vector.shape_cast %get3A_1184 : vector<1x16xf32> to vector<16xf32>
        %mul3A_1186 = arith.mulf %broadcast_in_dim3A_1149, %get3A_8 : vector<16xf32>
        %add3A_1187 = arith.addf %get3A_1185, %mul3A_1186 : vector<16xf32>
        %swap3A_1188 = arith.constant 0 : i32
        %swap3A_1189 = arith.index_cast %swap3A_1188 : i32 to index
        %swap3A_1190 = arith.index_cast %add3A_1146 : i32 to index
        %swap3A_1191 = arith.constant 32 : index
        %swap3A_1192 = tpu.vector_load %arg10[%swap3A_1189, %swap3A_1190, %swap3A_1191] {strides = array<i32>} : memref<2x512x64xf32, #tpu.memory_space<vmem>>, vector<1x1x16xf32>,
        %swap3A_1193 = vector.shape_cast %swap3A_1192 : vector<1x1x16xf32> to vector<16xf32>
        %swap3A_1194 = vector.shape_cast %add3A_1187 : vector<16xf32> to vector<1x1x16xf32>
        tpu.vector_store %arg10[%swap3A_1189, %swap3A_1190, %swap3A_1191], %swap3A_1194 {add = true, strides = array<i32>} : memref<2x512x64xf32, #tpu.memory_space<vmem>>, vector<1x1x16xf32>,
        %add3A_1195 = arith.constant 14 : i32
        %add3A_1196 = arith.addi %scan3A_201, %add3A_1195 : i32
        %get3A_1197 = arith.index_cast %add3A_1196 : i32 to index
        %get3A_1198 = arith.constant 48 : index
        %get3A_1199 = tpu.vector_load %arg11[%get3A_1197, %get3A_1198] {strides = array<i32>} : memref<400x64xf32, #tpu.memory_space<vmem>>, vector<1x16xf32>,
        %get3A_1200 = vector.shape_cast %get3A_1199 : vector<1x16xf32> to vector<16xf32>
        %mul3A_1201 = arith.mulf %broadcast_in_dim3A_1149, %get3A_11 : vector<16xf32>
        %add3A_1202 = arith.addf %get3A_1200, %mul3A_1201 : vector<16xf32>
        %swap3A_1203 = arith.constant 0 : i32
        %swap3A_1204 = arith.index_cast %swap3A_1203 : i32 to index
        %swap3A_1205 = arith.index_cast %add3A_1146 : i32 to index
        %swap3A_1206 = arith.constant 48 : index
        %swap3A_1207 = tpu.vector_load %arg10[%swap3A_1204, %swap3A_1205, %swap3A_1206] {strides = array<i32>} : memref<2x512x64xf32, #tpu.memory_space<vmem>>, vector<1x1x16xf32>,
        %swap3A_1208 = vector.shape_cast %swap3A_1207 : vector<1x1x16xf32> to vector<16xf32>
        %swap3A_1209 = vector.shape_cast %add3A_1202 : vector<16xf32> to vector<1x1x16xf32>
        tpu.vector_store %arg10[%swap3A_1204, %swap3A_1205, %swap3A_1206], %swap3A_1209 {add = true, strides = array<i32>} : memref<2x512x64xf32, #tpu.memory_space<vmem>>, vector<1x1x16xf32>,
        %mul3A_1210 = arith.constant 16 : i32
        %mul3A_1211 = arith.muli %scan3A_200, %mul3A_1210 : i32
        %add3A_1212 = arith.constant 15 : i32
        %add3A_1213 = arith.addi %mul3A_1211, %add3A_1212 : i32
        %slice3A_1214 = vector.extract_strided_slice %get3A_208 {offsets = [15], sizes = [1], strides = [1]} : vector<16xf32> to vector<1xf32>
        %squeeze3A_1215 = vector.extract %slice3A_1214[0] : f32 from vector<1xf32>
        %broadcast_in_dim3A_1216 = vector.broadcast %squeeze3A_1215 : f32 to vector<16xf32>
        %add3A_1217 = arith.constant 15 : i32
        %add3A_1218 = arith.addi %scan3A_201, %add3A_1217 : i32
        %get3A_1219 = arith.index_cast %add3A_1218 : i32 to index
        %get3A_1220 = arith.constant 0 : index
        %get3A_1221 = tpu.vector_load %arg11[%get3A_1219, %get3A_1220] {strides = array<i32>} : memref<400x64xf32, #tpu.memory_space<vmem>>, vector<1x16xf32>,
        %get3A_1222 = vector.shape_cast %get3A_1221 : vector<1x16xf32> to vector<16xf32>
        %mul3A_1223 = arith.mulf %broadcast_in_dim3A_1216, %get3A_2 : vector<16xf32>
        %add3A_1224 = arith.addf %get3A_1222, %mul3A_1223 : vector<16xf32>
        %swap3A_1225 = arith.constant 0 : i32
        %swap3A_1226 = arith.index_cast %swap3A_1225 : i32 to index
        %swap3A_1227 = arith.index_cast %add3A_1213 : i32 to index
        %swap3A_1228 = arith.constant 0 : index
        %swap3A_1229 = tpu.vector_load %arg10[%swap3A_1226, %swap3A_1227, %swap3A_1228] {strides = array<i32>} : memref<2x512x64xf32, #tpu.memory_space<vmem>>, vector<1x1x16xf32>,
        %swap3A_1230 = vector.shape_cast %swap3A_1229 : vector<1x1x16xf32> to vector<16xf32>
        %swap3A_1231 = vector.shape_cast %add3A_1224 : vector<16xf32> to vector<1x1x16xf32>
        tpu.vector_store %arg10[%swap3A_1226, %swap3A_1227, %swap3A_1228], %swap3A_1231 {add = true, strides = array<i32>} : memref<2x512x64xf32, #tpu.memory_space<vmem>>, vector<1x1x16xf32>,
        %add3A_1232 = arith.constant 15 : i32
        %add3A_1233 = arith.addi %scan3A_201, %add3A_1232 : i32
        %get3A_1234 = arith.index_cast %add3A_1233 : i32 to index
        %get3A_1235 = arith.constant 16 : index
        %get3A_1236 = tpu.vector_load %arg11[%get3A_1234, %get3A_1235] {strides = array<i32>} : memref<400x64xf32, #tpu.memory_space<vmem>>, vector<1x16xf32>,
        %get3A_1237 = vector.shape_cast %get3A_1236 : vector<1x16xf32> to vector<16xf32>
        %mul3A_1238 = arith.mulf %broadcast_in_dim3A_1216, %get3A_5 : vector<16xf32>
        %add3A_1239 = arith.addf %get3A_1237, %mul3A_1238 : vector<16xf32>
        %swap3A_1240 = arith.constant 0 : i32
        %swap3A_1241 = arith.index_cast %swap3A_1240 : i32 to index
        %swap3A_1242 = arith.index_cast %add3A_1213 : i32 to index
        %swap3A_1243 = arith.constant 16 : index
        %swap3A_1244 = tpu.vector_load %arg10[%swap3A_1241, %swap3A_1242, %swap3A_1243] {strides = array<i32>} : memref<2x512x64xf32, #tpu.memory_space<vmem>>, vector<1x1x16xf32>,
        %swap3A_1245 = vector.shape_cast %swap3A_1244 : vector<1x1x16xf32> to vector<16xf32>
        %swap3A_1246 = vector.shape_cast %add3A_1239 : vector<16xf32> to vector<1x1x16xf32>
        tpu.vector_store %arg10[%swap3A_1241, %swap3A_1242, %swap3A_1243], %swap3A_1246 {add = true, strides = array<i32>} : memref<2x512x64xf32, #tpu.memory_space<vmem>>, vector<1x1x16xf32>,
        %add3A_1247 = arith.constant 15 : i32
        %add3A_1248 = arith.addi %scan3A_201, %add3A_1247 : i32
        %get3A_1249 = arith.index_cast %add3A_1248 : i32 to index
        %get3A_1250 = arith.constant 32 : index
        %get3A_1251 = tpu.vector_load %arg11[%get3A_1249, %get3A_1250] {strides = array<i32>} : memref<400x64xf32, #tpu.memory_space<vmem>>, vector<1x16xf32>,
        %get3A_1252 = vector.shape_cast %get3A_1251 : vector<1x16xf32> to vector<16xf32>
        %mul3A_1253 = arith.mulf %broadcast_in_dim3A_1216, %get3A_8 : vector<16xf32>
        %add3A_1254 = arith.addf %get3A_1252, %mul3A_1253 : vector<16xf32>
        %swap3A_1255 = arith.constant 0 : i32
        %swap3A_1256 = arith.index_cast %swap3A_1255 : i32 to index
        %swap3A_1257 = arith.index_cast %add3A_1213 : i32 to index
        %swap3A_1258 = arith.constant 32 : index
        %swap3A_1259 = tpu.vector_load %arg10[%swap3A_1256, %swap3A_1257, %swap3A_1258] {strides = array<i32>} : memref<2x512x64xf32, #tpu.memory_space<vmem>>, vector<1x1x16xf32>,
        %swap3A_1260 = vector.shape_cast %swap3A_1259 : vector<1x1x16xf32> to vector<16xf32>
        %swap3A_1261 = vector.shape_cast %add3A_1254 : vector<16xf32> to vector<1x1x16xf32>
        tpu.vector_store %arg10[%swap3A_1256, %swap3A_1257, %swap3A_1258], %swap3A_1261 {add = true, strides = array<i32>} : memref<2x512x64xf32, #tpu.memory_space<vmem>>, vector<1x1x16xf32>,
        %add3A_1262 = arith.constant 15 : i32
        %add3A_1263 = arith.addi %scan3A_201, %add3A_1262 : i32
        %get3A_1264 = arith.index_cast %add3A_1263 : i32 to index
        %get3A_1265 = arith.constant 48 : index
        %get3A_1266 = tpu.vector_load %arg11[%get3A_1264, %get3A_1265] {strides = array<i32>} : memref<400x64xf32, #tpu.memory_space<vmem>>, vector<1x16xf32>,
        %get3A_1267 = vector.shape_cast %get3A_1266 : vector<1x16xf32> to vector<16xf32>
        %mul3A_1268 = arith.mulf %broadcast_in_dim3A_1216, %get3A_11 : vector<16xf32>
        %add3A_1269 = arith.addf %get3A_1267, %mul3A_1268 : vector<16xf32>
        %swap3A_1270 = arith.constant 0 : i32
        %swap3A_1271 = arith.index_cast %swap3A_1270 : i32 to index
        %swap3A_1272 = arith.index_cast %add3A_1213 : i32 to index
        %swap3A_1273 = arith.constant 48 : index
        %swap3A_1274 = tpu.vector_load %arg10[%swap3A_1271, %swap3A_1272, %swap3A_1273] {strides = array<i32>} : memref<2x512x64xf32, #tpu.memory_space<vmem>>, vector<1x1x16xf32>,
        %swap3A_1275 = vector.shape_cast %swap3A_1274 : vector<1x1x16xf32> to vector<16xf32>
        %swap3A_1276 = vector.shape_cast %add3A_1269 : vector<16xf32> to vector<1x1x16xf32>
        tpu.vector_store %arg10[%swap3A_1271, %swap3A_1272, %swap3A_1273], %swap3A_1276 {add = true, strides = array<i32>} : memref<2x512x64xf32, #tpu.memory_space<vmem>>, vector<1x1x16xf32>,
        %add3A_1277 = arith.constant 16 : i32
        %add3A_1278 = arith.addi %scan3A_201, %add3A_1277 : i32
        %ge3A_1279 = arith.constant 200 : i32
        %ge3A_1280 = arith.cmpi sge, %add3A_1278, %ge3A_1279 : i32
        %sub3A_1281 = arith.constant 200 : i32
        %sub3A_1282 = arith.subi %add3A_1278, %sub3A_1281 : i32
        %select_n3A_1283 = arith.select %ge3A_1280, %sub3A_1282, %add3A_1278 : i32
        scf.yield %select_n3A_1283 : i32
      }
      %scan3A_118 = arith.constant 32 : i32
      %mul3A_119 = arith.constant 512 : i32
      %mul3A_120 = arith.muli %add3A_89, %mul3A_119 : i32
      %add3A_121 = arith.addi %mul3A_13, %mul3A_120 : i32
      %dma_start3A_122 = arith.constant 0 : i32
      %dma_start3A_123 = arith.constant 0 : i32
      %dma_start3A_124 = arith.constant 0 : i32
      %dma_start3A_125 = tpu.memref_slice %arg10[%dma_start3A_122, %dma_start3A_123, %dma_start3A_124] : memref<2x512x64xf32, #tpu.memory_space<vmem>> -> memref<1x512x64xf32, #tpu.memory_space<vmem>>
      %dma_start3A_126 = tpu.memref_squeeze %dma_start3A_125 : memref<1x512x64xf32, #tpu.memory_space<vmem>> -> memref<512x64xf32, #tpu.memory_space<vmem>>
      %dma_start3A_127 = arith.constant 0 : i32
      %dma_start3A_128 = tpu.memref_slice %arg7[%add3A_121, %dma_start3A_127] : memref<819200x64xf32, #tpu.memory_space<hbm>> -> memref<512x64xf32, #tpu.memory_space<hbm>>
      %dma_start3A_129 = arith.constant 0 : i32
      %dma_start3A_130 = tpu.memref_slice %arg7[%add3A_121, %dma_start3A_129] : memref<819200x64xf32, #tpu.memory_space<hbm>> -> memref<512x64xf32, #tpu.memory_space<hbm>>
      %dma_start3A_131 = arith.constant 0 : i32
      %dma_start3A_132 = arith.constant 0 : i32
      %dma_start3A_133 = tpu.memref_slice %arg10[%dma_start3A_122, %dma_start3A_131, %dma_start3A_132] : memref<2x512x64xf32, #tpu.memory_space<vmem>> -> memref<1x512x64xf32, #tpu.memory_space<vmem>>
      %dma_start3A_134 = tpu.memref_squeeze %dma_start3A_133 : memref<1x512x64xf32, #tpu.memory_space<vmem>> -> memref<512x64xf32, #tpu.memory_space<vmem>>
      tpu.enqueue_dma source(%dma_start3A_134 : memref<512x64xf32, #tpu.memory_space<vmem>>) target(%dma_start3A_130 : memref<512x64xf32, #tpu.memory_space<hbm>>) target_semaphore(%arg15 : memref<!tpu.dma_semaphore, #tpu.memory_space<semaphore_mem>>)
      %add3A_135 = arith.constant 112 : i32
      %add3A_136 = arith.addi %scan3A_85, %add3A_135 : i32
      %ge3A_137 = arith.constant 200 : i32
      %ge3A_138 = arith.cmpi sge, %add3A_136, %ge3A_137 : i32
      %sub3A = arith.constant 200 : i32
      %sub3A_139 = arith.subi %add3A_136, %sub3A : i32
      %select_n3A = arith.select %ge3A_138, %sub3A_139, %add3A_136 : i32
      %mul3A_140 = arith.constant 2 : i32
      %mul3A_141 = arith.muli %scan3A_84, %mul3A_140 : i32
      %add3A_142 = arith.constant 1 : i32
      %add3A_143 = arith.addi %mul3A_141, %add3A_142 : i32
      %ge3A_144 = arith.constant 1 : i32
      %ge3A_145 = arith.cmpi sge, %add3A_143, %ge3A_144 : i32
      %convert_element_type3A_146 = arith.extui %ge3A_145 : i1 to i32
      %cond3A_147 = arith.constant 0 : i32
      %cond3A_148 = arith.cmpi ne, %convert_element_type3A_146, %cond3A_147 : i32
      scf.if %cond3A_148 {
        %dma_wait3A_200 = arith.constant 0 : i32
        %dma_wait3A_201 = arith.constant 0 : i32
        %dma_wait3A_202 = arith.constant 0 : i32
        %dma_wait3A_203 = tpu.memref_slice %arg10[%dma_wait3A_200, %dma_wait3A_201, %dma_wait3A_202] : memref<2x512x64xf32, #tpu.memory_space<vmem>> -> memref<1x512x64xf32, #tpu.memory_space<vmem>>
        %dma_wait3A_204 = tpu.memref_squeeze %dma_wait3A_203 : memref<1x512x64xf32, #tpu.memory_space<vmem>> -> memref<512x64xf32, #tpu.memory_space<vmem>>
        %dma_wait3A_205 = arith.constant 0 : i32
        %dma_wait3A_206 = arith.constant 0 : i32
        %dma_wait3A_207 = tpu.memref_slice %arg7[%dma_wait3A_205, %dma_wait3A_206] : memref<819200x64xf32, #tpu.memory_space<hbm>> -> memref<512x64xf32, #tpu.memory_space<hbm>>
        %dma_wait3A_208 = arith.constant 0 : i32
        %dma_wait3A_209 = arith.constant 0 : i32
        %dma_wait3A_210 = tpu.memref_slice %arg7[%dma_wait3A_208, %dma_wait3A_209] : memref<819200x64xf32, #tpu.memory_space<hbm>> -> memref<512x64xf32, #tpu.memory_space<hbm>>
        %dma_wait3A_211 = arith.constant 0 : i32
        %dma_wait3A_212 = arith.constant 0 : i32
        %dma_wait3A_213 = tpu.memref_slice %arg10[%dma_wait3A_200, %dma_wait3A_211, %dma_wait3A_212] : memref<2x512x64xf32, #tpu.memory_space<vmem>> -> memref<1x512x64xf32, #tpu.memory_space<vmem>>
        %dma_wait3A_214 = tpu.memref_squeeze %dma_wait3A_213 : memref<1x512x64xf32, #tpu.memory_space<vmem>> -> memref<512x64xf32, #tpu.memory_space<vmem>>
        tpu.wait_dma2 semaphore(%arg15 : memref<!tpu.dma_semaphore, #tpu.memory_space<semaphore_mem>>) src(%dma_wait3A_214 : memref<512x64xf32, #tpu.memory_space<vmem>>) dst(%dma_wait3A_210 : memref<512x64xf32, #tpu.memory_space<hbm>>)
      } else {
      }
      %add3A_149 = arith.constant 1 : i32
      %add3A_150 = arith.addi %add3A_143, %add3A_149 : i32
      %lt3A_151 = arith.constant 50 : i32
      %lt3A_152 = arith.cmpi slt, %add3A_150, %lt3A_151 : i32
      %convert_element_type3A_153 = arith.extui %lt3A_152 : i1 to i32
      %cond3A_154 = arith.constant 0 : i32
      %cond3A_155 = arith.cmpi ne, %convert_element_type3A_153, %cond3A_154 : i32
      scf.if %cond3A_155 {
        %add3A_200 = arith.constant 1 : i32
        %add3A_201 = arith.addi %add3A_143, %add3A_200 : i32
        %mul3A_202 = arith.constant 512 : i32
        %mul3A_203 = arith.muli %add3A_201, %mul3A_202 : i32
        %add3A_204 = arith.addi %mul3A_13, %mul3A_203 : i32
        %run_scoped3A_205 = arith.constant 0 : i32
        "tpu.region"() ({
          %run_scoped3A_255 = tpu.sem_alloc : memref<!tpu.dma_semaphore, #tpu.memory_space<semaphore_mem>>
          %dma_start3A_256 = arith.constant 0 : i32
          %dma_start3A_257 = tpu.memref_slice %arg8[%run_scoped3A_205, %dma_start3A_256] : memref<2x512xi32, #tpu.memory_space<vmem>> -> memref<1x512xi32, #tpu.memory_space<vmem>>
          %dma_start3A_258 = tpu.memref_squeeze %dma_start3A_257 : memref<1x512xi32, #tpu.memory_space<vmem>> -> memref<512xi32, #tpu.memory_space<vmem>>
          %dma_start3A_259 = tpu.memref_slice %arg2[%add3A_204] : memref<819200xi32, #tpu.memory_space<hbm>> -> memref<512xi32, #tpu.memory_space<hbm>>
          %dma_start3A_260 = arith.constant 0 : i32
          %dma_start3A_261 = tpu.memref_slice %arg8[%run_scoped3A_205, %dma_start3A_260] : memref<2x512xi32, #tpu.memory_space<vmem>> -> memref<1x512xi32, #tpu.memory_space<vmem>>
          %dma_start3A_262 = tpu.memref_squeeze %dma_start3A_261 : memref<1x512xi32, #tpu.memory_space<vmem>> -> memref<512xi32, #tpu.memory_space<vmem>>
          %dma_start3A_263 = tpu.memref_slice %arg2[%add3A_204] : memref<819200xi32, #tpu.memory_space<hbm>> -> memref<512xi32, #tpu.memory_space<hbm>>
          tpu.enqueue_dma source(%dma_start3A_263 : memref<512xi32, #tpu.memory_space<hbm>>) target(%dma_start3A_262 : memref<512xi32, #tpu.memory_space<vmem>>) target_semaphore(%run_scoped3A_255 : memref<!tpu.dma_semaphore, #tpu.memory_space<semaphore_mem>>)
          %dma_wait3A_264 = arith.constant 0 : i32
          %dma_wait3A_265 = tpu.memref_slice %arg8[%run_scoped3A_205, %dma_wait3A_264] : memref<2x512xi32, #tpu.memory_space<vmem>> -> memref<1x512xi32, #tpu.memory_space<vmem>>
          %dma_wait3A_266 = tpu.memref_squeeze %dma_wait3A_265 : memref<1x512xi32, #tpu.memory_space<vmem>> -> memref<512xi32, #tpu.memory_space<vmem>>
          %dma_wait3A_267 = tpu.memref_slice %arg2[%add3A_204] : memref<819200xi32, #tpu.memory_space<hbm>> -> memref<512xi32, #tpu.memory_space<hbm>>
          %dma_wait3A_268 = arith.constant 0 : i32
          %dma_wait3A_269 = tpu.memref_slice %arg8[%run_scoped3A_205, %dma_wait3A_268] : memref<2x512xi32, #tpu.memory_space<vmem>> -> memref<1x512xi32, #tpu.memory_space<vmem>>
          %dma_wait3A_270 = tpu.memref_squeeze %dma_wait3A_269 : memref<1x512xi32, #tpu.memory_space<vmem>> -> memref<512xi32, #tpu.memory_space<vmem>>
          %dma_wait3A_271 = tpu.memref_slice %arg2[%add3A_204] : memref<819200xi32, #tpu.memory_space<hbm>> -> memref<512xi32, #tpu.memory_space<hbm>>
          tpu.wait_dma2 semaphore(%run_scoped3A_255 : memref<!tpu.dma_semaphore, #tpu.memory_space<semaphore_mem>>) src(%dma_wait3A_271 : memref<512xi32, #tpu.memory_space<hbm>>) dst(%dma_wait3A_270 : memref<512xi32, #tpu.memory_space<vmem>>)
          tpu.yield
        }) : () -> ()
        %run_scoped3A_206 = arith.constant 0 : i32
        "tpu.region"() ({
          %run_scoped3A_255 = tpu.sem_alloc : memref<!tpu.dma_semaphore, #tpu.memory_space<semaphore_mem>>
          %dma_start3A_256 = arith.constant 0 : i32
          %dma_start3A_257 = tpu.memref_slice %arg9[%run_scoped3A_206, %dma_start3A_256] : memref<2x512xf32, #tpu.memory_space<vmem>> -> memref<1x512xf32, #tpu.memory_space<vmem>>
          %dma_start3A_258 = tpu.memref_squeeze %dma_start3A_257 : memref<1x512xf32, #tpu.memory_space<vmem>> -> memref<512xf32, #tpu.memory_space<vmem>>
          %dma_start3A_259 = tpu.memref_slice %arg3[%add3A_204] : memref<819200xf32, #tpu.memory_space<hbm>> -> memref<512xf32, #tpu.memory_space<hbm>>
          %dma_start3A_260 = arith.constant 0 : i32
          %dma_start3A_261 = tpu.memref_slice %arg9[%run_scoped3A_206, %dma_start3A_260] : memref<2x512xf32, #tpu.memory_space<vmem>> -> memref<1x512xf32, #tpu.memory_space<vmem>>
          %dma_start3A_262 = tpu.memref_squeeze %dma_start3A_261 : memref<1x512xf32, #tpu.memory_space<vmem>> -> memref<512xf32, #tpu.memory_space<vmem>>
          %dma_start3A_263 = tpu.memref_slice %arg3[%add3A_204] : memref<819200xf32, #tpu.memory_space<hbm>> -> memref<512xf32, #tpu.memory_space<hbm>>
          tpu.enqueue_dma source(%dma_start3A_263 : memref<512xf32, #tpu.memory_space<hbm>>) target(%dma_start3A_262 : memref<512xf32, #tpu.memory_space<vmem>>) target_semaphore(%run_scoped3A_255 : memref<!tpu.dma_semaphore, #tpu.memory_space<semaphore_mem>>)
          %dma_wait3A_264 = arith.constant 0 : i32
          %dma_wait3A_265 = tpu.memref_slice %arg9[%run_scoped3A_206, %dma_wait3A_264] : memref<2x512xf32, #tpu.memory_space<vmem>> -> memref<1x512xf32, #tpu.memory_space<vmem>>
          %dma_wait3A_266 = tpu.memref_squeeze %dma_wait3A_265 : memref<1x512xf32, #tpu.memory_space<vmem>> -> memref<512xf32, #tpu.memory_space<vmem>>
          %dma_wait3A_267 = tpu.memref_slice %arg3[%add3A_204] : memref<819200xf32, #tpu.memory_space<hbm>> -> memref<512xf32, #tpu.memory_space<hbm>>
          %dma_wait3A_268 = arith.constant 0 : i32
          %dma_wait3A_269 = tpu.memref_slice %arg9[%run_scoped3A_206, %dma_wait3A_268] : memref<2x512xf32, #tpu.memory_space<vmem>> -> memref<1x512xf32, #tpu.memory_space<vmem>>
          %dma_wait3A_270 = tpu.memref_squeeze %dma_wait3A_269 : memref<1x512xf32, #tpu.memory_space<vmem>> -> memref<512xf32, #tpu.memory_space<vmem>>
          %dma_wait3A_271 = tpu.memref_slice %arg3[%add3A_204] : memref<819200xf32, #tpu.memory_space<hbm>> -> memref<512xf32, #tpu.memory_space<hbm>>
          tpu.wait_dma2 semaphore(%run_scoped3A_255 : memref<!tpu.dma_semaphore, #tpu.memory_space<semaphore_mem>>) src(%dma_wait3A_271 : memref<512xf32, #tpu.memory_space<hbm>>) dst(%dma_wait3A_270 : memref<512xf32, #tpu.memory_space<vmem>>)
          tpu.yield
        }) : () -> ()
        %dma_start3A_207 = arith.constant 0 : i32
        %dma_start3A_208 = arith.constant 0 : i32
        %dma_start3A_209 = arith.constant 0 : i32
        %dma_start3A_210 = arith.constant 0 : i32
        %dma_start3A_211 = tpu.memref_slice %arg10[%dma_start3A_208, %dma_start3A_209, %dma_start3A_210] : memref<2x512x64xf32, #tpu.memory_space<vmem>> -> memref<1x128x64xf32, #tpu.memory_space<vmem>>
        %dma_start3A_212 = tpu.memref_squeeze %dma_start3A_211 : memref<1x128x64xf32, #tpu.memory_space<vmem>> -> memref<128x64xf32, #tpu.memory_space<vmem>>
        %dma_start3A_213 = arith.constant 0 : i32
        %dma_start3A_214 = tpu.memref_slice %arg8[%dma_start3A_207, %dma_start3A_213] : memref<2x512xi32, #tpu.memory_space<vmem>> -> memref<1x128xi32, #tpu.memory_space<vmem>>
        %dma_start3A_215 = tpu.memref_squeeze %dma_start3A_214 : memref<1x128xi32, #tpu.memory_space<vmem>> -> memref<128xi32, #tpu.memory_space<vmem>>
        %dma_start3A_216 = arith.constant 0 : i32
        %dma_start3A_217 = arith.constant 0 : i32
        %dma_start3A_218 = tpu.memref_slice %arg4[%dma_start3A_216, %dma_start3A_217] : memref<100000x64xf32, #tpu.memory_space<hbm>> -> memref<100000x64xf32, #tpu.memory_space<hbm>>
        tpu.enqueue_indirect_dma source(%dma_start3A_218 : memref<100000x64xf32, #tpu.memory_space<hbm>>) target(%dma_start3A_212 : memref<128x64xf32, #tpu.memory_space<vmem>>) offsets(%dma_start3A_215 : memref<128xi32, #tpu.memory_space<vmem>>) semaphore(%arg13 : memref<!tpu.dma_semaphore, #tpu.memory_space<semaphore_mem>>)
        %dma_start3A_219 = arith.constant 0 : i32
        %dma_start3A_220 = arith.constant 0 : i32
        %dma_start3A_221 = arith.constant 128 : i32
        %dma_start3A_222 = arith.constant 0 : i32
        %dma_start3A_223 = tpu.memref_slice %arg10[%dma_start3A_220, %dma_start3A_221, %dma_start3A_222] : memref<2x512x64xf32, #tpu.memory_space<vmem>> -> memref<1x128x64xf32, #tpu.memory_space<vmem>>
        %dma_start3A_224 = tpu.memref_squeeze %dma_start3A_223 : memref<1x128x64xf32, #tpu.memory_space<vmem>> -> memref<128x64xf32, #tpu.memory_space<vmem>>
        %dma_start3A_225 = arith.constant 128 : i32
        %dma_start3A_226 = tpu.memref_slice %arg8[%dma_start3A_219, %dma_start3A_225] : memref<2x512xi32, #tpu.memory_space<vmem>> -> memref<1x128xi32, #tpu.memory_space<vmem>>
        %dma_start3A_227 = tpu.memref_squeeze %dma_start3A_226 : memref<1x128xi32, #tpu.memory_space<vmem>> -> memref<128xi32, #tpu.memory_space<vmem>>
        %dma_start3A_228 = arith.constant 0 : i32
        %dma_start3A_229 = arith.constant 0 : i32
        %dma_start3A_230 = tpu.memref_slice %arg4[%dma_start3A_228, %dma_start3A_229] : memref<100000x64xf32, #tpu.memory_space<hbm>> -> memref<100000x64xf32, #tpu.memory_space<hbm>>
        tpu.enqueue_indirect_dma source(%dma_start3A_230 : memref<100000x64xf32, #tpu.memory_space<hbm>>) target(%dma_start3A_224 : memref<128x64xf32, #tpu.memory_space<vmem>>) offsets(%dma_start3A_227 : memref<128xi32, #tpu.memory_space<vmem>>) semaphore(%arg13 : memref<!tpu.dma_semaphore, #tpu.memory_space<semaphore_mem>>)
        %dma_start3A_231 = arith.constant 0 : i32
        %dma_start3A_232 = arith.constant 0 : i32
        %dma_start3A_233 = arith.constant 256 : i32
        %dma_start3A_234 = arith.constant 0 : i32
        %dma_start3A_235 = tpu.memref_slice %arg10[%dma_start3A_232, %dma_start3A_233, %dma_start3A_234] : memref<2x512x64xf32, #tpu.memory_space<vmem>> -> memref<1x128x64xf32, #tpu.memory_space<vmem>>
        %dma_start3A_236 = tpu.memref_squeeze %dma_start3A_235 : memref<1x128x64xf32, #tpu.memory_space<vmem>> -> memref<128x64xf32, #tpu.memory_space<vmem>>
        %dma_start3A_237 = arith.constant 256 : i32
        %dma_start3A_238 = tpu.memref_slice %arg8[%dma_start3A_231, %dma_start3A_237] : memref<2x512xi32, #tpu.memory_space<vmem>> -> memref<1x128xi32, #tpu.memory_space<vmem>>
        %dma_start3A_239 = tpu.memref_squeeze %dma_start3A_238 : memref<1x128xi32, #tpu.memory_space<vmem>> -> memref<128xi32, #tpu.memory_space<vmem>>
        %dma_start3A_240 = arith.constant 0 : i32
        %dma_start3A_241 = arith.constant 0 : i32
        %dma_start3A_242 = tpu.memref_slice %arg4[%dma_start3A_240, %dma_start3A_241] : memref<100000x64xf32, #tpu.memory_space<hbm>> -> memref<100000x64xf32, #tpu.memory_space<hbm>>
        tpu.enqueue_indirect_dma source(%dma_start3A_242 : memref<100000x64xf32, #tpu.memory_space<hbm>>) target(%dma_start3A_236 : memref<128x64xf32, #tpu.memory_space<vmem>>) offsets(%dma_start3A_239 : memref<128xi32, #tpu.memory_space<vmem>>) semaphore(%arg13 : memref<!tpu.dma_semaphore, #tpu.memory_space<semaphore_mem>>)
        %dma_start3A_243 = arith.constant 0 : i32
        %dma_start3A_244 = arith.constant 0 : i32
        %dma_start3A_245 = arith.constant 384 : i32
        %dma_start3A_246 = arith.constant 0 : i32
        %dma_start3A_247 = tpu.memref_slice %arg10[%dma_start3A_244, %dma_start3A_245, %dma_start3A_246] : memref<2x512x64xf32, #tpu.memory_space<vmem>> -> memref<1x128x64xf32, #tpu.memory_space<vmem>>
        %dma_start3A_248 = tpu.memref_squeeze %dma_start3A_247 : memref<1x128x64xf32, #tpu.memory_space<vmem>> -> memref<128x64xf32, #tpu.memory_space<vmem>>
        %dma_start3A_249 = arith.constant 384 : i32
        %dma_start3A_250 = tpu.memref_slice %arg8[%dma_start3A_243, %dma_start3A_249] : memref<2x512xi32, #tpu.memory_space<vmem>> -> memref<1x128xi32, #tpu.memory_space<vmem>>
        %dma_start3A_251 = tpu.memref_squeeze %dma_start3A_250 : memref<1x128xi32, #tpu.memory_space<vmem>> -> memref<128xi32, #tpu.memory_space<vmem>>
        %dma_start3A_252 = arith.constant 0 : i32
        %dma_start3A_253 = arith.constant 0 : i32
        %dma_start3A_254 = tpu.memref_slice %arg4[%dma_start3A_252, %dma_start3A_253] : memref<100000x64xf32, #tpu.memory_space<hbm>> -> memref<100000x64xf32, #tpu.memory_space<hbm>>
        tpu.enqueue_indirect_dma source(%dma_start3A_254 : memref<100000x64xf32, #tpu.memory_space<hbm>>) target(%dma_start3A_248 : memref<128x64xf32, #tpu.memory_space<vmem>>) offsets(%dma_start3A_251 : memref<128xi32, #tpu.memory_space<vmem>>) semaphore(%arg13 : memref<!tpu.dma_semaphore, #tpu.memory_space<semaphore_mem>>)
      } else {
      }
      %dma_wait3A_156 = arith.constant 1 : i32
      %dma_wait3A_157 = arith.constant 0 : i32
      %dma_wait3A_158 = arith.constant 0 : i32
      %dma_wait3A_159 = tpu.memref_slice %arg10[%dma_wait3A_156, %dma_wait3A_157, %dma_wait3A_158] : memref<2x512x64xf32, #tpu.memory_space<vmem>> -> memref<1x512x64xf32, #tpu.memory_space<vmem>>
      %dma_wait3A_160 = tpu.memref_squeeze %dma_wait3A_159 : memref<1x512x64xf32, #tpu.memory_space<vmem>> -> memref<512x64xf32, #tpu.memory_space<vmem>>
      %dma_wait3A_161 = arith.constant 0 : i32
      %dma_wait3A_162 = arith.constant 0 : i32
      %dma_wait3A_163 = tpu.memref_slice %arg7[%dma_wait3A_161, %dma_wait3A_162] : memref<819200x64xf32, #tpu.memory_space<hbm>> -> memref<512x64xf32, #tpu.memory_space<hbm>>
      %dma_wait3A_164 = arith.constant 0 : i32
      %dma_wait3A_165 = arith.constant 0 : i32
      %dma_wait3A_166 = tpu.memref_slice %arg10[%dma_wait3A_156, %dma_wait3A_164, %dma_wait3A_165] : memref<2x512x64xf32, #tpu.memory_space<vmem>> -> memref<1x512x64xf32, #tpu.memory_space<vmem>>
      %dma_wait3A_167 = tpu.memref_squeeze %dma_wait3A_166 : memref<1x512x64xf32, #tpu.memory_space<vmem>> -> memref<512x64xf32, #tpu.memory_space<vmem>>
      %dma_wait3A_168 = arith.constant 0 : i32
      %dma_wait3A_169 = arith.constant 0 : i32
      %dma_wait3A_170 = tpu.memref_slice %arg7[%dma_wait3A_168, %dma_wait3A_169] : memref<819200x64xf32, #tpu.memory_space<hbm>> -> memref<512x64xf32, #tpu.memory_space<hbm>>
      tpu.wait_dma2 semaphore(%arg14 : memref<!tpu.dma_semaphore, #tpu.memory_space<semaphore_mem>>) src(%dma_wait3A_170 : memref<512x64xf32, #tpu.memory_space<hbm>>) dst(%dma_wait3A_167 : memref<512x64xf32, #tpu.memory_space<vmem>>)
      %scan3A_171 = arith.constant 0 : i32
      %scan3A_172 = arith.constant 32 : i32
      %scan3A_173 = arith.addi %scan3A_171, %scan3A_172 : i32
      %scan3A_174 = arith.constant 1 : i32
      %scan3A_175 = scf.for %scan3A_200 = %scan3A_171 to %scan3A_173 step %scan3A_174 iter_args(%scan3A_201 = %select_n3A) -> (i32)  : i32 {
        %mul3A_202 = arith.constant 16 : i32
        %mul3A_203 = arith.muli %scan3A_200, %mul3A_202 : i32
        %get3A_204 = arith.constant 1 : i32
        %get3A_205 = arith.index_cast %get3A_204 : i32 to index
        %get3A_206 = arith.index_cast %mul3A_203 : i32 to index
        %get3A_207 = tpu.vector_load %arg9[%get3A_205, %get3A_206] {strides = array<i32>} : memref<2x512xf32, #tpu.memory_space<vmem>>, vector<1x16xf32>,
        %get3A_208 = vector.shape_cast %get3A_207 : vector<1x16xf32> to vector<16xf32>
        %mul3A_209 = arith.constant 16 : i32
        %mul3A_210 = arith.muli %scan3A_200, %mul3A_209 : i32
        %add3A_211 = arith.constant 0 : i32
        %add3A_212 = arith.addi %mul3A_210, %add3A_211 : i32
        %slice3A = vector.extract_strided_slice %get3A_208 {offsets = [0], sizes = [1], strides = [1]} : vector<16xf32> to vector<1xf32>
        %squeeze3A = vector.extract %slice3A[0] : f32 from vector<1xf32>
        %broadcast_in_dim3A = vector.broadcast %squeeze3A : f32 to vector<16xf32>
        %add3A_213 = arith.constant 0 : i32
        %add3A_214 = arith.addi %scan3A_201, %add3A_213 : i32
        %get3A_215 = arith.index_cast %add3A_214 : i32 to index
        %get3A_216 = arith.constant 0 : index
        %get3A_217 = tpu.vector_load %arg11[%get3A_215, %get3A_216] {strides = array<i32>} : memref<400x64xf32, #tpu.memory_space<vmem>>, vector<1x16xf32>,
        %get3A_218 = vector.shape_cast %get3A_217 : vector<1x16xf32> to vector<16xf32>
        %mul3A_219 = arith.mulf %broadcast_in_dim3A, %get3A_2 : vector<16xf32>
        %add3A_220 = arith.addf %get3A_218, %mul3A_219 : vector<16xf32>
        %swap3A = arith.constant 1 : i32
        %swap3A_221 = arith.index_cast %swap3A : i32 to index
        %swap3A_222 = arith.index_cast %add3A_212 : i32 to index
        %swap3A_223 = arith.constant 0 : index
        %swap3A_224 = tpu.vector_load %arg10[%swap3A_221, %swap3A_222, %swap3A_223] {strides = array<i32>} : memref<2x512x64xf32, #tpu.memory_space<vmem>>, vector<1x1x16xf32>,
        %swap3A_225 = vector.shape_cast %swap3A_224 : vector<1x1x16xf32> to vector<16xf32>
        %swap3A_226 = vector.shape_cast %add3A_220 : vector<16xf32> to vector<1x1x16xf32>
        tpu.vector_store %arg10[%swap3A_221, %swap3A_222, %swap3A_223], %swap3A_226 {add = true, strides = array<i32>} : memref<2x512x64xf32, #tpu.memory_space<vmem>>, vector<1x1x16xf32>,
        %add3A_227 = arith.constant 0 : i32
        %add3A_228 = arith.addi %scan3A_201, %add3A_227 : i32
        %get3A_229 = arith.index_cast %add3A_228 : i32 to index
        %get3A_230 = arith.constant 16 : index
        %get3A_231 = tpu.vector_load %arg11[%get3A_229, %get3A_230] {strides = array<i32>} : memref<400x64xf32, #tpu.memory_space<vmem>>, vector<1x16xf32>,
        %get3A_232 = vector.shape_cast %get3A_231 : vector<1x16xf32> to vector<16xf32>
        %mul3A_233 = arith.mulf %broadcast_in_dim3A, %get3A_5 : vector<16xf32>
        %add3A_234 = arith.addf %get3A_232, %mul3A_233 : vector<16xf32>
        %swap3A_235 = arith.constant 1 : i32
        %swap3A_236 = arith.index_cast %swap3A_235 : i32 to index
        %swap3A_237 = arith.index_cast %add3A_212 : i32 to index
        %swap3A_238 = arith.constant 16 : index
        %swap3A_239 = tpu.vector_load %arg10[%swap3A_236, %swap3A_237, %swap3A_238] {strides = array<i32>} : memref<2x512x64xf32, #tpu.memory_space<vmem>>, vector<1x1x16xf32>,
        %swap3A_240 = vector.shape_cast %swap3A_239 : vector<1x1x16xf32> to vector<16xf32>
        %swap3A_241 = vector.shape_cast %add3A_234 : vector<16xf32> to vector<1x1x16xf32>
        tpu.vector_store %arg10[%swap3A_236, %swap3A_237, %swap3A_238], %swap3A_241 {add = true, strides = array<i32>} : memref<2x512x64xf32, #tpu.memory_space<vmem>>, vector<1x1x16xf32>,
        %add3A_242 = arith.constant 0 : i32
        %add3A_243 = arith.addi %scan3A_201, %add3A_242 : i32
        %get3A_244 = arith.index_cast %add3A_243 : i32 to index
        %get3A_245 = arith.constant 32 : index
        %get3A_246 = tpu.vector_load %arg11[%get3A_244, %get3A_245] {strides = array<i32>} : memref<400x64xf32, #tpu.memory_space<vmem>>, vector<1x16xf32>,
        %get3A_247 = vector.shape_cast %get3A_246 : vector<1x16xf32> to vector<16xf32>
        %mul3A_248 = arith.mulf %broadcast_in_dim3A, %get3A_8 : vector<16xf32>
        %add3A_249 = arith.addf %get3A_247, %mul3A_248 : vector<16xf32>
        %swap3A_250 = arith.constant 1 : i32
        %swap3A_251 = arith.index_cast %swap3A_250 : i32 to index
        %swap3A_252 = arith.index_cast %add3A_212 : i32 to index
        %swap3A_253 = arith.constant 32 : index
        %swap3A_254 = tpu.vector_load %arg10[%swap3A_251, %swap3A_252, %swap3A_253] {strides = array<i32>} : memref<2x512x64xf32, #tpu.memory_space<vmem>>, vector<1x1x16xf32>,
        %swap3A_255 = vector.shape_cast %swap3A_254 : vector<1x1x16xf32> to vector<16xf32>
        %swap3A_256 = vector.shape_cast %add3A_249 : vector<16xf32> to vector<1x1x16xf32>
        tpu.vector_store %arg10[%swap3A_251, %swap3A_252, %swap3A_253], %swap3A_256 {add = true, strides = array<i32>} : memref<2x512x64xf32, #tpu.memory_space<vmem>>, vector<1x1x16xf32>,
        %add3A_257 = arith.constant 0 : i32
        %add3A_258 = arith.addi %scan3A_201, %add3A_257 : i32
        %get3A_259 = arith.index_cast %add3A_258 : i32 to index
        %get3A_260 = arith.constant 48 : index
        %get3A_261 = tpu.vector_load %arg11[%get3A_259, %get3A_260] {strides = array<i32>} : memref<400x64xf32, #tpu.memory_space<vmem>>, vector<1x16xf32>,
        %get3A_262 = vector.shape_cast %get3A_261 : vector<1x16xf32> to vector<16xf32>
        %mul3A_263 = arith.mulf %broadcast_in_dim3A, %get3A_11 : vector<16xf32>
        %add3A_264 = arith.addf %get3A_262, %mul3A_263 : vector<16xf32>
        %swap3A_265 = arith.constant 1 : i32
        %swap3A_266 = arith.index_cast %swap3A_265 : i32 to index
        %swap3A_267 = arith.index_cast %add3A_212 : i32 to index
        %swap3A_268 = arith.constant 48 : index
        %swap3A_269 = tpu.vector_load %arg10[%swap3A_266, %swap3A_267, %swap3A_268] {strides = array<i32>} : memref<2x512x64xf32, #tpu.memory_space<vmem>>, vector<1x1x16xf32>,
        %swap3A_270 = vector.shape_cast %swap3A_269 : vector<1x1x16xf32> to vector<16xf32>
        %swap3A_271 = vector.shape_cast %add3A_264 : vector<16xf32> to vector<1x1x16xf32>
        tpu.vector_store %arg10[%swap3A_266, %swap3A_267, %swap3A_268], %swap3A_271 {add = true, strides = array<i32>} : memref<2x512x64xf32, #tpu.memory_space<vmem>>, vector<1x1x16xf32>,
        %mul3A_272 = arith.constant 16 : i32
        %mul3A_273 = arith.muli %scan3A_200, %mul3A_272 : i32
        %add3A_274 = arith.constant 1 : i32
        %add3A_275 = arith.addi %mul3A_273, %add3A_274 : i32
        %slice3A_276 = vector.extract_strided_slice %get3A_208 {offsets = [1], sizes = [1], strides = [1]} : vector<16xf32> to vector<1xf32>
        %squeeze3A_277 = vector.extract %slice3A_276[0] : f32 from vector<1xf32>
        %broadcast_in_dim3A_278 = vector.broadcast %squeeze3A_277 : f32 to vector<16xf32>
        %add3A_279 = arith.constant 1 : i32
        %add3A_280 = arith.addi %scan3A_201, %add3A_279 : i32
        %get3A_281 = arith.index_cast %add3A_280 : i32 to index
        %get3A_282 = arith.constant 0 : index
        %get3A_283 = tpu.vector_load %arg11[%get3A_281, %get3A_282] {strides = array<i32>} : memref<400x64xf32, #tpu.memory_space<vmem>>, vector<1x16xf32>,
        %get3A_284 = vector.shape_cast %get3A_283 : vector<1x16xf32> to vector<16xf32>
        %mul3A_285 = arith.mulf %broadcast_in_dim3A_278, %get3A_2 : vector<16xf32>
        %add3A_286 = arith.addf %get3A_284, %mul3A_285 : vector<16xf32>
        %swap3A_287 = arith.constant 1 : i32
        %swap3A_288 = arith.index_cast %swap3A_287 : i32 to index
        %swap3A_289 = arith.index_cast %add3A_275 : i32 to index
        %swap3A_290 = arith.constant 0 : index
        %swap3A_291 = tpu.vector_load %arg10[%swap3A_288, %swap3A_289, %swap3A_290] {strides = array<i32>} : memref<2x512x64xf32, #tpu.memory_space<vmem>>, vector<1x1x16xf32>,
        %swap3A_292 = vector.shape_cast %swap3A_291 : vector<1x1x16xf32> to vector<16xf32>
        %swap3A_293 = vector.shape_cast %add3A_286 : vector<16xf32> to vector<1x1x16xf32>
        tpu.vector_store %arg10[%swap3A_288, %swap3A_289, %swap3A_290], %swap3A_293 {add = true, strides = array<i32>} : memref<2x512x64xf32, #tpu.memory_space<vmem>>, vector<1x1x16xf32>,
        %add3A_294 = arith.constant 1 : i32
        %add3A_295 = arith.addi %scan3A_201, %add3A_294 : i32
        %get3A_296 = arith.index_cast %add3A_295 : i32 to index
        %get3A_297 = arith.constant 16 : index
        %get3A_298 = tpu.vector_load %arg11[%get3A_296, %get3A_297] {strides = array<i32>} : memref<400x64xf32, #tpu.memory_space<vmem>>, vector<1x16xf32>,
        %get3A_299 = vector.shape_cast %get3A_298 : vector<1x16xf32> to vector<16xf32>
        %mul3A_300 = arith.mulf %broadcast_in_dim3A_278, %get3A_5 : vector<16xf32>
        %add3A_301 = arith.addf %get3A_299, %mul3A_300 : vector<16xf32>
        %swap3A_302 = arith.constant 1 : i32
        %swap3A_303 = arith.index_cast %swap3A_302 : i32 to index
        %swap3A_304 = arith.index_cast %add3A_275 : i32 to index
        %swap3A_305 = arith.constant 16 : index
        %swap3A_306 = tpu.vector_load %arg10[%swap3A_303, %swap3A_304, %swap3A_305] {strides = array<i32>} : memref<2x512x64xf32, #tpu.memory_space<vmem>>, vector<1x1x16xf32>,
        %swap3A_307 = vector.shape_cast %swap3A_306 : vector<1x1x16xf32> to vector<16xf32>
        %swap3A_308 = vector.shape_cast %add3A_301 : vector<16xf32> to vector<1x1x16xf32>
        tpu.vector_store %arg10[%swap3A_303, %swap3A_304, %swap3A_305], %swap3A_308 {add = true, strides = array<i32>} : memref<2x512x64xf32, #tpu.memory_space<vmem>>, vector<1x1x16xf32>,
        %add3A_309 = arith.constant 1 : i32
        %add3A_310 = arith.addi %scan3A_201, %add3A_309 : i32
        %get3A_311 = arith.index_cast %add3A_310 : i32 to index
        %get3A_312 = arith.constant 32 : index
        %get3A_313 = tpu.vector_load %arg11[%get3A_311, %get3A_312] {strides = array<i32>} : memref<400x64xf32, #tpu.memory_space<vmem>>, vector<1x16xf32>,
        %get3A_314 = vector.shape_cast %get3A_313 : vector<1x16xf32> to vector<16xf32>
        %mul3A_315 = arith.mulf %broadcast_in_dim3A_278, %get3A_8 : vector<16xf32>
        %add3A_316 = arith.addf %get3A_314, %mul3A_315 : vector<16xf32>
        %swap3A_317 = arith.constant 1 : i32
        %swap3A_318 = arith.index_cast %swap3A_317 : i32 to index
        %swap3A_319 = arith.index_cast %add3A_275 : i32 to index
        %swap3A_320 = arith.constant 32 : index
        %swap3A_321 = tpu.vector_load %arg10[%swap3A_318, %swap3A_319, %swap3A_320] {strides = array<i32>} : memref<2x512x64xf32, #tpu.memory_space<vmem>>, vector<1x1x16xf32>,
        %swap3A_322 = vector.shape_cast %swap3A_321 : vector<1x1x16xf32> to vector<16xf32>
        %swap3A_323 = vector.shape_cast %add3A_316 : vector<16xf32> to vector<1x1x16xf32>
        tpu.vector_store %arg10[%swap3A_318, %swap3A_319, %swap3A_320], %swap3A_323 {add = true, strides = array<i32>} : memref<2x512x64xf32, #tpu.memory_space<vmem>>, vector<1x1x16xf32>,
        %add3A_324 = arith.constant 1 : i32
        %add3A_325 = arith.addi %scan3A_201, %add3A_324 : i32
        %get3A_326 = arith.index_cast %add3A_325 : i32 to index
        %get3A_327 = arith.constant 48 : index
        %get3A_328 = tpu.vector_load %arg11[%get3A_326, %get3A_327] {strides = array<i32>} : memref<400x64xf32, #tpu.memory_space<vmem>>, vector<1x16xf32>,
        %get3A_329 = vector.shape_cast %get3A_328 : vector<1x16xf32> to vector<16xf32>
        %mul3A_330 = arith.mulf %broadcast_in_dim3A_278, %get3A_11 : vector<16xf32>
        %add3A_331 = arith.addf %get3A_329, %mul3A_330 : vector<16xf32>
        %swap3A_332 = arith.constant 1 : i32
        %swap3A_333 = arith.index_cast %swap3A_332 : i32 to index
        %swap3A_334 = arith.index_cast %add3A_275 : i32 to index
        %swap3A_335 = arith.constant 48 : index
        %swap3A_336 = tpu.vector_load %arg10[%swap3A_333, %swap3A_334, %swap3A_335] {strides = array<i32>} : memref<2x512x64xf32, #tpu.memory_space<vmem>>, vector<1x1x16xf32>,
        %swap3A_337 = vector.shape_cast %swap3A_336 : vector<1x1x16xf32> to vector<16xf32>
        %swap3A_338 = vector.shape_cast %add3A_331 : vector<16xf32> to vector<1x1x16xf32>
        tpu.vector_store %arg10[%swap3A_333, %swap3A_334, %swap3A_335], %swap3A_338 {add = true, strides = array<i32>} : memref<2x512x64xf32, #tpu.memory_space<vmem>>, vector<1x1x16xf32>,
        %mul3A_339 = arith.constant 16 : i32
        %mul3A_340 = arith.muli %scan3A_200, %mul3A_339 : i32
        %add3A_341 = arith.constant 2 : i32
        %add3A_342 = arith.addi %mul3A_340, %add3A_341 : i32
        %slice3A_343 = vector.extract_strided_slice %get3A_208 {offsets = [2], sizes = [1], strides = [1]} : vector<16xf32> to vector<1xf32>
        %squeeze3A_344 = vector.extract %slice3A_343[0] : f32 from vector<1xf32>
        %broadcast_in_dim3A_345 = vector.broadcast %squeeze3A_344 : f32 to vector<16xf32>
        %add3A_346 = arith.constant 2 : i32
        %add3A_347 = arith.addi %scan3A_201, %add3A_346 : i32
        %get3A_348 = arith.index_cast %add3A_347 : i32 to index
        %get3A_349 = arith.constant 0 : index
        %get3A_350 = tpu.vector_load %arg11[%get3A_348, %get3A_349] {strides = array<i32>} : memref<400x64xf32, #tpu.memory_space<vmem>>, vector<1x16xf32>,
        %get3A_351 = vector.shape_cast %get3A_350 : vector<1x16xf32> to vector<16xf32>
        %mul3A_352 = arith.mulf %broadcast_in_dim3A_345, %get3A_2 : vector<16xf32>
        %add3A_353 = arith.addf %get3A_351, %mul3A_352 : vector<16xf32>
        %swap3A_354 = arith.constant 1 : i32
        %swap3A_355 = arith.index_cast %swap3A_354 : i32 to index
        %swap3A_356 = arith.index_cast %add3A_342 : i32 to index
        %swap3A_357 = arith.constant 0 : index
        %swap3A_358 = tpu.vector_load %arg10[%swap3A_355, %swap3A_356, %swap3A_357] {strides = array<i32>} : memref<2x512x64xf32, #tpu.memory_space<vmem>>, vector<1x1x16xf32>,
        %swap3A_359 = vector.shape_cast %swap3A_358 : vector<1x1x16xf32> to vector<16xf32>
        %swap3A_360 = vector.shape_cast %add3A_353 : vector<16xf32> to vector<1x1x16xf32>
        tpu.vector_store %arg10[%swap3A_355, %swap3A_356, %swap3A_357], %swap3A_360 {add = true, strides = array<i32>} : memref<2x512x64xf32, #tpu.memory_space<vmem>>, vector<1x1x16xf32>,
        %add3A_361 = arith.constant 2 : i32
        %add3A_362 = arith.addi %scan3A_201, %add3A_361 : i32
        %get3A_363 = arith.index_cast %add3A_362 : i32 to index
        %get3A_364 = arith.constant 16 : index
        %get3A_365 = tpu.vector_load %arg11[%get3A_363, %get3A_364] {strides = array<i32>} : memref<400x64xf32, #tpu.memory_space<vmem>>, vector<1x16xf32>,
        %get3A_366 = vector.shape_cast %get3A_365 : vector<1x16xf32> to vector<16xf32>
        %mul3A_367 = arith.mulf %broadcast_in_dim3A_345, %get3A_5 : vector<16xf32>
        %add3A_368 = arith.addf %get3A_366, %mul3A_367 : vector<16xf32>
        %swap3A_369 = arith.constant 1 : i32
        %swap3A_370 = arith.index_cast %swap3A_369 : i32 to index
        %swap3A_371 = arith.index_cast %add3A_342 : i32 to index
        %swap3A_372 = arith.constant 16 : index
        %swap3A_373 = tpu.vector_load %arg10[%swap3A_370, %swap3A_371, %swap3A_372] {strides = array<i32>} : memref<2x512x64xf32, #tpu.memory_space<vmem>>, vector<1x1x16xf32>,
        %swap3A_374 = vector.shape_cast %swap3A_373 : vector<1x1x16xf32> to vector<16xf32>
        %swap3A_375 = vector.shape_cast %add3A_368 : vector<16xf32> to vector<1x1x16xf32>
        tpu.vector_store %arg10[%swap3A_370, %swap3A_371, %swap3A_372], %swap3A_375 {add = true, strides = array<i32>} : memref<2x512x64xf32, #tpu.memory_space<vmem>>, vector<1x1x16xf32>,
        %add3A_376 = arith.constant 2 : i32
        %add3A_377 = arith.addi %scan3A_201, %add3A_376 : i32
        %get3A_378 = arith.index_cast %add3A_377 : i32 to index
        %get3A_379 = arith.constant 32 : index
        %get3A_380 = tpu.vector_load %arg11[%get3A_378, %get3A_379] {strides = array<i32>} : memref<400x64xf32, #tpu.memory_space<vmem>>, vector<1x16xf32>,
        %get3A_381 = vector.shape_cast %get3A_380 : vector<1x16xf32> to vector<16xf32>
        %mul3A_382 = arith.mulf %broadcast_in_dim3A_345, %get3A_8 : vector<16xf32>
        %add3A_383 = arith.addf %get3A_381, %mul3A_382 : vector<16xf32>
        %swap3A_384 = arith.constant 1 : i32
        %swap3A_385 = arith.index_cast %swap3A_384 : i32 to index
        %swap3A_386 = arith.index_cast %add3A_342 : i32 to index
        %swap3A_387 = arith.constant 32 : index
        %swap3A_388 = tpu.vector_load %arg10[%swap3A_385, %swap3A_386, %swap3A_387] {strides = array<i32>} : memref<2x512x64xf32, #tpu.memory_space<vmem>>, vector<1x1x16xf32>,
        %swap3A_389 = vector.shape_cast %swap3A_388 : vector<1x1x16xf32> to vector<16xf32>
        %swap3A_390 = vector.shape_cast %add3A_383 : vector<16xf32> to vector<1x1x16xf32>
        tpu.vector_store %arg10[%swap3A_385, %swap3A_386, %swap3A_387], %swap3A_390 {add = true, strides = array<i32>} : memref<2x512x64xf32, #tpu.memory_space<vmem>>, vector<1x1x16xf32>,
        %add3A_391 = arith.constant 2 : i32
        %add3A_392 = arith.addi %scan3A_201, %add3A_391 : i32
        %get3A_393 = arith.index_cast %add3A_392 : i32 to index
        %get3A_394 = arith.constant 48 : index
        %get3A_395 = tpu.vector_load %arg11[%get3A_393, %get3A_394] {strides = array<i32>} : memref<400x64xf32, #tpu.memory_space<vmem>>, vector<1x16xf32>,
        %get3A_396 = vector.shape_cast %get3A_395 : vector<1x16xf32> to vector<16xf32>
        %mul3A_397 = arith.mulf %broadcast_in_dim3A_345, %get3A_11 : vector<16xf32>
        %add3A_398 = arith.addf %get3A_396, %mul3A_397 : vector<16xf32>
        %swap3A_399 = arith.constant 1 : i32
        %swap3A_400 = arith.index_cast %swap3A_399 : i32 to index
        %swap3A_401 = arith.index_cast %add3A_342 : i32 to index
        %swap3A_402 = arith.constant 48 : index
        %swap3A_403 = tpu.vector_load %arg10[%swap3A_400, %swap3A_401, %swap3A_402] {strides = array<i32>} : memref<2x512x64xf32, #tpu.memory_space<vmem>>, vector<1x1x16xf32>,
        %swap3A_404 = vector.shape_cast %swap3A_403 : vector<1x1x16xf32> to vector<16xf32>
        %swap3A_405 = vector.shape_cast %add3A_398 : vector<16xf32> to vector<1x1x16xf32>
        tpu.vector_store %arg10[%swap3A_400, %swap3A_401, %swap3A_402], %swap3A_405 {add = true, strides = array<i32>} : memref<2x512x64xf32, #tpu.memory_space<vmem>>, vector<1x1x16xf32>,
        %mul3A_406 = arith.constant 16 : i32
        %mul3A_407 = arith.muli %scan3A_200, %mul3A_406 : i32
        %add3A_408 = arith.constant 3 : i32
        %add3A_409 = arith.addi %mul3A_407, %add3A_408 : i32
        %slice3A_410 = vector.extract_strided_slice %get3A_208 {offsets = [3], sizes = [1], strides = [1]} : vector<16xf32> to vector<1xf32>
        %squeeze3A_411 = vector.extract %slice3A_410[0] : f32 from vector<1xf32>
        %broadcast_in_dim3A_412 = vector.broadcast %squeeze3A_411 : f32 to vector<16xf32>
        %add3A_413 = arith.constant 3 : i32
        %add3A_414 = arith.addi %scan3A_201, %add3A_413 : i32
        %get3A_415 = arith.index_cast %add3A_414 : i32 to index
        %get3A_416 = arith.constant 0 : index
        %get3A_417 = tpu.vector_load %arg11[%get3A_415, %get3A_416] {strides = array<i32>} : memref<400x64xf32, #tpu.memory_space<vmem>>, vector<1x16xf32>,
        %get3A_418 = vector.shape_cast %get3A_417 : vector<1x16xf32> to vector<16xf32>
        %mul3A_419 = arith.mulf %broadcast_in_dim3A_412, %get3A_2 : vector<16xf32>
        %add3A_420 = arith.addf %get3A_418, %mul3A_419 : vector<16xf32>
        %swap3A_421 = arith.constant 1 : i32
        %swap3A_422 = arith.index_cast %swap3A_421 : i32 to index
        %swap3A_423 = arith.index_cast %add3A_409 : i32 to index
        %swap3A_424 = arith.constant 0 : index
        %swap3A_425 = tpu.vector_load %arg10[%swap3A_422, %swap3A_423, %swap3A_424] {strides = array<i32>} : memref<2x512x64xf32, #tpu.memory_space<vmem>>, vector<1x1x16xf32>,
        %swap3A_426 = vector.shape_cast %swap3A_425 : vector<1x1x16xf32> to vector<16xf32>
        %swap3A_427 = vector.shape_cast %add3A_420 : vector<16xf32> to vector<1x1x16xf32>
        tpu.vector_store %arg10[%swap3A_422, %swap3A_423, %swap3A_424], %swap3A_427 {add = true, strides = array<i32>} : memref<2x512x64xf32, #tpu.memory_space<vmem>>, vector<1x1x16xf32>,
        %add3A_428 = arith.constant 3 : i32
        %add3A_429 = arith.addi %scan3A_201, %add3A_428 : i32
        %get3A_430 = arith.index_cast %add3A_429 : i32 to index
        %get3A_431 = arith.constant 16 : index
        %get3A_432 = tpu.vector_load %arg11[%get3A_430, %get3A_431] {strides = array<i32>} : memref<400x64xf32, #tpu.memory_space<vmem>>, vector<1x16xf32>,
        %get3A_433 = vector.shape_cast %get3A_432 : vector<1x16xf32> to vector<16xf32>
        %mul3A_434 = arith.mulf %broadcast_in_dim3A_412, %get3A_5 : vector<16xf32>
        %add3A_435 = arith.addf %get3A_433, %mul3A_434 : vector<16xf32>
        %swap3A_436 = arith.constant 1 : i32
        %swap3A_437 = arith.index_cast %swap3A_436 : i32 to index
        %swap3A_438 = arith.index_cast %add3A_409 : i32 to index
        %swap3A_439 = arith.constant 16 : index
        %swap3A_440 = tpu.vector_load %arg10[%swap3A_437, %swap3A_438, %swap3A_439] {strides = array<i32>} : memref<2x512x64xf32, #tpu.memory_space<vmem>>, vector<1x1x16xf32>,
        %swap3A_441 = vector.shape_cast %swap3A_440 : vector<1x1x16xf32> to vector<16xf32>
        %swap3A_442 = vector.shape_cast %add3A_435 : vector<16xf32> to vector<1x1x16xf32>
        tpu.vector_store %arg10[%swap3A_437, %swap3A_438, %swap3A_439], %swap3A_442 {add = true, strides = array<i32>} : memref<2x512x64xf32, #tpu.memory_space<vmem>>, vector<1x1x16xf32>,
        %add3A_443 = arith.constant 3 : i32
        %add3A_444 = arith.addi %scan3A_201, %add3A_443 : i32
        %get3A_445 = arith.index_cast %add3A_444 : i32 to index
        %get3A_446 = arith.constant 32 : index
        %get3A_447 = tpu.vector_load %arg11[%get3A_445, %get3A_446] {strides = array<i32>} : memref<400x64xf32, #tpu.memory_space<vmem>>, vector<1x16xf32>,
        %get3A_448 = vector.shape_cast %get3A_447 : vector<1x16xf32> to vector<16xf32>
        %mul3A_449 = arith.mulf %broadcast_in_dim3A_412, %get3A_8 : vector<16xf32>
        %add3A_450 = arith.addf %get3A_448, %mul3A_449 : vector<16xf32>
        %swap3A_451 = arith.constant 1 : i32
        %swap3A_452 = arith.index_cast %swap3A_451 : i32 to index
        %swap3A_453 = arith.index_cast %add3A_409 : i32 to index
        %swap3A_454 = arith.constant 32 : index
        %swap3A_455 = tpu.vector_load %arg10[%swap3A_452, %swap3A_453, %swap3A_454] {strides = array<i32>} : memref<2x512x64xf32, #tpu.memory_space<vmem>>, vector<1x1x16xf32>,
        %swap3A_456 = vector.shape_cast %swap3A_455 : vector<1x1x16xf32> to vector<16xf32>
        %swap3A_457 = vector.shape_cast %add3A_450 : vector<16xf32> to vector<1x1x16xf32>
        tpu.vector_store %arg10[%swap3A_452, %swap3A_453, %swap3A_454], %swap3A_457 {add = true, strides = array<i32>} : memref<2x512x64xf32, #tpu.memory_space<vmem>>, vector<1x1x16xf32>,
        %add3A_458 = arith.constant 3 : i32
        %add3A_459 = arith.addi %scan3A_201, %add3A_458 : i32
        %get3A_460 = arith.index_cast %add3A_459 : i32 to index
        %get3A_461 = arith.constant 48 : index
        %get3A_462 = tpu.vector_load %arg11[%get3A_460, %get3A_461] {strides = array<i32>} : memref<400x64xf32, #tpu.memory_space<vmem>>, vector<1x16xf32>,
        %get3A_463 = vector.shape_cast %get3A_462 : vector<1x16xf32> to vector<16xf32>
        %mul3A_464 = arith.mulf %broadcast_in_dim3A_412, %get3A_11 : vector<16xf32>
        %add3A_465 = arith.addf %get3A_463, %mul3A_464 : vector<16xf32>
        %swap3A_466 = arith.constant 1 : i32
        %swap3A_467 = arith.index_cast %swap3A_466 : i32 to index
        %swap3A_468 = arith.index_cast %add3A_409 : i32 to index
        %swap3A_469 = arith.constant 48 : index
        %swap3A_470 = tpu.vector_load %arg10[%swap3A_467, %swap3A_468, %swap3A_469] {strides = array<i32>} : memref<2x512x64xf32, #tpu.memory_space<vmem>>, vector<1x1x16xf32>,
        %swap3A_471 = vector.shape_cast %swap3A_470 : vector<1x1x16xf32> to vector<16xf32>
        %swap3A_472 = vector.shape_cast %add3A_465 : vector<16xf32> to vector<1x1x16xf32>
        tpu.vector_store %arg10[%swap3A_467, %swap3A_468, %swap3A_469], %swap3A_472 {add = true, strides = array<i32>} : memref<2x512x64xf32, #tpu.memory_space<vmem>>, vector<1x1x16xf32>,
        %mul3A_473 = arith.constant 16 : i32
        %mul3A_474 = arith.muli %scan3A_200, %mul3A_473 : i32
        %add3A_475 = arith.constant 4 : i32
        %add3A_476 = arith.addi %mul3A_474, %add3A_475 : i32
        %slice3A_477 = vector.extract_strided_slice %get3A_208 {offsets = [4], sizes = [1], strides = [1]} : vector<16xf32> to vector<1xf32>
        %squeeze3A_478 = vector.extract %slice3A_477[0] : f32 from vector<1xf32>
        %broadcast_in_dim3A_479 = vector.broadcast %squeeze3A_478 : f32 to vector<16xf32>
        %add3A_480 = arith.constant 4 : i32
        %add3A_481 = arith.addi %scan3A_201, %add3A_480 : i32
        %get3A_482 = arith.index_cast %add3A_481 : i32 to index
        %get3A_483 = arith.constant 0 : index
        %get3A_484 = tpu.vector_load %arg11[%get3A_482, %get3A_483] {strides = array<i32>} : memref<400x64xf32, #tpu.memory_space<vmem>>, vector<1x16xf32>,
        %get3A_485 = vector.shape_cast %get3A_484 : vector<1x16xf32> to vector<16xf32>
        %mul3A_486 = arith.mulf %broadcast_in_dim3A_479, %get3A_2 : vector<16xf32>
        %add3A_487 = arith.addf %get3A_485, %mul3A_486 : vector<16xf32>
        %swap3A_488 = arith.constant 1 : i32
        %swap3A_489 = arith.index_cast %swap3A_488 : i32 to index
        %swap3A_490 = arith.index_cast %add3A_476 : i32 to index
        %swap3A_491 = arith.constant 0 : index
        %swap3A_492 = tpu.vector_load %arg10[%swap3A_489, %swap3A_490, %swap3A_491] {strides = array<i32>} : memref<2x512x64xf32, #tpu.memory_space<vmem>>, vector<1x1x16xf32>,
        %swap3A_493 = vector.shape_cast %swap3A_492 : vector<1x1x16xf32> to vector<16xf32>
        %swap3A_494 = vector.shape_cast %add3A_487 : vector<16xf32> to vector<1x1x16xf32>
        tpu.vector_store %arg10[%swap3A_489, %swap3A_490, %swap3A_491], %swap3A_494 {add = true, strides = array<i32>} : memref<2x512x64xf32, #tpu.memory_space<vmem>>, vector<1x1x16xf32>,
        %add3A_495 = arith.constant 4 : i32
        %add3A_496 = arith.addi %scan3A_201, %add3A_495 : i32
        %get3A_497 = arith.index_cast %add3A_496 : i32 to index
        %get3A_498 = arith.constant 16 : index
        %get3A_499 = tpu.vector_load %arg11[%get3A_497, %get3A_498] {strides = array<i32>} : memref<400x64xf32, #tpu.memory_space<vmem>>, vector<1x16xf32>,
        %get3A_500 = vector.shape_cast %get3A_499 : vector<1x16xf32> to vector<16xf32>
        %mul3A_501 = arith.mulf %broadcast_in_dim3A_479, %get3A_5 : vector<16xf32>
        %add3A_502 = arith.addf %get3A_500, %mul3A_501 : vector<16xf32>
        %swap3A_503 = arith.constant 1 : i32
        %swap3A_504 = arith.index_cast %swap3A_503 : i32 to index
        %swap3A_505 = arith.index_cast %add3A_476 : i32 to index
        %swap3A_506 = arith.constant 16 : index
        %swap3A_507 = tpu.vector_load %arg10[%swap3A_504, %swap3A_505, %swap3A_506] {strides = array<i32>} : memref<2x512x64xf32, #tpu.memory_space<vmem>>, vector<1x1x16xf32>,
        %swap3A_508 = vector.shape_cast %swap3A_507 : vector<1x1x16xf32> to vector<16xf32>
        %swap3A_509 = vector.shape_cast %add3A_502 : vector<16xf32> to vector<1x1x16xf32>
        tpu.vector_store %arg10[%swap3A_504, %swap3A_505, %swap3A_506], %swap3A_509 {add = true, strides = array<i32>} : memref<2x512x64xf32, #tpu.memory_space<vmem>>, vector<1x1x16xf32>,
        %add3A_510 = arith.constant 4 : i32
        %add3A_511 = arith.addi %scan3A_201, %add3A_510 : i32
        %get3A_512 = arith.index_cast %add3A_511 : i32 to index
        %get3A_513 = arith.constant 32 : index
        %get3A_514 = tpu.vector_load %arg11[%get3A_512, %get3A_513] {strides = array<i32>} : memref<400x64xf32, #tpu.memory_space<vmem>>, vector<1x16xf32>,
        %get3A_515 = vector.shape_cast %get3A_514 : vector<1x16xf32> to vector<16xf32>
        %mul3A_516 = arith.mulf %broadcast_in_dim3A_479, %get3A_8 : vector<16xf32>
        %add3A_517 = arith.addf %get3A_515, %mul3A_516 : vector<16xf32>
        %swap3A_518 = arith.constant 1 : i32
        %swap3A_519 = arith.index_cast %swap3A_518 : i32 to index
        %swap3A_520 = arith.index_cast %add3A_476 : i32 to index
        %swap3A_521 = arith.constant 32 : index
        %swap3A_522 = tpu.vector_load %arg10[%swap3A_519, %swap3A_520, %swap3A_521] {strides = array<i32>} : memref<2x512x64xf32, #tpu.memory_space<vmem>>, vector<1x1x16xf32>,
        %swap3A_523 = vector.shape_cast %swap3A_522 : vector<1x1x16xf32> to vector<16xf32>
        %swap3A_524 = vector.shape_cast %add3A_517 : vector<16xf32> to vector<1x1x16xf32>
        tpu.vector_store %arg10[%swap3A_519, %swap3A_520, %swap3A_521], %swap3A_524 {add = true, strides = array<i32>} : memref<2x512x64xf32, #tpu.memory_space<vmem>>, vector<1x1x16xf32>,
        %add3A_525 = arith.constant 4 : i32
        %add3A_526 = arith.addi %scan3A_201, %add3A_525 : i32
        %get3A_527 = arith.index_cast %add3A_526 : i32 to index
        %get3A_528 = arith.constant 48 : index
        %get3A_529 = tpu.vector_load %arg11[%get3A_527, %get3A_528] {strides = array<i32>} : memref<400x64xf32, #tpu.memory_space<vmem>>, vector<1x16xf32>,
        %get3A_530 = vector.shape_cast %get3A_529 : vector<1x16xf32> to vector<16xf32>
        %mul3A_531 = arith.mulf %broadcast_in_dim3A_479, %get3A_11 : vector<16xf32>
        %add3A_532 = arith.addf %get3A_530, %mul3A_531 : vector<16xf32>
        %swap3A_533 = arith.constant 1 : i32
        %swap3A_534 = arith.index_cast %swap3A_533 : i32 to index
        %swap3A_535 = arith.index_cast %add3A_476 : i32 to index
        %swap3A_536 = arith.constant 48 : index
        %swap3A_537 = tpu.vector_load %arg10[%swap3A_534, %swap3A_535, %swap3A_536] {strides = array<i32>} : memref<2x512x64xf32, #tpu.memory_space<vmem>>, vector<1x1x16xf32>,
        %swap3A_538 = vector.shape_cast %swap3A_537 : vector<1x1x16xf32> to vector<16xf32>
        %swap3A_539 = vector.shape_cast %add3A_532 : vector<16xf32> to vector<1x1x16xf32>
        tpu.vector_store %arg10[%swap3A_534, %swap3A_535, %swap3A_536], %swap3A_539 {add = true, strides = array<i32>} : memref<2x512x64xf32, #tpu.memory_space<vmem>>, vector<1x1x16xf32>,
        %mul3A_540 = arith.constant 16 : i32
        %mul3A_541 = arith.muli %scan3A_200, %mul3A_540 : i32
        %add3A_542 = arith.constant 5 : i32
        %add3A_543 = arith.addi %mul3A_541, %add3A_542 : i32
        %slice3A_544 = vector.extract_strided_slice %get3A_208 {offsets = [5], sizes = [1], strides = [1]} : vector<16xf32> to vector<1xf32>
        %squeeze3A_545 = vector.extract %slice3A_544[0] : f32 from vector<1xf32>
        %broadcast_in_dim3A_546 = vector.broadcast %squeeze3A_545 : f32 to vector<16xf32>
        %add3A_547 = arith.constant 5 : i32
        %add3A_548 = arith.addi %scan3A_201, %add3A_547 : i32
        %get3A_549 = arith.index_cast %add3A_548 : i32 to index
        %get3A_550 = arith.constant 0 : index
        %get3A_551 = tpu.vector_load %arg11[%get3A_549, %get3A_550] {strides = array<i32>} : memref<400x64xf32, #tpu.memory_space<vmem>>, vector<1x16xf32>,
        %get3A_552 = vector.shape_cast %get3A_551 : vector<1x16xf32> to vector<16xf32>
        %mul3A_553 = arith.mulf %broadcast_in_dim3A_546, %get3A_2 : vector<16xf32>
        %add3A_554 = arith.addf %get3A_552, %mul3A_553 : vector<16xf32>
        %swap3A_555 = arith.constant 1 : i32
        %swap3A_556 = arith.index_cast %swap3A_555 : i32 to index
        %swap3A_557 = arith.index_cast %add3A_543 : i32 to index
        %swap3A_558 = arith.constant 0 : index
        %swap3A_559 = tpu.vector_load %arg10[%swap3A_556, %swap3A_557, %swap3A_558] {strides = array<i32>} : memref<2x512x64xf32, #tpu.memory_space<vmem>>, vector<1x1x16xf32>,
        %swap3A_560 = vector.shape_cast %swap3A_559 : vector<1x1x16xf32> to vector<16xf32>
        %swap3A_561 = vector.shape_cast %add3A_554 : vector<16xf32> to vector<1x1x16xf32>
        tpu.vector_store %arg10[%swap3A_556, %swap3A_557, %swap3A_558], %swap3A_561 {add = true, strides = array<i32>} : memref<2x512x64xf32, #tpu.memory_space<vmem>>, vector<1x1x16xf32>,
        %add3A_562 = arith.constant 5 : i32
        %add3A_563 = arith.addi %scan3A_201, %add3A_562 : i32
        %get3A_564 = arith.index_cast %add3A_563 : i32 to index
        %get3A_565 = arith.constant 16 : index
        %get3A_566 = tpu.vector_load %arg11[%get3A_564, %get3A_565] {strides = array<i32>} : memref<400x64xf32, #tpu.memory_space<vmem>>, vector<1x16xf32>,
        %get3A_567 = vector.shape_cast %get3A_566 : vector<1x16xf32> to vector<16xf32>
        %mul3A_568 = arith.mulf %broadcast_in_dim3A_546, %get3A_5 : vector<16xf32>
        %add3A_569 = arith.addf %get3A_567, %mul3A_568 : vector<16xf32>
        %swap3A_570 = arith.constant 1 : i32
        %swap3A_571 = arith.index_cast %swap3A_570 : i32 to index
        %swap3A_572 = arith.index_cast %add3A_543 : i32 to index
        %swap3A_573 = arith.constant 16 : index
        %swap3A_574 = tpu.vector_load %arg10[%swap3A_571, %swap3A_572, %swap3A_573] {strides = array<i32>} : memref<2x512x64xf32, #tpu.memory_space<vmem>>, vector<1x1x16xf32>,
        %swap3A_575 = vector.shape_cast %swap3A_574 : vector<1x1x16xf32> to vector<16xf32>
        %swap3A_576 = vector.shape_cast %add3A_569 : vector<16xf32> to vector<1x1x16xf32>
        tpu.vector_store %arg10[%swap3A_571, %swap3A_572, %swap3A_573], %swap3A_576 {add = true, strides = array<i32>} : memref<2x512x64xf32, #tpu.memory_space<vmem>>, vector<1x1x16xf32>,
        %add3A_577 = arith.constant 5 : i32
        %add3A_578 = arith.addi %scan3A_201, %add3A_577 : i32
        %get3A_579 = arith.index_cast %add3A_578 : i32 to index
        %get3A_580 = arith.constant 32 : index
        %get3A_581 = tpu.vector_load %arg11[%get3A_579, %get3A_580] {strides = array<i32>} : memref<400x64xf32, #tpu.memory_space<vmem>>, vector<1x16xf32>,
        %get3A_582 = vector.shape_cast %get3A_581 : vector<1x16xf32> to vector<16xf32>
        %mul3A_583 = arith.mulf %broadcast_in_dim3A_546, %get3A_8 : vector<16xf32>
        %add3A_584 = arith.addf %get3A_582, %mul3A_583 : vector<16xf32>
        %swap3A_585 = arith.constant 1 : i32
        %swap3A_586 = arith.index_cast %swap3A_585 : i32 to index
        %swap3A_587 = arith.index_cast %add3A_543 : i32 to index
        %swap3A_588 = arith.constant 32 : index
        %swap3A_589 = tpu.vector_load %arg10[%swap3A_586, %swap3A_587, %swap3A_588] {strides = array<i32>} : memref<2x512x64xf32, #tpu.memory_space<vmem>>, vector<1x1x16xf32>,
        %swap3A_590 = vector.shape_cast %swap3A_589 : vector<1x1x16xf32> to vector<16xf32>
        %swap3A_591 = vector.shape_cast %add3A_584 : vector<16xf32> to vector<1x1x16xf32>
        tpu.vector_store %arg10[%swap3A_586, %swap3A_587, %swap3A_588], %swap3A_591 {add = true, strides = array<i32>} : memref<2x512x64xf32, #tpu.memory_space<vmem>>, vector<1x1x16xf32>,
        %add3A_592 = arith.constant 5 : i32
        %add3A_593 = arith.addi %scan3A_201, %add3A_592 : i32
        %get3A_594 = arith.index_cast %add3A_593 : i32 to index
        %get3A_595 = arith.constant 48 : index
        %get3A_596 = tpu.vector_load %arg11[%get3A_594, %get3A_595] {strides = array<i32>} : memref<400x64xf32, #tpu.memory_space<vmem>>, vector<1x16xf32>,
        %get3A_597 = vector.shape_cast %get3A_596 : vector<1x16xf32> to vector<16xf32>
        %mul3A_598 = arith.mulf %broadcast_in_dim3A_546, %get3A_11 : vector<16xf32>
        %add3A_599 = arith.addf %get3A_597, %mul3A_598 : vector<16xf32>
        %swap3A_600 = arith.constant 1 : i32
        %swap3A_601 = arith.index_cast %swap3A_600 : i32 to index
        %swap3A_602 = arith.index_cast %add3A_543 : i32 to index
        %swap3A_603 = arith.constant 48 : index
        %swap3A_604 = tpu.vector_load %arg10[%swap3A_601, %swap3A_602, %swap3A_603] {strides = array<i32>} : memref<2x512x64xf32, #tpu.memory_space<vmem>>, vector<1x1x16xf32>,
        %swap3A_605 = vector.shape_cast %swap3A_604 : vector<1x1x16xf32> to vector<16xf32>
        %swap3A_606 = vector.shape_cast %add3A_599 : vector<16xf32> to vector<1x1x16xf32>
        tpu.vector_store %arg10[%swap3A_601, %swap3A_602, %swap3A_603], %swap3A_606 {add = true, strides = array<i32>} : memref<2x512x64xf32, #tpu.memory_space<vmem>>, vector<1x1x16xf32>,
        %mul3A_607 = arith.constant 16 : i32
        %mul3A_608 = arith.muli %scan3A_200, %mul3A_607 : i32
        %add3A_609 = arith.constant 6 : i32
        %add3A_610 = arith.addi %mul3A_608, %add3A_609 : i32
        %slice3A_611 = vector.extract_strided_slice %get3A_208 {offsets = [6], sizes = [1], strides = [1]} : vector<16xf32> to vector<1xf32>
        %squeeze3A_612 = vector.extract %slice3A_611[0] : f32 from vector<1xf32>
        %broadcast_in_dim3A_613 = vector.broadcast %squeeze3A_612 : f32 to vector<16xf32>
        %add3A_614 = arith.constant 6 : i32
        %add3A_615 = arith.addi %scan3A_201, %add3A_614 : i32
        %get3A_616 = arith.index_cast %add3A_615 : i32 to index
        %get3A_617 = arith.constant 0 : index
        %get3A_618 = tpu.vector_load %arg11[%get3A_616, %get3A_617] {strides = array<i32>} : memref<400x64xf32, #tpu.memory_space<vmem>>, vector<1x16xf32>,
        %get3A_619 = vector.shape_cast %get3A_618 : vector<1x16xf32> to vector<16xf32>
        %mul3A_620 = arith.mulf %broadcast_in_dim3A_613, %get3A_2 : vector<16xf32>
        %add3A_621 = arith.addf %get3A_619, %mul3A_620 : vector<16xf32>
        %swap3A_622 = arith.constant 1 : i32
        %swap3A_623 = arith.index_cast %swap3A_622 : i32 to index
        %swap3A_624 = arith.index_cast %add3A_610 : i32 to index
        %swap3A_625 = arith.constant 0 : index
        %swap3A_626 = tpu.vector_load %arg10[%swap3A_623, %swap3A_624, %swap3A_625] {strides = array<i32>} : memref<2x512x64xf32, #tpu.memory_space<vmem>>, vector<1x1x16xf32>,
        %swap3A_627 = vector.shape_cast %swap3A_626 : vector<1x1x16xf32> to vector<16xf32>
        %swap3A_628 = vector.shape_cast %add3A_621 : vector<16xf32> to vector<1x1x16xf32>
        tpu.vector_store %arg10[%swap3A_623, %swap3A_624, %swap3A_625], %swap3A_628 {add = true, strides = array<i32>} : memref<2x512x64xf32, #tpu.memory_space<vmem>>, vector<1x1x16xf32>,
        %add3A_629 = arith.constant 6 : i32
        %add3A_630 = arith.addi %scan3A_201, %add3A_629 : i32
        %get3A_631 = arith.index_cast %add3A_630 : i32 to index
        %get3A_632 = arith.constant 16 : index
        %get3A_633 = tpu.vector_load %arg11[%get3A_631, %get3A_632] {strides = array<i32>} : memref<400x64xf32, #tpu.memory_space<vmem>>, vector<1x16xf32>,
        %get3A_634 = vector.shape_cast %get3A_633 : vector<1x16xf32> to vector<16xf32>
        %mul3A_635 = arith.mulf %broadcast_in_dim3A_613, %get3A_5 : vector<16xf32>
        %add3A_636 = arith.addf %get3A_634, %mul3A_635 : vector<16xf32>
        %swap3A_637 = arith.constant 1 : i32
        %swap3A_638 = arith.index_cast %swap3A_637 : i32 to index
        %swap3A_639 = arith.index_cast %add3A_610 : i32 to index
        %swap3A_640 = arith.constant 16 : index
        %swap3A_641 = tpu.vector_load %arg10[%swap3A_638, %swap3A_639, %swap3A_640] {strides = array<i32>} : memref<2x512x64xf32, #tpu.memory_space<vmem>>, vector<1x1x16xf32>,
        %swap3A_642 = vector.shape_cast %swap3A_641 : vector<1x1x16xf32> to vector<16xf32>
        %swap3A_643 = vector.shape_cast %add3A_636 : vector<16xf32> to vector<1x1x16xf32>
        tpu.vector_store %arg10[%swap3A_638, %swap3A_639, %swap3A_640], %swap3A_643 {add = true, strides = array<i32>} : memref<2x512x64xf32, #tpu.memory_space<vmem>>, vector<1x1x16xf32>,
        %add3A_644 = arith.constant 6 : i32
        %add3A_645 = arith.addi %scan3A_201, %add3A_644 : i32
        %get3A_646 = arith.index_cast %add3A_645 : i32 to index
        %get3A_647 = arith.constant 32 : index
        %get3A_648 = tpu.vector_load %arg11[%get3A_646, %get3A_647] {strides = array<i32>} : memref<400x64xf32, #tpu.memory_space<vmem>>, vector<1x16xf32>,
        %get3A_649 = vector.shape_cast %get3A_648 : vector<1x16xf32> to vector<16xf32>
        %mul3A_650 = arith.mulf %broadcast_in_dim3A_613, %get3A_8 : vector<16xf32>
        %add3A_651 = arith.addf %get3A_649, %mul3A_650 : vector<16xf32>
        %swap3A_652 = arith.constant 1 : i32
        %swap3A_653 = arith.index_cast %swap3A_652 : i32 to index
        %swap3A_654 = arith.index_cast %add3A_610 : i32 to index
        %swap3A_655 = arith.constant 32 : index
        %swap3A_656 = tpu.vector_load %arg10[%swap3A_653, %swap3A_654, %swap3A_655] {strides = array<i32>} : memref<2x512x64xf32, #tpu.memory_space<vmem>>, vector<1x1x16xf32>,
        %swap3A_657 = vector.shape_cast %swap3A_656 : vector<1x1x16xf32> to vector<16xf32>
        %swap3A_658 = vector.shape_cast %add3A_651 : vector<16xf32> to vector<1x1x16xf32>
        tpu.vector_store %arg10[%swap3A_653, %swap3A_654, %swap3A_655], %swap3A_658 {add = true, strides = array<i32>} : memref<2x512x64xf32, #tpu.memory_space<vmem>>, vector<1x1x16xf32>,
        %add3A_659 = arith.constant 6 : i32
        %add3A_660 = arith.addi %scan3A_201, %add3A_659 : i32
        %get3A_661 = arith.index_cast %add3A_660 : i32 to index
        %get3A_662 = arith.constant 48 : index
        %get3A_663 = tpu.vector_load %arg11[%get3A_661, %get3A_662] {strides = array<i32>} : memref<400x64xf32, #tpu.memory_space<vmem>>, vector<1x16xf32>,
        %get3A_664 = vector.shape_cast %get3A_663 : vector<1x16xf32> to vector<16xf32>
        %mul3A_665 = arith.mulf %broadcast_in_dim3A_613, %get3A_11 : vector<16xf32>
        %add3A_666 = arith.addf %get3A_664, %mul3A_665 : vector<16xf32>
        %swap3A_667 = arith.constant 1 : i32
        %swap3A_668 = arith.index_cast %swap3A_667 : i32 to index
        %swap3A_669 = arith.index_cast %add3A_610 : i32 to index
        %swap3A_670 = arith.constant 48 : index
        %swap3A_671 = tpu.vector_load %arg10[%swap3A_668, %swap3A_669, %swap3A_670] {strides = array<i32>} : memref<2x512x64xf32, #tpu.memory_space<vmem>>, vector<1x1x16xf32>,
        %swap3A_672 = vector.shape_cast %swap3A_671 : vector<1x1x16xf32> to vector<16xf32>
        %swap3A_673 = vector.shape_cast %add3A_666 : vector<16xf32> to vector<1x1x16xf32>
        tpu.vector_store %arg10[%swap3A_668, %swap3A_669, %swap3A_670], %swap3A_673 {add = true, strides = array<i32>} : memref<2x512x64xf32, #tpu.memory_space<vmem>>, vector<1x1x16xf32>,
        %mul3A_674 = arith.constant 16 : i32
        %mul3A_675 = arith.muli %scan3A_200, %mul3A_674 : i32
        %add3A_676 = arith.constant 7 : i32
        %add3A_677 = arith.addi %mul3A_675, %add3A_676 : i32
        %slice3A_678 = vector.extract_strided_slice %get3A_208 {offsets = [7], sizes = [1], strides = [1]} : vector<16xf32> to vector<1xf32>
        %squeeze3A_679 = vector.extract %slice3A_678[0] : f32 from vector<1xf32>
        %broadcast_in_dim3A_680 = vector.broadcast %squeeze3A_679 : f32 to vector<16xf32>
        %add3A_681 = arith.constant 7 : i32
        %add3A_682 = arith.addi %scan3A_201, %add3A_681 : i32
        %get3A_683 = arith.index_cast %add3A_682 : i32 to index
        %get3A_684 = arith.constant 0 : index
        %get3A_685 = tpu.vector_load %arg11[%get3A_683, %get3A_684] {strides = array<i32>} : memref<400x64xf32, #tpu.memory_space<vmem>>, vector<1x16xf32>,
        %get3A_686 = vector.shape_cast %get3A_685 : vector<1x16xf32> to vector<16xf32>
        %mul3A_687 = arith.mulf %broadcast_in_dim3A_680, %get3A_2 : vector<16xf32>
        %add3A_688 = arith.addf %get3A_686, %mul3A_687 : vector<16xf32>
        %swap3A_689 = arith.constant 1 : i32
        %swap3A_690 = arith.index_cast %swap3A_689 : i32 to index
        %swap3A_691 = arith.index_cast %add3A_677 : i32 to index
        %swap3A_692 = arith.constant 0 : index
        %swap3A_693 = tpu.vector_load %arg10[%swap3A_690, %swap3A_691, %swap3A_692] {strides = array<i32>} : memref<2x512x64xf32, #tpu.memory_space<vmem>>, vector<1x1x16xf32>,
        %swap3A_694 = vector.shape_cast %swap3A_693 : vector<1x1x16xf32> to vector<16xf32>
        %swap3A_695 = vector.shape_cast %add3A_688 : vector<16xf32> to vector<1x1x16xf32>
        tpu.vector_store %arg10[%swap3A_690, %swap3A_691, %swap3A_692], %swap3A_695 {add = true, strides = array<i32>} : memref<2x512x64xf32, #tpu.memory_space<vmem>>, vector<1x1x16xf32>,
        %add3A_696 = arith.constant 7 : i32
        %add3A_697 = arith.addi %scan3A_201, %add3A_696 : i32
        %get3A_698 = arith.index_cast %add3A_697 : i32 to index
        %get3A_699 = arith.constant 16 : index
        %get3A_700 = tpu.vector_load %arg11[%get3A_698, %get3A_699] {strides = array<i32>} : memref<400x64xf32, #tpu.memory_space<vmem>>, vector<1x16xf32>,
        %get3A_701 = vector.shape_cast %get3A_700 : vector<1x16xf32> to vector<16xf32>
        %mul3A_702 = arith.mulf %broadcast_in_dim3A_680, %get3A_5 : vector<16xf32>
        %add3A_703 = arith.addf %get3A_701, %mul3A_702 : vector<16xf32>
        %swap3A_704 = arith.constant 1 : i32
        %swap3A_705 = arith.index_cast %swap3A_704 : i32 to index
        %swap3A_706 = arith.index_cast %add3A_677 : i32 to index
        %swap3A_707 = arith.constant 16 : index
        %swap3A_708 = tpu.vector_load %arg10[%swap3A_705, %swap3A_706, %swap3A_707] {strides = array<i32>} : memref<2x512x64xf32, #tpu.memory_space<vmem>>, vector<1x1x16xf32>,
        %swap3A_709 = vector.shape_cast %swap3A_708 : vector<1x1x16xf32> to vector<16xf32>
        %swap3A_710 = vector.shape_cast %add3A_703 : vector<16xf32> to vector<1x1x16xf32>
        tpu.vector_store %arg10[%swap3A_705, %swap3A_706, %swap3A_707], %swap3A_710 {add = true, strides = array<i32>} : memref<2x512x64xf32, #tpu.memory_space<vmem>>, vector<1x1x16xf32>,
        %add3A_711 = arith.constant 7 : i32
        %add3A_712 = arith.addi %scan3A_201, %add3A_711 : i32
        %get3A_713 = arith.index_cast %add3A_712 : i32 to index
        %get3A_714 = arith.constant 32 : index
        %get3A_715 = tpu.vector_load %arg11[%get3A_713, %get3A_714] {strides = array<i32>} : memref<400x64xf32, #tpu.memory_space<vmem>>, vector<1x16xf32>,
        %get3A_716 = vector.shape_cast %get3A_715 : vector<1x16xf32> to vector<16xf32>
        %mul3A_717 = arith.mulf %broadcast_in_dim3A_680, %get3A_8 : vector<16xf32>
        %add3A_718 = arith.addf %get3A_716, %mul3A_717 : vector<16xf32>
        %swap3A_719 = arith.constant 1 : i32
        %swap3A_720 = arith.index_cast %swap3A_719 : i32 to index
        %swap3A_721 = arith.index_cast %add3A_677 : i32 to index
        %swap3A_722 = arith.constant 32 : index
        %swap3A_723 = tpu.vector_load %arg10[%swap3A_720, %swap3A_721, %swap3A_722] {strides = array<i32>} : memref<2x512x64xf32, #tpu.memory_space<vmem>>, vector<1x1x16xf32>,
        %swap3A_724 = vector.shape_cast %swap3A_723 : vector<1x1x16xf32> to vector<16xf32>
        %swap3A_725 = vector.shape_cast %add3A_718 : vector<16xf32> to vector<1x1x16xf32>
        tpu.vector_store %arg10[%swap3A_720, %swap3A_721, %swap3A_722], %swap3A_725 {add = true, strides = array<i32>} : memref<2x512x64xf32, #tpu.memory_space<vmem>>, vector<1x1x16xf32>,
        %add3A_726 = arith.constant 7 : i32
        %add3A_727 = arith.addi %scan3A_201, %add3A_726 : i32
        %get3A_728 = arith.index_cast %add3A_727 : i32 to index
        %get3A_729 = arith.constant 48 : index
        %get3A_730 = tpu.vector_load %arg11[%get3A_728, %get3A_729] {strides = array<i32>} : memref<400x64xf32, #tpu.memory_space<vmem>>, vector<1x16xf32>,
        %get3A_731 = vector.shape_cast %get3A_730 : vector<1x16xf32> to vector<16xf32>
        %mul3A_732 = arith.mulf %broadcast_in_dim3A_680, %get3A_11 : vector<16xf32>
        %add3A_733 = arith.addf %get3A_731, %mul3A_732 : vector<16xf32>
        %swap3A_734 = arith.constant 1 : i32
        %swap3A_735 = arith.index_cast %swap3A_734 : i32 to index
        %swap3A_736 = arith.index_cast %add3A_677 : i32 to index
        %swap3A_737 = arith.constant 48 : index
        %swap3A_738 = tpu.vector_load %arg10[%swap3A_735, %swap3A_736, %swap3A_737] {strides = array<i32>} : memref<2x512x64xf32, #tpu.memory_space<vmem>>, vector<1x1x16xf32>,
        %swap3A_739 = vector.shape_cast %swap3A_738 : vector<1x1x16xf32> to vector<16xf32>
        %swap3A_740 = vector.shape_cast %add3A_733 : vector<16xf32> to vector<1x1x16xf32>
        tpu.vector_store %arg10[%swap3A_735, %swap3A_736, %swap3A_737], %swap3A_740 {add = true, strides = array<i32>} : memref<2x512x64xf32, #tpu.memory_space<vmem>>, vector<1x1x16xf32>,
        %mul3A_741 = arith.constant 16 : i32
        %mul3A_742 = arith.muli %scan3A_200, %mul3A_741 : i32
        %add3A_743 = arith.constant 8 : i32
        %add3A_744 = arith.addi %mul3A_742, %add3A_743 : i32
        %slice3A_745 = vector.extract_strided_slice %get3A_208 {offsets = [8], sizes = [1], strides = [1]} : vector<16xf32> to vector<1xf32>
        %squeeze3A_746 = vector.extract %slice3A_745[0] : f32 from vector<1xf32>
        %broadcast_in_dim3A_747 = vector.broadcast %squeeze3A_746 : f32 to vector<16xf32>
        %add3A_748 = arith.constant 8 : i32
        %add3A_749 = arith.addi %scan3A_201, %add3A_748 : i32
        %get3A_750 = arith.index_cast %add3A_749 : i32 to index
        %get3A_751 = arith.constant 0 : index
        %get3A_752 = tpu.vector_load %arg11[%get3A_750, %get3A_751] {strides = array<i32>} : memref<400x64xf32, #tpu.memory_space<vmem>>, vector<1x16xf32>,
        %get3A_753 = vector.shape_cast %get3A_752 : vector<1x16xf32> to vector<16xf32>
        %mul3A_754 = arith.mulf %broadcast_in_dim3A_747, %get3A_2 : vector<16xf32>
        %add3A_755 = arith.addf %get3A_753, %mul3A_754 : vector<16xf32>
        %swap3A_756 = arith.constant 1 : i32
        %swap3A_757 = arith.index_cast %swap3A_756 : i32 to index
        %swap3A_758 = arith.index_cast %add3A_744 : i32 to index
        %swap3A_759 = arith.constant 0 : index
        %swap3A_760 = tpu.vector_load %arg10[%swap3A_757, %swap3A_758, %swap3A_759] {strides = array<i32>} : memref<2x512x64xf32, #tpu.memory_space<vmem>>, vector<1x1x16xf32>,
        %swap3A_761 = vector.shape_cast %swap3A_760 : vector<1x1x16xf32> to vector<16xf32>
        %swap3A_762 = vector.shape_cast %add3A_755 : vector<16xf32> to vector<1x1x16xf32>
        tpu.vector_store %arg10[%swap3A_757, %swap3A_758, %swap3A_759], %swap3A_762 {add = true, strides = array<i32>} : memref<2x512x64xf32, #tpu.memory_space<vmem>>, vector<1x1x16xf32>,
        %add3A_763 = arith.constant 8 : i32
        %add3A_764 = arith.addi %scan3A_201, %add3A_763 : i32
        %get3A_765 = arith.index_cast %add3A_764 : i32 to index
        %get3A_766 = arith.constant 16 : index
        %get3A_767 = tpu.vector_load %arg11[%get3A_765, %get3A_766] {strides = array<i32>} : memref<400x64xf32, #tpu.memory_space<vmem>>, vector<1x16xf32>,
        %get3A_768 = vector.shape_cast %get3A_767 : vector<1x16xf32> to vector<16xf32>
        %mul3A_769 = arith.mulf %broadcast_in_dim3A_747, %get3A_5 : vector<16xf32>
        %add3A_770 = arith.addf %get3A_768, %mul3A_769 : vector<16xf32>
        %swap3A_771 = arith.constant 1 : i32
        %swap3A_772 = arith.index_cast %swap3A_771 : i32 to index
        %swap3A_773 = arith.index_cast %add3A_744 : i32 to index
        %swap3A_774 = arith.constant 16 : index
        %swap3A_775 = tpu.vector_load %arg10[%swap3A_772, %swap3A_773, %swap3A_774] {strides = array<i32>} : memref<2x512x64xf32, #tpu.memory_space<vmem>>, vector<1x1x16xf32>,
        %swap3A_776 = vector.shape_cast %swap3A_775 : vector<1x1x16xf32> to vector<16xf32>
        %swap3A_777 = vector.shape_cast %add3A_770 : vector<16xf32> to vector<1x1x16xf32>
        tpu.vector_store %arg10[%swap3A_772, %swap3A_773, %swap3A_774], %swap3A_777 {add = true, strides = array<i32>} : memref<2x512x64xf32, #tpu.memory_space<vmem>>, vector<1x1x16xf32>,
        %add3A_778 = arith.constant 8 : i32
        %add3A_779 = arith.addi %scan3A_201, %add3A_778 : i32
        %get3A_780 = arith.index_cast %add3A_779 : i32 to index
        %get3A_781 = arith.constant 32 : index
        %get3A_782 = tpu.vector_load %arg11[%get3A_780, %get3A_781] {strides = array<i32>} : memref<400x64xf32, #tpu.memory_space<vmem>>, vector<1x16xf32>,
        %get3A_783 = vector.shape_cast %get3A_782 : vector<1x16xf32> to vector<16xf32>
        %mul3A_784 = arith.mulf %broadcast_in_dim3A_747, %get3A_8 : vector<16xf32>
        %add3A_785 = arith.addf %get3A_783, %mul3A_784 : vector<16xf32>
        %swap3A_786 = arith.constant 1 : i32
        %swap3A_787 = arith.index_cast %swap3A_786 : i32 to index
        %swap3A_788 = arith.index_cast %add3A_744 : i32 to index
        %swap3A_789 = arith.constant 32 : index
        %swap3A_790 = tpu.vector_load %arg10[%swap3A_787, %swap3A_788, %swap3A_789] {strides = array<i32>} : memref<2x512x64xf32, #tpu.memory_space<vmem>>, vector<1x1x16xf32>,
        %swap3A_791 = vector.shape_cast %swap3A_790 : vector<1x1x16xf32> to vector<16xf32>
        %swap3A_792 = vector.shape_cast %add3A_785 : vector<16xf32> to vector<1x1x16xf32>
        tpu.vector_store %arg10[%swap3A_787, %swap3A_788, %swap3A_789], %swap3A_792 {add = true, strides = array<i32>} : memref<2x512x64xf32, #tpu.memory_space<vmem>>, vector<1x1x16xf32>,
        %add3A_793 = arith.constant 8 : i32
        %add3A_794 = arith.addi %scan3A_201, %add3A_793 : i32
        %get3A_795 = arith.index_cast %add3A_794 : i32 to index
        %get3A_796 = arith.constant 48 : index
        %get3A_797 = tpu.vector_load %arg11[%get3A_795, %get3A_796] {strides = array<i32>} : memref<400x64xf32, #tpu.memory_space<vmem>>, vector<1x16xf32>,
        %get3A_798 = vector.shape_cast %get3A_797 : vector<1x16xf32> to vector<16xf32>
        %mul3A_799 = arith.mulf %broadcast_in_dim3A_747, %get3A_11 : vector<16xf32>
        %add3A_800 = arith.addf %get3A_798, %mul3A_799 : vector<16xf32>
        %swap3A_801 = arith.constant 1 : i32
        %swap3A_802 = arith.index_cast %swap3A_801 : i32 to index
        %swap3A_803 = arith.index_cast %add3A_744 : i32 to index
        %swap3A_804 = arith.constant 48 : index
        %swap3A_805 = tpu.vector_load %arg10[%swap3A_802, %swap3A_803, %swap3A_804] {strides = array<i32>} : memref<2x512x64xf32, #tpu.memory_space<vmem>>, vector<1x1x16xf32>,
        %swap3A_806 = vector.shape_cast %swap3A_805 : vector<1x1x16xf32> to vector<16xf32>
        %swap3A_807 = vector.shape_cast %add3A_800 : vector<16xf32> to vector<1x1x16xf32>
        tpu.vector_store %arg10[%swap3A_802, %swap3A_803, %swap3A_804], %swap3A_807 {add = true, strides = array<i32>} : memref<2x512x64xf32, #tpu.memory_space<vmem>>, vector<1x1x16xf32>,
        %mul3A_808 = arith.constant 16 : i32
        %mul3A_809 = arith.muli %scan3A_200, %mul3A_808 : i32
        %add3A_810 = arith.constant 9 : i32
        %add3A_811 = arith.addi %mul3A_809, %add3A_810 : i32
        %slice3A_812 = vector.extract_strided_slice %get3A_208 {offsets = [9], sizes = [1], strides = [1]} : vector<16xf32> to vector<1xf32>
        %squeeze3A_813 = vector.extract %slice3A_812[0] : f32 from vector<1xf32>
        %broadcast_in_dim3A_814 = vector.broadcast %squeeze3A_813 : f32 to vector<16xf32>
        %add3A_815 = arith.constant 9 : i32
        %add3A_816 = arith.addi %scan3A_201, %add3A_815 : i32
        %get3A_817 = arith.index_cast %add3A_816 : i32 to index
        %get3A_818 = arith.constant 0 : index
        %get3A_819 = tpu.vector_load %arg11[%get3A_817, %get3A_818] {strides = array<i32>} : memref<400x64xf32, #tpu.memory_space<vmem>>, vector<1x16xf32>,
        %get3A_820 = vector.shape_cast %get3A_819 : vector<1x16xf32> to vector<16xf32>
        %mul3A_821 = arith.mulf %broadcast_in_dim3A_814, %get3A_2 : vector<16xf32>
        %add3A_822 = arith.addf %get3A_820, %mul3A_821 : vector<16xf32>
        %swap3A_823 = arith.constant 1 : i32
        %swap3A_824 = arith.index_cast %swap3A_823 : i32 to index
        %swap3A_825 = arith.index_cast %add3A_811 : i32 to index
        %swap3A_826 = arith.constant 0 : index
        %swap3A_827 = tpu.vector_load %arg10[%swap3A_824, %swap3A_825, %swap3A_826] {strides = array<i32>} : memref<2x512x64xf32, #tpu.memory_space<vmem>>, vector<1x1x16xf32>,
        %swap3A_828 = vector.shape_cast %swap3A_827 : vector<1x1x16xf32> to vector<16xf32>
        %swap3A_829 = vector.shape_cast %add3A_822 : vector<16xf32> to vector<1x1x16xf32>
        tpu.vector_store %arg10[%swap3A_824, %swap3A_825, %swap3A_826], %swap3A_829 {add = true, strides = array<i32>} : memref<2x512x64xf32, #tpu.memory_space<vmem>>, vector<1x1x16xf32>,
        %add3A_830 = arith.constant 9 : i32
        %add3A_831 = arith.addi %scan3A_201, %add3A_830 : i32
        %get3A_832 = arith.index_cast %add3A_831 : i32 to index
        %get3A_833 = arith.constant 16 : index
        %get3A_834 = tpu.vector_load %arg11[%get3A_832, %get3A_833] {strides = array<i32>} : memref<400x64xf32, #tpu.memory_space<vmem>>, vector<1x16xf32>,
        %get3A_835 = vector.shape_cast %get3A_834 : vector<1x16xf32> to vector<16xf32>
        %mul3A_836 = arith.mulf %broadcast_in_dim3A_814, %get3A_5 : vector<16xf32>
        %add3A_837 = arith.addf %get3A_835, %mul3A_836 : vector<16xf32>
        %swap3A_838 = arith.constant 1 : i32
        %swap3A_839 = arith.index_cast %swap3A_838 : i32 to index
        %swap3A_840 = arith.index_cast %add3A_811 : i32 to index
        %swap3A_841 = arith.constant 16 : index
        %swap3A_842 = tpu.vector_load %arg10[%swap3A_839, %swap3A_840, %swap3A_841] {strides = array<i32>} : memref<2x512x64xf32, #tpu.memory_space<vmem>>, vector<1x1x16xf32>,
        %swap3A_843 = vector.shape_cast %swap3A_842 : vector<1x1x16xf32> to vector<16xf32>
        %swap3A_844 = vector.shape_cast %add3A_837 : vector<16xf32> to vector<1x1x16xf32>
        tpu.vector_store %arg10[%swap3A_839, %swap3A_840, %swap3A_841], %swap3A_844 {add = true, strides = array<i32>} : memref<2x512x64xf32, #tpu.memory_space<vmem>>, vector<1x1x16xf32>,
        %add3A_845 = arith.constant 9 : i32
        %add3A_846 = arith.addi %scan3A_201, %add3A_845 : i32
        %get3A_847 = arith.index_cast %add3A_846 : i32 to index
        %get3A_848 = arith.constant 32 : index
        %get3A_849 = tpu.vector_load %arg11[%get3A_847, %get3A_848] {strides = array<i32>} : memref<400x64xf32, #tpu.memory_space<vmem>>, vector<1x16xf32>,
        %get3A_850 = vector.shape_cast %get3A_849 : vector<1x16xf32> to vector<16xf32>
        %mul3A_851 = arith.mulf %broadcast_in_dim3A_814, %get3A_8 : vector<16xf32>
        %add3A_852 = arith.addf %get3A_850, %mul3A_851 : vector<16xf32>
        %swap3A_853 = arith.constant 1 : i32
        %swap3A_854 = arith.index_cast %swap3A_853 : i32 to index
        %swap3A_855 = arith.index_cast %add3A_811 : i32 to index
        %swap3A_856 = arith.constant 32 : index
        %swap3A_857 = tpu.vector_load %arg10[%swap3A_854, %swap3A_855, %swap3A_856] {strides = array<i32>} : memref<2x512x64xf32, #tpu.memory_space<vmem>>, vector<1x1x16xf32>,
        %swap3A_858 = vector.shape_cast %swap3A_857 : vector<1x1x16xf32> to vector<16xf32>
        %swap3A_859 = vector.shape_cast %add3A_852 : vector<16xf32> to vector<1x1x16xf32>
        tpu.vector_store %arg10[%swap3A_854, %swap3A_855, %swap3A_856], %swap3A_859 {add = true, strides = array<i32>} : memref<2x512x64xf32, #tpu.memory_space<vmem>>, vector<1x1x16xf32>,
        %add3A_860 = arith.constant 9 : i32
        %add3A_861 = arith.addi %scan3A_201, %add3A_860 : i32
        %get3A_862 = arith.index_cast %add3A_861 : i32 to index
        %get3A_863 = arith.constant 48 : index
        %get3A_864 = tpu.vector_load %arg11[%get3A_862, %get3A_863] {strides = array<i32>} : memref<400x64xf32, #tpu.memory_space<vmem>>, vector<1x16xf32>,
        %get3A_865 = vector.shape_cast %get3A_864 : vector<1x16xf32> to vector<16xf32>
        %mul3A_866 = arith.mulf %broadcast_in_dim3A_814, %get3A_11 : vector<16xf32>
        %add3A_867 = arith.addf %get3A_865, %mul3A_866 : vector<16xf32>
        %swap3A_868 = arith.constant 1 : i32
        %swap3A_869 = arith.index_cast %swap3A_868 : i32 to index
        %swap3A_870 = arith.index_cast %add3A_811 : i32 to index
        %swap3A_871 = arith.constant 48 : index
        %swap3A_872 = tpu.vector_load %arg10[%swap3A_869, %swap3A_870, %swap3A_871] {strides = array<i32>} : memref<2x512x64xf32, #tpu.memory_space<vmem>>, vector<1x1x16xf32>,
        %swap3A_873 = vector.shape_cast %swap3A_872 : vector<1x1x16xf32> to vector<16xf32>
        %swap3A_874 = vector.shape_cast %add3A_867 : vector<16xf32> to vector<1x1x16xf32>
        tpu.vector_store %arg10[%swap3A_869, %swap3A_870, %swap3A_871], %swap3A_874 {add = true, strides = array<i32>} : memref<2x512x64xf32, #tpu.memory_space<vmem>>, vector<1x1x16xf32>,
        %mul3A_875 = arith.constant 16 : i32
        %mul3A_876 = arith.muli %scan3A_200, %mul3A_875 : i32
        %add3A_877 = arith.constant 10 : i32
        %add3A_878 = arith.addi %mul3A_876, %add3A_877 : i32
        %slice3A_879 = vector.extract_strided_slice %get3A_208 {offsets = [10], sizes = [1], strides = [1]} : vector<16xf32> to vector<1xf32>
        %squeeze3A_880 = vector.extract %slice3A_879[0] : f32 from vector<1xf32>
        %broadcast_in_dim3A_881 = vector.broadcast %squeeze3A_880 : f32 to vector<16xf32>
        %add3A_882 = arith.constant 10 : i32
        %add3A_883 = arith.addi %scan3A_201, %add3A_882 : i32
        %get3A_884 = arith.index_cast %add3A_883 : i32 to index
        %get3A_885 = arith.constant 0 : index
        %get3A_886 = tpu.vector_load %arg11[%get3A_884, %get3A_885] {strides = array<i32>} : memref<400x64xf32, #tpu.memory_space<vmem>>, vector<1x16xf32>,
        %get3A_887 = vector.shape_cast %get3A_886 : vector<1x16xf32> to vector<16xf32>
        %mul3A_888 = arith.mulf %broadcast_in_dim3A_881, %get3A_2 : vector<16xf32>
        %add3A_889 = arith.addf %get3A_887, %mul3A_888 : vector<16xf32>
        %swap3A_890 = arith.constant 1 : i32
        %swap3A_891 = arith.index_cast %swap3A_890 : i32 to index
        %swap3A_892 = arith.index_cast %add3A_878 : i32 to index
        %swap3A_893 = arith.constant 0 : index
        %swap3A_894 = tpu.vector_load %arg10[%swap3A_891, %swap3A_892, %swap3A_893] {strides = array<i32>} : memref<2x512x64xf32, #tpu.memory_space<vmem>>, vector<1x1x16xf32>,
        %swap3A_895 = vector.shape_cast %swap3A_894 : vector<1x1x16xf32> to vector<16xf32>
        %swap3A_896 = vector.shape_cast %add3A_889 : vector<16xf32> to vector<1x1x16xf32>
        tpu.vector_store %arg10[%swap3A_891, %swap3A_892, %swap3A_893], %swap3A_896 {add = true, strides = array<i32>} : memref<2x512x64xf32, #tpu.memory_space<vmem>>, vector<1x1x16xf32>,
        %add3A_897 = arith.constant 10 : i32
        %add3A_898 = arith.addi %scan3A_201, %add3A_897 : i32
        %get3A_899 = arith.index_cast %add3A_898 : i32 to index
        %get3A_900 = arith.constant 16 : index
        %get3A_901 = tpu.vector_load %arg11[%get3A_899, %get3A_900] {strides = array<i32>} : memref<400x64xf32, #tpu.memory_space<vmem>>, vector<1x16xf32>,
        %get3A_902 = vector.shape_cast %get3A_901 : vector<1x16xf32> to vector<16xf32>
        %mul3A_903 = arith.mulf %broadcast_in_dim3A_881, %get3A_5 : vector<16xf32>
        %add3A_904 = arith.addf %get3A_902, %mul3A_903 : vector<16xf32>
        %swap3A_905 = arith.constant 1 : i32
        %swap3A_906 = arith.index_cast %swap3A_905 : i32 to index
        %swap3A_907 = arith.index_cast %add3A_878 : i32 to index
        %swap3A_908 = arith.constant 16 : index
        %swap3A_909 = tpu.vector_load %arg10[%swap3A_906, %swap3A_907, %swap3A_908] {strides = array<i32>} : memref<2x512x64xf32, #tpu.memory_space<vmem>>, vector<1x1x16xf32>,
        %swap3A_910 = vector.shape_cast %swap3A_909 : vector<1x1x16xf32> to vector<16xf32>
        %swap3A_911 = vector.shape_cast %add3A_904 : vector<16xf32> to vector<1x1x16xf32>
        tpu.vector_store %arg10[%swap3A_906, %swap3A_907, %swap3A_908], %swap3A_911 {add = true, strides = array<i32>} : memref<2x512x64xf32, #tpu.memory_space<vmem>>, vector<1x1x16xf32>,
        %add3A_912 = arith.constant 10 : i32
        %add3A_913 = arith.addi %scan3A_201, %add3A_912 : i32
        %get3A_914 = arith.index_cast %add3A_913 : i32 to index
        %get3A_915 = arith.constant 32 : index
        %get3A_916 = tpu.vector_load %arg11[%get3A_914, %get3A_915] {strides = array<i32>} : memref<400x64xf32, #tpu.memory_space<vmem>>, vector<1x16xf32>,
        %get3A_917 = vector.shape_cast %get3A_916 : vector<1x16xf32> to vector<16xf32>
        %mul3A_918 = arith.mulf %broadcast_in_dim3A_881, %get3A_8 : vector<16xf32>
        %add3A_919 = arith.addf %get3A_917, %mul3A_918 : vector<16xf32>
        %swap3A_920 = arith.constant 1 : i32
        %swap3A_921 = arith.index_cast %swap3A_920 : i32 to index
        %swap3A_922 = arith.index_cast %add3A_878 : i32 to index
        %swap3A_923 = arith.constant 32 : index
        %swap3A_924 = tpu.vector_load %arg10[%swap3A_921, %swap3A_922, %swap3A_923] {strides = array<i32>} : memref<2x512x64xf32, #tpu.memory_space<vmem>>, vector<1x1x16xf32>,
        %swap3A_925 = vector.shape_cast %swap3A_924 : vector<1x1x16xf32> to vector<16xf32>
        %swap3A_926 = vector.shape_cast %add3A_919 : vector<16xf32> to vector<1x1x16xf32>
        tpu.vector_store %arg10[%swap3A_921, %swap3A_922, %swap3A_923], %swap3A_926 {add = true, strides = array<i32>} : memref<2x512x64xf32, #tpu.memory_space<vmem>>, vector<1x1x16xf32>,
        %add3A_927 = arith.constant 10 : i32
        %add3A_928 = arith.addi %scan3A_201, %add3A_927 : i32
        %get3A_929 = arith.index_cast %add3A_928 : i32 to index
        %get3A_930 = arith.constant 48 : index
        %get3A_931 = tpu.vector_load %arg11[%get3A_929, %get3A_930] {strides = array<i32>} : memref<400x64xf32, #tpu.memory_space<vmem>>, vector<1x16xf32>,
        %get3A_932 = vector.shape_cast %get3A_931 : vector<1x16xf32> to vector<16xf32>
        %mul3A_933 = arith.mulf %broadcast_in_dim3A_881, %get3A_11 : vector<16xf32>
        %add3A_934 = arith.addf %get3A_932, %mul3A_933 : vector<16xf32>
        %swap3A_935 = arith.constant 1 : i32
        %swap3A_936 = arith.index_cast %swap3A_935 : i32 to index
        %swap3A_937 = arith.index_cast %add3A_878 : i32 to index
        %swap3A_938 = arith.constant 48 : index
        %swap3A_939 = tpu.vector_load %arg10[%swap3A_936, %swap3A_937, %swap3A_938] {strides = array<i32>} : memref<2x512x64xf32, #tpu.memory_space<vmem>>, vector<1x1x16xf32>,
        %swap3A_940 = vector.shape_cast %swap3A_939 : vector<1x1x16xf32> to vector<16xf32>
        %swap3A_941 = vector.shape_cast %add3A_934 : vector<16xf32> to vector<1x1x16xf32>
        tpu.vector_store %arg10[%swap3A_936, %swap3A_937, %swap3A_938], %swap3A_941 {add = true, strides = array<i32>} : memref<2x512x64xf32, #tpu.memory_space<vmem>>, vector<1x1x16xf32>,
        %mul3A_942 = arith.constant 16 : i32
        %mul3A_943 = arith.muli %scan3A_200, %mul3A_942 : i32
        %add3A_944 = arith.constant 11 : i32
        %add3A_945 = arith.addi %mul3A_943, %add3A_944 : i32
        %slice3A_946 = vector.extract_strided_slice %get3A_208 {offsets = [11], sizes = [1], strides = [1]} : vector<16xf32> to vector<1xf32>
        %squeeze3A_947 = vector.extract %slice3A_946[0] : f32 from vector<1xf32>
        %broadcast_in_dim3A_948 = vector.broadcast %squeeze3A_947 : f32 to vector<16xf32>
        %add3A_949 = arith.constant 11 : i32
        %add3A_950 = arith.addi %scan3A_201, %add3A_949 : i32
        %get3A_951 = arith.index_cast %add3A_950 : i32 to index
        %get3A_952 = arith.constant 0 : index
        %get3A_953 = tpu.vector_load %arg11[%get3A_951, %get3A_952] {strides = array<i32>} : memref<400x64xf32, #tpu.memory_space<vmem>>, vector<1x16xf32>,
        %get3A_954 = vector.shape_cast %get3A_953 : vector<1x16xf32> to vector<16xf32>
        %mul3A_955 = arith.mulf %broadcast_in_dim3A_948, %get3A_2 : vector<16xf32>
        %add3A_956 = arith.addf %get3A_954, %mul3A_955 : vector<16xf32>
        %swap3A_957 = arith.constant 1 : i32
        %swap3A_958 = arith.index_cast %swap3A_957 : i32 to index
        %swap3A_959 = arith.index_cast %add3A_945 : i32 to index
        %swap3A_960 = arith.constant 0 : index
        %swap3A_961 = tpu.vector_load %arg10[%swap3A_958, %swap3A_959, %swap3A_960] {strides = array<i32>} : memref<2x512x64xf32, #tpu.memory_space<vmem>>, vector<1x1x16xf32>,
        %swap3A_962 = vector.shape_cast %swap3A_961 : vector<1x1x16xf32> to vector<16xf32>
        %swap3A_963 = vector.shape_cast %add3A_956 : vector<16xf32> to vector<1x1x16xf32>
        tpu.vector_store %arg10[%swap3A_958, %swap3A_959, %swap3A_960], %swap3A_963 {add = true, strides = array<i32>} : memref<2x512x64xf32, #tpu.memory_space<vmem>>, vector<1x1x16xf32>,
        %add3A_964 = arith.constant 11 : i32
        %add3A_965 = arith.addi %scan3A_201, %add3A_964 : i32
        %get3A_966 = arith.index_cast %add3A_965 : i32 to index
        %get3A_967 = arith.constant 16 : index
        %get3A_968 = tpu.vector_load %arg11[%get3A_966, %get3A_967] {strides = array<i32>} : memref<400x64xf32, #tpu.memory_space<vmem>>, vector<1x16xf32>,
        %get3A_969 = vector.shape_cast %get3A_968 : vector<1x16xf32> to vector<16xf32>
        %mul3A_970 = arith.mulf %broadcast_in_dim3A_948, %get3A_5 : vector<16xf32>
        %add3A_971 = arith.addf %get3A_969, %mul3A_970 : vector<16xf32>
        %swap3A_972 = arith.constant 1 : i32
        %swap3A_973 = arith.index_cast %swap3A_972 : i32 to index
        %swap3A_974 = arith.index_cast %add3A_945 : i32 to index
        %swap3A_975 = arith.constant 16 : index
        %swap3A_976 = tpu.vector_load %arg10[%swap3A_973, %swap3A_974, %swap3A_975] {strides = array<i32>} : memref<2x512x64xf32, #tpu.memory_space<vmem>>, vector<1x1x16xf32>,
        %swap3A_977 = vector.shape_cast %swap3A_976 : vector<1x1x16xf32> to vector<16xf32>
        %swap3A_978 = vector.shape_cast %add3A_971 : vector<16xf32> to vector<1x1x16xf32>
        tpu.vector_store %arg10[%swap3A_973, %swap3A_974, %swap3A_975], %swap3A_978 {add = true, strides = array<i32>} : memref<2x512x64xf32, #tpu.memory_space<vmem>>, vector<1x1x16xf32>,
        %add3A_979 = arith.constant 11 : i32
        %add3A_980 = arith.addi %scan3A_201, %add3A_979 : i32
        %get3A_981 = arith.index_cast %add3A_980 : i32 to index
        %get3A_982 = arith.constant 32 : index
        %get3A_983 = tpu.vector_load %arg11[%get3A_981, %get3A_982] {strides = array<i32>} : memref<400x64xf32, #tpu.memory_space<vmem>>, vector<1x16xf32>,
        %get3A_984 = vector.shape_cast %get3A_983 : vector<1x16xf32> to vector<16xf32>
        %mul3A_985 = arith.mulf %broadcast_in_dim3A_948, %get3A_8 : vector<16xf32>
        %add3A_986 = arith.addf %get3A_984, %mul3A_985 : vector<16xf32>
        %swap3A_987 = arith.constant 1 : i32
        %swap3A_988 = arith.index_cast %swap3A_987 : i32 to index
        %swap3A_989 = arith.index_cast %add3A_945 : i32 to index
        %swap3A_990 = arith.constant 32 : index
        %swap3A_991 = tpu.vector_load %arg10[%swap3A_988, %swap3A_989, %swap3A_990] {strides = array<i32>} : memref<2x512x64xf32, #tpu.memory_space<vmem>>, vector<1x1x16xf32>,
        %swap3A_992 = vector.shape_cast %swap3A_991 : vector<1x1x16xf32> to vector<16xf32>
        %swap3A_993 = vector.shape_cast %add3A_986 : vector<16xf32> to vector<1x1x16xf32>
        tpu.vector_store %arg10[%swap3A_988, %swap3A_989, %swap3A_990], %swap3A_993 {add = true, strides = array<i32>} : memref<2x512x64xf32, #tpu.memory_space<vmem>>, vector<1x1x16xf32>,
        %add3A_994 = arith.constant 11 : i32
        %add3A_995 = arith.addi %scan3A_201, %add3A_994 : i32
        %get3A_996 = arith.index_cast %add3A_995 : i32 to index
        %get3A_997 = arith.constant 48 : index
        %get3A_998 = tpu.vector_load %arg11[%get3A_996, %get3A_997] {strides = array<i32>} : memref<400x64xf32, #tpu.memory_space<vmem>>, vector<1x16xf32>,
        %get3A_999 = vector.shape_cast %get3A_998 : vector<1x16xf32> to vector<16xf32>
        %mul3A_1000 = arith.mulf %broadcast_in_dim3A_948, %get3A_11 : vector<16xf32>
        %add3A_1001 = arith.addf %get3A_999, %mul3A_1000 : vector<16xf32>
        %swap3A_1002 = arith.constant 1 : i32
        %swap3A_1003 = arith.index_cast %swap3A_1002 : i32 to index
        %swap3A_1004 = arith.index_cast %add3A_945 : i32 to index
        %swap3A_1005 = arith.constant 48 : index
        %swap3A_1006 = tpu.vector_load %arg10[%swap3A_1003, %swap3A_1004, %swap3A_1005] {strides = array<i32>} : memref<2x512x64xf32, #tpu.memory_space<vmem>>, vector<1x1x16xf32>,
        %swap3A_1007 = vector.shape_cast %swap3A_1006 : vector<1x1x16xf32> to vector<16xf32>
        %swap3A_1008 = vector.shape_cast %add3A_1001 : vector<16xf32> to vector<1x1x16xf32>
        tpu.vector_store %arg10[%swap3A_1003, %swap3A_1004, %swap3A_1005], %swap3A_1008 {add = true, strides = array<i32>} : memref<2x512x64xf32, #tpu.memory_space<vmem>>, vector<1x1x16xf32>,
        %mul3A_1009 = arith.constant 16 : i32
        %mul3A_1010 = arith.muli %scan3A_200, %mul3A_1009 : i32
        %add3A_1011 = arith.constant 12 : i32
        %add3A_1012 = arith.addi %mul3A_1010, %add3A_1011 : i32
        %slice3A_1013 = vector.extract_strided_slice %get3A_208 {offsets = [12], sizes = [1], strides = [1]} : vector<16xf32> to vector<1xf32>
        %squeeze3A_1014 = vector.extract %slice3A_1013[0] : f32 from vector<1xf32>
        %broadcast_in_dim3A_1015 = vector.broadcast %squeeze3A_1014 : f32 to vector<16xf32>
        %add3A_1016 = arith.constant 12 : i32
        %add3A_1017 = arith.addi %scan3A_201, %add3A_1016 : i32
        %get3A_1018 = arith.index_cast %add3A_1017 : i32 to index
        %get3A_1019 = arith.constant 0 : index
        %get3A_1020 = tpu.vector_load %arg11[%get3A_1018, %get3A_1019] {strides = array<i32>} : memref<400x64xf32, #tpu.memory_space<vmem>>, vector<1x16xf32>,
        %get3A_1021 = vector.shape_cast %get3A_1020 : vector<1x16xf32> to vector<16xf32>
        %mul3A_1022 = arith.mulf %broadcast_in_dim3A_1015, %get3A_2 : vector<16xf32>
        %add3A_1023 = arith.addf %get3A_1021, %mul3A_1022 : vector<16xf32>
        %swap3A_1024 = arith.constant 1 : i32
        %swap3A_1025 = arith.index_cast %swap3A_1024 : i32 to index
        %swap3A_1026 = arith.index_cast %add3A_1012 : i32 to index
        %swap3A_1027 = arith.constant 0 : index
        %swap3A_1028 = tpu.vector_load %arg10[%swap3A_1025, %swap3A_1026, %swap3A_1027] {strides = array<i32>} : memref<2x512x64xf32, #tpu.memory_space<vmem>>, vector<1x1x16xf32>,
        %swap3A_1029 = vector.shape_cast %swap3A_1028 : vector<1x1x16xf32> to vector<16xf32>
        %swap3A_1030 = vector.shape_cast %add3A_1023 : vector<16xf32> to vector<1x1x16xf32>
        tpu.vector_store %arg10[%swap3A_1025, %swap3A_1026, %swap3A_1027], %swap3A_1030 {add = true, strides = array<i32>} : memref<2x512x64xf32, #tpu.memory_space<vmem>>, vector<1x1x16xf32>,
        %add3A_1031 = arith.constant 12 : i32
        %add3A_1032 = arith.addi %scan3A_201, %add3A_1031 : i32
        %get3A_1033 = arith.index_cast %add3A_1032 : i32 to index
        %get3A_1034 = arith.constant 16 : index
        %get3A_1035 = tpu.vector_load %arg11[%get3A_1033, %get3A_1034] {strides = array<i32>} : memref<400x64xf32, #tpu.memory_space<vmem>>, vector<1x16xf32>,
        %get3A_1036 = vector.shape_cast %get3A_1035 : vector<1x16xf32> to vector<16xf32>
        %mul3A_1037 = arith.mulf %broadcast_in_dim3A_1015, %get3A_5 : vector<16xf32>
        %add3A_1038 = arith.addf %get3A_1036, %mul3A_1037 : vector<16xf32>
        %swap3A_1039 = arith.constant 1 : i32
        %swap3A_1040 = arith.index_cast %swap3A_1039 : i32 to index
        %swap3A_1041 = arith.index_cast %add3A_1012 : i32 to index
        %swap3A_1042 = arith.constant 16 : index
        %swap3A_1043 = tpu.vector_load %arg10[%swap3A_1040, %swap3A_1041, %swap3A_1042] {strides = array<i32>} : memref<2x512x64xf32, #tpu.memory_space<vmem>>, vector<1x1x16xf32>,
        %swap3A_1044 = vector.shape_cast %swap3A_1043 : vector<1x1x16xf32> to vector<16xf32>
        %swap3A_1045 = vector.shape_cast %add3A_1038 : vector<16xf32> to vector<1x1x16xf32>
        tpu.vector_store %arg10[%swap3A_1040, %swap3A_1041, %swap3A_1042], %swap3A_1045 {add = true, strides = array<i32>} : memref<2x512x64xf32, #tpu.memory_space<vmem>>, vector<1x1x16xf32>,
        %add3A_1046 = arith.constant 12 : i32
        %add3A_1047 = arith.addi %scan3A_201, %add3A_1046 : i32
        %get3A_1048 = arith.index_cast %add3A_1047 : i32 to index
        %get3A_1049 = arith.constant 32 : index
        %get3A_1050 = tpu.vector_load %arg11[%get3A_1048, %get3A_1049] {strides = array<i32>} : memref<400x64xf32, #tpu.memory_space<vmem>>, vector<1x16xf32>,
        %get3A_1051 = vector.shape_cast %get3A_1050 : vector<1x16xf32> to vector<16xf32>
        %mul3A_1052 = arith.mulf %broadcast_in_dim3A_1015, %get3A_8 : vector<16xf32>
        %add3A_1053 = arith.addf %get3A_1051, %mul3A_1052 : vector<16xf32>
        %swap3A_1054 = arith.constant 1 : i32
        %swap3A_1055 = arith.index_cast %swap3A_1054 : i32 to index
        %swap3A_1056 = arith.index_cast %add3A_1012 : i32 to index
        %swap3A_1057 = arith.constant 32 : index
        %swap3A_1058 = tpu.vector_load %arg10[%swap3A_1055, %swap3A_1056, %swap3A_1057] {strides = array<i32>} : memref<2x512x64xf32, #tpu.memory_space<vmem>>, vector<1x1x16xf32>,
        %swap3A_1059 = vector.shape_cast %swap3A_1058 : vector<1x1x16xf32> to vector<16xf32>
        %swap3A_1060 = vector.shape_cast %add3A_1053 : vector<16xf32> to vector<1x1x16xf32>
        tpu.vector_store %arg10[%swap3A_1055, %swap3A_1056, %swap3A_1057], %swap3A_1060 {add = true, strides = array<i32>} : memref<2x512x64xf32, #tpu.memory_space<vmem>>, vector<1x1x16xf32>,
        %add3A_1061 = arith.constant 12 : i32
        %add3A_1062 = arith.addi %scan3A_201, %add3A_1061 : i32
        %get3A_1063 = arith.index_cast %add3A_1062 : i32 to index
        %get3A_1064 = arith.constant 48 : index
        %get3A_1065 = tpu.vector_load %arg11[%get3A_1063, %get3A_1064] {strides = array<i32>} : memref<400x64xf32, #tpu.memory_space<vmem>>, vector<1x16xf32>,
        %get3A_1066 = vector.shape_cast %get3A_1065 : vector<1x16xf32> to vector<16xf32>
        %mul3A_1067 = arith.mulf %broadcast_in_dim3A_1015, %get3A_11 : vector<16xf32>
        %add3A_1068 = arith.addf %get3A_1066, %mul3A_1067 : vector<16xf32>
        %swap3A_1069 = arith.constant 1 : i32
        %swap3A_1070 = arith.index_cast %swap3A_1069 : i32 to index
        %swap3A_1071 = arith.index_cast %add3A_1012 : i32 to index
        %swap3A_1072 = arith.constant 48 : index
        %swap3A_1073 = tpu.vector_load %arg10[%swap3A_1070, %swap3A_1071, %swap3A_1072] {strides = array<i32>} : memref<2x512x64xf32, #tpu.memory_space<vmem>>, vector<1x1x16xf32>,
        %swap3A_1074 = vector.shape_cast %swap3A_1073 : vector<1x1x16xf32> to vector<16xf32>
        %swap3A_1075 = vector.shape_cast %add3A_1068 : vector<16xf32> to vector<1x1x16xf32>
        tpu.vector_store %arg10[%swap3A_1070, %swap3A_1071, %swap3A_1072], %swap3A_1075 {add = true, strides = array<i32>} : memref<2x512x64xf32, #tpu.memory_space<vmem>>, vector<1x1x16xf32>,
        %mul3A_1076 = arith.constant 16 : i32
        %mul3A_1077 = arith.muli %scan3A_200, %mul3A_1076 : i32
        %add3A_1078 = arith.constant 13 : i32
        %add3A_1079 = arith.addi %mul3A_1077, %add3A_1078 : i32
        %slice3A_1080 = vector.extract_strided_slice %get3A_208 {offsets = [13], sizes = [1], strides = [1]} : vector<16xf32> to vector<1xf32>
        %squeeze3A_1081 = vector.extract %slice3A_1080[0] : f32 from vector<1xf32>
        %broadcast_in_dim3A_1082 = vector.broadcast %squeeze3A_1081 : f32 to vector<16xf32>
        %add3A_1083 = arith.constant 13 : i32
        %add3A_1084 = arith.addi %scan3A_201, %add3A_1083 : i32
        %get3A_1085 = arith.index_cast %add3A_1084 : i32 to index
        %get3A_1086 = arith.constant 0 : index
        %get3A_1087 = tpu.vector_load %arg11[%get3A_1085, %get3A_1086] {strides = array<i32>} : memref<400x64xf32, #tpu.memory_space<vmem>>, vector<1x16xf32>,
        %get3A_1088 = vector.shape_cast %get3A_1087 : vector<1x16xf32> to vector<16xf32>
        %mul3A_1089 = arith.mulf %broadcast_in_dim3A_1082, %get3A_2 : vector<16xf32>
        %add3A_1090 = arith.addf %get3A_1088, %mul3A_1089 : vector<16xf32>
        %swap3A_1091 = arith.constant 1 : i32
        %swap3A_1092 = arith.index_cast %swap3A_1091 : i32 to index
        %swap3A_1093 = arith.index_cast %add3A_1079 : i32 to index
        %swap3A_1094 = arith.constant 0 : index
        %swap3A_1095 = tpu.vector_load %arg10[%swap3A_1092, %swap3A_1093, %swap3A_1094] {strides = array<i32>} : memref<2x512x64xf32, #tpu.memory_space<vmem>>, vector<1x1x16xf32>,
        %swap3A_1096 = vector.shape_cast %swap3A_1095 : vector<1x1x16xf32> to vector<16xf32>
        %swap3A_1097 = vector.shape_cast %add3A_1090 : vector<16xf32> to vector<1x1x16xf32>
        tpu.vector_store %arg10[%swap3A_1092, %swap3A_1093, %swap3A_1094], %swap3A_1097 {add = true, strides = array<i32>} : memref<2x512x64xf32, #tpu.memory_space<vmem>>, vector<1x1x16xf32>,
        %add3A_1098 = arith.constant 13 : i32
        %add3A_1099 = arith.addi %scan3A_201, %add3A_1098 : i32
        %get3A_1100 = arith.index_cast %add3A_1099 : i32 to index
        %get3A_1101 = arith.constant 16 : index
        %get3A_1102 = tpu.vector_load %arg11[%get3A_1100, %get3A_1101] {strides = array<i32>} : memref<400x64xf32, #tpu.memory_space<vmem>>, vector<1x16xf32>,
        %get3A_1103 = vector.shape_cast %get3A_1102 : vector<1x16xf32> to vector<16xf32>
        %mul3A_1104 = arith.mulf %broadcast_in_dim3A_1082, %get3A_5 : vector<16xf32>
        %add3A_1105 = arith.addf %get3A_1103, %mul3A_1104 : vector<16xf32>
        %swap3A_1106 = arith.constant 1 : i32
        %swap3A_1107 = arith.index_cast %swap3A_1106 : i32 to index
        %swap3A_1108 = arith.index_cast %add3A_1079 : i32 to index
        %swap3A_1109 = arith.constant 16 : index
        %swap3A_1110 = tpu.vector_load %arg10[%swap3A_1107, %swap3A_1108, %swap3A_1109] {strides = array<i32>} : memref<2x512x64xf32, #tpu.memory_space<vmem>>, vector<1x1x16xf32>,
        %swap3A_1111 = vector.shape_cast %swap3A_1110 : vector<1x1x16xf32> to vector<16xf32>
        %swap3A_1112 = vector.shape_cast %add3A_1105 : vector<16xf32> to vector<1x1x16xf32>
        tpu.vector_store %arg10[%swap3A_1107, %swap3A_1108, %swap3A_1109], %swap3A_1112 {add = true, strides = array<i32>} : memref<2x512x64xf32, #tpu.memory_space<vmem>>, vector<1x1x16xf32>,
        %add3A_1113 = arith.constant 13 : i32
        %add3A_1114 = arith.addi %scan3A_201, %add3A_1113 : i32
        %get3A_1115 = arith.index_cast %add3A_1114 : i32 to index
        %get3A_1116 = arith.constant 32 : index
        %get3A_1117 = tpu.vector_load %arg11[%get3A_1115, %get3A_1116] {strides = array<i32>} : memref<400x64xf32, #tpu.memory_space<vmem>>, vector<1x16xf32>,
        %get3A_1118 = vector.shape_cast %get3A_1117 : vector<1x16xf32> to vector<16xf32>
        %mul3A_1119 = arith.mulf %broadcast_in_dim3A_1082, %get3A_8 : vector<16xf32>
        %add3A_1120 = arith.addf %get3A_1118, %mul3A_1119 : vector<16xf32>
        %swap3A_1121 = arith.constant 1 : i32
        %swap3A_1122 = arith.index_cast %swap3A_1121 : i32 to index
        %swap3A_1123 = arith.index_cast %add3A_1079 : i32 to index
        %swap3A_1124 = arith.constant 32 : index
        %swap3A_1125 = tpu.vector_load %arg10[%swap3A_1122, %swap3A_1123, %swap3A_1124] {strides = array<i32>} : memref<2x512x64xf32, #tpu.memory_space<vmem>>, vector<1x1x16xf32>,
        %swap3A_1126 = vector.shape_cast %swap3A_1125 : vector<1x1x16xf32> to vector<16xf32>
        %swap3A_1127 = vector.shape_cast %add3A_1120 : vector<16xf32> to vector<1x1x16xf32>
        tpu.vector_store %arg10[%swap3A_1122, %swap3A_1123, %swap3A_1124], %swap3A_1127 {add = true, strides = array<i32>} : memref<2x512x64xf32, #tpu.memory_space<vmem>>, vector<1x1x16xf32>,
        %add3A_1128 = arith.constant 13 : i32
        %add3A_1129 = arith.addi %scan3A_201, %add3A_1128 : i32
        %get3A_1130 = arith.index_cast %add3A_1129 : i32 to index
        %get3A_1131 = arith.constant 48 : index
        %get3A_1132 = tpu.vector_load %arg11[%get3A_1130, %get3A_1131] {strides = array<i32>} : memref<400x64xf32, #tpu.memory_space<vmem>>, vector<1x16xf32>,
        %get3A_1133 = vector.shape_cast %get3A_1132 : vector<1x16xf32> to vector<16xf32>
        %mul3A_1134 = arith.mulf %broadcast_in_dim3A_1082, %get3A_11 : vector<16xf32>
        %add3A_1135 = arith.addf %get3A_1133, %mul3A_1134 : vector<16xf32>
        %swap3A_1136 = arith.constant 1 : i32
        %swap3A_1137 = arith.index_cast %swap3A_1136 : i32 to index
        %swap3A_1138 = arith.index_cast %add3A_1079 : i32 to index
        %swap3A_1139 = arith.constant 48 : index
        %swap3A_1140 = tpu.vector_load %arg10[%swap3A_1137, %swap3A_1138, %swap3A_1139] {strides = array<i32>} : memref<2x512x64xf32, #tpu.memory_space<vmem>>, vector<1x1x16xf32>,
        %swap3A_1141 = vector.shape_cast %swap3A_1140 : vector<1x1x16xf32> to vector<16xf32>
        %swap3A_1142 = vector.shape_cast %add3A_1135 : vector<16xf32> to vector<1x1x16xf32>
        tpu.vector_store %arg10[%swap3A_1137, %swap3A_1138, %swap3A_1139], %swap3A_1142 {add = true, strides = array<i32>} : memref<2x512x64xf32, #tpu.memory_space<vmem>>, vector<1x1x16xf32>,
        %mul3A_1143 = arith.constant 16 : i32
        %mul3A_1144 = arith.muli %scan3A_200, %mul3A_1143 : i32
        %add3A_1145 = arith.constant 14 : i32
        %add3A_1146 = arith.addi %mul3A_1144, %add3A_1145 : i32
        %slice3A_1147 = vector.extract_strided_slice %get3A_208 {offsets = [14], sizes = [1], strides = [1]} : vector<16xf32> to vector<1xf32>
        %squeeze3A_1148 = vector.extract %slice3A_1147[0] : f32 from vector<1xf32>
        %broadcast_in_dim3A_1149 = vector.broadcast %squeeze3A_1148 : f32 to vector<16xf32>
        %add3A_1150 = arith.constant 14 : i32
        %add3A_1151 = arith.addi %scan3A_201, %add3A_1150 : i32
        %get3A_1152 = arith.index_cast %add3A_1151 : i32 to index
        %get3A_1153 = arith.constant 0 : index
        %get3A_1154 = tpu.vector_load %arg11[%get3A_1152, %get3A_1153] {strides = array<i32>} : memref<400x64xf32, #tpu.memory_space<vmem>>, vector<1x16xf32>,
        %get3A_1155 = vector.shape_cast %get3A_1154 : vector<1x16xf32> to vector<16xf32>
        %mul3A_1156 = arith.mulf %broadcast_in_dim3A_1149, %get3A_2 : vector<16xf32>
        %add3A_1157 = arith.addf %get3A_1155, %mul3A_1156 : vector<16xf32>
        %swap3A_1158 = arith.constant 1 : i32
        %swap3A_1159 = arith.index_cast %swap3A_1158 : i32 to index
        %swap3A_1160 = arith.index_cast %add3A_1146 : i32 to index
        %swap3A_1161 = arith.constant 0 : index
        %swap3A_1162 = tpu.vector_load %arg10[%swap3A_1159, %swap3A_1160, %swap3A_1161] {strides = array<i32>} : memref<2x512x64xf32, #tpu.memory_space<vmem>>, vector<1x1x16xf32>,
        %swap3A_1163 = vector.shape_cast %swap3A_1162 : vector<1x1x16xf32> to vector<16xf32>
        %swap3A_1164 = vector.shape_cast %add3A_1157 : vector<16xf32> to vector<1x1x16xf32>
        tpu.vector_store %arg10[%swap3A_1159, %swap3A_1160, %swap3A_1161], %swap3A_1164 {add = true, strides = array<i32>} : memref<2x512x64xf32, #tpu.memory_space<vmem>>, vector<1x1x16xf32>,
        %add3A_1165 = arith.constant 14 : i32
        %add3A_1166 = arith.addi %scan3A_201, %add3A_1165 : i32
        %get3A_1167 = arith.index_cast %add3A_1166 : i32 to index
        %get3A_1168 = arith.constant 16 : index
        %get3A_1169 = tpu.vector_load %arg11[%get3A_1167, %get3A_1168] {strides = array<i32>} : memref<400x64xf32, #tpu.memory_space<vmem>>, vector<1x16xf32>,
        %get3A_1170 = vector.shape_cast %get3A_1169 : vector<1x16xf32> to vector<16xf32>
        %mul3A_1171 = arith.mulf %broadcast_in_dim3A_1149, %get3A_5 : vector<16xf32>
        %add3A_1172 = arith.addf %get3A_1170, %mul3A_1171 : vector<16xf32>
        %swap3A_1173 = arith.constant 1 : i32
        %swap3A_1174 = arith.index_cast %swap3A_1173 : i32 to index
        %swap3A_1175 = arith.index_cast %add3A_1146 : i32 to index
        %swap3A_1176 = arith.constant 16 : index
        %swap3A_1177 = tpu.vector_load %arg10[%swap3A_1174, %swap3A_1175, %swap3A_1176] {strides = array<i32>} : memref<2x512x64xf32, #tpu.memory_space<vmem>>, vector<1x1x16xf32>,
        %swap3A_1178 = vector.shape_cast %swap3A_1177 : vector<1x1x16xf32> to vector<16xf32>
        %swap3A_1179 = vector.shape_cast %add3A_1172 : vector<16xf32> to vector<1x1x16xf32>
        tpu.vector_store %arg10[%swap3A_1174, %swap3A_1175, %swap3A_1176], %swap3A_1179 {add = true, strides = array<i32>} : memref<2x512x64xf32, #tpu.memory_space<vmem>>, vector<1x1x16xf32>,
        %add3A_1180 = arith.constant 14 : i32
        %add3A_1181 = arith.addi %scan3A_201, %add3A_1180 : i32
        %get3A_1182 = arith.index_cast %add3A_1181 : i32 to index
        %get3A_1183 = arith.constant 32 : index
        %get3A_1184 = tpu.vector_load %arg11[%get3A_1182, %get3A_1183] {strides = array<i32>} : memref<400x64xf32, #tpu.memory_space<vmem>>, vector<1x16xf32>,
        %get3A_1185 = vector.shape_cast %get3A_1184 : vector<1x16xf32> to vector<16xf32>
        %mul3A_1186 = arith.mulf %broadcast_in_dim3A_1149, %get3A_8 : vector<16xf32>
        %add3A_1187 = arith.addf %get3A_1185, %mul3A_1186 : vector<16xf32>
        %swap3A_1188 = arith.constant 1 : i32
        %swap3A_1189 = arith.index_cast %swap3A_1188 : i32 to index
        %swap3A_1190 = arith.index_cast %add3A_1146 : i32 to index
        %swap3A_1191 = arith.constant 32 : index
        %swap3A_1192 = tpu.vector_load %arg10[%swap3A_1189, %swap3A_1190, %swap3A_1191] {strides = array<i32>} : memref<2x512x64xf32, #tpu.memory_space<vmem>>, vector<1x1x16xf32>,
        %swap3A_1193 = vector.shape_cast %swap3A_1192 : vector<1x1x16xf32> to vector<16xf32>
        %swap3A_1194 = vector.shape_cast %add3A_1187 : vector<16xf32> to vector<1x1x16xf32>
        tpu.vector_store %arg10[%swap3A_1189, %swap3A_1190, %swap3A_1191], %swap3A_1194 {add = true, strides = array<i32>} : memref<2x512x64xf32, #tpu.memory_space<vmem>>, vector<1x1x16xf32>,
        %add3A_1195 = arith.constant 14 : i32
        %add3A_1196 = arith.addi %scan3A_201, %add3A_1195 : i32
        %get3A_1197 = arith.index_cast %add3A_1196 : i32 to index
        %get3A_1198 = arith.constant 48 : index
        %get3A_1199 = tpu.vector_load %arg11[%get3A_1197, %get3A_1198] {strides = array<i32>} : memref<400x64xf32, #tpu.memory_space<vmem>>, vector<1x16xf32>,
        %get3A_1200 = vector.shape_cast %get3A_1199 : vector<1x16xf32> to vector<16xf32>
        %mul3A_1201 = arith.mulf %broadcast_in_dim3A_1149, %get3A_11 : vector<16xf32>
        %add3A_1202 = arith.addf %get3A_1200, %mul3A_1201 : vector<16xf32>
        %swap3A_1203 = arith.constant 1 : i32
        %swap3A_1204 = arith.index_cast %swap3A_1203 : i32 to index
        %swap3A_1205 = arith.index_cast %add3A_1146 : i32 to index
        %swap3A_1206 = arith.constant 48 : index
        %swap3A_1207 = tpu.vector_load %arg10[%swap3A_1204, %swap3A_1205, %swap3A_1206] {strides = array<i32>} : memref<2x512x64xf32, #tpu.memory_space<vmem>>, vector<1x1x16xf32>,
        %swap3A_1208 = vector.shape_cast %swap3A_1207 : vector<1x1x16xf32> to vector<16xf32>
        %swap3A_1209 = vector.shape_cast %add3A_1202 : vector<16xf32> to vector<1x1x16xf32>
        tpu.vector_store %arg10[%swap3A_1204, %swap3A_1205, %swap3A_1206], %swap3A_1209 {add = true, strides = array<i32>} : memref<2x512x64xf32, #tpu.memory_space<vmem>>, vector<1x1x16xf32>,
        %mul3A_1210 = arith.constant 16 : i32
        %mul3A_1211 = arith.muli %scan3A_200, %mul3A_1210 : i32
        %add3A_1212 = arith.constant 15 : i32
        %add3A_1213 = arith.addi %mul3A_1211, %add3A_1212 : i32
        %slice3A_1214 = vector.extract_strided_slice %get3A_208 {offsets = [15], sizes = [1], strides = [1]} : vector<16xf32> to vector<1xf32>
        %squeeze3A_1215 = vector.extract %slice3A_1214[0] : f32 from vector<1xf32>
        %broadcast_in_dim3A_1216 = vector.broadcast %squeeze3A_1215 : f32 to vector<16xf32>
        %add3A_1217 = arith.constant 15 : i32
        %add3A_1218 = arith.addi %scan3A_201, %add3A_1217 : i32
        %get3A_1219 = arith.index_cast %add3A_1218 : i32 to index
        %get3A_1220 = arith.constant 0 : index
        %get3A_1221 = tpu.vector_load %arg11[%get3A_1219, %get3A_1220] {strides = array<i32>} : memref<400x64xf32, #tpu.memory_space<vmem>>, vector<1x16xf32>,
        %get3A_1222 = vector.shape_cast %get3A_1221 : vector<1x16xf32> to vector<16xf32>
        %mul3A_1223 = arith.mulf %broadcast_in_dim3A_1216, %get3A_2 : vector<16xf32>
        %add3A_1224 = arith.addf %get3A_1222, %mul3A_1223 : vector<16xf32>
        %swap3A_1225 = arith.constant 1 : i32
        %swap3A_1226 = arith.index_cast %swap3A_1225 : i32 to index
        %swap3A_1227 = arith.index_cast %add3A_1213 : i32 to index
        %swap3A_1228 = arith.constant 0 : index
        %swap3A_1229 = tpu.vector_load %arg10[%swap3A_1226, %swap3A_1227, %swap3A_1228] {strides = array<i32>} : memref<2x512x64xf32, #tpu.memory_space<vmem>>, vector<1x1x16xf32>,
        %swap3A_1230 = vector.shape_cast %swap3A_1229 : vector<1x1x16xf32> to vector<16xf32>
        %swap3A_1231 = vector.shape_cast %add3A_1224 : vector<16xf32> to vector<1x1x16xf32>
        tpu.vector_store %arg10[%swap3A_1226, %swap3A_1227, %swap3A_1228], %swap3A_1231 {add = true, strides = array<i32>} : memref<2x512x64xf32, #tpu.memory_space<vmem>>, vector<1x1x16xf32>,
        %add3A_1232 = arith.constant 15 : i32
        %add3A_1233 = arith.addi %scan3A_201, %add3A_1232 : i32
        %get3A_1234 = arith.index_cast %add3A_1233 : i32 to index
        %get3A_1235 = arith.constant 16 : index
        %get3A_1236 = tpu.vector_load %arg11[%get3A_1234, %get3A_1235] {strides = array<i32>} : memref<400x64xf32, #tpu.memory_space<vmem>>, vector<1x16xf32>,
        %get3A_1237 = vector.shape_cast %get3A_1236 : vector<1x16xf32> to vector<16xf32>
        %mul3A_1238 = arith.mulf %broadcast_in_dim3A_1216, %get3A_5 : vector<16xf32>
        %add3A_1239 = arith.addf %get3A_1237, %mul3A_1238 : vector<16xf32>
        %swap3A_1240 = arith.constant 1 : i32
        %swap3A_1241 = arith.index_cast %swap3A_1240 : i32 to index
        %swap3A_1242 = arith.index_cast %add3A_1213 : i32 to index
        %swap3A_1243 = arith.constant 16 : index
        %swap3A_1244 = tpu.vector_load %arg10[%swap3A_1241, %swap3A_1242, %swap3A_1243] {strides = array<i32>} : memref<2x512x64xf32, #tpu.memory_space<vmem>>, vector<1x1x16xf32>,
        %swap3A_1245 = vector.shape_cast %swap3A_1244 : vector<1x1x16xf32> to vector<16xf32>
        %swap3A_1246 = vector.shape_cast %add3A_1239 : vector<16xf32> to vector<1x1x16xf32>
        tpu.vector_store %arg10[%swap3A_1241, %swap3A_1242, %swap3A_1243], %swap3A_1246 {add = true, strides = array<i32>} : memref<2x512x64xf32, #tpu.memory_space<vmem>>, vector<1x1x16xf32>,
        %add3A_1247 = arith.constant 15 : i32
        %add3A_1248 = arith.addi %scan3A_201, %add3A_1247 : i32
        %get3A_1249 = arith.index_cast %add3A_1248 : i32 to index
        %get3A_1250 = arith.constant 32 : index
        %get3A_1251 = tpu.vector_load %arg11[%get3A_1249, %get3A_1250] {strides = array<i32>} : memref<400x64xf32, #tpu.memory_space<vmem>>, vector<1x16xf32>,
        %get3A_1252 = vector.shape_cast %get3A_1251 : vector<1x16xf32> to vector<16xf32>
        %mul3A_1253 = arith.mulf %broadcast_in_dim3A_1216, %get3A_8 : vector<16xf32>
        %add3A_1254 = arith.addf %get3A_1252, %mul3A_1253 : vector<16xf32>
        %swap3A_1255 = arith.constant 1 : i32
        %swap3A_1256 = arith.index_cast %swap3A_1255 : i32 to index
        %swap3A_1257 = arith.index_cast %add3A_1213 : i32 to index
        %swap3A_1258 = arith.constant 32 : index
        %swap3A_1259 = tpu.vector_load %arg10[%swap3A_1256, %swap3A_1257, %swap3A_1258] {strides = array<i32>} : memref<2x512x64xf32, #tpu.memory_space<vmem>>, vector<1x1x16xf32>,
        %swap3A_1260 = vector.shape_cast %swap3A_1259 : vector<1x1x16xf32> to vector<16xf32>
        %swap3A_1261 = vector.shape_cast %add3A_1254 : vector<16xf32> to vector<1x1x16xf32>
        tpu.vector_store %arg10[%swap3A_1256, %swap3A_1257, %swap3A_1258], %swap3A_1261 {add = true, strides = array<i32>} : memref<2x512x64xf32, #tpu.memory_space<vmem>>, vector<1x1x16xf32>,
        %add3A_1262 = arith.constant 15 : i32
        %add3A_1263 = arith.addi %scan3A_201, %add3A_1262 : i32
        %get3A_1264 = arith.index_cast %add3A_1263 : i32 to index
        %get3A_1265 = arith.constant 48 : index
        %get3A_1266 = tpu.vector_load %arg11[%get3A_1264, %get3A_1265] {strides = array<i32>} : memref<400x64xf32, #tpu.memory_space<vmem>>, vector<1x16xf32>,
        %get3A_1267 = vector.shape_cast %get3A_1266 : vector<1x16xf32> to vector<16xf32>
        %mul3A_1268 = arith.mulf %broadcast_in_dim3A_1216, %get3A_11 : vector<16xf32>
        %add3A_1269 = arith.addf %get3A_1267, %mul3A_1268 : vector<16xf32>
        %swap3A_1270 = arith.constant 1 : i32
        %swap3A_1271 = arith.index_cast %swap3A_1270 : i32 to index
        %swap3A_1272 = arith.index_cast %add3A_1213 : i32 to index
        %swap3A_1273 = arith.constant 48 : index
        %swap3A_1274 = tpu.vector_load %arg10[%swap3A_1271, %swap3A_1272, %swap3A_1273] {strides = array<i32>} : memref<2x512x64xf32, #tpu.memory_space<vmem>>, vector<1x1x16xf32>,
        %swap3A_1275 = vector.shape_cast %swap3A_1274 : vector<1x1x16xf32> to vector<16xf32>
        %swap3A_1276 = vector.shape_cast %add3A_1269 : vector<16xf32> to vector<1x1x16xf32>
        tpu.vector_store %arg10[%swap3A_1271, %swap3A_1272, %swap3A_1273], %swap3A_1276 {add = true, strides = array<i32>} : memref<2x512x64xf32, #tpu.memory_space<vmem>>, vector<1x1x16xf32>,
        %add3A_1277 = arith.constant 16 : i32
        %add3A_1278 = arith.addi %scan3A_201, %add3A_1277 : i32
        %ge3A_1279 = arith.constant 200 : i32
        %ge3A_1280 = arith.cmpi sge, %add3A_1278, %ge3A_1279 : i32
        %sub3A_1281 = arith.constant 200 : i32
        %sub3A_1282 = arith.subi %add3A_1278, %sub3A_1281 : i32
        %select_n3A_1283 = arith.select %ge3A_1280, %sub3A_1282, %add3A_1278 : i32
        scf.yield %select_n3A_1283 : i32
      }
      %scan3A_176 = arith.constant 32 : i32
      %mul3A_177 = arith.constant 512 : i32
      %mul3A_178 = arith.muli %add3A_143, %mul3A_177 : i32
      %add3A_179 = arith.addi %mul3A_13, %mul3A_178 : i32
      %dma_start3A_180 = arith.constant 1 : i32
      %dma_start3A_181 = arith.constant 0 : i32
      %dma_start3A_182 = arith.constant 0 : i32
      %dma_start3A_183 = tpu.memref_slice %arg10[%dma_start3A_180, %dma_start3A_181, %dma_start3A_182] : memref<2x512x64xf32, #tpu.memory_space<vmem>> -> memref<1x512x64xf32, #tpu.memory_space<vmem>>
      %dma_start3A_184 = tpu.memref_squeeze %dma_start3A_183 : memref<1x512x64xf32, #tpu.memory_space<vmem>> -> memref<512x64xf32, #tpu.memory_space<vmem>>
      %dma_start3A_185 = arith.constant 0 : i32
      %dma_start3A_186 = tpu.memref_slice %arg7[%add3A_179, %dma_start3A_185] : memref<819200x64xf32, #tpu.memory_space<hbm>> -> memref<512x64xf32, #tpu.memory_space<hbm>>
      %dma_start3A_187 = arith.constant 0 : i32
      %dma_start3A_188 = tpu.memref_slice %arg7[%add3A_179, %dma_start3A_187] : memref<819200x64xf32, #tpu.memory_space<hbm>> -> memref<512x64xf32, #tpu.memory_space<hbm>>
      %dma_start3A_189 = arith.constant 0 : i32
      %dma_start3A_190 = arith.constant 0 : i32
      %dma_start3A_191 = tpu.memref_slice %arg10[%dma_start3A_180, %dma_start3A_189, %dma_start3A_190] : memref<2x512x64xf32, #tpu.memory_space<vmem>> -> memref<1x512x64xf32, #tpu.memory_space<vmem>>
      %dma_start3A_192 = tpu.memref_squeeze %dma_start3A_191 : memref<1x512x64xf32, #tpu.memory_space<vmem>> -> memref<512x64xf32, #tpu.memory_space<vmem>>
      tpu.enqueue_dma source(%dma_start3A_192 : memref<512x64xf32, #tpu.memory_space<vmem>>) target(%dma_start3A_188 : memref<512x64xf32, #tpu.memory_space<hbm>>) target_semaphore(%arg15 : memref<!tpu.dma_semaphore, #tpu.memory_space<semaphore_mem>>)
      %add3A_193 = arith.constant 112 : i32
      %add3A_194 = arith.addi %select_n3A, %add3A_193 : i32
      %ge3A_195 = arith.constant 200 : i32
      %ge3A_196 = arith.cmpi sge, %add3A_194, %ge3A_195 : i32
      %sub3A_197 = arith.constant 200 : i32
      %sub3A_198 = arith.subi %add3A_194, %sub3A_197 : i32
      %select_n3A_199 = arith.select %ge3A_196, %sub3A_198, %add3A_194 : i32
      scf.yield %select_n3A_199 : i32
    }
    %scan3A_69 = arith.constant 25 : i32
    %dma_wait3A = arith.constant 1 : i32
    %dma_wait3A_70 = arith.constant 0 : i32
    %dma_wait3A_71 = arith.constant 0 : i32
    %dma_wait3A_72 = tpu.memref_slice %arg10[%dma_wait3A, %dma_wait3A_70, %dma_wait3A_71] : memref<2x512x64xf32, #tpu.memory_space<vmem>> -> memref<1x512x64xf32, #tpu.memory_space<vmem>>
    %dma_wait3A_73 = tpu.memref_squeeze %dma_wait3A_72 : memref<1x512x64xf32, #tpu.memory_space<vmem>> -> memref<512x64xf32, #tpu.memory_space<vmem>>
    %dma_wait3A_74 = arith.constant 0 : i32
    %dma_wait3A_75 = arith.constant 0 : i32
    %dma_wait3A_76 = tpu.memref_slice %arg7[%dma_wait3A_74, %dma_wait3A_75] : memref<819200x64xf32, #tpu.memory_space<hbm>> -> memref<512x64xf32, #tpu.memory_space<hbm>>
    %dma_wait3A_77 = arith.constant 0 : i32
    %dma_wait3A_78 = arith.constant 0 : i32
    %dma_wait3A_79 = tpu.memref_slice %arg7[%dma_wait3A_77, %dma_wait3A_78] : memref<819200x64xf32, #tpu.memory_space<hbm>> -> memref<512x64xf32, #tpu.memory_space<hbm>>
    %dma_wait3A_80 = arith.constant 0 : i32
    %dma_wait3A_81 = arith.constant 0 : i32
    %dma_wait3A_82 = tpu.memref_slice %arg10[%dma_wait3A, %dma_wait3A_80, %dma_wait3A_81] : memref<2x512x64xf32, #tpu.memory_space<vmem>> -> memref<1x512x64xf32, #tpu.memory_space<vmem>>
    %dma_wait3A_83 = tpu.memref_squeeze %dma_wait3A_82 : memref<1x512x64xf32, #tpu.memory_space<vmem>> -> memref<512x64xf32, #tpu.memory_space<vmem>>
    tpu.wait_dma2 semaphore(%arg15 : memref<!tpu.dma_semaphore, #tpu.memory_space<semaphore_mem>>) src(%dma_wait3A_83 : memref<512x64xf32, #tpu.memory_space<vmem>>) dst(%dma_wait3A_79 : memref<512x64xf32, #tpu.memory_space<hbm>>)
    return
  }
}

</mosaic_0001>

<sc_bundles>
// kernel: kernel.3.cloned.1.call-start
scs
__scs_entry_jumppad:
0x0: {  	(pc) =	sbr.rel $0x88, $3  }
0x1: {  	(tag) =	ssettag $0x0;
	lr =	simm.s32 $0x1  }
0x2: {  	[smem:$0x3F9C] =	sst lr;
	_ =	strace $0xD0000000  }
0x3: {  	_ = 	snop  }
0x4: {  	_ = 	snop  }
0x5: {  	_ = 	snop  }
0x6: {  	_ = 	snop  }
0x7: {  	_ = 	snop  }
__scs_overlays_trampoline_lowered:
0x8: {  	[smem:$0x3FAB] =	sst s0  }
0x9: {  	[smem:$0x3FAC] =	sst s1  }
0xa: {  	[smem:$0x3FAD] =	sst s2  }
0xb: {  	[smem:$0x3FAE] =	sst s3  }
0xc: {  	[smem:$0x3FAF] =	sst s4  }
0xd: {  	[smem:$0x3FB0] =	sst s5  }
0xe: {  	[smem:$0x3FB1] =	sst s6  }
0xf: {  	[smem:$0x3FB2] =	sst s7  }
0x10: {  	[smem:$0x3FB3] =	sst s8  }
0x11: {  	[smem:$0x3FB4] =	sst s9;
	s0 =	simm.s32 @!p0 $0x0  }
0x12: {  	s1 =	sld [smem:$0x3F9A];
	s0 =	simm.s32 @p0 $0x1  }
0x13: {  	[smem:$0x3FB5] =	sst s0;
	s0 =	simm.s32 @!p1 $0x0  }
0x14: {  	s2 =	sld [smem:$0x3F99];
	s0 =	simm.s32 @p1 $0x1  }
0x15: {  	[smem:$0x3FB6] =	sst s0;
	s0 =	simm.s32 @!p2 $0x0  }
0x16: {  	s3 =	sld [smem:$0x3FDB];
	s0 =	simm.s32 @p2 $0x1  }
0x17: {  	s4 =	simm.s32 $0x1BF5;
	[smem:$0x3FB8] =	sst s0  }
0x18: {  	s0 =	sld [smem:$0x3F9B];
	_ =	swait.ge [sflag:s4], $0x0  }
0x19: {  	s7 =	sld [smem:$0x3F9C]  }
0x1a: {  	s8 =	sadd.s32 $0xFFFFE003, lr  }
0x1b: {  	s9 =	sadd.s32 $0xFFFFFEF7, lr;
	s5 =	simm.s32 $0xFFFFFFFF;
	p2 =	slt.u32 s8, $0xFFFFF086  }
0x1c: {  	p1 =	slt.u32 s9, $0xF7A;
	s5 =	simm.s32 @!p2 $0x0  }
0x1d: {  	s5 =	simm.s32 @p1 $0x1;
	p0 =	seq.s32 s7, s2  }
0x1e: {  	s7 =	smul.u32 @!p0 $0xF7A, s2;
	p2 =	seq.s32 @!p0 s5, $0x0  }
0x1f: {  	s9 =	smul.u32 $0xF7A, s1;
	s8 =	simm.s32 @!p0 $0x1BF5;
	p2 =	por !p2, p0  }
0x20: {  	[sflag:s8] =	ssyncset.s32 @!p0 $0xFFFFF086;
	s6 =	sadd.s32 @!p0 s3, s7;
	s7 =	simm.s32 @!p0 $0x108  }
0x21: {  	s3 =	sadd.s32 s3, s9;
	s6 =	sadd.s32 @!p0 $0x88, s6;
	s7 =	simm.s32 @p2 $0x1082  }
0x22: {  	[simem:s7], [sflag:s8] =	dma.local @!p0 [hbm:s6], $0xF7A  }
0x23: {  	s9 =	sor.u32 $0xD0000000, s2;
	s6 =	simm.s32 $0x108;
	_ =	swait.ge @!p0 [sflag:s8], $0x0  }
0x24: {  	s3 =	sadd.s32 $0x88, s3;
	s6 =	simm.s32 @!p1 $0x1082;
	[sflag:s4] =	ssyncset.s32 $0xFFFFF086  }
0x25: {  	[simem:s6], [sflag:s4] =	dma.local [hbm:s3], $0xF7A  }
0x26: {  	[smem:$0x3F9C] =	sst s1;
	(tag) =	ssettag s2;
	_ =	strace s9  }
0x27: {  	s1 =	sld [smem:$0x3FAC]  }
0x28: {  	s2 =	sld [smem:$0x3FAD]  }
0x29: {  	s4 =	sld [smem:$0x3FAF]  }
0x2a: {  	p0 =	seq.s32 s5, $0x0;
	s5 =	sld [smem:$0x3FB0]  }
0x2b: {  	s6 =	sld [smem:$0x3FB1]  }
0x2c: {  	s7 =	sld [smem:$0x3FB2]  }
0x2d: {  	s3 =	simm.s32 $0x108;
	s8 =	sld [smem:$0x3FB3]  }
0x2e: {  	s3 =	simm.s32 @!p0 $0x1082;
	s9 =	sld [smem:$0x3FB4]  }
0x2f: {  	lr =	sadd.s32 s0, s3;
	s0 =	sld [smem:$0x3FAB]  }
0x30: {  	s3 =	sld [smem:$0x3FAE]  }
0x31: {  	[smem:$0x3FB7] =	sst s10  }
0x32: {  	s10 =	sld [smem:$0x3FB5];
	_ =	sdelay $0x3  }
0x33: {  	p0 =	seq.s32 s10, $0x1;
	s10 =	sld [smem:$0x3FB7];
	_ =	sdelay $0x3  }
0x34: {  	[smem:$0x3FB7] =	sst s10  }
0x35: {  	s10 =	sld [smem:$0x3FB6];
	_ =	sdelay $0x3  }
0x36: {  	p1 =	seq.s32 s10, $0x1;
	s10 =	sld [smem:$0x3FB7];
	_ =	sdelay $0x3  }
0x37: {  	[smem:$0x3FB7] =	sst s10  }
0x38: {  	s10 =	sld [smem:$0x3FB8]  }
0x39: {  	_ = 	snop;
	(pc) =	sbr.ind lr, $3  }
0x3a: {  	_ = 	snop  }
0x3b: {  	_ = 	snop  }
0x3c: {  	p2 =	seq.s32 s10, $0x1;
	s10 =	sld [smem:$0x3FB7]  }
0x3d: {  	_ =	shalt  }
0x3e: {  	_ =	shalt  }
0x3f: {  	_ =	shalt  }
0x40: {  	_ =	shalt  }
0x41: {  	_ =	shalt  }
0x42: {  	_ =	shalt  }
0x43: {  	_ =	shalt  }
0x44: {  	_ =	shalt  }
0x45: {  	_ =	shalt  }
0x46: {  	_ =	shalt  }
0x47: {  	_ =	shalt  }
0x48: {  	_ =	shalt  }
0x49: {  	_ =	shalt  }
0x4a: {  	_ =	shalt  }
0x4b: {  	_ =	shalt  }
0x4c: {  	_ =	shalt  }
0x4d: {  	_ =	shalt  }
0x4e: {  	_ =	shalt  }
0x4f: {  	_ =	shalt  }
0x50: {  	_ =	shalt  }
0x51: {  	_ =	shalt  }
0x52: {  	_ =	shalt  }
0x53: {  	_ =	shalt  }
0x54: {  	_ =	shalt  }
0x55: {  	_ =	shalt  }
0x56: {  	_ =	shalt  }
0x57: {  	_ =	shalt  }
0x58: {  	_ =	shalt  }
0x59: {  	_ =	shalt  }
0x5a: {  	_ =	shalt  }
0x5b: {  	_ =	shalt  }
0x5c: {  	_ =	shalt  }
0x5d: {  	_ =	shalt  }
0x5e: {  	_ =	shalt  }
0x5f: {  	_ =	shalt  }
0x60: {  	_ =	shalt  }
0x61: {  	_ =	shalt  }
0x62: {  	_ =	shalt  }
0x63: {  	_ =	shalt  }
0x64: {  	_ =	shalt  }
0x65: {  	_ =	shalt  }
0x66: {  	_ =	shalt  }
0x67: {  	_ =	shalt  }
0x68: {  	_ =	shalt  }
0x69: {  	_ =	shalt  }
0x6a: {  	_ =	shalt  }
0x6b: {  	_ =	shalt  }
0x6c: {  	_ =	shalt  }
0x6d: {  	_ =	shalt  }
0x6e: {  	_ =	shalt  }
0x6f: {  	_ =	shalt  }
0x70: {  	_ =	shalt  }
0x71: {  	_ =	shalt  }
0x72: {  	_ =	shalt  }
0x73: {  	_ =	shalt  }
0x74: {  	_ =	shalt  }
0x75: {  	_ =	shalt  }
0x76: {  	_ =	shalt  }
0x77: {  	_ =	shalt  }
0x78: {  	_ =	shalt  }
0x79: {  	_ =	shalt  }
0x7a: {  	_ =	shalt  }
0x7b: {  	_ =	shalt  }
0x7c: {  	_ =	shalt  }
0x7d: {  	_ =	shalt  }
0x7e: {  	_ =	shalt  }
0x7f: {  	_ =	shalt  }
0x80: {  	_ =	shalt  }
0x81: {  	_ =	shalt  }
0x82: {  	_ =	shalt  }
0x83: {  	_ =	shalt  }
0x84: {  	_ =	shalt  }
0x85: {  	_ =	shalt  }
0x86: {  	_ =	shalt  }
0x87: {  	_ =	shalt  }
.Lfunc_end0:
.L_simem_size_0:
called_computation.1_lowered:
.L_overlay_start_0:
0x88: {  	s2 =	sld [smem:$0x3FD9]  }
0x89: {  	s3 =	sld [smem:$0x3FFE];
	_ =	sdelay $0x1  }
0x8a: {  	s1 =	srdreg.scid  }
0x8b: {  	s0 =	sand.u32 $0x1, s1  }
0x8c: {  	s17 =	sshll.u32 s0, $0xA;
	s2 =	sadd.s32 s3, s2  }
0x8d: {  	s2 =	sadd.s32 s2, s17  }
0x8e: {  	[smem:$0x3FC3] =	sst s2  }
0x8f: {  	_ = 	snop  }
0x90: {  	s2 =	sld [smem:$0x3FC5]  }
0x91: {  	s18 =	sld [smem:$0x3FD0];
	(tm) =	ssettm $0x1  }
0x92: {  	s4 =	sld [smem:$0x3FFB];
	_ =	sdelay $0x3  }
0x93: {  	_ =	strace s4  }
0x94: {  	s4 =	sld [smem:$0x3FFC];
	_ =	sdelay $0x3  }
0x95: {  	_ =	strace s4  }
0x96: {  	s4 =	sld [smem:$0x3FFD];
	_ =	sdelay $0x3  }
0x97: {  	_ =	strace s4  }
0x98: {  	_ =	strace $0x8FFFFFFF  }
0x99: {  	s19 =	sld [smem:$0x3FDB];
	_ =	sdelay $0x1  }
0x9a: {  	s5 =	simm.s32 $_scs_section_size  }
0x9b: {  	s6 =	simm.s32 $_size__tile_overlayer_lowered;
	s7 =	simm.s32 $_tile_overlayer_lowered  }
0x9c: {  	s22 =	simm.s32 $0x1BFF;
	s21 =	sshll.u32 s7, $0x1;
	s4 =	sadd.s32 s5, s19  }
0x9d: {  	s8 =	simm.s32 $0x0;
	s20 =	sshll.u32 s6, $0x1;
	s6 =	sadd.s32 s21, s4  }
0x9e: {  	[timem:s8], [sflag:s22] =	dma.local [hbm:s6], s20  }
0x9f: {  	_ =	swait.ge [sflag:s22], s20  }
0xa0: {  	s5 =	ssub.s32 $0x0, s20;
	[sflag:s22] =	ssyncset.done $0x0  }
0xa1: {  	[sflag:s22] =	ssyncadd.s32 s5;
	_ =	sdelay $0x1  }
0xa2: {  	s23 =	simm.s32 $0x1B8B  }
0xa3: {  	_ =	swait.ge [sflag:s23], $0x1  }
0xa4: {  	[sflag:s23] =	ssyncset.done $0x0  }
0xa5: {  	s25 =	simm.s32 $0x1B8E;
	s24 =	sld [smem:$0x3FFE];
	[sflag:s23] =	ssyncadd.s32 $0xFFFFFFFF  }
0xa6: {  	s26 =	simm.s32 $execute0_lowered;
	[smem:$0x3FD2] =	sst s25  }
0xa7: {  	s6 =	sshll.u32 s26, $0x1;
	_ =	strace $0x80000046;
	[dreg:$0x1] =	wrdreg $0xFFFFFFFF  }
0xa8: {  	s28 =	simm.s32 $_size_execute0_lowered;
	s4 =	sadd.s32 s4, s6;
	[dreg:$0x0] =	wrdreg $0x0  }
0xa9: {  	s6 =	sshll.u32 s28, $0x1;
	[dreg:$0x2] =	wrdreg s4  }
0xaa: {  	[dreg:$0x3] =	wrdreg s6  }
0xab: {  	[dreg:$0x4] =	wrdreg $0xC0  }
0xac: {  	_ =	task [dreg:s8], $0x5FFFF  }
0xad: {  	[dreg:$0x1] =	wrdreg $0xFFFFFFFF  }
0xae: {  	[dreg:$0x0] =	wrdreg $0x60  }
0xaf: {  	[dreg:$0x2] =	wrdreg s24  }
0xb0: {  	[dreg:$0x3] =	wrdreg s2  }
0xb1: {  	[dreg:$0x4] =	wrdreg s18  }
0xb2: {  	[dreg:$0x5] =	wrdreg $0x9  }
0xb3: {  	_ =	task.clear_ibuf [dreg:s8], $0x6FFFF;
	_ =	strace $0x90000046  }
0xb4: {  	s29 =	simm.s32 $0x9;
	_ =	strace $0x80000048  }
0xb5: {  	_ =	swait.ge [sflag:s29], $0x1  }
0xb6: {  	[sflag:s29] =	ssyncadd.s32 $0xFFFFFFFF  }
0xb7: {  	_ =	strace $0x90000048  }
0xb8: {  	_ =	sfence  }
0xb9: {  	s30 =	sld [smem:$0x0];
	_ =	sdelay $0x2  }
0xba: {  	s31 =	sshll.u32 s1, $0xD;
	s1 =	sshrl.u32 s1, $0x2  }
0xbb: {  	s3 =	sand.u32 $0x4000, s31;
	s1 =	sadd.s32 s1, s30  }
0xbc: {  	s0 =	sor.u32 s3, s0;
	s1 =	sshll.u32 s1, $0x11  }
0xbd: {  	s0 =	sor.u32 s1, s0  }
0xbe: {  	s0 =	sadd.s32 $0x8F2B, s0  }
0xbf: {  	[sflag:s0] =	ssyncadd.remote.s32 $0x1  }
0xc0: {  	_ =	sfence.sel $0xFFFF  }
0xc1: {  	[dreg:$0x0] =	wrdreg $0xFFFFFFFF;
	(pc) =	sbr.abs _section_cstart, $3  }
0xc2: {  	[dreg:$0x1] =	wrdreg $0xFFFFFFFF  }
0xc3: {  	_ =	task.clear_ibuf [dreg:s8], $0x2FFFF;
	_ =	strace $0x9FFFFFFF  }
0xc4: {  	(tm) =	ssettm $0x7FFFFFFF  }
0xc5: {  	_ =	shalt  }
tec
execute0_lowered:
.L_overlay_start_1:
0x0: {  	(tag) =	ssettag $0x1  }
0x1: {  	s0 =	rddreg [dreg:$0x0]  }
0x2: {  	s3 =	rddreg [dreg:$0x2]  }
0x3: {  	s4 =	simm.s32 $0x0;
	s1 =	srdreg.scid;
	s2 =	stileid.u32  }
0x4: {  	s16 =	simm.s32 $0x4;
	s20 =	simm.s32 $0x80;
	s21 =	simm.s32 $0x800  }
0x5: {  	s28 =	simm.s32 $0x200;
	s29 =	simm.s32 $0x600;
	s30 =	simm.s32 $0x8800  }
0x6: {  	s31 =	simm.s32 $0x280;
	s15 =	simm.s32 $0x380;
	s17 =	simm.s32 $0xE800  }
0x7: {  	s18 =	simm.s32 $0x1;
	s19 =	simm.s32 $0x3;
	s22 =	simm.s32 $0x2  }
0x8: {  	s10 =	simm.s32 $0x0;
	[smem:$0x7FF] =	sst s4;
	s1 =	sand.u32 $0x1, s1  }
0x9: {  	s2 =	sshll.u32 s2, $0x1;
	s5 =	sadd.s32 $0x1200, s0;
	s7 =	sadd.s32 $0x1A200, s0  }
0xa: {  	s8 =	sadd.s32 $0x33200, s0;
	s2 =	sor.u32 s1, s2;
	s1 =	ssub.s32 $0x2, s1  }
0xb: {  	s0 =	sadd.s32 $0xA00, s0;
	s6 =	smul.u32 $0x6400, s2;
	s9 =	sshrl.u32 s1, $0x1  }
0xc: {  	_ =	strace $0x80000047;
	[dreg:$0x4] =	wrdreg s0;
	s24 =	ssub.s32 s1, s9  }
0xd: {  	s12 =	smul.u32 $0x190000, s2;
	s25 =	sshrl.u32 s6, $0x3;
	s0 =	smax.u32 s24, $0x1  }
0xe: {  	s2 =	simm.s32 $0x300;
	s26 =	sadd.s32 s5, s25;
	[dreg:$0x7] =	wrdreg s0  }
0xf: {  	s13 =	sadd.s32 $0x400, s6;
	s1 =	sadd.s32 s7, s25;
	[dreg:$0x5] =	wrdreg s26  }
0x10: {  	s0 =	simm.s32 $0xA800;
	[dreg:$0x6] =	wrdreg s1;
	s1 =	simm.s32 $0xC800  }
.LBB2_1:
0x11: {  	[dreg:$0x8] =	wrdreg s10  }
0x12: {  	s9 =	rddreg [dreg:$0x4];
	s14 =	simm.s32 $0x10800  }
0x13: {  	[tilespmem:s14], [sflag:$0x4] =	stream.linear.gather [hbm4b:s9+s4], $0x3200, $0x38;
	[tilespmem:$0x16C40] =	vst v63  }
0x14: {  	_ =	swait.ge [sflag:s16], $0x3200  }
0x15: {  	[sflag:s16] =	ssyncset.done $0x0  }
0x16: {  	s23 =	simm.s32 $0x13A00;
	[sflag:s16] =	ssyncadd.s32 $0xFFFFCE00  }
0x17: {  	[tilespmem:s23], [sflag:$0x4] =	stream.linear.gather [hbm4b:s9+s4], $0x3200, $0x38;
	[tilespmem:$0x16C40] =	vst v63  }
0x18: {  	_ =	swait.ge [sflag:s16], $0x3200  }
0x19: {  	[sflag:s16] =	ssyncset.done $0x0  }
0x1a: {  	[sflag:s16] =	ssyncadd.s32 $0xFFFFCE00  }
0x1b: {  	s25 =	simm.s32 $0x16C00;
	s24 =	rddreg [dreg:$0x1]  }
0x1c: {  	[tilespmem:s25], [sflag:$0x4] =	stream.linear.gather [hbm4b:s24+s4], $0x40, $0x38;
	[tilespmem:$0x16C40] =	vst v63  }
0x1d: {  	_ =	swait.ge [sflag:s16], $0x40  }
0x1e: {  	[sflag:s16] =	ssyncset.done $0x0  }
0x1f: {  	[sflag:s16] =	ssyncadd.s32 $0xFFFFFFC0  }
0x20: {  	v0 =	vld [tilespmem:$0x16C00]  }
0x21: {  	v1 =	vld [tilespmem:$0x16C10]  }
0x22: {  	s26 =	rddreg [dreg:$0x5];
	v2 =	vld [tilespmem:$0x16C20]  }
0x23: {  	v3 =	vld [tilespmem:$0x16C30];
	[tilespmem:s4], [sflag:$0x4] =	stream.linear.gather [hbm4b:s26+s4], $0x200, $0x38  }
0x24: {  	_ =	swait.ge [sflag:s16], $0x200  }
0x25: {  	[sflag:s16] =	ssyncset.done $0x0  }
0x26: {  	s11 =	simm.s32 $0x400;
	s10 =	rddreg [dreg:$0x6];
	[sflag:s16] =	ssyncadd.s32 $0xFFFFFE00  }
0x27: {  	[tilespmem:s11], [sflag:$0x4] =	stream.linear.gather [hbm4b:s10+s4], $0x200, $0x38;
	[tilespmem:$0x16C40] =	vst v63  }
0x28: {  	_ =	swait.ge [sflag:s16], $0x200  }
0x29: {  	[sflag:s16] =	ssyncset.done $0x0  }
0x2a: {  	[sflag:s16] =	ssyncadd.s32 $0xFFFFFE00  }
0x2b: {  	[tilespmem:s21], [sflag:$0x1] =	stream.indirect.gather [hbm4b:s8+s20], $0x40, s4, s20, $0xb8;
	[tilespmem:$0x16C40] =	vst v63  }
0x2c: {  	s14 =	simm.s32 $0x2800  }
0x2d: {  	[tilespmem:s14], [sflag:$0x1] =	stream.indirect.gather [hbm4b:s8+s20], $0x40, s20, s20, $0xb8;
	[tilespmem:$0x16C40] =	vst v63  }
0x2e: {  	s23 =	simm.s32 $0x100;
	s24 =	simm.s32 $0x4800;
	s25 =	simm.s32 $0x180  }
0x2f: {  	[tilespmem:s24], [sflag:$0x1] =	stream.indirect.gather [hbm4b:s8+s20], $0x40, s23, s20, $0xb8;
	[tilespmem:$0x16C40] =	vst v63  }
0x30: {  	s26 =	simm.s32 $0x6800;
	s14 =	simm.s32 $0x0;
	s24 =	simm.s32 $0x0  }
0x31: {  	[tilespmem:s26], [sflag:$0x1] =	stream.indirect.gather [hbm4b:s8+s20], $0x40, s25, s20, $0xb8;
	[tilespmem:$0x16C40] =	vst v63  }
.LBB2_2:
0x32: {  	s9 =	sshll.u32 s24, $0x1  }
0x33: {  	p0 =	seq.s32 s24, $0x0;
	s25 =	sor.u32 $0x1, s9  }
0x34: {  	s9 =	simm.s32 @!p0 $0x3;
	s10 =	sshll.u32 s25, $0x9  }
0x35: {  	_ =	swait.ge @!p0 [sflag:s9], $0x8000;
	s10 =	sadd.s32 s6, s10  }
0x36: {  	[sflag:s9] =	ssyncset.done @!p0 $0x0;
	s11 =	sshrl.u32 s10, $0x3  }
0x37: {  	[sflag:s9] =	ssyncadd.s32 @!p0 $0xFFFF8000;
	s10 =	simm.s32 $0x0;
	s23 =	sadd.s32 s5, s11  }
0x38: {  	[tilespmem:s28], [sflag:$0x4] =	stream.linear.gather [hbm4b:s23+s10], $0x200, $0x38;
	[tilespmem:$0x16C40] =	vst v63  }
0x39: {  	_ =	swait.ge [sflag:s16], $0x200  }
0x3a: {  	[sflag:s16] =	ssyncset.done $0x0  }
0x3b: {  	s26 =	sadd.s32 s7, s11;
	[sflag:s16] =	ssyncadd.s32 $0xFFFFFE00  }
0x3c: {  	[tilespmem:s29], [sflag:$0x4] =	stream.linear.gather [hbm4b:s26+s10], $0x200, $0x38;
	[tilespmem:$0x16C40] =	vst v63  }
0x3d: {  	_ =	swait.ge [sflag:s16], $0x200  }
0x3e: {  	[sflag:s16] =	ssyncset.done $0x0  }
0x3f: {  	[sflag:s16] =	ssyncadd.s32 $0xFFFFFE00  }
0x40: {  	[tilespmem:s30], [sflag:$0x2] =	stream.indirect.gather [hbm4b:s8+s20], $0x40, s28, s20, $0xb8;
	[tilespmem:$0x16C40] =	vst v63  }
0x41: {  	_ = 	snop  }
0x42: {  	[tilespmem:s0], [sflag:$0x2] =	stream.indirect.gather [hbm4b:s8+s20], $0x40, s31, s20, $0xb8;
	[tilespmem:$0x16C40] =	vst v63  }
0x43: {  	_ = 	snop  }
0x44: {  	[tilespmem:s1], [sflag:$0x2] =	stream.indirect.gather [hbm4b:s8+s20], $0x40, s2, s20, $0xb8;
	[tilespmem:$0x16C40] =	vst v63  }
0x45: {  	_ = 	snop  }
0x46: {  	[tilespmem:s17], [sflag:$0x2] =	stream.indirect.gather [hbm4b:s8+s20], $0x40, s15, s20, $0xb8;
	[tilespmem:$0x16C40] =	vst v63  }
0x47: {  	_ =	swait.ge [sflag:s18], $0x8000  }
0x48: {  	[sflag:s18] =	ssyncset.done $0x0  }
0x49: {  	s11 =	simm.s32 $0x400;
	s26 =	smov.u32 s14;
	[sflag:s18] =	ssyncadd.s32 $0xFFFF8000  }
.LBB2_3:
0x4a: {  	v4 =	vld [tilespmem:s11+$0x0];
	_ =	sdelay $0x1  }
0x4b: {  	s9 =	sshll.u32 s26, $0x8  }
0x4c: {  	s23 =	sshra.s32 s9, $0x2  }
0x4d: {  	v5 =	vld [tilespmem:s23+$0x10800]  }
0x4e: {  	v6 =	vbroadcast v4, $0x0;
	_ =	sdelay $0x1  }
0x4f: {  	v7 =	vmul.f32 v6, v0;
	_ =	sdelay $0x1  }
0x50: {  	v5 =	vadd.f32 v7, v5  }
0x51: {  	s9 =	sshra.s32 s10, $0x2  }
0x52: {  	[tilespmem:s9+$0x800] =	vst.add.f32.msk $0xffff, v5  }
0x53: {  	v5 =	vld [tilespmem:s23+$0x10810];
	_ =	sdelay $0x2  }
0x54: {  	v58 =	vmul.f32 v6, v1;
	_ =	sdelay $0x1  }
0x55: {  	v5 =	vadd.f32 v5, v58;
	_ =	sdelay $0x1  }
0x56: {  	[tilespmem:s9+$0x810] =	vst.add.f32.msk $0xffff, v5  }
0x57: {  	v5 =	vld [tilespmem:s23+$0x10820];
	_ =	sdelay $0x2  }
0x58: {  	v59 =	vmul.f32 v6, v2;
	_ =	sdelay $0x1  }
0x59: {  	v5 =	vadd.f32 v5, v59;
	_ =	sdelay $0x1  }
0x5a: {  	[tilespmem:s9+$0x820] =	vst.add.f32.msk $0xffff, v5  }
0x5b: {  	v5 =	vld [tilespmem:s23+$0x10830];
	_ =	sdelay $0x2  }
0x5c: {  	v6 =	vmul.f32 v6, v3;
	_ =	sdelay $0x1  }
0x5d: {  	v5 =	vadd.f32 v5, v6;
	_ =	sdelay $0x1  }
0x5e: {  	[tilespmem:s9+$0x830] =	vst.add.f32.msk $0xffff, v5  }
0x5f: {  	v5 =	vld [tilespmem:s23+$0x10840]  }
0x60: {  	v60 =	vbroadcast v4, $0x1;
	_ =	sdelay $0x1  }
0x61: {  	v61 =	vmul.f32 v60, v0;
	_ =	sdelay $0x1  }
0x62: {  	v5 =	vadd.f32 v5, v61;
	_ =	sdelay $0x1  }
0x63: {  	[tilespmem:s9+$0x840] =	vst.add.f32.msk $0xffff, v5  }
0x64: {  	v5 =	vld [tilespmem:s23+$0x10850];
	_ =	sdelay $0x2  }
0x65: {  	v62 =	vmul.f32 v60, v1;
	_ =	sdelay $0x1  }
0x66: {  	v5 =	vadd.f32 v5, v62;
	_ =	sdelay $0x1  }
0x67: {  	[tilespmem:s9+$0x850] =	vst.add.f32.msk $0xffff, v5  }
0x68: {  	v5 =	vld [tilespmem:s23+$0x10860];
	_ =	sdelay $0x2  }
0x69: {  	v63 =	vmul.f32 v60, v2;
	_ =	sdelay $0x1  }
0x6a: {  	v5 =	vadd.f32 v5, v63;
	_ =	sdelay $0x1  }
0x6b: {  	[tilespmem:s9+$0x860] =	vst.add.f32.msk $0xffff, v5  }
0x6c: {  	v5 =	vld [tilespmem:s23+$0x10870];
	_ =	sdelay $0x2  }
0x6d: {  	v6 =	vmul.f32 v60, v3;
	_ =	sdelay $0x1  }
0x6e: {  	v5 =	vadd.f32 v5, v6;
	_ =	sdelay $0x1  }
0x6f: {  	[tilespmem:s9+$0x870] =	vst.add.f32.msk $0xffff, v5  }
0x70: {  	v5 =	vld [tilespmem:s23+$0x10880]  }
0x71: {  	v9 =	vbroadcast v4, $0x2;
	_ =	sdelay $0x1  }
0x72: {  	v10 =	vmul.f32 v9, v0;
	_ =	sdelay $0x1  }
0x73: {  	v5 =	vadd.f32 v5, v10;
	_ =	sdelay $0x1  }
0x74: {  	[tilespmem:s9+$0x880] =	vst.add.f32.msk $0xffff, v5  }
0x75: {  	v5 =	vld [tilespmem:s23+$0x10890];
	_ =	sdelay $0x2  }
0x76: {  	v11 =	vmul.f32 v9, v1;
	_ =	sdelay $0x1  }
0x77: {  	v5 =	vadd.f32 v5, v11;
	_ =	sdelay $0x1  }
0x78: {  	[tilespmem:s9+$0x890] =	vst.add.f32.msk $0xffff, v5  }
0x79: {  	v5 =	vld [tilespmem:s23+$0x108A0];
	_ =	sdelay $0x2  }
0x7a: {  	v12 =	vmul.f32 v9, v2;
	_ =	sdelay $0x1  }
0x7b: {  	v5 =	vadd.f32 v5, v12;
	_ =	sdelay $0x1  }
0x7c: {  	[tilespmem:s9+$0x8A0] =	vst.add.f32.msk $0xffff, v5  }
0x7d: {  	v5 =	vld [tilespmem:s23+$0x108B0];
	_ =	sdelay $0x2  }
0x7e: {  	v6 =	vmul.f32 v9, v3;
	_ =	sdelay $0x1  }
0x7f: {  	v5 =	vadd.f32 v5, v6;
	_ =	sdelay $0x1  }
0x80: {  	[tilespmem:s9+$0x8B0] =	vst.add.f32.msk $0xffff, v5  }
0x81: {  	v5 =	vld [tilespmem:s23+$0x108C0]  }
0x82: {  	v13 =	vbroadcast v4, $0x3;
	_ =	sdelay $0x1  }
0x83: {  	v14 =	vmul.f32 v13, v0;
	_ =	sdelay $0x1  }
0x84: {  	v5 =	vadd.f32 v5, v14;
	_ =	sdelay $0x1  }
0x85: {  	[tilespmem:s9+$0x8C0] =	vst.add.f32.msk $0xffff, v5  }
0x86: {  	v5 =	vld [tilespmem:s23+$0x108D0];
	_ =	sdelay $0x2  }
0x87: {  	v15 =	vmul.f32 v13, v1;
	_ =	sdelay $0x1  }
0x88: {  	v5 =	vadd.f32 v5, v15;
	_ =	sdelay $0x1  }
0x89: {  	[tilespmem:s9+$0x8D0] =	vst.add.f32.msk $0xffff, v5  }
0x8a: {  	v5 =	vld [tilespmem:s23+$0x108E0];
	_ =	sdelay $0x2  }
0x8b: {  	v16 =	vmul.f32 v13, v2;
	_ =	sdelay $0x1  }
0x8c: {  	v5 =	vadd.f32 v5, v16;
	_ =	sdelay $0x1  }
0x8d: {  	[tilespmem:s9+$0x8E0] =	vst.add.f32.msk $0xffff, v5  }
0x8e: {  	v5 =	vld [tilespmem:s23+$0x108F0];
	_ =	sdelay $0x2  }
0x8f: {  	v6 =	vmul.f32 v13, v3;
	_ =	sdelay $0x1  }
0x90: {  	v5 =	vadd.f32 v5, v6;
	_ =	sdelay $0x1  }
0x91: {  	[tilespmem:s9+$0x8F0] =	vst.add.f32.msk $0xffff, v5  }
0x92: {  	v5 =	vld [tilespmem:s23+$0x10900]  }
0x93: {  	v17 =	vbroadcast v4, $0x4;
	_ =	sdelay $0x1  }
0x94: {  	v18 =	vmul.f32 v17, v0;
	_ =	sdelay $0x1  }
0x95: {  	v5 =	vadd.f32 v5, v18;
	_ =	sdelay $0x1  }
0x96: {  	[tilespmem:s9+$0x900] =	vst.add.f32.msk $0xffff, v5  }
0x97: {  	v5 =	vld [tilespmem:s23+$0x10910];
	_ =	sdelay $0x2  }
0x98: {  	v19 =	vmul.f32 v17, v1;
	_ =	sdelay $0x1  }
0x99: {  	v5 =	vadd.f32 v5, v19;
	_ =	sdelay $0x1  }
0x9a: {  	[tilespmem:s9+$0x910] =	vst.add.f32.msk $0xffff, v5  }
0x9b: {  	v5 =	vld [tilespmem:s23+$0x10920];
	_ =	sdelay $0x2  }
0x9c: {  	v20 =	vmul.f32 v17, v2;
	_ =	sdelay $0x1  }
0x9d: {  	v5 =	vadd.f32 v5, v20;
	_ =	sdelay $0x1  }
0x9e: {  	[tilespmem:s9+$0x920] =	vst.add.f32.msk $0xffff, v5  }
0x9f: {  	v5 =	vld [tilespmem:s23+$0x10930];
	_ =	sdelay $0x2  }
0xa0: {  	v6 =	vmul.f32 v17, v3;
	_ =	sdelay $0x1  }
0xa1: {  	v5 =	vadd.f32 v5, v6;
	_ =	sdelay $0x1  }
0xa2: {  	[tilespmem:s9+$0x930] =	vst.add.f32.msk $0xffff, v5  }
0xa3: {  	v5 =	vld [tilespmem:s23+$0x10940]  }
0xa4: {  	v21 =	vbroadcast v4, $0x5;
	_ =	sdelay $0x1  }
0xa5: {  	v22 =	vmul.f32 v21, v0;
	_ =	sdelay $0x1  }
0xa6: {  	v5 =	vadd.f32 v5, v22;
	_ =	sdelay $0x1  }
0xa7: {  	[tilespmem:s9+$0x940] =	vst.add.f32.msk $0xffff, v5  }
0xa8: {  	v5 =	vld [tilespmem:s23+$0x10950];
	_ =	sdelay $0x2  }
0xa9: {  	v23 =	vmul.f32 v21, v1;
	_ =	sdelay $0x1  }
0xaa: {  	v5 =	vadd.f32 v5, v23;
	_ =	sdelay $0x1  }
0xab: {  	[tilespmem:s9+$0x950] =	vst.add.f32.msk $0xffff, v5  }
0xac: {  	v5 =	vld [tilespmem:s23+$0x10960];
	_ =	sdelay $0x2  }
0xad: {  	v24 =	vmul.f32 v21, v2;
	_ =	sdelay $0x1  }
0xae: {  	v5 =	vadd.f32 v5, v24;
	_ =	sdelay $0x1  }
0xaf: {  	[tilespmem:s9+$0x960] =	vst.add.f32.msk $0xffff, v5  }
0xb0: {  	v5 =	vld [tilespmem:s23+$0x10970];
	_ =	sdelay $0x2  }
0xb1: {  	v6 =	vmul.f32 v21, v3;
	_ =	sdelay $0x1  }
0xb2: {  	v5 =	vadd.f32 v5, v6;
	_ =	sdelay $0x1  }
0xb3: {  	[tilespmem:s9+$0x970] =	vst.add.f32.msk $0xffff, v5  }
0xb4: {  	v5 =	vld [tilespmem:s23+$0x10980]  }
0xb5: {  	v25 =	vbroadcast v4, $0x6;
	_ =	sdelay $0x1  }
0xb6: {  	v26 =	vmul.f32 v25, v0;
	_ =	sdelay $0x1  }
0xb7: {  	v5 =	vadd.f32 v5, v26;
	_ =	sdelay $0x1  }
0xb8: {  	[tilespmem:s9+$0x980] =	vst.add.f32.msk $0xffff, v5  }
0xb9: {  	v5 =	vld [tilespmem:s23+$0x10990];
	_ =	sdelay $0x2  }
0xba: {  	v27 =	vmul.f32 v25, v1;
	_ =	sdelay $0x1  }
0xbb: {  	v5 =	vadd.f32 v5, v27;
	_ =	sdelay $0x1  }
0xbc: {  	[tilespmem:s9+$0x990] =	vst.add.f32.msk $0xffff, v5  }
0xbd: {  	v5 =	vld [tilespmem:s23+$0x109A0];
	_ =	sdelay $0x2  }
0xbe: {  	v28 =	vmul.f32 v25, v2;
	_ =	sdelay $0x1  }
0xbf: {  	v5 =	vadd.f32 v5, v28;
	_ =	sdelay $0x1  }
0xc0: {  	[tilespmem:s9+$0x9A0] =	vst.add.f32.msk $0xffff, v5  }
0xc1: {  	v5 =	vld [tilespmem:s23+$0x109B0];
	_ =	sdelay $0x2  }
0xc2: {  	v6 =	vmul.f32 v25, v3;
	_ =	sdelay $0x1  }
0xc3: {  	v5 =	vadd.f32 v5, v6;
	_ =	sdelay $0x1  }
0xc4: {  	[tilespmem:s9+$0x9B0] =	vst.add.f32.msk $0xffff, v5  }
0xc5: {  	v5 =	vld [tilespmem:s23+$0x109C0]  }
0xc6: {  	v29 =	vbroadcast v4, $0x7;
	_ =	sdelay $0x1  }
0xc7: {  	v30 =	vmul.f32 v29, v0;
	_ =	sdelay $0x1  }
0xc8: {  	v5 =	vadd.f32 v5, v30;
	_ =	sdelay $0x1  }
0xc9: {  	[tilespmem:s9+$0x9C0] =	vst.add.f32.msk $0xffff, v5  }
0xca: {  	v5 =	vld [tilespmem:s23+$0x109D0];
	_ =	sdelay $0x2  }
0xcb: {  	v31 =	vmul.f32 v29, v1;
	_ =	sdelay $0x1  }
0xcc: {  	v5 =	vadd.f32 v5, v31;
	_ =	sdelay $0x1  }
0xcd: {  	[tilespmem:s9+$0x9D0] =	vst.add.f32.msk $0xffff, v5  }
0xce: {  	v5 =	vld [tilespmem:s23+$0x109E0];
	_ =	sdelay $0x2  }
0xcf: {  	v32 =	vmul.f32 v29, v2;
	_ =	sdelay $0x1  }
0xd0: {  	v5 =	vadd.f32 v5, v32;
	_ =	sdelay $0x1  }
0xd1: {  	[tilespmem:s9+$0x9E0] =	vst.add.f32.msk $0xffff, v5  }
0xd2: {  	v5 =	vld [tilespmem:s23+$0x109F0];
	_ =	sdelay $0x2  }
0xd3: {  	v6 =	vmul.f32 v29, v3;
	_ =	sdelay $0x1  }
0xd4: {  	v5 =	vadd.f32 v5, v6;
	_ =	sdelay $0x1  }
0xd5: {  	[tilespmem:s9+$0x9F0] =	vst.add.f32.msk $0xffff, v5  }
0xd6: {  	v5 =	vld [tilespmem:s23+$0x10A00]  }
0xd7: {  	v33 =	vbroadcast v4, $0x8;
	_ =	sdelay $0x1  }
0xd8: {  	v34 =	vmul.f32 v33, v0;
	_ =	sdelay $0x1  }
0xd9: {  	v5 =	vadd.f32 v5, v34;
	_ =	sdelay $0x1  }
0xda: {  	[tilespmem:s9+$0xA00] =	vst.add.f32.msk $0xffff, v5  }
0xdb: {  	v5 =	vld [tilespmem:s23+$0x10A10];
	_ =	sdelay $0x2  }
0xdc: {  	v35 =	vmul.f32 v33, v1;
	_ =	sdelay $0x1  }
0xdd: {  	v5 =	vadd.f32 v5, v35;
	_ =	sdelay $0x1  }
0xde: {  	[tilespmem:s9+$0xA10] =	vst.add.f32.msk $0xffff, v5  }
0xdf: {  	v5 =	vld [tilespmem:s23+$0x10A20];
	_ =	sdelay $0x2  }
0xe0: {  	v36 =	vmul.f32 v33, v2;
	_ =	sdelay $0x1  }
0xe1: {  	v5 =	vadd.f32 v5, v36;
	_ =	sdelay $0x1  }
0xe2: {  	[tilespmem:s9+$0xA20] =	vst.add.f32.msk $0xffff, v5  }
0xe3: {  	v5 =	vld [tilespmem:s23+$0x10A30];
	_ =	sdelay $0x2  }
0xe4: {  	v6 =	vmul.f32 v33, v3;
	_ =	sdelay $0x1  }
0xe5: {  	v5 =	vadd.f32 v5, v6;
	_ =	sdelay $0x1  }
0xe6: {  	[tilespmem:s9+$0xA30] =	vst.add.f32.msk $0xffff, v5  }
0xe7: {  	v5 =	vld [tilespmem:s23+$0x10A40]  }
0xe8: {  	v37 =	vbroadcast v4, $0x9;
	_ =	sdelay $0x1  }
0xe9: {  	v38 =	vmul.f32 v37, v0;
	_ =	sdelay $0x1  }
0xea: {  	v5 =	vadd.f32 v5, v38;
	_ =	sdelay $0x1  }
0xeb: {  	[tilespmem:s9+$0xA40] =	vst.add.f32.msk $0xffff, v5  }
0xec: {  	v5 =	vld [tilespmem:s23+$0x10A50];
	_ =	sdelay $0x2  }
0xed: {  	v39 =	vmul.f32 v37, v1;
	_ =	sdelay $0x1  }
0xee: {  	v5 =	vadd.f32 v5, v39;
	_ =	sdelay $0x1  }
0xef: {  	[tilespmem:s9+$0xA50] =	vst.add.f32.msk $0xffff, v5  }
0xf0: {  	v5 =	vld [tilespmem:s23+$0x10A60];
	_ =	sdelay $0x2  }
0xf1: {  	v40 =	vmul.f32 v37, v2;
	_ =	sdelay $0x1  }
0xf2: {  	v5 =	vadd.f32 v5, v40;
	_ =	sdelay $0x1  }
0xf3: {  	[tilespmem:s9+$0xA60] =	vst.add.f32.msk $0xffff, v5  }
0xf4: {  	v5 =	vld [tilespmem:s23+$0x10A70];
	_ =	sdelay $0x2  }
0xf5: {  	v6 =	vmul.f32 v37, v3;
	_ =	sdelay $0x1  }
0xf6: {  	v5 =	vadd.f32 v5, v6;
	_ =	sdelay $0x1  }
0xf7: {  	[tilespmem:s9+$0xA70] =	vst.add.f32.msk $0xffff, v5  }
0xf8: {  	v5 =	vld [tilespmem:s23+$0x10A80]  }
0xf9: {  	v41 =	vbroadcast v4, $0xA;
	_ =	sdelay $0x1  }
0xfa: {  	v42 =	vmul.f32 v41, v0;
	_ =	sdelay $0x1  }
0xfb: {  	v5 =	vadd.f32 v5, v42;
	_ =	sdelay $0x1  }
0xfc: {  	[tilespmem:s9+$0xA80] =	vst.add.f32.msk $0xffff, v5  }
0xfd: {  	v5 =	vld [tilespmem:s23+$0x10A90];
	_ =	sdelay $0x2  }
0xfe: {  	v43 =	vmul.f32 v41, v1;
	_ =	sdelay $0x1  }
0xff: {  	v5 =	vadd.f32 v5, v43;
	_ =	sdelay $0x1  }
0x100: {  	[tilespmem:s9+$0xA90] =	vst.add.f32.msk $0xffff, v5  }
0x101: {  	v5 =	vld [tilespmem:s23+$0x10AA0];
	_ =	sdelay $0x2  }
0x102: {  	v44 =	vmul.f32 v41, v2;
	_ =	sdelay $0x1  }
0x103: {  	v5 =	vadd.f32 v5, v44;
	_ =	sdelay $0x1  }
0x104: {  	[tilespmem:s9+$0xAA0] =	vst.add.f32.msk $0xffff, v5  }
0x105: {  	v5 =	vld [tilespmem:s23+$0x10AB0];
	_ =	sdelay $0x2  }
0x106: {  	v6 =	vmul.f32 v41, v3;
	_ =	sdelay $0x1  }
0x107: {  	v5 =	vadd.f32 v5, v6;
	_ =	sdelay $0x1  }
0x108: {  	[tilespmem:s9+$0xAB0] =	vst.add.f32.msk $0xffff, v5  }
0x109: {  	v5 =	vld [tilespmem:s23+$0x10AC0]  }
0x10a: {  	v45 =	vbroadcast v4, $0xB;
	_ =	sdelay $0x1  }
0x10b: {  	v46 =	vmul.f32 v45, v0;
	_ =	sdelay $0x1  }
0x10c: {  	v5 =	vadd.f32 v5, v46;
	_ =	sdelay $0x1  }
0x10d: {  	[tilespmem:s9+$0xAC0] =	vst.add.f32.msk $0xffff, v5  }
0x10e: {  	v5 =	vld [tilespmem:s23+$0x10AD0];
	_ =	sdelay $0x2  }
0x10f: {  	v47 =	vmul.f32 v45, v1;
	_ =	sdelay $0x1  }
0x110: {  	v5 =	vadd.f32 v5, v47;
	_ =	sdelay $0x1  }
0x111: {  	[tilespmem:s9+$0xAD0] =	vst.add.f32.msk $0xffff, v5  }
0x112: {  	v5 =	vld [tilespmem:s23+$0x10AE0];
	_ =	sdelay $0x2  }
0x113: {  	v48 =	vmul.f32 v45, v2;
	_ =	sdelay $0x1  }
0x114: {  	v5 =	vadd.f32 v5, v48;
	_ =	sdelay $0x1  }
0x115: {  	[tilespmem:s9+$0xAE0] =	vst.add.f32.msk $0xffff, v5  }
0x116: {  	v5 =	vld [tilespmem:s23+$0x10AF0];
	_ =	sdelay $0x2  }
0x117: {  	v6 =	vmul.f32 v45, v3;
	_ =	sdelay $0x1  }
0x118: {  	v5 =	vadd.f32 v5, v6;
	_ =	sdelay $0x1  }
0x119: {  	[tilespmem:s9+$0xAF0] =	vst.add.f32.msk $0xffff, v5  }
0x11a: {  	v5 =	vld [tilespmem:s23+$0x10B00]  }
0x11b: {  	v49 =	vbroadcast v4, $0xC;
	_ =	sdelay $0x1  }
0x11c: {  	v50 =	vmul.f32 v49, v0;
	_ =	sdelay $0x1  }
0x11d: {  	v5 =	vadd.f32 v5, v50;
	_ =	sdelay $0x1  }
0x11e: {  	[tilespmem:s9+$0xB00] =	vst.add.f32.msk $0xffff, v5  }
0x11f: {  	v5 =	vld [tilespmem:s23+$0x10B10];
	_ =	sdelay $0x2  }
0x120: {  	v51 =	vmul.f32 v49, v1;
	_ =	sdelay $0x1  }
0x121: {  	v5 =	vadd.f32 v5, v51;
	_ =	sdelay $0x1  }
0x122: {  	[tilespmem:s9+$0xB10] =	vst.add.f32.msk $0xffff, v5  }
0x123: {  	v5 =	vld [tilespmem:s23+$0x10B20];
	_ =	sdelay $0x2  }
0x124: {  	v52 =	vmul.f32 v49, v2;
	_ =	sdelay $0x1  }
0x125: {  	v5 =	vadd.f32 v5, v52;
	_ =	sdelay $0x1  }
0x126: {  	[tilespmem:s9+$0xB20] =	vst.add.f32.msk $0xffff, v5  }
0x127: {  	v5 =	vld [tilespmem:s23+$0x10B30];
	_ =	sdelay $0x2  }
0x128: {  	v6 =	vmul.f32 v49, v3;
	_ =	sdelay $0x1  }
0x129: {  	v5 =	vadd.f32 v5, v6;
	_ =	sdelay $0x1  }
0x12a: {  	[tilespmem:s9+$0xB30] =	vst.add.f32.msk $0xffff, v5  }
0x12b: {  	v5 =	vld [tilespmem:s23+$0x10B40]  }
0x12c: {  	v53 =	vbroadcast v4, $0xD;
	_ =	sdelay $0x1  }
0x12d: {  	v54 =	vmul.f32 v53, v0;
	_ =	sdelay $0x1  }
0x12e: {  	v5 =	vadd.f32 v5, v54;
	_ =	sdelay $0x1  }
0x12f: {  	[tilespmem:s9+$0xB40] =	vst.add.f32.msk $0xffff, v5  }
0x130: {  	v5 =	vld [tilespmem:s23+$0x10B50];
	_ =	sdelay $0x2  }
0x131: {  	v55 =	vmul.f32 v53, v1;
	_ =	sdelay $0x1  }
0x132: {  	v5 =	vadd.f32 v5, v55;
	_ =	sdelay $0x1  }
0x133: {  	[tilespmem:s9+$0xB50] =	vst.add.f32.msk $0xffff, v5  }
0x134: {  	v5 =	vld [tilespmem:s23+$0x10B60];
	_ =	sdelay $0x2  }
0x135: {  	v56 =	vmul.f32 v53, v2;
	_ =	sdelay $0x1  }
0x136: {  	v5 =	vadd.f32 v5, v56;
	_ =	sdelay $0x1  }
0x137: {  	[tilespmem:s9+$0xB60] =	vst.add.f32.msk $0xffff, v5  }
0x138: {  	v5 =	vld [tilespmem:s23+$0x10B70];
	_ =	sdelay $0x2  }
0x139: {  	v6 =	vmul.f32 v53, v3;
	_ =	sdelay $0x1  }
0x13a: {  	v5 =	vadd.f32 v5, v6;
	_ =	sdelay $0x1  }
0x13b: {  	[tilespmem:s9+$0xB70] =	vst.add.f32.msk $0xffff, v5  }
0x13c: {  	v5 =	vld [tilespmem:s23+$0x10B80]  }
0x13d: {  	v57 =	vbroadcast v4, $0xE;
	_ =	sdelay $0x1  }
0x13e: {  	v58 =	vmul.f32 v57, v0;
	_ =	sdelay $0x1  }
0x13f: {  	v5 =	vadd.f32 v5, v58;
	_ =	sdelay $0x1  }
0x140: {  	[tilespmem:s9+$0xB80] =	vst.add.f32.msk $0xffff, v5  }
0x141: {  	v5 =	vld [tilespmem:s23+$0x10B90];
	_ =	sdelay $0x2  }
0x142: {  	v59 =	vmul.f32 v57, v1;
	_ =	sdelay $0x1  }
0x143: {  	v5 =	vadd.f32 v5, v59;
	_ =	sdelay $0x1  }
0x144: {  	[tilespmem:s9+$0xB90] =	vst.add.f32.msk $0xffff, v5  }
0x145: {  	v5 =	vld [tilespmem:s23+$0x10BA0];
	_ =	sdelay $0x2  }
0x146: {  	v60 =	vmul.f32 v57, v2;
	_ =	sdelay $0x1  }
0x147: {  	v5 =	vadd.f32 v5, v60;
	_ =	sdelay $0x1  }
0x148: {  	[tilespmem:s9+$0xBA0] =	vst.add.f32.msk $0xffff, v5  }
0x149: {  	v5 =	vld [tilespmem:s23+$0x10BB0];
	_ =	sdelay $0x2  }
0x14a: {  	v6 =	vmul.f32 v57, v3;
	_ =	sdelay $0x1  }
0x14b: {  	v5 =	vadd.f32 v5, v6;
	_ =	sdelay $0x1  }
0x14c: {  	[tilespmem:s9+$0xBB0] =	vst.add.f32.msk $0xffff, v5  }
0x14d: {  	v5 =	vld [tilespmem:s23+$0x10BC0]  }
0x14e: {  	v4 =	vbroadcast v4, $0xF;
	_ =	sdelay $0x1  }
0x14f: {  	v61 =	vmul.f32 v4, v0;
	_ =	sdelay $0x1  }
0x150: {  	v5 =	vadd.f32 v5, v61;
	_ =	sdelay $0x1  }
0x151: {  	[tilespmem:s9+$0xBC0] =	vst.add.f32.msk $0xffff, v5  }
0x152: {  	v5 =	vld [tilespmem:s23+$0x10BD0];
	_ =	sdelay $0x2  }
0x153: {  	v62 =	vmul.f32 v4, v1;
	_ =	sdelay $0x1  }
0x154: {  	v5 =	vadd.f32 v5, v62;
	_ =	sdelay $0x1  }
0x155: {  	[tilespmem:s9+$0xBD0] =	vst.add.f32.msk $0xffff, v5  }
0x156: {  	v5 =	vld [tilespmem:s23+$0x10BE0];
	_ =	sdelay $0x2  }
0x157: {  	v63 =	vmul.f32 v4, v2;
	_ =	sdelay $0x1  }
0x158: {  	v5 =	vadd.f32 v5, v63;
	_ =	sdelay $0x1  }
0x159: {  	[tilespmem:s9+$0xBE0] =	vst.add.f32.msk $0xffff, v5  }
0x15a: {  	v5 =	vld [tilespmem:s23+$0x10BF0];
	s23 =	sadd.s32 $0x10, s26  }
0x15b: {  	s26 =	sadd.s32 $0xFFFFFF48, s26;
	p0 =	sgt.s32 s23, $0xC7  }
0x15c: {  	s23 =	smov.u32 @p0 s26;
	p0 =	sne.s32 s10, $0x1F000  }
.Ltmp0:
0x15d: {  	v4 =	vmul.f32 v4, v3;
	(pc) =	sbr.rel @p0 .LBB2_3-.Ltmp0, $3  }
0x15e: {  	_ = 	snop  }
0x15f: {  	v4 =	vadd.f32 v5, v4;
	_ =	sdelay $0x1  }
0x160: {  	s11 =	sadd.s32 $0x10, s11;
	s10 =	sadd.s32 $0x1000, s10;
	s26 =	smov.u32 s23;
	[tilespmem:s9+$0xBF0] =	vst.add.f32.msk $0xffff, v4  }
0x161: {  	s9 =	sshll.u32 s24, $0x10  }
0x162: {  	s9 =	sadd.s32 s12, s9  }
0x163: {  	s9 =	sshrl.u32 s9, $0x3  }
0x164: {  	p0 =	seq.s32 s24, $0x18;
	s9 =	sadd.s32 s3, s9  }
0x165: {  	[hbm4b:s9+s4] =	stream.linear.scatter [tilespmem:s21], [sflag:$0x3], $0x8000, $0x38;
	[tilespmem:$0x16C40] =	vst v63  }
0x166: {  	s9 =	sshll.u32 @!p0 s24, $0xA  }
0x167: {  	_ =	swait.ge [sflag:s19], $0x8000;
	s9 =	sadd.s32 @!p0 s9, s13  }
0x168: {  	[sflag:s19] =	ssyncset.done $0x0;
	s9 =	sshrl.u32 @!p0 s9, $0x3  }
0x169: {  	s11 =	simm.s32 @!p0 $0x0;
	[sflag:s19] =	ssyncadd.s32 $0xFFFF8000;
	s10 =	sadd.s32 @!p0 s5, s9  }
0x16a: {  	[tilespmem:s11], [sflag:$0x4] =	stream.linear.gather @!p0 [hbm4b:s10+s11], $0x200, $0x38;
	[tilespmem:$0x16C40] =	vst v63  }
0x16b: {  	s10 =	simm.s32 @!p0 $0x4  }
0x16c: {  	_ =	swait.ge @!p0 [sflag:s10], $0x200  }
0x16d: {  	[sflag:s10] =	ssyncset.done @!p0 $0x0  }
0x16e: {  	s23 =	simm.s32 @!p0 $0x400;
	s9 =	sadd.s32 @!p0 s7, s9;
	[sflag:s10] =	ssyncadd.s32 @!p0 $0xFFFFFE00  }
0x16f: {  	[tilespmem:s23], [sflag:$0x4] =	stream.linear.gather @!p0 [hbm4b:s9+s11], $0x200, $0x38;
	[tilespmem:$0x16C40] =	vst v63  }
0x170: {  	_ =	swait.ge @!p0 [sflag:s10], $0x200  }
0x171: {  	[sflag:s10] =	ssyncset.done @!p0 $0x0  }
0x172: {  	s9 =	simm.s32 @!p0 $0x80;
	[sflag:s10] =	ssyncadd.s32 @!p0 $0xFFFFFE00;
	s10 =	simm.s32 @!p0 $0x800  }
0x173: {  	[tilespmem:s10], [sflag:$0x1] =	stream.indirect.gather @!p0 [hbm4b:s8+s9], $0x40, s11, s9, $0xb8;
	[tilespmem:$0x16C40] =	vst v63  }
0x174: {  	s10 =	simm.s32 @!p0 $0x2800  }
0x175: {  	[tilespmem:s10], [sflag:$0x1] =	stream.indirect.gather @!p0 [hbm4b:s8+s9], $0x40, s9, s9, $0xb8;
	[tilespmem:$0x16C40] =	vst v63  }
0x176: {  	s11 =	simm.s32 @!p0 $0x4800;
	s10 =	simm.s32 @!p0 $0x100  }
0x177: {  	[tilespmem:s11], [sflag:$0x1] =	stream.indirect.gather @!p0 [hbm4b:s8+s9], $0x40, s10, s9, $0xb8;
	[tilespmem:$0x16C40] =	vst v63  }
0x178: {  	s23 =	simm.s32 @!p0 $0x6800;
	s10 =	sadd.s32 $0x70, s14;
	s11 =	simm.s32 @!p0 $0x180  }
0x179: {  	[tilespmem:s23], [sflag:$0x1] =	stream.indirect.gather @!p0 [hbm4b:s8+s9], $0x40, s11, s9, $0xb8;
	[tilespmem:$0x16C40] =	vst v63  }
0x17a: {  	p0 =	sgt.s32 s10, $0xC7;
	s9 =	sadd.s32 $0xFFFFFFA8, s14;
	_ =	swait.ge [sflag:s22], $0x8000  }
0x17b: {  	s26 =	simm.s32 $0x0;
	s10 =	smov.u32 @p0 s9;
	[sflag:s22] =	ssyncset.done $0x0  }
0x17c: {  	s11 =	simm.s32 $0x600;
	s14 =	smov.u32 s10;
	[sflag:s22] =	ssyncadd.s32 $0xFFFF8000  }
.LBB2_5:
0x17d: {  	v4 =	vld [tilespmem:s11+$0x0];
	_ =	sdelay $0x1  }
0x17e: {  	s9 =	sshll.u32 s14, $0x8  }
0x17f: {  	s23 =	sshra.s32 s9, $0x2  }
0x180: {  	v5 =	vld [tilespmem:s23+$0x10800]  }
0x181: {  	v6 =	vbroadcast v4, $0x0;
	_ =	sdelay $0x1  }
0x182: {  	v7 =	vmul.f32 v6, v0;
	_ =	sdelay $0x1  }
0x183: {  	v5 =	vadd.f32 v7, v5  }
0x184: {  	s9 =	sshra.s32 s26, $0x2  }
0x185: {  	[tilespmem:s9+$0x8800] =	vst.add.f32.msk $0xffff, v5  }
0x186: {  	v5 =	vld [tilespmem:s23+$0x10810];
	_ =	sdelay $0x2  }
0x187: {  	v58 =	vmul.f32 v6, v1;
	_ =	sdelay $0x1  }
0x188: {  	v5 =	vadd.f32 v5, v58;
	_ =	sdelay $0x1  }
0x189: {  	[tilespmem:s9+$0x8810] =	vst.add.f32.msk $0xffff, v5  }
0x18a: {  	v5 =	vld [tilespmem:s23+$0x10820];
	_ =	sdelay $0x2  }
0x18b: {  	v59 =	vmul.f32 v6, v2;
	_ =	sdelay $0x1  }
0x18c: {  	v5 =	vadd.f32 v5, v59;
	_ =	sdelay $0x1  }
0x18d: {  	[tilespmem:s9+$0x8820] =	vst.add.f32.msk $0xffff, v5  }
0x18e: {  	v5 =	vld [tilespmem:s23+$0x10830];
	_ =	sdelay $0x2  }
0x18f: {  	v6 =	vmul.f32 v6, v3;
	_ =	sdelay $0x1  }
0x190: {  	v5 =	vadd.f32 v5, v6;
	_ =	sdelay $0x1  }
0x191: {  	[tilespmem:s9+$0x8830] =	vst.add.f32.msk $0xffff, v5  }
0x192: {  	v5 =	vld [tilespmem:s23+$0x10840]  }
0x193: {  	v60 =	vbroadcast v4, $0x1;
	_ =	sdelay $0x1  }
0x194: {  	v61 =	vmul.f32 v60, v0;
	_ =	sdelay $0x1  }
0x195: {  	v5 =	vadd.f32 v5, v61;
	_ =	sdelay $0x1  }
0x196: {  	[tilespmem:s9+$0x8840] =	vst.add.f32.msk $0xffff, v5  }
0x197: {  	v5 =	vld [tilespmem:s23+$0x10850];
	_ =	sdelay $0x2  }
0x198: {  	v62 =	vmul.f32 v60, v1;
	_ =	sdelay $0x1  }
0x199: {  	v5 =	vadd.f32 v5, v62;
	_ =	sdelay $0x1  }
0x19a: {  	[tilespmem:s9+$0x8850] =	vst.add.f32.msk $0xffff, v5  }
0x19b: {  	v5 =	vld [tilespmem:s23+$0x10860];
	_ =	sdelay $0x2  }
0x19c: {  	v63 =	vmul.f32 v60, v2;
	_ =	sdelay $0x1  }
0x19d: {  	v5 =	vadd.f32 v5, v63;
	_ =	sdelay $0x1  }
0x19e: {  	[tilespmem:s9+$0x8860] =	vst.add.f32.msk $0xffff, v5  }
0x19f: {  	v5 =	vld [tilespmem:s23+$0x10870];
	_ =	sdelay $0x2  }
0x1a0: {  	v6 =	vmul.f32 v60, v3;
	_ =	sdelay $0x1  }
0x1a1: {  	v5 =	vadd.f32 v5, v6;
	_ =	sdelay $0x1  }
0x1a2: {  	[tilespmem:s9+$0x8870] =	vst.add.f32.msk $0xffff, v5  }
0x1a3: {  	v5 =	vld [tilespmem:s23+$0x10880]  }
0x1a4: {  	v9 =	vbroadcast v4, $0x2;
	_ =	sdelay $0x1  }
0x1a5: {  	v10 =	vmul.f32 v9, v0;
	_ =	sdelay $0x1  }
0x1a6: {  	v5 =	vadd.f32 v5, v10;
	_ =	sdelay $0x1  }
0x1a7: {  	[tilespmem:s9+$0x8880] =	vst.add.f32.msk $0xffff, v5  }
0x1a8: {  	v5 =	vld [tilespmem:s23+$0x10890];
	_ =	sdelay $0x2  }
0x1a9: {  	v11 =	vmul.f32 v9, v1;
	_ =	sdelay $0x1  }
0x1aa: {  	v5 =	vadd.f32 v5, v11;
	_ =	sdelay $0x1  }
0x1ab: {  	[tilespmem:s9+$0x8890] =	vst.add.f32.msk $0xffff, v5  }
0x1ac: {  	v5 =	vld [tilespmem:s23+$0x108A0];
	_ =	sdelay $0x2  }
0x1ad: {  	v12 =	vmul.f32 v9, v2;
	_ =	sdelay $0x1  }
0x1ae: {  	v5 =	vadd.f32 v5, v12;
	_ =	sdelay $0x1  }
0x1af: {  	[tilespmem:s9+$0x88A0] =	vst.add.f32.msk $0xffff, v5  }
0x1b0: {  	v5 =	vld [tilespmem:s23+$0x108B0];
	_ =	sdelay $0x2  }
0x1b1: {  	v6 =	vmul.f32 v9, v3;
	_ =	sdelay $0x1  }
0x1b2: {  	v5 =	vadd.f32 v5, v6;
	_ =	sdelay $0x1  }
0x1b3: {  	[tilespmem:s9+$0x88B0] =	vst.add.f32.msk $0xffff, v5  }
0x1b4: {  	v5 =	vld [tilespmem:s23+$0x108C0]  }
0x1b5: {  	v13 =	vbroadcast v4, $0x3;
	_ =	sdelay $0x1  }
0x1b6: {  	v14 =	vmul.f32 v13, v0;
	_ =	sdelay $0x1  }
0x1b7: {  	v5 =	vadd.f32 v5, v14;
	_ =	sdelay $0x1  }
0x1b8: {  	[tilespmem:s9+$0x88C0] =	vst.add.f32.msk $0xffff, v5  }
0x1b9: {  	v5 =	vld [tilespmem:s23+$0x108D0];
	_ =	sdelay $0x2  }
0x1ba: {  	v15 =	vmul.f32 v13, v1;
	_ =	sdelay $0x1  }
0x1bb: {  	v5 =	vadd.f32 v5, v15;
	_ =	sdelay $0x1  }
0x1bc: {  	[tilespmem:s9+$0x88D0] =	vst.add.f32.msk $0xffff, v5  }
0x1bd: {  	v5 =	vld [tilespmem:s23+$0x108E0];
	_ =	sdelay $0x2  }
0x1be: {  	v16 =	vmul.f32 v13, v2;
	_ =	sdelay $0x1  }
0x1bf: {  	v5 =	vadd.f32 v5, v16;
	_ =	sdelay $0x1  }
0x1c0: {  	[tilespmem:s9+$0x88E0] =	vst.add.f32.msk $0xffff, v5  }
0x1c1: {  	v5 =	vld [tilespmem:s23+$0x108F0];
	_ =	sdelay $0x2  }
0x1c2: {  	v6 =	vmul.f32 v13, v3;
	_ =	sdelay $0x1  }
0x1c3: {  	v5 =	vadd.f32 v5, v6;
	_ =	sdelay $0x1  }
0x1c4: {  	[tilespmem:s9+$0x88F0] =	vst.add.f32.msk $0xffff, v5  }
0x1c5: {  	v5 =	vld [tilespmem:s23+$0x10900]  }
0x1c6: {  	v17 =	vbroadcast v4, $0x4;
	_ =	sdelay $0x1  }
0x1c7: {  	v18 =	vmul.f32 v17, v0;
	_ =	sdelay $0x1  }
0x1c8: {  	v5 =	vadd.f32 v5, v18;
	_ =	sdelay $0x1  }
0x1c9: {  	[tilespmem:s9+$0x8900] =	vst.add.f32.msk $0xffff, v5  }
0x1ca: {  	v5 =	vld [tilespmem:s23+$0x10910];
	_ =	sdelay $0x2  }
0x1cb: {  	v19 =	vmul.f32 v17, v1;
	_ =	sdelay $0x1  }
0x1cc: {  	v5 =	vadd.f32 v5, v19;
	_ =	sdelay $0x1  }
0x1cd: {  	[tilespmem:s9+$0x8910] =	vst.add.f32.msk $0xffff, v5  }
0x1ce: {  	v5 =	vld [tilespmem:s23+$0x10920];
	_ =	sdelay $0x2  }
0x1cf: {  	v20 =	vmul.f32 v17, v2;
	_ =	sdelay $0x1  }
0x1d0: {  	v5 =	vadd.f32 v5, v20;
	_ =	sdelay $0x1  }
0x1d1: {  	[tilespmem:s9+$0x8920] =	vst.add.f32.msk $0xffff, v5  }
0x1d2: {  	v5 =	vld [tilespmem:s23+$0x10930];
	_ =	sdelay $0x2  }
0x1d3: {  	v6 =	vmul.f32 v17, v3;
	_ =	sdelay $0x1  }
0x1d4: {  	v5 =	vadd.f32 v5, v6;
	_ =	sdelay $0x1  }
0x1d5: {  	[tilespmem:s9+$0x8930] =	vst.add.f32.msk $0xffff, v5  }
0x1d6: {  	v5 =	vld [tilespmem:s23+$0x10940]  }
0x1d7: {  	v21 =	vbroadcast v4, $0x5;
	_ =	sdelay $0x1  }
0x1d8: {  	v22 =	vmul.f32 v21, v0;
	_ =	sdelay $0x1  }
0x1d9: {  	v5 =	vadd.f32 v5, v22;
	_ =	sdelay $0x1  }
0x1da: {  	[tilespmem:s9+$0x8940] =	vst.add.f32.msk $0xffff, v5  }
0x1db: {  	v5 =	vld [tilespmem:s23+$0x10950];
	_ =	sdelay $0x2  }
0x1dc: {  	v23 =	vmul.f32 v21, v1;
	_ =	sdelay $0x1  }
0x1dd: {  	v5 =	vadd.f32 v5, v23;
	_ =	sdelay $0x1  }
0x1de: {  	[tilespmem:s9+$0x8950] =	vst.add.f32.msk $0xffff, v5  }
0x1df: {  	v5 =	vld [tilespmem:s23+$0x10960];
	_ =	sdelay $0x2  }
0x1e0: {  	v24 =	vmul.f32 v21, v2;
	_ =	sdelay $0x1  }
0x1e1: {  	v5 =	vadd.f32 v5, v24;
	_ =	sdelay $0x1  }
0x1e2: {  	[tilespmem:s9+$0x8960] =	vst.add.f32.msk $0xffff, v5  }
0x1e3: {  	v5 =	vld [tilespmem:s23+$0x10970];
	_ =	sdelay $0x2  }
0x1e4: {  	v6 =	vmul.f32 v21, v3;
	_ =	sdelay $0x1  }
0x1e5: {  	v5 =	vadd.f32 v5, v6;
	_ =	sdelay $0x1  }
0x1e6: {  	[tilespmem:s9+$0x8970] =	vst.add.f32.msk $0xffff, v5  }
0x1e7: {  	v5 =	vld [tilespmem:s23+$0x10980]  }
0x1e8: {  	v25 =	vbroadcast v4, $0x6;
	_ =	sdelay $0x1  }
0x1e9: {  	v26 =	vmul.f32 v25, v0;
	_ =	sdelay $0x1  }
0x1ea: {  	v5 =	vadd.f32 v5, v26;
	_ =	sdelay $0x1  }
0x1eb: {  	[tilespmem:s9+$0x8980] =	vst.add.f32.msk $0xffff, v5  }
0x1ec: {  	v5 =	vld [tilespmem:s23+$0x10990];
	_ =	sdelay $0x2  }
0x1ed: {  	v27 =	vmul.f32 v25, v1;
	_ =	sdelay $0x1  }
0x1ee: {  	v5 =	vadd.f32 v5, v27;
	_ =	sdelay $0x1  }
0x1ef: {  	[tilespmem:s9+$0x8990] =	vst.add.f32.msk $0xffff, v5  }
0x1f0: {  	v5 =	vld [tilespmem:s23+$0x109A0];
	_ =	sdelay $0x2  }
0x1f1: {  	v28 =	vmul.f32 v25, v2;
	_ =	sdelay $0x1  }
0x1f2: {  	v5 =	vadd.f32 v5, v28;
	_ =	sdelay $0x1  }
0x1f3: {  	[tilespmem:s9+$0x89A0] =	vst.add.f32.msk $0xffff, v5  }
0x1f4: {  	v5 =	vld [tilespmem:s23+$0x109B0];
	_ =	sdelay $0x2  }
0x1f5: {  	v6 =	vmul.f32 v25, v3;
	_ =	sdelay $0x1  }
0x1f6: {  	v5 =	vadd.f32 v5, v6;
	_ =	sdelay $0x1  }
0x1f7: {  	[tilespmem:s9+$0x89B0] =	vst.add.f32.msk $0xffff, v5  }
0x1f8: {  	v5 =	vld [tilespmem:s23+$0x109C0]  }
0x1f9: {  	v29 =	vbroadcast v4, $0x7;
	_ =	sdelay $0x1  }
0x1fa: {  	v30 =	vmul.f32 v29, v0;
	_ =	sdelay $0x1  }
0x1fb: {  	v5 =	vadd.f32 v5, v30;
	_ =	sdelay $0x1  }
0x1fc: {  	[tilespmem:s9+$0x89C0] =	vst.add.f32.msk $0xffff, v5  }
0x1fd: {  	v5 =	vld [tilespmem:s23+$0x109D0];
	_ =	sdelay $0x2  }
0x1fe: {  	v31 =	vmul.f32 v29, v1;
	_ =	sdelay $0x1  }
0x1ff: {  	v5 =	vadd.f32 v5, v31;
	_ =	sdelay $0x1  }
0x200: {  	[tilespmem:s9+$0x89D0] =	vst.add.f32.msk $0xffff, v5  }
0x201: {  	v5 =	vld [tilespmem:s23+$0x109E0];
	_ =	sdelay $0x2  }
0x202: {  	v32 =	vmul.f32 v29, v2;
	_ =	sdelay $0x1  }
0x203: {  	v5 =	vadd.f32 v5, v32;
	_ =	sdelay $0x1  }
0x204: {  	[tilespmem:s9+$0x89E0] =	vst.add.f32.msk $0xffff, v5  }
0x205: {  	v5 =	vld [tilespmem:s23+$0x109F0];
	_ =	sdelay $0x2  }
0x206: {  	v6 =	vmul.f32 v29, v3;
	_ =	sdelay $0x1  }
0x207: {  	v5 =	vadd.f32 v5, v6;
	_ =	sdelay $0x1  }
0x208: {  	[tilespmem:s9+$0x89F0] =	vst.add.f32.msk $0xffff, v5  }
0x209: {  	v5 =	vld [tilespmem:s23+$0x10A00]  }
0x20a: {  	v33 =	vbroadcast v4, $0x8;
	_ =	sdelay $0x1  }
0x20b: {  	v34 =	vmul.f32 v33, v0;
	_ =	sdelay $0x1  }
0x20c: {  	v5 =	vadd.f32 v5, v34;
	_ =	sdelay $0x1  }
0x20d: {  	[tilespmem:s9+$0x8A00] =	vst.add.f32.msk $0xffff, v5  }
0x20e: {  	v5 =	vld [tilespmem:s23+$0x10A10];
	_ =	sdelay $0x2  }
0x20f: {  	v35 =	vmul.f32 v33, v1;
	_ =	sdelay $0x1  }
0x210: {  	v5 =	vadd.f32 v5, v35;
	_ =	sdelay $0x1  }
0x211: {  	[tilespmem:s9+$0x8A10] =	vst.add.f32.msk $0xffff, v5  }
0x212: {  	v5 =	vld [tilespmem:s23+$0x10A20];
	_ =	sdelay $0x2  }
0x213: {  	v36 =	vmul.f32 v33, v2;
	_ =	sdelay $0x1  }
0x214: {  	v5 =	vadd.f32 v5, v36;
	_ =	sdelay $0x1  }
0x215: {  	[tilespmem:s9+$0x8A20] =	vst.add.f32.msk $0xffff, v5  }
0x216: {  	v5 =	vld [tilespmem:s23+$0x10A30];
	_ =	sdelay $0x2  }
0x217: {  	v6 =	vmul.f32 v33, v3;
	_ =	sdelay $0x1  }
0x218: {  	v5 =	vadd.f32 v5, v6;
	_ =	sdelay $0x1  }
0x219: {  	[tilespmem:s9+$0x8A30] =	vst.add.f32.msk $0xffff, v5  }
0x21a: {  	v5 =	vld [tilespmem:s23+$0x10A40]  }
0x21b: {  	v37 =	vbroadcast v4, $0x9;
	_ =	sdelay $0x1  }
0x21c: {  	v38 =	vmul.f32 v37, v0;
	_ =	sdelay $0x1  }
0x21d: {  	v5 =	vadd.f32 v5, v38;
	_ =	sdelay $0x1  }
0x21e: {  	[tilespmem:s9+$0x8A40] =	vst.add.f32.msk $0xffff, v5  }
0x21f: {  	v5 =	vld [tilespmem:s23+$0x10A50];
	_ =	sdelay $0x2  }
0x220: {  	v39 =	vmul.f32 v37, v1;
	_ =	sdelay $0x1  }
0x221: {  	v5 =	vadd.f32 v5, v39;
	_ =	sdelay $0x1  }
0x222: {  	[tilespmem:s9+$0x8A50] =	vst.add.f32.msk $0xffff, v5  }
0x223: {  	v5 =	vld [tilespmem:s23+$0x10A60];
	_ =	sdelay $0x2  }
0x224: {  	v40 =	vmul.f32 v37, v2;
	_ =	sdelay $0x1  }
0x225: {  	v5 =	vadd.f32 v5, v40;
	_ =	sdelay $0x1  }
0x226: {  	[tilespmem:s9+$0x8A60] =	vst.add.f32.msk $0xffff, v5  }
0x227: {  	v5 =	vld [tilespmem:s23+$0x10A70];
	_ =	sdelay $0x2  }
0x228: {  	v6 =	vmul.f32 v37, v3;
	_ =	sdelay $0x1  }
0x229: {  	v5 =	vadd.f32 v5, v6;
	_ =	sdelay $0x1  }
0x22a: {  	[tilespmem:s9+$0x8A70] =	vst.add.f32.msk $0xffff, v5  }
0x22b: {  	v5 =	vld [tilespmem:s23+$0x10A80]  }
0x22c: {  	v41 =	vbroadcast v4, $0xA;
	_ =	sdelay $0x1  }
0x22d: {  	v42 =	vmul.f32 v41, v0;
	_ =	sdelay $0x1  }
0x22e: {  	v5 =	vadd.f32 v5, v42;
	_ =	sdelay $0x1  }
0x22f: {  	[tilespmem:s9+$0x8A80] =	vst.add.f32.msk $0xffff, v5  }
0x230: {  	v5 =	vld [tilespmem:s23+$0x10A90];
	_ =	sdelay $0x2  }
0x231: {  	v43 =	vmul.f32 v41, v1;
	_ =	sdelay $0x1  }
0x232: {  	v5 =	vadd.f32 v5, v43;
	_ =	sdelay $0x1  }
0x233: {  	[tilespmem:s9+$0x8A90] =	vst.add.f32.msk $0xffff, v5  }
0x234: {  	v5 =	vld [tilespmem:s23+$0x10AA0];
	_ =	sdelay $0x2  }
0x235: {  	v44 =	vmul.f32 v41, v2;
	_ =	sdelay $0x1  }
0x236: {  	v5 =	vadd.f32 v5, v44;
	_ =	sdelay $0x1  }
0x237: {  	[tilespmem:s9+$0x8AA0] =	vst.add.f32.msk $0xffff, v5  }
0x238: {  	v5 =	vld [tilespmem:s23+$0x10AB0];
	_ =	sdelay $0x2  }
0x239: {  	v6 =	vmul.f32 v41, v3;
	_ =	sdelay $0x1  }
0x23a: {  	v5 =	vadd.f32 v5, v6;
	_ =	sdelay $0x1  }
0x23b: {  	[tilespmem:s9+$0x8AB0] =	vst.add.f32.msk $0xffff, v5  }
0x23c: {  	v5 =	vld [tilespmem:s23+$0x10AC0]  }
0x23d: {  	v45 =	vbroadcast v4, $0xB;
	_ =	sdelay $0x1  }
0x23e: {  	v46 =	vmul.f32 v45, v0;
	_ =	sdelay $0x1  }
0x23f: {  	v5 =	vadd.f32 v5, v46;
	_ =	sdelay $0x1  }
0x240: {  	[tilespmem:s9+$0x8AC0] =	vst.add.f32.msk $0xffff, v5  }
0x241: {  	v5 =	vld [tilespmem:s23+$0x10AD0];
	_ =	sdelay $0x2  }
0x242: {  	v47 =	vmul.f32 v45, v1;
	_ =	sdelay $0x1  }
0x243: {  	v5 =	vadd.f32 v5, v47;
	_ =	sdelay $0x1  }
0x244: {  	[tilespmem:s9+$0x8AD0] =	vst.add.f32.msk $0xffff, v5  }
0x245: {  	v5 =	vld [tilespmem:s23+$0x10AE0];
	_ =	sdelay $0x2  }
0x246: {  	v48 =	vmul.f32 v45, v2;
	_ =	sdelay $0x1  }
0x247: {  	v5 =	vadd.f32 v5, v48;
	_ =	sdelay $0x1  }
0x248: {  	[tilespmem:s9+$0x8AE0] =	vst.add.f32.msk $0xffff, v5  }
0x249: {  	v5 =	vld [tilespmem:s23+$0x10AF0];
	_ =	sdelay $0x2  }
0x24a: {  	v6 =	vmul.f32 v45, v3;
	_ =	sdelay $0x1  }
0x24b: {  	v5 =	vadd.f32 v5, v6;
	_ =	sdelay $0x1  }
0x24c: {  	[tilespmem:s9+$0x8AF0] =	vst.add.f32.msk $0xffff, v5  }
0x24d: {  	v5 =	vld [tilespmem:s23+$0x10B00]  }
0x24e: {  	v49 =	vbroadcast v4, $0xC;
	_ =	sdelay $0x1  }
0x24f: {  	v50 =	vmul.f32 v49, v0;
	_ =	sdelay $0x1  }
0x250: {  	v5 =	vadd.f32 v5, v50;
	_ =	sdelay $0x1  }
0x251: {  	[tilespmem:s9+$0x8B00] =	vst.add.f32.msk $0xffff, v5  }
0x252: {  	v5 =	vld [tilespmem:s23+$0x10B10];
	_ =	sdelay $0x2  }
0x253: {  	v51 =	vmul.f32 v49, v1;
	_ =	sdelay $0x1  }
0x254: {  	v5 =	vadd.f32 v5, v51;
	_ =	sdelay $0x1  }
0x255: {  	[tilespmem:s9+$0x8B10] =	vst.add.f32.msk $0xffff, v5  }
0x256: {  	v5 =	vld [tilespmem:s23+$0x10B20];
	_ =	sdelay $0x2  }
0x257: {  	v52 =	vmul.f32 v49, v2;
	_ =	sdelay $0x1  }
0x258: {  	v5 =	vadd.f32 v5, v52;
	_ =	sdelay $0x1  }
0x259: {  	[tilespmem:s9+$0x8B20] =	vst.add.f32.msk $0xffff, v5  }
0x25a: {  	v5 =	vld [tilespmem:s23+$0x10B30];
	_ =	sdelay $0x2  }
0x25b: {  	v6 =	vmul.f32 v49, v3;
	_ =	sdelay $0x1  }
0x25c: {  	v5 =	vadd.f32 v5, v6;
	_ =	sdelay $0x1  }
0x25d: {  	[tilespmem:s9+$0x8B30] =	vst.add.f32.msk $0xffff, v5  }
0x25e: {  	v5 =	vld [tilespmem:s23+$0x10B40]  }
0x25f: {  	v53 =	vbroadcast v4, $0xD;
	_ =	sdelay $0x1  }
0x260: {  	v54 =	vmul.f32 v53, v0;
	_ =	sdelay $0x1  }
0x261: {  	v5 =	vadd.f32 v5, v54;
	_ =	sdelay $0x1  }
0x262: {  	[tilespmem:s9+$0x8B40] =	vst.add.f32.msk $0xffff, v5  }
0x263: {  	v5 =	vld [tilespmem:s23+$0x10B50];
	_ =	sdelay $0x2  }
0x264: {  	v55 =	vmul.f32 v53, v1;
	_ =	sdelay $0x1  }
0x265: {  	v5 =	vadd.f32 v5, v55;
	_ =	sdelay $0x1  }
0x266: {  	[tilespmem:s9+$0x8B50] =	vst.add.f32.msk $0xffff, v5  }
0x267: {  	v5 =	vld [tilespmem:s23+$0x10B60];
	_ =	sdelay $0x2  }
0x268: {  	v56 =	vmul.f32 v53, v2;
	_ =	sdelay $0x1  }
0x269: {  	v5 =	vadd.f32 v5, v56;
	_ =	sdelay $0x1  }
0x26a: {  	[tilespmem:s9+$0x8B60] =	vst.add.f32.msk $0xffff, v5  }
0x26b: {  	v5 =	vld [tilespmem:s23+$0x10B70];
	_ =	sdelay $0x2  }
0x26c: {  	v6 =	vmul.f32 v53, v3;
	_ =	sdelay $0x1  }
0x26d: {  	v5 =	vadd.f32 v5, v6;
	_ =	sdelay $0x1  }
0x26e: {  	[tilespmem:s9+$0x8B70] =	vst.add.f32.msk $0xffff, v5  }
0x26f: {  	v5 =	vld [tilespmem:s23+$0x10B80]  }
0x270: {  	v57 =	vbroadcast v4, $0xE;
	_ =	sdelay $0x1  }
0x271: {  	v58 =	vmul.f32 v57, v0;
	_ =	sdelay $0x1  }
0x272: {  	v5 =	vadd.f32 v5, v58;
	_ =	sdelay $0x1  }
0x273: {  	[tilespmem:s9+$0x8B80] =	vst.add.f32.msk $0xffff, v5  }
0x274: {  	v5 =	vld [tilespmem:s23+$0x10B90];
	_ =	sdelay $0x2  }
0x275: {  	v59 =	vmul.f32 v57, v1;
	_ =	sdelay $0x1  }
0x276: {  	v5 =	vadd.f32 v5, v59;
	_ =	sdelay $0x1  }
0x277: {  	[tilespmem:s9+$0x8B90] =	vst.add.f32.msk $0xffff, v5  }
0x278: {  	v5 =	vld [tilespmem:s23+$0x10BA0];
	_ =	sdelay $0x2  }
0x279: {  	v60 =	vmul.f32 v57, v2;
	_ =	sdelay $0x1  }
0x27a: {  	v5 =	vadd.f32 v5, v60;
	_ =	sdelay $0x1  }
0x27b: {  	[tilespmem:s9+$0x8BA0] =	vst.add.f32.msk $0xffff, v5  }
0x27c: {  	v5 =	vld [tilespmem:s23+$0x10BB0];
	_ =	sdelay $0x2  }
0x27d: {  	v6 =	vmul.f32 v57, v3;
	_ =	sdelay $0x1  }
0x27e: {  	v5 =	vadd.f32 v5, v6;
	_ =	sdelay $0x1  }
0x27f: {  	[tilespmem:s9+$0x8BB0] =	vst.add.f32.msk $0xffff, v5  }
0x280: {  	v5 =	vld [tilespmem:s23+$0x10BC0]  }
0x281: {  	v4 =	vbroadcast v4, $0xF;
	_ =	sdelay $0x1  }
0x282: {  	v61 =	vmul.f32 v4, v0;
	_ =	sdelay $0x1  }
0x283: {  	v5 =	vadd.f32 v5, v61;
	_ =	sdelay $0x1  }
0x284: {  	[tilespmem:s9+$0x8BC0] =	vst.add.f32.msk $0xffff, v5  }
0x285: {  	v5 =	vld [tilespmem:s23+$0x10BD0];
	_ =	sdelay $0x2  }
0x286: {  	v62 =	vmul.f32 v4, v1;
	_ =	sdelay $0x1  }
0x287: {  	v5 =	vadd.f32 v5, v62;
	_ =	sdelay $0x1  }
0x288: {  	[tilespmem:s9+$0x8BD0] =	vst.add.f32.msk $0xffff, v5  }
0x289: {  	v5 =	vld [tilespmem:s23+$0x10BE0];
	_ =	sdelay $0x2  }
0x28a: {  	v63 =	vmul.f32 v4, v2;
	_ =	sdelay $0x1  }
0x28b: {  	v5 =	vadd.f32 v5, v63;
	_ =	sdelay $0x1  }
0x28c: {  	[tilespmem:s9+$0x8BE0] =	vst.add.f32.msk $0xffff, v5  }
0x28d: {  	v5 =	vld [tilespmem:s23+$0x10BF0];
	s23 =	sadd.s32 $0x10, s14  }
0x28e: {  	s14 =	sadd.s32 $0xFFFFFF48, s14;
	p0 =	sgt.s32 s23, $0xC7  }
0x28f: {  	s23 =	smov.u32 @p0 s14;
	p0 =	sne.s32 s26, $0x1F000  }
.Ltmp1:
0x290: {  	v4 =	vmul.f32 v4, v3;
	(pc) =	sbr.rel @p0 .LBB2_5-.Ltmp1, $3  }
0x291: {  	_ = 	snop  }
0x292: {  	v4 =	vadd.f32 v5, v4;
	_ =	sdelay $0x1  }
0x293: {  	s11 =	sadd.s32 $0x10, s11;
	s26 =	sadd.s32 $0x1000, s26;
	s14 =	smov.u32 s23;
	[tilespmem:s9+$0x8BF0] =	vst.add.f32.msk $0xffff, v4  }
0x294: {  	s9 =	sshll.u32 s25, $0xF;
	s24 =	sadd.s32 $0x1, s24  }
0x295: {  	s9 =	sadd.s32 s12, s9;
	p1 =	sne.s32 s24, $0x19  }
.Ltmp2:
0x296: {  	s9 =	sshrl.u32 s9, $0x3;
	(pc) =	sbr.rel @p1 .LBB2_2-.Ltmp2, $4  }
0x297: {  	s14 =	sadd.s32 $0x70, s10;
	s9 =	sadd.s32 s3, s9  }
0x298: {  	[hbm4b:s9+s4] =	stream.linear.scatter [tilespmem:s30], [sflag:$0x3], $0x8000, $0x38;
	[tilespmem:$0x16C40] =	vst v63  }
0x299: {  	p0 =	sgt.s32 s14, $0xC7;
	s9 =	sadd.s32 $0xFFFFFFA8, s10  }
0x29a: {  	s14 =	smov.u32 @p0 s9  }
0x29b: {  	_ =	swait.ge [sflag:s19], $0x8000  }
0x29c: {  	s10 =	rddreg [dreg:$0x8]  }
0x29d: {  	s9 =	rddreg [dreg:$0x7];
	s10 =	sadd.s32 $0x1, s10  }
0x29e: {  	p0 =	sne.s32 s10, s9  }
.Ltmp3:
0x29f: {  	_ = 	snop;
	(pc) =	sbr.rel @p0 .LBB2_1-.Ltmp3, $3  }
0x2a0: {  	_ =	sdelay $0x1  }
0x2a1: {  	[sflag:s19] =	ssyncset.done $0x0  }
0x2a2: {  	[sflag:s19] =	ssyncadd.s32 $0xFFFF8000  }
0x2a3: {  	_ =	sfence.sel $0x180000  }
0x2a4: {  	[bflag:$0x0] =	sbarrier.arrive $0xFFFF  }
0x2a5: {  	_ =	strace $0x90000047  }
0x2a6: {  	s0 =	stileid.u32;
	[bflag:$0x2] =	sbarrier.arrive $0xFFFF  }
0x2a7: {  	p0 =	sne.s32 s0, $0x0;
	s0 =	rddreg [dreg:$0x3]  }
0x2a8: {  	s0 =	sadd.s32 @!p0 $0x100000, s0  }
0x2a9: {  	[sflag:s0] =	ssyncadd.tile.s32 @!p0 $0x1;
	_ =	shalt  }
.Lfunc_end2:
_tile_overlayer_lowered:
.L_overlay_start_2:
0x2aa: {  	(tag) =	ssettag $0x2  }
0x2ab: {  	s0 =	rddreg [dreg:$0x0];
	s2 =	stileid.u32  }
0x2ac: {  	s1 =	rddreg [dreg:$0x1];
	p0 =	sne.s32 s2, $0x0  }
0x2ad: {  	s3 =	rddreg [dreg:$0x2];
	[bflag:$0x3] =	sbarrier.arrive $0xFFFF;
	s2 =	simm.s32 @!p0 $0x1C04  }
0x2ae: {  	[timem:s3], [sflag:s2] =	dma.local @!p0 [hbm:s0], s1  }
0x2af: {  	s0 =	simm.s32 @!p0 $0x4  }
0x2b0: {  	_ =	swait.ge @!p0 [sflag:s0], s1  }
0x2b1: {  	s1 =	ssub.s32 @!p0 $0x0, s1;
	[sflag:s0] =	ssyncset.done @!p0 $0x0  }
0x2b2: {  	[sflag:s0] =	ssyncadd.s32 @!p0 s1  }
0x2b3: {  	[bflag:$0x3] =	sbarrier.arrive $0xFFFF  }
0x2b4: {  	_ =	shalt  }

// kernel: sparse-core-data-format-call.cloned.1.call-start
scs
called_computation_lowered:
.L_overlay_start_0:
0x0: {  	s2 =	sld [smem:$0x3FD9]  }
0x1: {  	s3 =	sld [smem:$0x3FFE];
	_ =	sdelay $0x1  }
0x2: {  	s1 =	srdreg.scid  }
0x3: {  	s0 =	sand.u32 $0x1, s1  }
0x4: {  	s18 =	sshll.u32 s0, $0xA;
	s2 =	sadd.s32 s3, s2  }
0x5: {  	s2 =	sadd.s32 s2, s18  }
0x6: {  	[smem:$0x3FC3] =	sst s2  }
0x7: {  	_ = 	snop  }
0x8: {  	s2 =	sld [smem:$0x3FD0];
	(tm) =	ssettm $0x1  }
0x9: {  	s19 =	sld [smem:$0x3FFB];
	_ =	sdelay $0x3  }
0xa: {  	_ =	strace s19  }
0xb: {  	s3 =	sld [smem:$0x3FFC];
	_ =	sdelay $0x3  }
0xc: {  	_ =	strace s3  }
0xd: {  	s3 =	sld [smem:$0x3FFD];
	_ =	sdelay $0x3  }
0xe: {  	_ =	strace s3  }
0xf: {  	_ =	strace $0x8FFFFFFF  }
0x10: {  	s20 =	sld [smem:$0x3FDB];
	_ =	sdelay $0x1  }
0x11: {  	s4 =	simm.s32 $_scs_section_size  }
0x12: {  	s5 =	simm.s32 $_size__tile_overlayer_lowered;
	s6 =	simm.s32 $_tile_overlayer_lowered  }
0x13: {  	s23 =	simm.s32 $0x1BFF;
	s22 =	sshll.u32 s6, $0x1;
	s3 =	sadd.s32 s4, s20  }
0x14: {  	s7 =	simm.s32 $0x0;
	s21 =	sshll.u32 s5, $0x1;
	s5 =	sadd.s32 s22, s3  }
0x15: {  	[timem:s7], [sflag:s23] =	dma.local [hbm:s5], s21  }
0x16: {  	_ =	swait.ge [sflag:s23], s21  }
0x17: {  	s4 =	ssub.s32 $0x0, s21;
	[sflag:s23] =	ssyncset.done $0x0  }
0x18: {  	[sflag:s23] =	ssyncadd.s32 s4;
	_ =	sdelay $0x1  }
0x19: {  	s24 =	simm.s32 $0x1B8B  }
0x1a: {  	_ =	swait.ge [sflag:s24], $0x1  }
0x1b: {  	[sflag:s24] =	ssyncset.done $0x0  }
0x1c: {  	s26 =	simm.s32 $0x1B8E;
	s25 =	sld [smem:$0x3FFE];
	[sflag:s24] =	ssyncadd.s32 $0xFFFFFFFF  }
0x1d: {  	s27 =	simm.s32 $execute0_lowered;
	[smem:$0x3FD2] =	sst s26  }
0x1e: {  	s5 =	sshll.u32 s27, $0x1;
	_ =	strace $0x80000049;
	[dreg:$0x1] =	wrdreg $0xFFFFFFFF  }
0x1f: {  	s28 =	simm.s32 $_size_execute0_lowered;
	s3 =	sadd.s32 s3, s5;
	[dreg:$0x0] =	wrdreg $0x0  }
0x20: {  	s5 =	sshll.u32 s28, $0x1;
	[dreg:$0x2] =	wrdreg s3  }
0x21: {  	[dreg:$0x3] =	wrdreg s5  }
0x22: {  	[dreg:$0x4] =	wrdreg $0xC0  }
0x23: {  	_ =	task [dreg:s7], $0x5FFFF  }
0x24: {  	[dreg:$0x1] =	wrdreg $0xFFFFFFFF  }
0x25: {  	[dreg:$0x0] =	wrdreg $0x60  }
0x26: {  	[dreg:$0x2] =	wrdreg s25  }
0x27: {  	[dreg:$0x3] =	wrdreg s2  }
0x28: {  	[dreg:$0x4] =	wrdreg $0x9  }
0x29: {  	_ =	task.clear_ibuf [dreg:s7], $0x5FFFF;
	_ =	strace $0x90000049  }
0x2a: {  	s29 =	simm.s32 $0x9;
	_ =	strace $0x8000004B  }
0x2b: {  	_ =	swait.ge [sflag:s29], $0x1  }
0x2c: {  	[sflag:s29] =	ssyncadd.s32 $0xFFFFFFFF  }
0x2d: {  	_ =	strace $0x9000004B  }
0x2e: {  	_ =	sfence  }
0x2f: {  	s30 =	sld [smem:$0x0];
	_ =	sdelay $0x2  }
0x30: {  	s31 =	sshll.u32 s1, $0xD;
	s1 =	sshrl.u32 s1, $0x2  }
0x31: {  	s3 =	sand.u32 $0x4000, s31;
	s1 =	sadd.s32 s1, s30  }
0x32: {  	s0 =	sor.u32 s3, s0;
	s1 =	sshll.u32 s1, $0x11  }
0x33: {  	s0 =	sor.u32 s1, s0  }
0x34: {  	s0 =	sadd.s32 $0x8F2B, s0  }
0x35: {  	[sflag:s0] =	ssyncadd.remote.s32 $0x1  }
0x36: {  	_ =	sfence.sel $0xFFFF  }
0x37: {  	[dreg:$0x0] =	wrdreg $0xFFFFFFFF;
	(pc) =	sbr.abs _section_cstart, $3  }
0x38: {  	[dreg:$0x1] =	wrdreg $0xFFFFFFFF  }
0x39: {  	_ =	task.clear_ibuf [dreg:s7], $0x2FFFF;
	_ =	strace $0x9FFFFFFF  }
0x3a: {  	(tm) =	ssettm $0x7FFFFFFF  }
0x3b: {  	_ =	shalt  }
tec
execute0_lowered:
.L_overlay_start_1:
0x0: {  	(tag) =	ssettag $0x1  }
0x1: {  	s0 =	srdreg.scid  }
0x2: {  	s1 =	sshll.u32 s0, $0x4  }
0x3: {  	s0 =	stileid.u32;
	s1 =	sand.u32 $0x10, s1  }
0x4: {  	s1 =	sor.u32 s0, s1  }
0x5: {  	s6 =	rddreg [dreg:$0x0];
	s4 =	simm.s32 $0x1;
	s2 =	sshll.u32 s1, $0x7  }
0x6: {  	s7 =	simm.s32 $0x2;
	s12 =	simm.s32 $0x0;
	s1 =	ssub.s32 $0x1000, s2  }
0x7: {  	s8 =	simm.s32 $0x8000;
	s13 =	simm.s32 $0x0;
	s3 =	sand.u32 $0xF80, s1  }
0x8: {  	s9 =	simm.s32 $0x0;
	s5 =	sshrl.u32 s1, $0xC;
	p0 =	sne.s32 s3, $0x0  }
.Ltmp0:
0x9: {  	s1 =	rddreg [dreg:$0x2];
	s4 =	simm.s32 @!p0 $0x0;
	(pc) =	sbr.rel .LBB1_1-.Ltmp0, $4  }
0xa: {  	s11 =	simm.s32 $0x0;
	s3 =	rddreg [dreg:$0x1];
	s5 =	sadd.s32 s4, s5  }
0xb: {  	_ =	strace $0x8000004A;
	s4 =	simm.s32 $0x1;
	s5 =	smul.u32 $0xC8, s5  }
0xc: {  	s6 =	sadd.s32 $0xA00, s6;
	s10 =	smov.u32 s2;
	[sflag:s4] =	ssyncpa.u1 $0x0  }
0xd: {  	p0 =	por $0x0, $0x0;
	[sflag:s7] =	ssyncpa.u1 $0x0;
	s7 =	sor.u32 $0x1, s5  }
.LBB1_4:
0xe: {  	s16 =	sshll.u32 s13, $0x3;
	s17 =	sand.u32 $0x78, s13  }
0xf: {  	s30 =	sand.u32 $0x7E00, s13;
	s12 =	sshll.u32 s12, $0xF;
	s16 =	sand.u32 $0xC00, s16  }
0x10: {  	[tilespmem:s15+$0x810 ss:$0x81] =	vst.msk $0xffff, v2;
	s31 =	sand.u32 $0x7, s13;
	s16 =	sor.u32 s17, s16;
	s17 =	sadd.s32 s3, s30  }
0x11: {  	[tilespmem:s15+$0x1020 ss:$0x81] =	vst.msk $0xffff, v0;
	s13 =	sshll.u32 s31, $0x12;
	s12 =	sadd.s32 s12, s17;
	s16 =	sshrl.u32 s16, $0x3  }
0x12: {  	[tilespmem:s15+$0x0 ss:$0x81] =	vst.msk $0xffff, v1;
	s13 =	sor.u32 $0x400, s13;
	s12 =	sadd.s32 s16, s12  }
0x13: {  	[hbm4b:s12+s13] =	stream.strided.scatter [tilespmem:s14], [sflag:$0x2], $0x2000, s8, s13, $0x20;
	[tilespmem:$0x8080] =	vst v63  }
.LBB1_5:
0x14: {  	s14 =	sadd.s32 $0x1, s9  }
0x15: {  	s12 =	sadd.s32 $0x1000, s10;
	s16 =	smov.u32 s10;
	p2 =	sgt.s32 s14, $0xC7  }
0x16: {  	s16 =	smov.u32 @p2 s12  }
0x17: {  	s14 =	simm.s32 @p2 $0x0;
	p2 =	sgt.s32 s16, $0xFFF  }
0x18: {  	s16 =	smov.u32 @p2 s2;
	p2 =	sne.s32 s11, s7  }
.Ltmp1:
0x19: {  	p1 =	slt.u32 s11, $0x2;
	(pc) =	sbr.rel @!p2 .LBB1_6-.Ltmp1, $4  }
0x1a: {  	s15 =	simm.s32 @!p1 $0x2  }
0x1b: {  	s13 =	smov.u32 s10;
	p0 =	por !p0, !p0;
	_ =	swait.ge @!p1 [sflag:s15], $0x2000  }
0x1c: {  	s12 =	smov.u32 s9;
	[sflag:s15] =	ssyncset.done @!p1 $0x0;
	s9 =	smov.u32 s14  }
0x1d: {  	s11 =	sadd.s32 $0x1, s11;
	[sflag:s15] =	ssyncadd.s32 @!p1 $0xFFFFE000;
	s10 =	smov.u32 s16  }
.LBB1_1:
0x1e: {  	p1 =	sge.u32 s11, s5  }
0x1f: {  	s14 =	sand.u32 @!p1 $0x1FFFFFF, s9  }
0x20: {  	s15 =	smulhi.u32 @!p1 $0x147AE15, s14;
	_ =	sdelay $0x1  }
0x21: {  	s15 =	smul.u32 @!p1 $0xC8, s15  }
0x22: {  	s16 =	sxor.u32 @!p1 $0xFFFFFFFF, s11;
	s17 =	smul.u32 @!p1 $0xC80, s10  }
0x23: {  	s31 =	sadd.s32 $0xFFFFFFFF, s11;
	s16 =	sshll.u32 @!p1 s16, $0xD;
	s14 =	ssub.s32 @!p1 s14, s15  }
0x24: {  	s15 =	sand.u32 @!p1 $0x2000, s16;
	s16 =	sadd.s32 @!p1 s6, s17;
	s14 =	sshll.u32 @!p1 s14, $0x4  }
0x25: {  	s17 =	simm.s32 @!p1 $0x6400;
	s14 =	sadd.s32 @!p1 s14, s16;
	s16 =	simm.s32 @!p1 $0x40  }
0x26: {  	[tilespmem:s15], [sflag:$0x1] =	stream.strided.gather @!p1 [hbm4b:s14+s16], $0x2000, s17, s16, $0x38;
	[tilespmem:$0x8080] =	vst v63  }
0x27: {  	p1 =	sge.u32 s31, s5  }
.Ltmp2:
0x28: {  	_ = 	snop;
	(pc) =	sbr.rel @p1 .LBB1_5-.Ltmp2, $1  }
0x29: {  	_ =	sdelay $0x3  }
0x2a: {  	s14 =	simm.s32 $0x1  }
0x2b: {  	_ =	swait.ge [sflag:s4], $0x2000;
	s14 =	simm.s32 @!p0 $0x0  }
0x2c: {  	[sflag:s4] =	ssyncset.done $0x0;
	s15 =	sshll.u32 s14, $0xD  }
0x2d: {  	[sflag:s4] =	ssyncadd.s32 $0xFFFFE000;
	s18 =	sor.u32 $0x20, s15  }
0x2e: {  	s14 =	smul.u32 $0x8100, s14;
	v3 =	vld [tilespmem:s18+$0x10]  }
0x2f: {  	s30 =	sand.u32 $0x1, s11;
	v2 =	vld [tilespmem:s18+$0xFFFFFFF0]  }
0x30: {  	s15 =	smul.u32 $0x8100, s30;
	s14 =	sshrl.u32 s14, $0x2;
	v0 =	vld [tilespmem:s18+$0x0]  }
0x31: {  	v1 =	vld [tilespmem:s18+$0xFFFFFFE0];
	s16 =	sor.u32 $0x4000, s14  }
0x32: {  	s31 =	sshrl.u32 s15, $0x2;
	s15 =	sadd.s32 $0x0, s16  }
0x33: {  	s17 =	simm.s32 $0x4;
	s18 =	sadd.s32 $0x40, s18;
	s14 =	sor.u32 $0x4000, s31;
	[tilespmem:s15+$0x1830 ss:$0x81] =	vst.msk $0xffff, v3  }
.LBB1_3:
0x34: {  	v3 =	vld [tilespmem:s18+$0x10];
	p1 =	sne.s32 s17, $0x1FC;
	[tilespmem:s15+$0x810 ss:$0x81] =	vst.msk $0xffff, v2;
	s19 =	smov.u32 s17;
	s17 =	sadd.s32 $0x4, s17  }
.Ltmp3:
0x35: {  	v2 =	vld [tilespmem:s18+$0xFFFFFFF0];
	[tilespmem:s15+$0x1020 ss:$0x81] =	vst.msk $0xffff, v0;
	(pc) =	sbr.rel @p1 .LBB1_3-.Ltmp3, $4  }
0x36: {  	v0 =	vld [tilespmem:s18+$0x0];
	[tilespmem:s15+$0x0 ss:$0x81] =	vst.msk $0xffff, v1  }
0x37: {  	s15 =	sshra.s32 s19, $0x2;
	v1 =	vld [tilespmem:s18+$0xFFFFFFE0]  }
0x38: {  	s15 =	sadd.s32 s15, s16  }
0x39: {  	s18 =	sadd.s32 $0x40, s18;
	[tilespmem:s15+$0x1830 ss:$0x81] =	vst.msk $0xffff, v3  }
.Ltmp4:
0x3a: {  	_ = 	snop;
	(pc) =	sbr.rel .LBB1_4-.Ltmp4, $1  }
0x3b: {  	_ =	sdelay $0x3  }
.LBB1_6:
0x3c: {  	_ =	sfence.sel $0x180000  }
0x3d: {  	s2 =	simm.s32 $0x1;
	[bflag:$0x0] =	sbarrier.arrive $0xFFFF  }
0x3e: {  	s31 =	simm.s32 $0x2;
	[sflag:s2] =	ssyncpa.u1 $0x1  }
0x3f: {  	[sflag:s31] =	ssyncpa.u1 $0x1  }
0x40: {  	p0 =	sne.s32 s0, $0x0;
	_ =	strace $0x9000004A  }
0x41: {  	s0 =	sadd.s32 @!p0 $0x100000, s1;
	[bflag:$0x2] =	sbarrier.arrive $0xFFFF  }
0x42: {  	[sflag:s0] =	ssyncadd.tile.s32 @!p0 $0x1;
	_ =	shalt  }
.Lfunc_end1:
_tile_overlayer_lowered:
.L_overlay_start_2:
0x43: {  	(tag) =	ssettag $0x2  }
0x44: {  	s0 =	rddreg [dreg:$0x0];
	s2 =	stileid.u32  }
0x45: {  	s1 =	rddreg [dreg:$0x1];
	p0 =	sne.s32 s2, $0x0  }
0x46: {  	s3 =	rddreg [dreg:$0x2];
	[bflag:$0x3] =	sbarrier.arrive $0xFFFF;
	s2 =	simm.s32 @!p0 $0x1C01  }
0x47: {  	[timem:s3], [sflag:s2] =	dma.local @!p0 [hbm:s0], s1  }
0x48: {  	s0 =	simm.s32 @!p0 $0x1  }
0x49: {  	_ =	swait.ge @!p0 [sflag:s0], s1  }
0x4a: {  	s1 =	ssub.s32 @!p0 $0x0, s1;
	[sflag:s0] =	ssyncset.done @!p0 $0x0  }
0x4b: {  	[sflag:s0] =	ssyncadd.s32 @!p0 s1  }
0x4c: {  	[bflag:$0x3] =	sbarrier.arrive $0xFFFF  }
0x4d: {  	_ =	shalt  }

</sc_bundles>
